<compile_context>
chip_gen: v7x
topology: tpu7x:2x2x1
jax: 0.10.2.dev20260603
libtpu: 0.0.44.dev20260713+nightly
codegen_flags: <defaults>
</compile_context>

<pallas_src>
import functools

import jax
import jax.numpy as jnp
from jax import lax
from jax.experimental import pallas as pl
from jax.experimental.pallas import tpu as pltpu
from jax.experimental.pallas import tpu_sc as plsc

N = 10000
T = 3
E = 320000
D = 128

NC = 2
NS = 16
NW = NC * NS
CHUNK = 128

PAD_ROWS = 112
NP = N + PAD_ROWS
RPT = NP // NS
PAD_SPREAD = 48

EPW = E // NW
CPT = 80
MT = CPT * CHUNK
NPAD = MT - EPW
PAIRS = CPT // 2
PCHUNK = 64
NBUF = 4
PCPT = MT // PCHUNK
QUADS = PCPT // NBUF

TNP = T * NP

BN = 1000
NBLK = N // BN


@functools.cache
def _make_deg_kernel():
  mesh = plsc.VectorSubcoreMesh(core_axis_name="c", subcore_axis_name="s")

  @functools.partial(
      pl.kernel,
      mesh=mesh,
      out_type=jax.ShapeDtypeStruct((2 * TNP, D), jnp.float32),
      scratch_types=[
          pltpu.VMEM((CHUNK,), jnp.int32),
          pltpu.VMEM((CHUNK,), jnp.int32),
          pltpu.VMEM((CHUNK, D), jnp.float32),
          pltpu.VMEM_SHARED((NP, D), jnp.float32),
          pltpu.SemaphoreType.DMA,
          pltpu.SemaphoreType.DMA,
      ],
  )
  def _deg_kernel(dst_hbm, ones_hbm, zero_hbm, out, didx_a, didx_b, ones_v,
                  acc_sh, sem_a, sem_b):
    c = lax.axis_index("c")
    s = lax.axis_index("s")
    w = s * NC + c
    r0 = s * RPT
    pltpu.sync_copy(ones_hbm, ones_v)
    for t in range(T):
        ebase = (t * NW + w) * MT
        pltpu.sync_copy(zero_hbm, acc_sh.at[pl.ds(r0, RPT)])
        plsc.subcore_barrier()
        pltpu.async_copy(dst_hbm.at[pl.ds(ebase, CHUNK)], didx_a, sem_a)
        pltpu.async_copy(dst_hbm.at[pl.ds(ebase + CHUNK, CHUNK)], didx_b,
                         sem_b)

        def body(j, carry, _ebase=ebase):
            o = _ebase + j * (2 * CHUNK)
            pltpu.make_async_copy(dst_hbm.at[pl.ds(o, CHUNK)], didx_a,
                                  sem_a).wait()
            pltpu.sync_copy(ones_v, acc_sh.at[didx_a], add=True)

            @pl.when(j < PAIRS - 1)
            def _():
                pltpu.async_copy(dst_hbm.at[pl.ds(o + 2 * CHUNK, CHUNK)],
                                 didx_a, sem_a)

            pltpu.make_async_copy(dst_hbm.at[pl.ds(o + CHUNK, CHUNK)],
                                  didx_b, sem_b).wait()
            pltpu.sync_copy(ones_v, acc_sh.at[didx_b], add=True)

            @pl.when(j < PAIRS - 1)
            def _():
                pltpu.async_copy(dst_hbm.at[pl.ds(o + 3 * CHUNK, CHUNK)],
                                 didx_b, sem_b)

            return carry

        lax.fori_loop(0, PAIRS, body, 0)
        plsc.subcore_barrier()
        pltpu.sync_copy(acc_sh.at[pl.ds(r0, RPT)],
                        out.at[pl.ds(c * TNP + t * NP + r0, RPT)])

  return _deg_kernel


@functools.cache
def _make_prop_kernel():
  mesh = plsc.VectorSubcoreMesh(core_axis_name="c", subcore_axis_name="s")

  @functools.partial(
      pl.kernel,
      mesh=mesh,
      out_type=jax.ShapeDtypeStruct((2 * TNP, D), jnp.float32),
      scratch_types=(
          [pltpu.VMEM((MT,), jnp.int32)]
          + [pltpu.VMEM((PCHUNK,), jnp.int32) for _ in range(NBUF)]
          + [pltpu.VMEM((PCHUNK, D), jnp.float32) for _ in range(NBUF)]
          + [pltpu.SemaphoreType.DMA for _ in range(2 * NBUF)]
          + [pltpu.VMEM_SHARED((NP, D), jnp.float32)]
      ),
  )
  def _prop_kernel(tab_hbm, src_hbm, dst_hbm, zero_hbm, out, sall,
                   di0, di1, di2, di3, ro0, ro1, ro2, ro3,
                   sg0, sg1, sg2, sg3, sd0, sd1, sd2, sd3, acc_sh):
    didx = [di0, di1, di2, di3]
    rows = [ro0, ro1, ro2, ro3]
    semg = [sg0, sg1, sg2, sg3]
    semd = [sd0, sd1, sd2, sd3]
    c = lax.axis_index("c")
    s = lax.axis_index("s")
    w = s * NC + c
    r0 = s * RPT
    for t in range(T):
        ebase = (t * NW + w) * MT
        pltpu.async_copy(src_hbm.at[pl.ds(ebase, MT)], sall, sg0)
        pltpu.sync_copy(zero_hbm, acc_sh.at[pl.ds(r0, RPT)])
        pltpu.make_async_copy(src_hbm.at[pl.ds(ebase, MT)], sall, sg0).wait()
        plsc.subcore_barrier()

        for k in range(NBUF):
            pltpu.async_copy(tab_hbm.at[sall.at[pl.ds(k * PCHUNK, PCHUNK)]],
                             rows[k], semg[k])
            pltpu.async_copy(dst_hbm.at[pl.ds(ebase + k * PCHUNK, PCHUNK)],
                             didx[k], semd[k])

        def body(j, carry, _ebase=ebase):
            o = j * (NBUF * PCHUNK)
            for k in range(NBUF):
                ck = o + k * PCHUNK
                pltpu.make_async_copy(
                    dst_hbm.at[pl.ds(_ebase + ck, PCHUNK)], didx[k],
                    semd[k]).wait()
                pltpu.make_async_copy(
                    tab_hbm.at[sall.at[pl.ds(ck, PCHUNK)]], rows[k],
                    semg[k]).wait()
                pltpu.sync_copy(rows[k], acc_sh.at[didx[k]], add=True)

                @pl.when(j < QUADS - 1)
                def _(k=k, ck=ck):
                    nk = ck + NBUF * PCHUNK
                    pltpu.async_copy(
                        tab_hbm.at[sall.at[pl.ds(nk, PCHUNK)]], rows[k],
                        semg[k])
                    pltpu.async_copy(
                        dst_hbm.at[pl.ds(_ebase + nk, PCHUNK)], didx[k],
                        semd[k])

            return carry

        lax.fori_loop(0, QUADS, body, 0)
        plsc.subcore_barrier()
        pltpu.sync_copy(acc_sh.at[pl.ds(r0, RPT)],
                        out.at[pl.ds(c * TNP + t * NP + r0, RPT)])

  return _prop_kernel


def _dinv_from(d0, d1):
    deg = 1.0 + d0[..., 0:1] + d1[..., 0:1]
    return lax.rsqrt(deg)


def _prescale_body(x_ref, w_ref, d0_ref, d1_ref, o_ref, dv_ref):
    dinv = _dinv_from(d0_ref[0, 0], d1_ref[0, 0])
    h = jnp.dot(x_ref[0], w_ref[0], preferred_element_type=jnp.float32)
    o_ref[0] = h * dinv
    dv_ref[0] = jnp.broadcast_to(dinv, (BN, 16))


def _layer2_body(s0_ref, s1_ref, hp_ref, dv_ref, w_ref, b_ref, o_ref):
    dinv = dv_ref[0][:, 0:1]
    pre = (s0_ref[0, 0] + s1_ref[0, 0] + hp_ref[0]) * dinv + b_ref[0, 0]
    h1 = jnp.maximum(pre, 0.0)
    g = jnp.dot(h1, w_ref[0], preferred_element_type=jnp.float32)
    o_ref[0] = g * dinv


def _gru_body(s0_ref, s1_ref, gp_ref, dv_ref, b2_ref, wih_ref,
              whh_ref, bih_ref, bhh_ref, gam_ref, bet_ref, o_ref):
    hx = []
    for t in range(T):
        dinv = dv_ref[t][:, 0:1]
        x2 = (s0_ref[0, t] + s1_ref[0, t] + gp_ref[t]) * dinv + b2_ref[t]
        nrm = jnp.sqrt(jnp.sum(x2 * x2, axis=1, keepdims=True))
        hx.append(x2 / jnp.maximum(nrm, 1e-12))
    h = jnp.zeros_like(hx[0])
    gam = gam_ref[0]
    bet = bet_ref[0]
    wih = wih_ref[...]
    whh = whh_ref[...]
    for t in range(T):
        gx = jnp.dot(hx[t], wih, preferred_element_type=jnp.float32) + bih_ref[0]
        gh = jnp.dot(h, whh, preferred_element_type=jnp.float32) + bhh_ref[0]
        r = jax.nn.sigmoid(gx[:, :D] + gh[:, :D])
        z = jax.nn.sigmoid(gx[:, D:2 * D] + gh[:, D:2 * D])
        n = jnp.tanh(gx[:, 2 * D:] + r * gh[:, 2 * D:])
        h = (1.0 - z) * n + z * h
        mu = jnp.mean(h, axis=1, keepdims=True)
        var = jnp.mean((h - mu) * (h - mu), axis=1, keepdims=True)
        o_ref[t] = gam * (h - mu) * lax.rsqrt(var + 1e-5) + bet


def kernel(x_list, edge_list, gcn_w1, gcn_b1, gcn_w2, gcn_b2, gru_w_ih,
           gru_w_hh, gru_b_ih, gru_b_hh, ln_gamma, ln_beta):
    f32 = jnp.float32

    src = edge_list[:, 0, :].reshape(T, NW, EPW)
    dst = edge_list[:, 1, :].reshape(T, NW, EPW)
    padv = (N + (jnp.arange(NPAD, dtype=jnp.int32) % PAD_SPREAD))
    pad3 = jnp.broadcast_to(padv, (T, NW, NPAD))
    src_p = jnp.concatenate([src, pad3], axis=2)
    dst_p = jnp.concatenate([dst, pad3], axis=2)
    tshift = (jnp.arange(T, dtype=jnp.int32) * NP)[:, None, None]
    src_g = (src_p + tshift).reshape(-1)
    dst_f = dst_p.reshape(-1)

    ones_rows = jnp.ones((CHUNK, D), f32)
    zero_rows = jnp.zeros((RPT, D), f32)

    degs = _make_deg_kernel()(dst_f, ones_rows, zero_rows)
    degs = degs.reshape(2, T, NP, D)

    dspec = pl.BlockSpec((1, 1, BN, D), lambda t, i: (0, t, i, 0))
    dspec1 = pl.BlockSpec((1, 1, BN, D), lambda t, i: (1, t, i, 0))

    hp, dv = pl.pallas_call(
        _prescale_body,
        grid=(T, NBLK),
        in_specs=[
            pl.BlockSpec((1, BN, D), lambda t, i: (t, i, 0)),
            pl.BlockSpec((1, D, D), lambda t, i: (t, 0, 0)),
            dspec,
            dspec1,
        ],
        out_specs=[
            pl.BlockSpec((1, BN, D), lambda t, i: (t, i, 0)),
            pl.BlockSpec((1, BN, 16), lambda t, i: (t, i, 0)),
        ],
        out_shape=[
            jax.ShapeDtypeStruct((T, NP, D), f32),
            jax.ShapeDtypeStruct((T, NP, 16), f32),
        ],
    )(x_list, gcn_w1, degs, degs)

    s1 = _make_prop_kernel()(hp.reshape(TNP, D), src_g, dst_f, zero_rows)
    s1 = s1.reshape(2, T, NP, D)

    pspec0 = pl.BlockSpec((1, 1, BN, D), lambda t, i: (0, t, i, 0))
    pspec1 = pl.BlockSpec((1, 1, BN, D), lambda t, i: (1, t, i, 0))

    gp = pl.pallas_call(
        _layer2_body,
        grid=(T, NBLK),
        in_specs=[
            pspec0,
            pspec1,
            pl.BlockSpec((1, BN, D), lambda t, i: (t, i, 0)),
            pl.BlockSpec((1, BN, 16), lambda t, i: (t, i, 0)),
            pl.BlockSpec((1, D, D), lambda t, i: (t, 0, 0)),
            pl.BlockSpec((1, 1, D), lambda t, i: (t, 0, 0)),
        ],
        out_specs=pl.BlockSpec((1, BN, D), lambda t, i: (t, i, 0)),
        out_shape=jax.ShapeDtypeStruct((T, NP, D), f32),
    )(s1, s1, hp, dv, gcn_w2, gcn_b1.reshape(T, 1, D))

    s2 = _make_prop_kernel()(gp.reshape(TNP, D), src_g, dst_f, zero_rows)
    s2 = s2.reshape(2, T, NP, D)

    out = pl.pallas_call(
        _gru_body,
        grid=(NBLK,),
        in_specs=[
            pl.BlockSpec((1, T, BN, D), lambda i: (0, 0, i, 0)),
            pl.BlockSpec((1, T, BN, D), lambda i: (1, 0, i, 0)),
            pl.BlockSpec((T, BN, D), lambda i: (0, i, 0)),
            pl.BlockSpec((T, BN, 16), lambda i: (0, i, 0)),
            pl.BlockSpec((T, D), lambda i: (0, 0)),
            pl.BlockSpec((D, 3 * D), lambda i: (0, 0)),
            pl.BlockSpec((D, 3 * D), lambda i: (0, 0)),
            pl.BlockSpec((1, 3 * D), lambda i: (0, 0)),
            pl.BlockSpec((1, 3 * D), lambda i: (0, 0)),
            pl.BlockSpec((1, D), lambda i: (0, 0)),
            pl.BlockSpec((1, D), lambda i: (0, 0)),
        ],
        out_specs=pl.BlockSpec((T, BN, D), lambda i: (0, i, 0)),
        out_shape=jax.ShapeDtypeStruct((T, N, D), f32),
    )(s2, s2, gp, dv, gcn_b2, gru_w_ih.T, gru_w_hh.T,
      gru_b_ih.reshape(1, 3 * D), gru_b_hh.reshape(1, 3 * D),
      ln_gamma.reshape(1, D), ln_beta.reshape(1, D))

    return out

# --- scband reference (transcript-rebuilt; emitter-appended) ---
"""Pipeline reference for scband-gcrn-7189775253568 (READ-ONLY COPY).

The authoritative reference and input builder live on the scoring server;
editing this copy changes nothing except your own understanding.
"""

import jax, jax.numpy as jnp
import numpy as np

N = 10000
T = 3
E = 320000
D = 128

def gcn_conv(x, edge_index, W, b):
    src = edge_index[0]
    dst = edge_index[1]
    loop = jnp.arange(N, dtype=src.dtype)
    src = jnp.concatenate([src, loop])
    dst = jnp.concatenate([dst, loop])
    h = x @ W
    deg = jnp.zeros((N,), dtype=x.dtype).at[dst].add(1.0)
    dinv = jax.lax.rsqrt(jnp.maximum(deg, 1e-12))
    norm = dinv[src] * dinv[dst]
    msg = h[src] * norm[:, None]
    out = jnp.zeros_like(h).at[dst].add(msg)
    return out + b

def gcn_forward(x, ei, w1, b1, w2, b2):
    h = jax.nn.relu(gcn_conv(x, ei, w1, b1))
    # dropout is identity in eval mode
    return gcn_conv(h, ei, w2, b2)

def l2_normalize(x):
    n = jnp.sqrt(jnp.sum(x * x, axis=1, keepdims=True))
    return x / jnp.maximum(n, 1e-12)

def gru_forward(hx, w_ih, w_hh, b_ih, b_hh):
    # hx: [N, T, D], batch_first GRU, h0 = zeros; PyTorch gate order: r, z, n
    h = jnp.zeros((hx.shape[0], D), dtype=hx.dtype)
    outs = []
    for t in range(T):
        x_t = hx[:, t, :]
        gx = x_t @ w_ih.T + b_ih
        gh = h @ w_hh.T + b_hh
        xr, xz, xn = gx[:, :D], gx[:, D:2 * D], gx[:, 2 * D:]
        hr, hz, hn = gh[:, :D], gh[:, D:2 * D], gh[:, 2 * D:]
        r = jax.nn.sigmoid(xr + hr)
        z = jax.nn.sigmoid(xz + hz)
        n = jnp.tanh(xn + r * hn)
        h = (1.0 - z) * n + z * h
        outs.append(h)
    return jnp.stack(outs, axis=1)

def layer_norm(x, gamma, beta):
    mu = jnp.mean(x, axis=-1, keepdims=True)
    var = jnp.var(x, axis=-1, keepdims=True)
    return gamma * (x - mu) * jax.lax.rsqrt(var + 1e-5) + beta

def setup_inputs(seed: int = 0):
    key = jax.random.key(seed)
    ks = jax.random.split(key, 14)
    s = 1.0 / np.sqrt(D)
    return {
        "x_list": jax.random.normal(ks[0], (T, N, D), dtype=jnp.float32),
        "edge_list": jax.random.randint(ks[1], (T, 2, E), 0, N, dtype=jnp.int32),
        "gcn_w1": jax.random.normal(ks[2], (T, D, D), dtype=jnp.float32) * s,
        "gcn_b1": jax.random.normal(ks[3], (T, D), dtype=jnp.float32) * s,
        "gcn_w2": jax.random.normal(ks[4], (T, D, D), dtype=jnp.float32) * s,
        "gcn_b2": jax.random.normal(ks[5], (T, D), dtype=jnp.float32) * s,
        "gru_w_ih": jax.random.normal(ks[6], (3 * D, D), dtype=jnp.float32) * s,
        "gru_w_hh": jax.random.normal(ks[7], (3 * D, D), dtype=jnp.float32) * s,
        "gru_b_ih": jax.random.normal(ks[8], (3 * D,), dtype=jnp.float32) * s,
        "gru_b_hh": jax.random.normal(ks[9], (3 * D,), dtype=jnp.float32) * s,
        "ln_gamma": jnp.ones((D,), dtype=jnp.float32),
        "ln_beta": jnp.zeros((D,), dtype=jnp.float32),
    }

def reference(x_list, edge_list, gcn_w1, gcn_b1, gcn_w2, gcn_b2, gru_w_ih, gru_w_hh, gru_b_ih, gru_b_hh, ln_gamma, ln_beta):
    hx_list = []
    for i in range(T):
        x = gcn_forward(x_list[i], edge_list[i], gcn_w1[i], gcn_b1[i], gcn_w2[i], gcn_b2[i])
        x = l2_normalize(x)
        hx_list.append(x)
    hx = jnp.stack(hx_list, axis=0)          # [T, N, D]
    hx = jnp.transpose(hx, (1, 0, 2))        # [N, T, D]
    out = gru_forward(hx, gru_w_ih, gru_w_hh, gru_b_ih, gru_b_hh)
    out = layer_norm(out, ln_gamma, ln_beta)
    return jnp.transpose(out, (1, 0, 2))     # [T, N, D]

if __name__ == "__main__":
    import jax
    _d = setup_inputs()
    print(jax.jit(kernel)(*tuple(_d.values())))

</pallas_src>

<mosaic_0001>
#map = affine_map<(d0, d1) -> (0)>
#map1 = affine_map<(d0, d1) -> (0, 0)>
module attributes {stable_mosaic.version = 14 : i64} {
  func.func @_deg_kernel(%arg0: i32, %arg1: i32, %arg2: memref<983040xi32, #tpu.memory_space<hbm>>, %arg3: memref<128x128xf32, #tpu.memory_space<hbm>>, %arg4: memref<632x128xf32, #tpu.memory_space<hbm>>, %arg5: memref<60672x128xf32, #tpu.memory_space<hbm>>, %arg6: memref<128xi32, #tpu.memory_space<vmem>>, %arg7: memref<128xi32, #tpu.memory_space<vmem>>, %arg8: memref<128x128xf32, #tpu.memory_space<vmem>>, %arg9: memref<10112x128xf32, #tpu.memory_space<vmem_shared>>, %arg10: memref<!tpu.dma_semaphore, #tpu.memory_space<semaphore_mem>>, %arg11: memref<!tpu.dma_semaphore, #tpu.memory_space<semaphore_mem>>) attributes {dimension_semantics = [#tpu.dimension_semantics<core_parallel>, #tpu.dimension_semantics<subcore_parallel>], iteration_bounds = array<i64: 2, 16>, scalar_prefetch = 0 : i64, scratch_operands = 6 : i64, tpu.core_type = #tpu.core_type<sc_vector_subcore>, window_params = [{transform_indices = #map}, {transform_indices = #map1}, {transform_indices = #map1}, {transform_indices = #map1}]} {
    %mul3A = arith.constant 2 : i32
    %mul3A_0 = arith.muli %arg1, %mul3A : i32
    %add3A = arith.addi %mul3A_0, %arg0 : i32
    %mul3A_1 = arith.constant 632 : i32
    %mul3A_2 = arith.muli %arg1, %mul3A_1 : i32
    "tpu.region"() ({
      %run_scoped3A = tpu.sem_alloc : memref<!tpu.dma_semaphore, #tpu.memory_space<semaphore_mem>>
      tpu.enqueue_dma source(%arg3 : memref<128x128xf32, #tpu.memory_space<hbm>>) target(%arg8 : memref<128x128xf32, #tpu.memory_space<vmem>>) target_semaphore(%run_scoped3A : memref<!tpu.dma_semaphore, #tpu.memory_space<semaphore_mem>>)
      tpu.wait_dma2 semaphore(%run_scoped3A : memref<!tpu.dma_semaphore, #tpu.memory_space<semaphore_mem>>) src(%arg3 : memref<128x128xf32, #tpu.memory_space<hbm>>) dst(%arg8 : memref<128x128xf32, #tpu.memory_space<vmem>>)
      tpu.yield
    }) : () -> ()
    %add3A_3 = arith.constant 0 : i32
    %add3A_4 = arith.addi %add3A_3, %add3A : i32
    %mul3A_5 = arith.constant 10240 : i32
    %mul3A_6 = arith.muli %add3A_4, %mul3A_5 : i32
    "tpu.region"() ({
      %run_scoped3A = tpu.sem_alloc : memref<!tpu.dma_semaphore, #tpu.memory_space<semaphore_mem>>
      %dma_start3A_69 = arith.constant 0 : i32
      %dma_start3A_70 = tpu.memref_slice %arg9[%mul3A_2, %dma_start3A_69] : memref<10112x128xf32, #tpu.memory_space<vmem_shared>> -> memref<632x128xf32, #tpu.memory_space<vmem_shared>>
      tpu.enqueue_dma source(%arg4 : memref<632x128xf32, #tpu.memory_space<hbm>>) target(%dma_start3A_70 : memref<632x128xf32, #tpu.memory_space<vmem_shared>>) target_semaphore(%run_scoped3A : memref<!tpu.dma_semaphore, #tpu.memory_space<semaphore_mem>>)
      %dma_wait3A = arith.constant 0 : i32
      %dma_wait3A_71 = tpu.memref_slice %arg9[%mul3A_2, %dma_wait3A] : memref<10112x128xf32, #tpu.memory_space<vmem_shared>> -> memref<632x128xf32, #tpu.memory_space<vmem_shared>>
      tpu.wait_dma2 semaphore(%run_scoped3A : memref<!tpu.dma_semaphore, #tpu.memory_space<semaphore_mem>>) src(%arg4 : memref<632x128xf32, #tpu.memory_space<hbm>>) dst(%dma_wait3A_71 : memref<632x128xf32, #tpu.memory_space<vmem_shared>>)
      tpu.yield
    }) : () -> ()
    %barrier3A = arith.constant 0 : index
    tpu.barrier barrier_id(%barrier3A)
    %dma_start3A = tpu.memref_slice %arg2[%mul3A_6] : memref<983040xi32, #tpu.memory_space<hbm>> -> memref<128xi32, #tpu.memory_space<hbm>>
    %dma_start3A_7 = tpu.memref_slice %arg2[%mul3A_6] : memref<983040xi32, #tpu.memory_space<hbm>> -> memref<128xi32, #tpu.memory_space<hbm>>
    tpu.enqueue_dma source(%dma_start3A_7 : memref<128xi32, #tpu.memory_space<hbm>>) target(%arg6 : memref<128xi32, #tpu.memory_space<vmem>>) target_semaphore(%arg10 : memref<!tpu.dma_semaphore, #tpu.memory_space<semaphore_mem>>)
    %add3A_8 = arith.constant 128 : i32
    %add3A_9 = arith.addi %mul3A_6, %add3A_8 : i32
    %dma_start3A_10 = tpu.memref_slice %arg2[%add3A_9] : memref<983040xi32, #tpu.memory_space<hbm>> -> memref<128xi32, #tpu.memory_space<hbm>>
    %dma_start3A_11 = tpu.memref_slice %arg2[%add3A_9] : memref<983040xi32, #tpu.memory_space<hbm>> -> memref<128xi32, #tpu.memory_space<hbm>>
    tpu.enqueue_dma source(%dma_start3A_11 : memref<128xi32, #tpu.memory_space<hbm>>) target(%arg7 : memref<128xi32, #tpu.memory_space<vmem>>) target_semaphore(%arg11 : memref<!tpu.dma_semaphore, #tpu.memory_space<semaphore_mem>>)
    %scan3A = arith.constant 0 : i32
    %scan3A_12 = arith.constant 0 : i32
    %scan3A_13 = arith.constant 40 : i32
    %scan3A_14 = arith.addi %scan3A_12, %scan3A_13 : i32
    %scan3A_15 = arith.constant 1 : i32
    scf.for %scan3A_69 = %scan3A_12 to %scan3A_14 step %scan3A_15  : i32 {
      %mul3A_70 = arith.constant 256 : i32
      %mul3A_71 = arith.muli %scan3A_69, %mul3A_70 : i32
      %add3A_72 = arith.addi %mul3A_6, %mul3A_71 : i32
      %dma_wait3A = tpu.memref_slice %arg2[%add3A_72] : memref<983040xi32, #tpu.memory_space<hbm>> -> memref<128xi32, #tpu.memory_space<hbm>>
      %dma_wait3A_73 = tpu.memref_slice %arg2[%add3A_72] : memref<983040xi32, #tpu.memory_space<hbm>> -> memref<128xi32, #tpu.memory_space<hbm>>
      tpu.wait_dma2 semaphore(%arg10 : memref<!tpu.dma_semaphore, #tpu.memory_space<semaphore_mem>>) src(%dma_wait3A_73 : memref<128xi32, #tpu.memory_space<hbm>>) dst(%arg6 : memref<128xi32, #tpu.memory_space<vmem>>)
      "tpu.region"() ({
        %run_scoped3A = tpu.sem_alloc : memref<!tpu.dma_semaphore, #tpu.memory_space<semaphore_mem>>
        %dma_start3A_85 = arith.constant 0 : i32
        %dma_start3A_86 = arith.constant 0 : i32
        %dma_start3A_87 = tpu.memref_slice %arg9[%dma_start3A_85, %dma_start3A_86] : memref<10112x128xf32, #tpu.memory_space<vmem_shared>> -> memref<10112x128xf32, #tpu.memory_space<vmem_shared>>
        tpu.enqueue_indirect_dma source(%arg8 : memref<128x128xf32, #tpu.memory_space<vmem>>) target(%dma_start3A_87 : memref<10112x128xf32, #tpu.memory_space<vmem_shared>>) offsets(%arg6 : memref<128xi32, #tpu.memory_space<vmem>>) semaphore(%run_scoped3A : memref<!tpu.dma_semaphore, #tpu.memory_space<semaphore_mem>>) {add = true}
        %dma_wait3A_88 = arith.constant 0 : i32
        %dma_wait3A_89 = arith.constant 0 : i32
        %dma_wait3A_90 = tpu.memref_slice %arg9[%dma_wait3A_88, %dma_wait3A_89] : memref<10112x128xf32, #tpu.memory_space<vmem_shared>> -> memref<10112x128xf32, #tpu.memory_space<vmem_shared>>
        tpu.wait_indirect_dma semaphore(%run_scoped3A : memref<!tpu.dma_semaphore, #tpu.memory_space<semaphore_mem>>) src(%arg8 : memref<128x128xf32, #tpu.memory_space<vmem>>) dst(%dma_wait3A_90 : memref<10112x128xf32, #tpu.memory_space<vmem_shared>>)
        tpu.yield
      }) : () -> ()
      %lt3A = arith.constant 39 : i32
      %lt3A_74 = arith.cmpi slt, %scan3A_69, %lt3A : i32
      %convert_element_type3A = arith.extui %lt3A_74 : i1 to i32
      %cond3A = arith.constant 0 : i32
      %cond3A_75 = arith.cmpi ne, %convert_element_type3A, %cond3A : i32
      scf.if %cond3A_75 {
        %add3A_85 = arith.constant 256 : i32
        %add3A_86 = arith.addi %add3A_72, %add3A_85 : i32
        %dma_start3A_87 = tpu.memref_slice %arg2[%add3A_86] : memref<983040xi32, #tpu.memory_space<hbm>> -> memref<128xi32, #tpu.memory_space<hbm>>
        %dma_start3A_88 = tpu.memref_slice %arg2[%add3A_86] : memref<983040xi32, #tpu.memory_space<hbm>> -> memref<128xi32, #tpu.memory_space<hbm>>
        tpu.enqueue_dma source(%dma_start3A_88 : memref<128xi32, #tpu.memory_space<hbm>>) target(%arg6 : memref<128xi32, #tpu.memory_space<vmem>>) target_semaphore(%arg10 : memref<!tpu.dma_semaphore, #tpu.memory_space<semaphore_mem>>)
      } else {
      }
      %add3A_76 = arith.constant 128 : i32
      %add3A_77 = arith.addi %add3A_72, %add3A_76 : i32
      %dma_wait3A_78 = tpu.memref_slice %arg2[%add3A_77] : memref<983040xi32, #tpu.memory_space<hbm>> -> memref<128xi32, #tpu.memory_space<hbm>>
      %dma_wait3A_79 = tpu.memref_slice %arg2[%add3A_77] : memref<983040xi32, #tpu.memory_space<hbm>> -> memref<128xi32, #tpu.memory_space<hbm>>
      tpu.wait_dma2 semaphore(%arg11 : memref<!tpu.dma_semaphore, #tpu.memory_space<semaphore_mem>>) src(%dma_wait3A_79 : memref<128xi32, #tpu.memory_space<hbm>>) dst(%arg7 : memref<128xi32, #tpu.memory_space<vmem>>)
      "tpu.region"() ({
        %run_scoped3A = tpu.sem_alloc : memref<!tpu.dma_semaphore, #tpu.memory_space<semaphore_mem>>
        %dma_start3A_85 = arith.constant 0 : i32
        %dma_start3A_86 = arith.constant 0 : i32
        %dma_start3A_87 = tpu.memref_slice %arg9[%dma_start3A_85, %dma_start3A_86] : memref<10112x128xf32, #tpu.memory_space<vmem_shared>> -> memref<10112x128xf32, #tpu.memory_space<vmem_shared>>
        tpu.enqueue_indirect_dma source(%arg8 : memref<128x128xf32, #tpu.memory_space<vmem>>) target(%dma_start3A_87 : memref<10112x128xf32, #tpu.memory_space<vmem_shared>>) offsets(%arg7 : memref<128xi32, #tpu.memory_space<vmem>>) semaphore(%run_scoped3A : memref<!tpu.dma_semaphore, #tpu.memory_space<semaphore_mem>>) {add = true}
        %dma_wait3A_88 = arith.constant 0 : i32
        %dma_wait3A_89 = arith.constant 0 : i32
        %dma_wait3A_90 = tpu.memref_slice %arg9[%dma_wait3A_88, %dma_wait3A_89] : memref<10112x128xf32, #tpu.memory_space<vmem_shared>> -> memref<10112x128xf32, #tpu.memory_space<vmem_shared>>
        tpu.wait_indirect_dma semaphore(%run_scoped3A : memref<!tpu.dma_semaphore, #tpu.memory_space<semaphore_mem>>) src(%arg8 : memref<128x128xf32, #tpu.memory_space<vmem>>) dst(%dma_wait3A_90 : memref<10112x128xf32, #tpu.memory_space<vmem_shared>>)
        tpu.yield
      }) : () -> ()
      %lt3A_80 = arith.constant 39 : i32
      %lt3A_81 = arith.cmpi slt, %scan3A_69, %lt3A_80 : i32
      %convert_element_type3A_82 = arith.extui %lt3A_81 : i1 to i32
      %cond3A_83 = arith.constant 0 : i32
      %cond3A_84 = arith.cmpi ne, %convert_element_type3A_82, %cond3A_83 : i32
      scf.if %cond3A_84 {
        %add3A_85 = arith.constant 384 : i32
        %add3A_86 = arith.addi %add3A_72, %add3A_85 : i32
        %dma_start3A_87 = tpu.memref_slice %arg2[%add3A_86] : memref<983040xi32, #tpu.memory_space<hbm>> -> memref<128xi32, #tpu.memory_space<hbm>>
        %dma_start3A_88 = tpu.memref_slice %arg2[%add3A_86] : memref<983040xi32, #tpu.memory_space<hbm>> -> memref<128xi32, #tpu.memory_space<hbm>>
        tpu.enqueue_dma source(%dma_start3A_88 : memref<128xi32, #tpu.memory_space<hbm>>) target(%arg7 : memref<128xi32, #tpu.memory_space<vmem>>) target_semaphore(%arg11 : memref<!tpu.dma_semaphore, #tpu.memory_space<semaphore_mem>>)
      } else {
      }
    }
    %scan3A_16 = arith.constant 40 : i32
    %barrier3A_17 = arith.constant 0 : index
    tpu.barrier barrier_id(%barrier3A_17)
    %mul3A_18 = arith.constant 30336 : i32
    %mul3A_19 = arith.muli %arg0, %mul3A_18 : i32
    %add3A_20 = arith.constant 0 : i32
    %add3A_21 = arith.addi %mul3A_19, %add3A_20 : i32
    %add3A_22 = arith.addi %add3A_21, %mul3A_2 : i32
    "tpu.region"() ({
      %run_scoped3A = tpu.sem_alloc : memref<!tpu.dma_semaphore, #tpu.memory_space<semaphore_mem>>
      %dma_start3A_69 = arith.constant 0 : i32
      %dma_start3A_70 = tpu.memref_slice %arg5[%add3A_22, %dma_start3A_69] : memref<60672x128xf32, #tpu.memory_space<hbm>> -> memref<632x128xf32, #tpu.memory_space<hbm>>
      %dma_start3A_71 = arith.constant 0 : i32
      %dma_start3A_72 = tpu.memref_slice %arg9[%mul3A_2, %dma_start3A_71] : memref<10112x128xf32, #tpu.memory_space<vmem_shared>> -> memref<632x128xf32, #tpu.memory_space<vmem_shared>>
      tpu.enqueue_dma source(%dma_start3A_72 : memref<632x128xf32, #tpu.memory_space<vmem_shared>>) target(%dma_start3A_70 : memref<632x128xf32, #tpu.memory_space<hbm>>) target_semaphore(%run_scoped3A : memref<!tpu.dma_semaphore, #tpu.memory_space<semaphore_mem>>)
      %dma_wait3A = arith.constant 0 : i32
      %dma_wait3A_73 = tpu.memref_slice %arg5[%add3A_22, %dma_wait3A] : memref<60672x128xf32, #tpu.memory_space<hbm>> -> memref<632x128xf32, #tpu.memory_space<hbm>>
      %dma_wait3A_74 = arith.constant 0 : i32
      %dma_wait3A_75 = tpu.memref_slice %arg9[%mul3A_2, %dma_wait3A_74] : memref<10112x128xf32, #tpu.memory_space<vmem_shared>> -> memref<632x128xf32, #tpu.memory_space<vmem_shared>>
      tpu.wait_dma2 semaphore(%run_scoped3A : memref<!tpu.dma_semaphore, #tpu.memory_space<semaphore_mem>>) src(%dma_wait3A_75 : memref<632x128xf32, #tpu.memory_space<vmem_shared>>) dst(%dma_wait3A_73 : memref<632x128xf32, #tpu.memory_space<hbm>>)
      tpu.yield
    }) : () -> ()
    %add3A_23 = arith.constant 32 : i32
    %add3A_24 = arith.addi %add3A_23, %add3A : i32
    %mul3A_25 = arith.constant 10240 : i32
    %mul3A_26 = arith.muli %add3A_24, %mul3A_25 : i32
    "tpu.region"() ({
      %run_scoped3A = tpu.sem_alloc : memref<!tpu.dma_semaphore, #tpu.memory_space<semaphore_mem>>
      %dma_start3A_69 = arith.constant 0 : i32
      %dma_start3A_70 = tpu.memref_slice %arg9[%mul3A_2, %dma_start3A_69] : memref<10112x128xf32, #tpu.memory_space<vmem_shared>> -> memref<632x128xf32, #tpu.memory_space<vmem_shared>>
      tpu.enqueue_dma source(%arg4 : memref<632x128xf32, #tpu.memory_space<hbm>>) target(%dma_start3A_70 : memref<632x128xf32, #tpu.memory_space<vmem_shared>>) target_semaphore(%run_scoped3A : memref<!tpu.dma_semaphore, #tpu.memory_space<semaphore_mem>>)
      %dma_wait3A = arith.constant 0 : i32
      %dma_wait3A_71 = tpu.memref_slice %arg9[%mul3A_2, %dma_wait3A] : memref<10112x128xf32, #tpu.memory_space<vmem_shared>> -> memref<632x128xf32, #tpu.memory_space<vmem_shared>>
      tpu.wait_dma2 semaphore(%run_scoped3A : memref<!tpu.dma_semaphore, #tpu.memory_space<semaphore_mem>>) src(%arg4 : memref<632x128xf32, #tpu.memory_space<hbm>>) dst(%dma_wait3A_71 : memref<632x128xf32, #tpu.memory_space<vmem_shared>>)
      tpu.yield
    }) : () -> ()
    %barrier3A_27 = arith.constant 0 : index
    tpu.barrier barrier_id(%barrier3A_27)
    %dma_start3A_28 = tpu.memref_slice %arg2[%mul3A_26] : memref<983040xi32, #tpu.memory_space<hbm>> -> memref<128xi32, #tpu.memory_space<hbm>>
    %dma_start3A_29 = tpu.memref_slice %arg2[%mul3A_26] : memref<983040xi32, #tpu.memory_space<hbm>> -> memref<128xi32, #tpu.memory_space<hbm>>
    tpu.enqueue_dma source(%dma_start3A_29 : memref<128xi32, #tpu.memory_space<hbm>>) target(%arg6 : memref<128xi32, #tpu.memory_space<vmem>>) target_semaphore(%arg10 : memref<!tpu.dma_semaphore, #tpu.memory_space<semaphore_mem>>)
    %add3A_30 = arith.constant 128 : i32
    %add3A_31 = arith.addi %mul3A_26, %add3A_30 : i32
    %dma_start3A_32 = tpu.memref_slice %arg2[%add3A_31] : memref<983040xi32, #tpu.memory_space<hbm>> -> memref<128xi32, #tpu.memory_space<hbm>>
    %dma_start3A_33 = tpu.memref_slice %arg2[%add3A_31] : memref<983040xi32, #tpu.memory_space<hbm>> -> memref<128xi32, #tpu.memory_space<hbm>>
    tpu.enqueue_dma source(%dma_start3A_33 : memref<128xi32, #tpu.memory_space<hbm>>) target(%arg7 : memref<128xi32, #tpu.memory_space<vmem>>) target_semaphore(%arg11 : memref<!tpu.dma_semaphore, #tpu.memory_space<semaphore_mem>>)
    %scan3A_34 = arith.constant 0 : i32
    %scan3A_35 = arith.constant 0 : i32
    %scan3A_36 = arith.constant 40 : i32
    %scan3A_37 = arith.addi %scan3A_35, %scan3A_36 : i32
    %scan3A_38 = arith.constant 1 : i32
    scf.for %scan3A_69 = %scan3A_35 to %scan3A_37 step %scan3A_38  : i32 {
      %mul3A_70 = arith.constant 256 : i32
      %mul3A_71 = arith.muli %scan3A_69, %mul3A_70 : i32
      %add3A_72 = arith.addi %mul3A_26, %mul3A_71 : i32
      %dma_wait3A = tpu.memref_slice %arg2[%add3A_72] : memref<983040xi32, #tpu.memory_space<hbm>> -> memref<128xi32, #tpu.memory_space<hbm>>
      %dma_wait3A_73 = tpu.memref_slice %arg2[%add3A_72] : memref<983040xi32, #tpu.memory_space<hbm>> -> memref<128xi32, #tpu.memory_space<hbm>>
      tpu.wait_dma2 semaphore(%arg10 : memref<!tpu.dma_semaphore, #tpu.memory_space<semaphore_mem>>) src(%dma_wait3A_73 : memref<128xi32, #tpu.memory_space<hbm>>) dst(%arg6 : memref<128xi32, #tpu.memory_space<vmem>>)
      "tpu.region"() ({
        %run_scoped3A = tpu.sem_alloc : memref<!tpu.dma_semaphore, #tpu.memory_space<semaphore_mem>>
        %dma_start3A_85 = arith.constant 0 : i32
        %dma_start3A_86 = arith.constant 0 : i32
        %dma_start3A_87 = tpu.memref_slice %arg9[%dma_start3A_85, %dma_start3A_86] : memref<10112x128xf32, #tpu.memory_space<vmem_shared>> -> memref<10112x128xf32, #tpu.memory_space<vmem_shared>>
        tpu.enqueue_indirect_dma source(%arg8 : memref<128x128xf32, #tpu.memory_space<vmem>>) target(%dma_start3A_87 : memref<10112x128xf32, #tpu.memory_space<vmem_shared>>) offsets(%arg6 : memref<128xi32, #tpu.memory_space<vmem>>) semaphore(%run_scoped3A : memref<!tpu.dma_semaphore, #tpu.memory_space<semaphore_mem>>) {add = true}
        %dma_wait3A_88 = arith.constant 0 : i32
        %dma_wait3A_89 = arith.constant 0 : i32
        %dma_wait3A_90 = tpu.memref_slice %arg9[%dma_wait3A_88, %dma_wait3A_89] : memref<10112x128xf32, #tpu.memory_space<vmem_shared>> -> memref<10112x128xf32, #tpu.memory_space<vmem_shared>>
        tpu.wait_indirect_dma semaphore(%run_scoped3A : memref<!tpu.dma_semaphore, #tpu.memory_space<semaphore_mem>>) src(%arg8 : memref<128x128xf32, #tpu.memory_space<vmem>>) dst(%dma_wait3A_90 : memref<10112x128xf32, #tpu.memory_space<vmem_shared>>)
        tpu.yield
      }) : () -> ()
      %lt3A = arith.constant 39 : i32
      %lt3A_74 = arith.cmpi slt, %scan3A_69, %lt3A : i32
      %convert_element_type3A = arith.extui %lt3A_74 : i1 to i32
      %cond3A = arith.constant 0 : i32
      %cond3A_75 = arith.cmpi ne, %convert_element_type3A, %cond3A : i32
      scf.if %cond3A_75 {
        %add3A_85 = arith.constant 256 : i32
        %add3A_86 = arith.addi %add3A_72, %add3A_85 : i32
        %dma_start3A_87 = tpu.memref_slice %arg2[%add3A_86] : memref<983040xi32, #tpu.memory_space<hbm>> -> memref<128xi32, #tpu.memory_space<hbm>>
        %dma_start3A_88 = tpu.memref_slice %arg2[%add3A_86] : memref<983040xi32, #tpu.memory_space<hbm>> -> memref<128xi32, #tpu.memory_space<hbm>>
        tpu.enqueue_dma source(%dma_start3A_88 : memref<128xi32, #tpu.memory_space<hbm>>) target(%arg6 : memref<128xi32, #tpu.memory_space<vmem>>) target_semaphore(%arg10 : memref<!tpu.dma_semaphore, #tpu.memory_space<semaphore_mem>>)
      } else {
      }
      %add3A_76 = arith.constant 128 : i32
      %add3A_77 = arith.addi %add3A_72, %add3A_76 : i32
      %dma_wait3A_78 = tpu.memref_slice %arg2[%add3A_77] : memref<983040xi32, #tpu.memory_space<hbm>> -> memref<128xi32, #tpu.memory_space<hbm>>
      %dma_wait3A_79 = tpu.memref_slice %arg2[%add3A_77] : memref<983040xi32, #tpu.memory_space<hbm>> -> memref<128xi32, #tpu.memory_space<hbm>>
      tpu.wait_dma2 semaphore(%arg11 : memref<!tpu.dma_semaphore, #tpu.memory_space<semaphore_mem>>) src(%dma_wait3A_79 : memref<128xi32, #tpu.memory_space<hbm>>) dst(%arg7 : memref<128xi32, #tpu.memory_space<vmem>>)
      "tpu.region"() ({
        %run_scoped3A = tpu.sem_alloc : memref<!tpu.dma_semaphore, #tpu.memory_space<semaphore_mem>>
        %dma_start3A_85 = arith.constant 0 : i32
        %dma_start3A_86 = arith.constant 0 : i32
        %dma_start3A_87 = tpu.memref_slice %arg9[%dma_start3A_85, %dma_start3A_86] : memref<10112x128xf32, #tpu.memory_space<vmem_shared>> -> memref<10112x128xf32, #tpu.memory_space<vmem_shared>>
        tpu.enqueue_indirect_dma source(%arg8 : memref<128x128xf32, #tpu.memory_space<vmem>>) target(%dma_start3A_87 : memref<10112x128xf32, #tpu.memory_space<vmem_shared>>) offsets(%arg7 : memref<128xi32, #tpu.memory_space<vmem>>) semaphore(%run_scoped3A : memref<!tpu.dma_semaphore, #tpu.memory_space<semaphore_mem>>) {add = true}
        %dma_wait3A_88 = arith.constant 0 : i32
        %dma_wait3A_89 = arith.constant 0 : i32
        %dma_wait3A_90 = tpu.memref_slice %arg9[%dma_wait3A_88, %dma_wait3A_89] : memref<10112x128xf32, #tpu.memory_space<vmem_shared>> -> memref<10112x128xf32, #tpu.memory_space<vmem_shared>>
        tpu.wait_indirect_dma semaphore(%run_scoped3A : memref<!tpu.dma_semaphore, #tpu.memory_space<semaphore_mem>>) src(%arg8 : memref<128x128xf32, #tpu.memory_space<vmem>>) dst(%dma_wait3A_90 : memref<10112x128xf32, #tpu.memory_space<vmem_shared>>)
        tpu.yield
      }) : () -> ()
      %lt3A_80 = arith.constant 39 : i32
      %lt3A_81 = arith.cmpi slt, %scan3A_69, %lt3A_80 : i32
      %convert_element_type3A_82 = arith.extui %lt3A_81 : i1 to i32
      %cond3A_83 = arith.constant 0 : i32
      %cond3A_84 = arith.cmpi ne, %convert_element_type3A_82, %cond3A_83 : i32
      scf.if %cond3A_84 {
        %add3A_85 = arith.constant 384 : i32
        %add3A_86 = arith.addi %add3A_72, %add3A_85 : i32
        %dma_start3A_87 = tpu.memref_slice %arg2[%add3A_86] : memref<983040xi32, #tpu.memory_space<hbm>> -> memref<128xi32, #tpu.memory_space<hbm>>
        %dma_start3A_88 = tpu.memref_slice %arg2[%add3A_86] : memref<983040xi32, #tpu.memory_space<hbm>> -> memref<128xi32, #tpu.memory_space<hbm>>
        tpu.enqueue_dma source(%dma_start3A_88 : memref<128xi32, #tpu.memory_space<hbm>>) target(%arg7 : memref<128xi32, #tpu.memory_space<vmem>>) target_semaphore(%arg11 : memref<!tpu.dma_semaphore, #tpu.memory_space<semaphore_mem>>)
      } else {
      }
    }
    %scan3A_39 = arith.constant 40 : i32
    %barrier3A_40 = arith.constant 0 : index
    tpu.barrier barrier_id(%barrier3A_40)
    %mul3A_41 = arith.constant 30336 : i32
    %mul3A_42 = arith.muli %arg0, %mul3A_41 : i32
    %add3A_43 = arith.constant 10112 : i32
    %add3A_44 = arith.addi %mul3A_42, %add3A_43 : i32
    %add3A_45 = arith.addi %add3A_44, %mul3A_2 : i32
    "tpu.region"() ({
      %run_scoped3A = tpu.sem_alloc : memref<!tpu.dma_semaphore, #tpu.memory_space<semaphore_mem>>
      %dma_start3A_69 = arith.constant 0 : i32
      %dma_start3A_70 = tpu.memref_slice %arg5[%add3A_45, %dma_start3A_69] : memref<60672x128xf32, #tpu.memory_space<hbm>> -> memref<632x128xf32, #tpu.memory_space<hbm>>
      %dma_start3A_71 = arith.constant 0 : i32
      %dma_start3A_72 = tpu.memref_slice %arg9[%mul3A_2, %dma_start3A_71] : memref<10112x128xf32, #tpu.memory_space<vmem_shared>> -> memref<632x128xf32, #tpu.memory_space<vmem_shared>>
      tpu.enqueue_dma source(%dma_start3A_72 : memref<632x128xf32, #tpu.memory_space<vmem_shared>>) target(%dma_start3A_70 : memref<632x128xf32, #tpu.memory_space<hbm>>) target_semaphore(%run_scoped3A : memref<!tpu.dma_semaphore, #tpu.memory_space<semaphore_mem>>)
      %dma_wait3A = arith.constant 0 : i32
      %dma_wait3A_73 = tpu.memref_slice %arg5[%add3A_45, %dma_wait3A] : memref<60672x128xf32, #tpu.memory_space<hbm>> -> memref<632x128xf32, #tpu.memory_space<hbm>>
      %dma_wait3A_74 = arith.constant 0 : i32
      %dma_wait3A_75 = tpu.memref_slice %arg9[%mul3A_2, %dma_wait3A_74] : memref<10112x128xf32, #tpu.memory_space<vmem_shared>> -> memref<632x128xf32, #tpu.memory_space<vmem_shared>>
      tpu.wait_dma2 semaphore(%run_scoped3A : memref<!tpu.dma_semaphore, #tpu.memory_space<semaphore_mem>>) src(%dma_wait3A_75 : memref<632x128xf32, #tpu.memory_space<vmem_shared>>) dst(%dma_wait3A_73 : memref<632x128xf32, #tpu.memory_space<hbm>>)
      tpu.yield
    }) : () -> ()
    %add3A_46 = arith.constant 64 : i32
    %add3A_47 = arith.addi %add3A_46, %add3A : i32
    %mul3A_48 = arith.constant 10240 : i32
    %mul3A_49 = arith.muli %add3A_47, %mul3A_48 : i32
    "tpu.region"() ({
      %run_scoped3A = tpu.sem_alloc : memref<!tpu.dma_semaphore, #tpu.memory_space<semaphore_mem>>
      %dma_start3A_69 = arith.constant 0 : i32
      %dma_start3A_70 = tpu.memref_slice %arg9[%mul3A_2, %dma_start3A_69] : memref<10112x128xf32, #tpu.memory_space<vmem_shared>> -> memref<632x128xf32, #tpu.memory_space<vmem_shared>>
      tpu.enqueue_dma source(%arg4 : memref<632x128xf32, #tpu.memory_space<hbm>>) target(%dma_start3A_70 : memref<632x128xf32, #tpu.memory_space<vmem_shared>>) target_semaphore(%run_scoped3A : memref<!tpu.dma_semaphore, #tpu.memory_space<semaphore_mem>>)
      %dma_wait3A = arith.constant 0 : i32
      %dma_wait3A_71 = tpu.memref_slice %arg9[%mul3A_2, %dma_wait3A] : memref<10112x128xf32, #tpu.memory_space<vmem_shared>> -> memref<632x128xf32, #tpu.memory_space<vmem_shared>>
      tpu.wait_dma2 semaphore(%run_scoped3A : memref<!tpu.dma_semaphore, #tpu.memory_space<semaphore_mem>>) src(%arg4 : memref<632x128xf32, #tpu.memory_space<hbm>>) dst(%dma_wait3A_71 : memref<632x128xf32, #tpu.memory_space<vmem_shared>>)
      tpu.yield
    }) : () -> ()
    %barrier3A_50 = arith.constant 0 : index
    tpu.barrier barrier_id(%barrier3A_50)
    %dma_start3A_51 = tpu.memref_slice %arg2[%mul3A_49] : memref<983040xi32, #tpu.memory_space<hbm>> -> memref<128xi32, #tpu.memory_space<hbm>>
    %dma_start3A_52 = tpu.memref_slice %arg2[%mul3A_49] : memref<983040xi32, #tpu.memory_space<hbm>> -> memref<128xi32, #tpu.memory_space<hbm>>
    tpu.enqueue_dma source(%dma_start3A_52 : memref<128xi32, #tpu.memory_space<hbm>>) target(%arg6 : memref<128xi32, #tpu.memory_space<vmem>>) target_semaphore(%arg10 : memref<!tpu.dma_semaphore, #tpu.memory_space<semaphore_mem>>)
    %add3A_53 = arith.constant 128 : i32
    %add3A_54 = arith.addi %mul3A_49, %add3A_53 : i32
    %dma_start3A_55 = tpu.memref_slice %arg2[%add3A_54] : memref<983040xi32, #tpu.memory_space<hbm>> -> memref<128xi32, #tpu.memory_space<hbm>>
    %dma_start3A_56 = tpu.memref_slice %arg2[%add3A_54] : memref<983040xi32, #tpu.memory_space<hbm>> -> memref<128xi32, #tpu.memory_space<hbm>>
    tpu.enqueue_dma source(%dma_start3A_56 : memref<128xi32, #tpu.memory_space<hbm>>) target(%arg7 : memref<128xi32, #tpu.memory_space<vmem>>) target_semaphore(%arg11 : memref<!tpu.dma_semaphore, #tpu.memory_space<semaphore_mem>>)
    %scan3A_57 = arith.constant 0 : i32
    %scan3A_58 = arith.constant 0 : i32
    %scan3A_59 = arith.constant 40 : i32
    %scan3A_60 = arith.addi %scan3A_58, %scan3A_59 : i32
    %scan3A_61 = arith.constant 1 : i32
    scf.for %scan3A_69 = %scan3A_58 to %scan3A_60 step %scan3A_61  : i32 {
      %mul3A_70 = arith.constant 256 : i32
      %mul3A_71 = arith.muli %scan3A_69, %mul3A_70 : i32
      %add3A_72 = arith.addi %mul3A_49, %mul3A_71 : i32
      %dma_wait3A = tpu.memref_slice %arg2[%add3A_72] : memref<983040xi32, #tpu.memory_space<hbm>> -> memref<128xi32, #tpu.memory_space<hbm>>
      %dma_wait3A_73 = tpu.memref_slice %arg2[%add3A_72] : memref<983040xi32, #tpu.memory_space<hbm>> -> memref<128xi32, #tpu.memory_space<hbm>>
      tpu.wait_dma2 semaphore(%arg10 : memref<!tpu.dma_semaphore, #tpu.memory_space<semaphore_mem>>) src(%dma_wait3A_73 : memref<128xi32, #tpu.memory_space<hbm>>) dst(%arg6 : memref<128xi32, #tpu.memory_space<vmem>>)
      "tpu.region"() ({
        %run_scoped3A = tpu.sem_alloc : memref<!tpu.dma_semaphore, #tpu.memory_space<semaphore_mem>>
        %dma_start3A_85 = arith.constant 0 : i32
        %dma_start3A_86 = arith.constant 0 : i32
        %dma_start3A_87 = tpu.memref_slice %arg9[%dma_start3A_85, %dma_start3A_86] : memref<10112x128xf32, #tpu.memory_space<vmem_shared>> -> memref<10112x128xf32, #tpu.memory_space<vmem_shared>>
        tpu.enqueue_indirect_dma source(%arg8 : memref<128x128xf32, #tpu.memory_space<vmem>>) target(%dma_start3A_87 : memref<10112x128xf32, #tpu.memory_space<vmem_shared>>) offsets(%arg6 : memref<128xi32, #tpu.memory_space<vmem>>) semaphore(%run_scoped3A : memref<!tpu.dma_semaphore, #tpu.memory_space<semaphore_mem>>) {add = true}
        %dma_wait3A_88 = arith.constant 0 : i32
        %dma_wait3A_89 = arith.constant 0 : i32
        %dma_wait3A_90 = tpu.memref_slice %arg9[%dma_wait3A_88, %dma_wait3A_89] : memref<10112x128xf32, #tpu.memory_space<vmem_shared>> -> memref<10112x128xf32, #tpu.memory_space<vmem_shared>>
        tpu.wait_indirect_dma semaphore(%run_scoped3A : memref<!tpu.dma_semaphore, #tpu.memory_space<semaphore_mem>>) src(%arg8 : memref<128x128xf32, #tpu.memory_space<vmem>>) dst(%dma_wait3A_90 : memref<10112x128xf32, #tpu.memory_space<vmem_shared>>)
        tpu.yield
      }) : () -> ()
      %lt3A = arith.constant 39 : i32
      %lt3A_74 = arith.cmpi slt, %scan3A_69, %lt3A : i32
      %convert_element_type3A = arith.extui %lt3A_74 : i1 to i32
      %cond3A = arith.constant 0 : i32
      %cond3A_75 = arith.cmpi ne, %convert_element_type3A, %cond3A : i32
      scf.if %cond3A_75 {
        %add3A_85 = arith.constant 256 : i32
        %add3A_86 = arith.addi %add3A_72, %add3A_85 : i32
        %dma_start3A_87 = tpu.memref_slice %arg2[%add3A_86] : memref<983040xi32, #tpu.memory_space<hbm>> -> memref<128xi32, #tpu.memory_space<hbm>>
        %dma_start3A_88 = tpu.memref_slice %arg2[%add3A_86] : memref<983040xi32, #tpu.memory_space<hbm>> -> memref<128xi32, #tpu.memory_space<hbm>>
        tpu.enqueue_dma source(%dma_start3A_88 : memref<128xi32, #tpu.memory_space<hbm>>) target(%arg6 : memref<128xi32, #tpu.memory_space<vmem>>) target_semaphore(%arg10 : memref<!tpu.dma_semaphore, #tpu.memory_space<semaphore_mem>>)
      } else {
      }
      %add3A_76 = arith.constant 128 : i32
      %add3A_77 = arith.addi %add3A_72, %add3A_76 : i32
      %dma_wait3A_78 = tpu.memref_slice %arg2[%add3A_77] : memref<983040xi32, #tpu.memory_space<hbm>> -> memref<128xi32, #tpu.memory_space<hbm>>
      %dma_wait3A_79 = tpu.memref_slice %arg2[%add3A_77] : memref<983040xi32, #tpu.memory_space<hbm>> -> memref<128xi32, #tpu.memory_space<hbm>>
      tpu.wait_dma2 semaphore(%arg11 : memref<!tpu.dma_semaphore, #tpu.memory_space<semaphore_mem>>) src(%dma_wait3A_79 : memref<128xi32, #tpu.memory_space<hbm>>) dst(%arg7 : memref<128xi32, #tpu.memory_space<vmem>>)
      "tpu.region"() ({
        %run_scoped3A = tpu.sem_alloc : memref<!tpu.dma_semaphore, #tpu.memory_space<semaphore_mem>>
        %dma_start3A_85 = arith.constant 0 : i32
        %dma_start3A_86 = arith.constant 0 : i32
        %dma_start3A_87 = tpu.memref_slice %arg9[%dma_start3A_85, %dma_start3A_86] : memref<10112x128xf32, #tpu.memory_space<vmem_shared>> -> memref<10112x128xf32, #tpu.memory_space<vmem_shared>>
        tpu.enqueue_indirect_dma source(%arg8 : memref<128x128xf32, #tpu.memory_space<vmem>>) target(%dma_start3A_87 : memref<10112x128xf32, #tpu.memory_space<vmem_shared>>) offsets(%arg7 : memref<128xi32, #tpu.memory_space<vmem>>) semaphore(%run_scoped3A : memref<!tpu.dma_semaphore, #tpu.memory_space<semaphore_mem>>) {add = true}
        %dma_wait3A_88 = arith.constant 0 : i32
        %dma_wait3A_89 = arith.constant 0 : i32
        %dma_wait3A_90 = tpu.memref_slice %arg9[%dma_wait3A_88, %dma_wait3A_89] : memref<10112x128xf32, #tpu.memory_space<vmem_shared>> -> memref<10112x128xf32, #tpu.memory_space<vmem_shared>>
        tpu.wait_indirect_dma semaphore(%run_scoped3A : memref<!tpu.dma_semaphore, #tpu.memory_space<semaphore_mem>>) src(%arg8 : memref<128x128xf32, #tpu.memory_space<vmem>>) dst(%dma_wait3A_90 : memref<10112x128xf32, #tpu.memory_space<vmem_shared>>)
        tpu.yield
      }) : () -> ()
      %lt3A_80 = arith.constant 39 : i32
      %lt3A_81 = arith.cmpi slt, %scan3A_69, %lt3A_80 : i32
      %convert_element_type3A_82 = arith.extui %lt3A_81 : i1 to i32
      %cond3A_83 = arith.constant 0 : i32
      %cond3A_84 = arith.cmpi ne, %convert_element_type3A_82, %cond3A_83 : i32
      scf.if %cond3A_84 {
        %add3A_85 = arith.constant 384 : i32
        %add3A_86 = arith.addi %add3A_72, %add3A_85 : i32
        %dma_start3A_87 = tpu.memref_slice %arg2[%add3A_86] : memref<983040xi32, #tpu.memory_space<hbm>> -> memref<128xi32, #tpu.memory_space<hbm>>
        %dma_start3A_88 = tpu.memref_slice %arg2[%add3A_86] : memref<983040xi32, #tpu.memory_space<hbm>> -> memref<128xi32, #tpu.memory_space<hbm>>
        tpu.enqueue_dma source(%dma_start3A_88 : memref<128xi32, #tpu.memory_space<hbm>>) target(%arg7 : memref<128xi32, #tpu.memory_space<vmem>>) target_semaphore(%arg11 : memref<!tpu.dma_semaphore, #tpu.memory_space<semaphore_mem>>)
      } else {
      }
    }
    %scan3A_62 = arith.constant 40 : i32
    %barrier3A_63 = arith.constant 0 : index
    tpu.barrier barrier_id(%barrier3A_63)
    %mul3A_64 = arith.constant 30336 : i32
    %mul3A_65 = arith.muli %arg0, %mul3A_64 : i32
    %add3A_66 = arith.constant 20224 : i32
    %add3A_67 = arith.addi %mul3A_65, %add3A_66 : i32
    %add3A_68 = arith.addi %add3A_67, %mul3A_2 : i32
    "tpu.region"() ({
      %run_scoped3A = tpu.sem_alloc : memref<!tpu.dma_semaphore, #tpu.memory_space<semaphore_mem>>
      %dma_start3A_69 = arith.constant 0 : i32
      %dma_start3A_70 = tpu.memref_slice %arg5[%add3A_68, %dma_start3A_69] : memref<60672x128xf32, #tpu.memory_space<hbm>> -> memref<632x128xf32, #tpu.memory_space<hbm>>
      %dma_start3A_71 = arith.constant 0 : i32
      %dma_start3A_72 = tpu.memref_slice %arg9[%mul3A_2, %dma_start3A_71] : memref<10112x128xf32, #tpu.memory_space<vmem_shared>> -> memref<632x128xf32, #tpu.memory_space<vmem_shared>>
      tpu.enqueue_dma source(%dma_start3A_72 : memref<632x128xf32, #tpu.memory_space<vmem_shared>>) target(%dma_start3A_70 : memref<632x128xf32, #tpu.memory_space<hbm>>) target_semaphore(%run_scoped3A : memref<!tpu.dma_semaphore, #tpu.memory_space<semaphore_mem>>)
      %dma_wait3A = arith.constant 0 : i32
      %dma_wait3A_73 = tpu.memref_slice %arg5[%add3A_68, %dma_wait3A] : memref<60672x128xf32, #tpu.memory_space<hbm>> -> memref<632x128xf32, #tpu.memory_space<hbm>>
      %dma_wait3A_74 = arith.constant 0 : i32
      %dma_wait3A_75 = tpu.memref_slice %arg9[%mul3A_2, %dma_wait3A_74] : memref<10112x128xf32, #tpu.memory_space<vmem_shared>> -> memref<632x128xf32, #tpu.memory_space<vmem_shared>>
      tpu.wait_dma2 semaphore(%run_scoped3A : memref<!tpu.dma_semaphore, #tpu.memory_space<semaphore_mem>>) src(%dma_wait3A_75 : memref<632x128xf32, #tpu.memory_space<vmem_shared>>) dst(%dma_wait3A_73 : memref<632x128xf32, #tpu.memory_space<hbm>>)
      tpu.yield
    }) : () -> ()
    return
  }
}

#map = affine_map<(d0, d1) -> (0, 0)>
#map1 = affine_map<(d0, d1) -> (0)>
module attributes {stable_mosaic.version = 14 : i64} {
  func.func @_prop_kernel(%arg0: i32, %arg1: i32, %arg2: memref<30336x128xf32, #tpu.memory_space<hbm>>, %arg3: memref<983040xi32, #tpu.memory_space<hbm>>, %arg4: memref<983040xi32, #tpu.memory_space<hbm>>, %arg5: memref<632x128xf32, #tpu.memory_space<hbm>>, %arg6: memref<60672x128xf32, #tpu.memory_space<hbm>>, %arg7: memref<10240xi32, #tpu.memory_space<vmem>>, %arg8: memref<64xi32, #tpu.memory_space<vmem>>, %arg9: memref<64xi32, #tpu.memory_space<vmem>>, %arg10: memref<64xi32, #tpu.memory_space<vmem>>, %arg11: memref<64xi32, #tpu.memory_space<vmem>>, %arg12: memref<64x128xf32, #tpu.memory_space<vmem>>, %arg13: memref<64x128xf32, #tpu.memory_space<vmem>>, %arg14: memref<64x128xf32, #tpu.memory_space<vmem>>, %arg15: memref<64x128xf32, #tpu.memory_space<vmem>>, %arg16: memref<!tpu.dma_semaphore, #tpu.memory_space<semaphore_mem>>, %arg17: memref<!tpu.dma_semaphore, #tpu.memory_space<semaphore_mem>>, %arg18: memref<!tpu.dma_semaphore, #tpu.memory_space<semaphore_mem>>, %arg19: memref<!tpu.dma_semaphore, #tpu.memory_space<semaphore_mem>>, %arg20: memref<!tpu.dma_semaphore, #tpu.memory_space<semaphore_mem>>, %arg21: memref<!tpu.dma_semaphore, #tpu.memory_space<semaphore_mem>>, %arg22: memref<!tpu.dma_semaphore, #tpu.memory_space<semaphore_mem>>, %arg23: memref<!tpu.dma_semaphore, #tpu.memory_space<semaphore_mem>>, %arg24: memref<10112x128xf32, #tpu.memory_space<vmem_shared>>) attributes {dimension_semantics = [#tpu.dimension_semantics<core_parallel>, #tpu.dimension_semantics<subcore_parallel>], iteration_bounds = array<i64: 2, 16>, scalar_prefetch = 0 : i64, scratch_operands = 18 : i64, tpu.core_type = #tpu.core_type<sc_vector_subcore>, window_params = [{transform_indices = #map}, {transform_indices = #map1}, {transform_indices = #map1}, {transform_indices = #map}, {transform_indices = #map}]} {
    %mul3A = arith.constant 2 : i32
    %mul3A_0 = arith.muli %arg1, %mul3A : i32
    %add3A = arith.addi %mul3A_0, %arg0 : i32
    %mul3A_1 = arith.constant 632 : i32
    %mul3A_2 = arith.muli %arg1, %mul3A_1 : i32
    %add3A_3 = arith.constant 0 : i32
    %add3A_4 = arith.addi %add3A_3, %add3A : i32
    %mul3A_5 = arith.constant 10240 : i32
    %mul3A_6 = arith.muli %add3A_4, %mul3A_5 : i32
    %dma_start3A = tpu.memref_slice %arg3[%mul3A_6] : memref<983040xi32, #tpu.memory_space<hbm>> -> memref<10240xi32, #tpu.memory_space<hbm>>
    %dma_start3A_7 = tpu.memref_slice %arg3[%mul3A_6] : memref<983040xi32, #tpu.memory_space<hbm>> -> memref<10240xi32, #tpu.memory_space<hbm>>
    tpu.enqueue_dma source(%dma_start3A_7 : memref<10240xi32, #tpu.memory_space<hbm>>) target(%arg7 : memref<10240xi32, #tpu.memory_space<vmem>>) target_semaphore(%arg16 : memref<!tpu.dma_semaphore, #tpu.memory_space<semaphore_mem>>)
    "tpu.region"() ({
      %run_scoped3A = tpu.sem_alloc : memref<!tpu.dma_semaphore, #tpu.memory_space<semaphore_mem>>
      %dma_start3A_170 = arith.constant 0 : i32
      %dma_start3A_171 = tpu.memref_slice %arg24[%mul3A_2, %dma_start3A_170] : memref<10112x128xf32, #tpu.memory_space<vmem_shared>> -> memref<632x128xf32, #tpu.memory_space<vmem_shared>>
      tpu.enqueue_dma source(%arg5 : memref<632x128xf32, #tpu.memory_space<hbm>>) target(%dma_start3A_171 : memref<632x128xf32, #tpu.memory_space<vmem_shared>>) target_semaphore(%run_scoped3A : memref<!tpu.dma_semaphore, #tpu.memory_space<semaphore_mem>>)
      %dma_wait3A_172 = arith.constant 0 : i32
      %dma_wait3A_173 = tpu.memref_slice %arg24[%mul3A_2, %dma_wait3A_172] : memref<10112x128xf32, #tpu.memory_space<vmem_shared>> -> memref<632x128xf32, #tpu.memory_space<vmem_shared>>
      tpu.wait_dma2 semaphore(%run_scoped3A : memref<!tpu.dma_semaphore, #tpu.memory_space<semaphore_mem>>) src(%arg5 : memref<632x128xf32, #tpu.memory_space<hbm>>) dst(%dma_wait3A_173 : memref<632x128xf32, #tpu.memory_space<vmem_shared>>)
      tpu.yield
    }) : () -> ()
    %dma_wait3A = tpu.memref_slice %arg3[%mul3A_6] : memref<983040xi32, #tpu.memory_space<hbm>> -> memref<10240xi32, #tpu.memory_space<hbm>>
    %dma_wait3A_8 = tpu.memref_slice %arg3[%mul3A_6] : memref<983040xi32, #tpu.memory_space<hbm>> -> memref<10240xi32, #tpu.memory_space<hbm>>
    tpu.wait_dma2 semaphore(%arg16 : memref<!tpu.dma_semaphore, #tpu.memory_space<semaphore_mem>>) src(%dma_wait3A_8 : memref<10240xi32, #tpu.memory_space<hbm>>) dst(%arg7 : memref<10240xi32, #tpu.memory_space<vmem>>)
    %barrier3A = arith.constant 0 : index
    tpu.barrier barrier_id(%barrier3A)
    %dma_start3A_9 = arith.constant 0 : i32
    %dma_start3A_10 = tpu.memref_slice %arg7[%dma_start3A_9] : memref<10240xi32, #tpu.memory_space<vmem>> -> memref<64xi32, #tpu.memory_space<vmem>>
    %dma_start3A_11 = arith.constant 0 : i32
    %dma_start3A_12 = arith.constant 0 : i32
    %dma_start3A_13 = tpu.memref_slice %arg2[%dma_start3A_11, %dma_start3A_12] : memref<30336x128xf32, #tpu.memory_space<hbm>> -> memref<30336x128xf32, #tpu.memory_space<hbm>>
    tpu.enqueue_indirect_dma source(%dma_start3A_13 : memref<30336x128xf32, #tpu.memory_space<hbm>>) target(%arg12 : memref<64x128xf32, #tpu.memory_space<vmem>>) offsets(%dma_start3A_10 : memref<64xi32, #tpu.memory_space<vmem>>) semaphore(%arg16 : memref<!tpu.dma_semaphore, #tpu.memory_space<semaphore_mem>>)
    %add3A_14 = arith.constant 0 : i32
    %add3A_15 = arith.addi %mul3A_6, %add3A_14 : i32
    %dma_start3A_16 = tpu.memref_slice %arg4[%add3A_15] : memref<983040xi32, #tpu.memory_space<hbm>> -> memref<64xi32, #tpu.memory_space<hbm>>
    %dma_start3A_17 = tpu.memref_slice %arg4[%add3A_15] : memref<983040xi32, #tpu.memory_space<hbm>> -> memref<64xi32, #tpu.memory_space<hbm>>
    tpu.enqueue_dma source(%dma_start3A_17 : memref<64xi32, #tpu.memory_space<hbm>>) target(%arg8 : memref<64xi32, #tpu.memory_space<vmem>>) target_semaphore(%arg20 : memref<!tpu.dma_semaphore, #tpu.memory_space<semaphore_mem>>)
    %dma_start3A_18 = arith.constant 64 : i32
    %dma_start3A_19 = tpu.memref_slice %arg7[%dma_start3A_18] : memref<10240xi32, #tpu.memory_space<vmem>> -> memref<64xi32, #tpu.memory_space<vmem>>
    %dma_start3A_20 = arith.constant 0 : i32
    %dma_start3A_21 = arith.constant 0 : i32
    %dma_start3A_22 = tpu.memref_slice %arg2[%dma_start3A_20, %dma_start3A_21] : memref<30336x128xf32, #tpu.memory_space<hbm>> -> memref<30336x128xf32, #tpu.memory_space<hbm>>
    tpu.enqueue_indirect_dma source(%dma_start3A_22 : memref<30336x128xf32, #tpu.memory_space<hbm>>) target(%arg13 : memref<64x128xf32, #tpu.memory_space<vmem>>) offsets(%dma_start3A_19 : memref<64xi32, #tpu.memory_space<vmem>>) semaphore(%arg17 : memref<!tpu.dma_semaphore, #tpu.memory_space<semaphore_mem>>)
    %add3A_23 = arith.constant 64 : i32
    %add3A_24 = arith.addi %mul3A_6, %add3A_23 : i32
    %dma_start3A_25 = tpu.memref_slice %arg4[%add3A_24] : memref<983040xi32, #tpu.memory_space<hbm>> -> memref<64xi32, #tpu.memory_space<hbm>>
    %dma_start3A_26 = tpu.memref_slice %arg4[%add3A_24] : memref<983040xi32, #tpu.memory_space<hbm>> -> memref<64xi32, #tpu.memory_space<hbm>>
    tpu.enqueue_dma source(%dma_start3A_26 : memref<64xi32, #tpu.memory_space<hbm>>) target(%arg9 : memref<64xi32, #tpu.memory_space<vmem>>) target_semaphore(%arg21 : memref<!tpu.dma_semaphore, #tpu.memory_space<semaphore_mem>>)
    %dma_start3A_27 = arith.constant 128 : i32
    %dma_start3A_28 = tpu.memref_slice %arg7[%dma_start3A_27] : memref<10240xi32, #tpu.memory_space<vmem>> -> memref<64xi32, #tpu.memory_space<vmem>>
    %dma_start3A_29 = arith.constant 0 : i32
    %dma_start3A_30 = arith.constant 0 : i32
    %dma_start3A_31 = tpu.memref_slice %arg2[%dma_start3A_29, %dma_start3A_30] : memref<30336x128xf32, #tpu.memory_space<hbm>> -> memref<30336x128xf32, #tpu.memory_space<hbm>>
    tpu.enqueue_indirect_dma source(%dma_start3A_31 : memref<30336x128xf32, #tpu.memory_space<hbm>>) target(%arg14 : memref<64x128xf32, #tpu.memory_space<vmem>>) offsets(%dma_start3A_28 : memref<64xi32, #tpu.memory_space<vmem>>) semaphore(%arg18 : memref<!tpu.dma_semaphore, #tpu.memory_space<semaphore_mem>>)
    %add3A_32 = arith.constant 128 : i32
    %add3A_33 = arith.addi %mul3A_6, %add3A_32 : i32
    %dma_start3A_34 = tpu.memref_slice %arg4[%add3A_33] : memref<983040xi32, #tpu.memory_space<hbm>> -> memref<64xi32, #tpu.memory_space<hbm>>
    %dma_start3A_35 = tpu.memref_slice %arg4[%add3A_33] : memref<983040xi32, #tpu.memory_space<hbm>> -> memref<64xi32, #tpu.memory_space<hbm>>
    tpu.enqueue_dma source(%dma_start3A_35 : memref<64xi32, #tpu.memory_space<hbm>>) target(%arg10 : memref<64xi32, #tpu.memory_space<vmem>>) target_semaphore(%arg22 : memref<!tpu.dma_semaphore, #tpu.memory_space<semaphore_mem>>)
    %dma_start3A_36 = arith.constant 192 : i32
    %dma_start3A_37 = tpu.memref_slice %arg7[%dma_start3A_36] : memref<10240xi32, #tpu.memory_space<vmem>> -> memref<64xi32, #tpu.memory_space<vmem>>
    %dma_start3A_38 = arith.constant 0 : i32
    %dma_start3A_39 = arith.constant 0 : i32
    %dma_start3A_40 = tpu.memref_slice %arg2[%dma_start3A_38, %dma_start3A_39] : memref<30336x128xf32, #tpu.memory_space<hbm>> -> memref<30336x128xf32, #tpu.memory_space<hbm>>
    tpu.enqueue_indirect_dma source(%dma_start3A_40 : memref<30336x128xf32, #tpu.memory_space<hbm>>) target(%arg15 : memref<64x128xf32, #tpu.memory_space<vmem>>) offsets(%dma_start3A_37 : memref<64xi32, #tpu.memory_space<vmem>>) semaphore(%arg19 : memref<!tpu.dma_semaphore, #tpu.memory_space<semaphore_mem>>)
    %add3A_41 = arith.constant 192 : i32
    %add3A_42 = arith.addi %mul3A_6, %add3A_41 : i32
    %dma_start3A_43 = tpu.memref_slice %arg4[%add3A_42] : memref<983040xi32, #tpu.memory_space<hbm>> -> memref<64xi32, #tpu.memory_space<hbm>>
    %dma_start3A_44 = tpu.memref_slice %arg4[%add3A_42] : memref<983040xi32, #tpu.memory_space<hbm>> -> memref<64xi32, #tpu.memory_space<hbm>>
    tpu.enqueue_dma source(%dma_start3A_44 : memref<64xi32, #tpu.memory_space<hbm>>) target(%arg11 : memref<64xi32, #tpu.memory_space<vmem>>) target_semaphore(%arg23 : memref<!tpu.dma_semaphore, #tpu.memory_space<semaphore_mem>>)
    %scan3A = arith.constant 0 : i32
    %scan3A_45 = arith.constant 0 : i32
    %scan3A_46 = arith.constant 40 : i32
    %scan3A_47 = arith.addi %scan3A_45, %scan3A_46 : i32
    %scan3A_48 = arith.constant 1 : i32
    scf.for %scan3A_170 = %scan3A_45 to %scan3A_47 step %scan3A_48  : i32 {
      %mul3A_171 = arith.constant 256 : i32
      %mul3A_172 = arith.muli %scan3A_170, %mul3A_171 : i32
      %add3A_173 = arith.constant 0 : i32
      %add3A_174 = arith.addi %mul3A_172, %add3A_173 : i32
      %add3A_175 = arith.addi %mul3A_6, %add3A_174 : i32
      %dma_wait3A_176 = tpu.memref_slice %arg4[%add3A_175] : memref<983040xi32, #tpu.memory_space<hbm>> -> memref<64xi32, #tpu.memory_space<hbm>>
      %dma_wait3A_177 = tpu.memref_slice %arg4[%add3A_175] : memref<983040xi32, #tpu.memory_space<hbm>> -> memref<64xi32, #tpu.memory_space<hbm>>
      tpu.wait_dma2 semaphore(%arg20 : memref<!tpu.dma_semaphore, #tpu.memory_space<semaphore_mem>>) src(%dma_wait3A_177 : memref<64xi32, #tpu.memory_space<hbm>>) dst(%arg8 : memref<64xi32, #tpu.memory_space<vmem>>)
      %dma_wait3A_178 = tpu.memref_slice %arg7[%add3A_174] : memref<10240xi32, #tpu.memory_space<vmem>> -> memref<64xi32, #tpu.memory_space<vmem>>
      %dma_wait3A_179 = arith.constant 0 : i32
      %dma_wait3A_180 = arith.constant 0 : i32
      %dma_wait3A_181 = tpu.memref_slice %arg2[%dma_wait3A_179, %dma_wait3A_180] : memref<30336x128xf32, #tpu.memory_space<hbm>> -> memref<30336x128xf32, #tpu.memory_space<hbm>>
      tpu.wait_indirect_dma semaphore(%arg16 : memref<!tpu.dma_semaphore, #tpu.memory_space<semaphore_mem>>) src(%dma_wait3A_181 : memref<30336x128xf32, #tpu.memory_space<hbm>>) dst(%arg12 : memref<64x128xf32, #tpu.memory_space<vmem>>)
      "tpu.region"() ({
        %run_scoped3A = tpu.sem_alloc : memref<!tpu.dma_semaphore, #tpu.memory_space<semaphore_mem>>
        %dma_start3A_226 = arith.constant 0 : i32
        %dma_start3A_227 = arith.constant 0 : i32
        %dma_start3A_228 = tpu.memref_slice %arg24[%dma_start3A_226, %dma_start3A_227] : memref<10112x128xf32, #tpu.memory_space<vmem_shared>> -> memref<10112x128xf32, #tpu.memory_space<vmem_shared>>
        tpu.enqueue_indirect_dma source(%arg12 : memref<64x128xf32, #tpu.memory_space<vmem>>) target(%dma_start3A_228 : memref<10112x128xf32, #tpu.memory_space<vmem_shared>>) offsets(%arg8 : memref<64xi32, #tpu.memory_space<vmem>>) semaphore(%run_scoped3A : memref<!tpu.dma_semaphore, #tpu.memory_space<semaphore_mem>>) {add = true}
        %dma_wait3A_229 = arith.constant 0 : i32
        %dma_wait3A_230 = arith.constant 0 : i32
        %dma_wait3A_231 = tpu.memref_slice %arg24[%dma_wait3A_229, %dma_wait3A_230] : memref<10112x128xf32, #tpu.memory_space<vmem_shared>> -> memref<10112x128xf32, #tpu.memory_space<vmem_shared>>
        tpu.wait_indirect_dma semaphore(%run_scoped3A : memref<!tpu.dma_semaphore, #tpu.memory_space<semaphore_mem>>) src(%arg12 : memref<64x128xf32, #tpu.memory_space<vmem>>) dst(%dma_wait3A_231 : memref<10112x128xf32, #tpu.memory_space<vmem_shared>>)
        tpu.yield
      }) : () -> ()
      %lt3A = arith.constant 39 : i32
      %lt3A_182 = arith.cmpi slt, %scan3A_170, %lt3A : i32
      %convert_element_type3A = arith.extui %lt3A_182 : i1 to i32
      %cond3A = arith.constant 0 : i32
      %cond3A_183 = arith.cmpi ne, %convert_element_type3A, %cond3A : i32
      scf.if %cond3A_183 {
        %add3A_226 = arith.constant 256 : i32
        %add3A_227 = arith.addi %add3A_174, %add3A_226 : i32
        %dma_start3A_228 = tpu.memref_slice %arg7[%add3A_227] : memref<10240xi32, #tpu.memory_space<vmem>> -> memref<64xi32, #tpu.memory_space<vmem>>
        %dma_start3A_229 = arith.constant 0 : i32
        %dma_start3A_230 = arith.constant 0 : i32
        %dma_start3A_231 = tpu.memref_slice %arg2[%dma_start3A_229, %dma_start3A_230] : memref<30336x128xf32, #tpu.memory_space<hbm>> -> memref<30336x128xf32, #tpu.memory_space<hbm>>
        tpu.enqueue_indirect_dma source(%dma_start3A_231 : memref<30336x128xf32, #tpu.memory_space<hbm>>) target(%arg12 : memref<64x128xf32, #tpu.memory_space<vmem>>) offsets(%dma_start3A_228 : memref<64xi32, #tpu.memory_space<vmem>>) semaphore(%arg16 : memref<!tpu.dma_semaphore, #tpu.memory_space<semaphore_mem>>)
        %add3A_232 = arith.addi %mul3A_6, %add3A_227 : i32
        %dma_start3A_233 = tpu.memref_slice %arg4[%add3A_232] : memref<983040xi32, #tpu.memory_space<hbm>> -> memref<64xi32, #tpu.memory_space<hbm>>
        %dma_start3A_234 = tpu.memref_slice %arg4[%add3A_232] : memref<983040xi32, #tpu.memory_space<hbm>> -> memref<64xi32, #tpu.memory_space<hbm>>
        tpu.enqueue_dma source(%dma_start3A_234 : memref<64xi32, #tpu.memory_space<hbm>>) target(%arg8 : memref<64xi32, #tpu.memory_space<vmem>>) target_semaphore(%arg20 : memref<!tpu.dma_semaphore, #tpu.memory_space<semaphore_mem>>)
      } else {
      }
      %add3A_184 = arith.constant 64 : i32
      %add3A_185 = arith.addi %mul3A_172, %add3A_184 : i32
      %add3A_186 = arith.addi %mul3A_6, %add3A_185 : i32
      %dma_wait3A_187 = tpu.memref_slice %arg4[%add3A_186] : memref<983040xi32, #tpu.memory_space<hbm>> -> memref<64xi32, #tpu.memory_space<hbm>>
      %dma_wait3A_188 = tpu.memref_slice %arg4[%add3A_186] : memref<983040xi32, #tpu.memory_space<hbm>> -> memref<64xi32, #tpu.memory_space<hbm>>
      tpu.wait_dma2 semaphore(%arg21 : memref<!tpu.dma_semaphore, #tpu.memory_space<semaphore_mem>>) src(%dma_wait3A_188 : memref<64xi32, #tpu.memory_space<hbm>>) dst(%arg9 : memref<64xi32, #tpu.memory_space<vmem>>)
      %dma_wait3A_189 = tpu.memref_slice %arg7[%add3A_185] : memref<10240xi32, #tpu.memory_space<vmem>> -> memref<64xi32, #tpu.memory_space<vmem>>
      %dma_wait3A_190 = arith.constant 0 : i32
      %dma_wait3A_191 = arith.constant 0 : i32
      %dma_wait3A_192 = tpu.memref_slice %arg2[%dma_wait3A_190, %dma_wait3A_191] : memref<30336x128xf32, #tpu.memory_space<hbm>> -> memref<30336x128xf32, #tpu.memory_space<hbm>>
      tpu.wait_indirect_dma semaphore(%arg17 : memref<!tpu.dma_semaphore, #tpu.memory_space<semaphore_mem>>) src(%dma_wait3A_192 : memref<30336x128xf32, #tpu.memory_space<hbm>>) dst(%arg13 : memref<64x128xf32, #tpu.memory_space<vmem>>)
      "tpu.region"() ({
        %run_scoped3A = tpu.sem_alloc : memref<!tpu.dma_semaphore, #tpu.memory_space<semaphore_mem>>
        %dma_start3A_226 = arith.constant 0 : i32
        %dma_start3A_227 = arith.constant 0 : i32
        %dma_start3A_228 = tpu.memref_slice %arg24[%dma_start3A_226, %dma_start3A_227] : memref<10112x128xf32, #tpu.memory_space<vmem_shared>> -> memref<10112x128xf32, #tpu.memory_space<vmem_shared>>
        tpu.enqueue_indirect_dma source(%arg13 : memref<64x128xf32, #tpu.memory_space<vmem>>) target(%dma_start3A_228 : memref<10112x128xf32, #tpu.memory_space<vmem_shared>>) offsets(%arg9 : memref<64xi32, #tpu.memory_space<vmem>>) semaphore(%run_scoped3A : memref<!tpu.dma_semaphore, #tpu.memory_space<semaphore_mem>>) {add = true}
        %dma_wait3A_229 = arith.constant 0 : i32
        %dma_wait3A_230 = arith.constant 0 : i32
        %dma_wait3A_231 = tpu.memref_slice %arg24[%dma_wait3A_229, %dma_wait3A_230] : memref<10112x128xf32, #tpu.memory_space<vmem_shared>> -> memref<10112x128xf32, #tpu.memory_space<vmem_shared>>
        tpu.wait_indirect_dma semaphore(%run_scoped3A : memref<!tpu.dma_semaphore, #tpu.memory_space<semaphore_mem>>) src(%arg13 : memref<64x128xf32, #tpu.memory_space<vmem>>) dst(%dma_wait3A_231 : memref<10112x128xf32, #tpu.memory_space<vmem_shared>>)
        tpu.yield
      }) : () -> ()
      %lt3A_193 = arith.constant 39 : i32
      %lt3A_194 = arith.cmpi slt, %scan3A_170, %lt3A_193 : i32
      %convert_element_type3A_195 = arith.extui %lt3A_194 : i1 to i32
      %cond3A_196 = arith.constant 0 : i32
      %cond3A_197 = arith.cmpi ne, %convert_element_type3A_195, %cond3A_196 : i32
      scf.if %cond3A_197 {
        %add3A_226 = arith.constant 256 : i32
        %add3A_227 = arith.addi %add3A_185, %add3A_226 : i32
        %dma_start3A_228 = tpu.memref_slice %arg7[%add3A_227] : memref<10240xi32, #tpu.memory_space<vmem>> -> memref<64xi32, #tpu.memory_space<vmem>>
        %dma_start3A_229 = arith.constant 0 : i32
        %dma_start3A_230 = arith.constant 0 : i32
        %dma_start3A_231 = tpu.memref_slice %arg2[%dma_start3A_229, %dma_start3A_230] : memref<30336x128xf32, #tpu.memory_space<hbm>> -> memref<30336x128xf32, #tpu.memory_space<hbm>>
        tpu.enqueue_indirect_dma source(%dma_start3A_231 : memref<30336x128xf32, #tpu.memory_space<hbm>>) target(%arg13 : memref<64x128xf32, #tpu.memory_space<vmem>>) offsets(%dma_start3A_228 : memref<64xi32, #tpu.memory_space<vmem>>) semaphore(%arg17 : memref<!tpu.dma_semaphore, #tpu.memory_space<semaphore_mem>>)
        %add3A_232 = arith.addi %mul3A_6, %add3A_227 : i32
        %dma_start3A_233 = tpu.memref_slice %arg4[%add3A_232] : memref<983040xi32, #tpu.memory_space<hbm>> -> memref<64xi32, #tpu.memory_space<hbm>>
        %dma_start3A_234 = tpu.memref_slice %arg4[%add3A_232] : memref<983040xi32, #tpu.memory_space<hbm>> -> memref<64xi32, #tpu.memory_space<hbm>>
        tpu.enqueue_dma source(%dma_start3A_234 : memref<64xi32, #tpu.memory_space<hbm>>) target(%arg9 : memref<64xi32, #tpu.memory_space<vmem>>) target_semaphore(%arg21 : memref<!tpu.dma_semaphore, #tpu.memory_space<semaphore_mem>>)
      } else {
      }
      %add3A_198 = arith.constant 128 : i32
      %add3A_199 = arith.addi %mul3A_172, %add3A_198 : i32
      %add3A_200 = arith.addi %mul3A_6, %add3A_199 : i32
      %dma_wait3A_201 = tpu.memref_slice %arg4[%add3A_200] : memref<983040xi32, #tpu.memory_space<hbm>> -> memref<64xi32, #tpu.memory_space<hbm>>
      %dma_wait3A_202 = tpu.memref_slice %arg4[%add3A_200] : memref<983040xi32, #tpu.memory_space<hbm>> -> memref<64xi32, #tpu.memory_space<hbm>>
      tpu.wait_dma2 semaphore(%arg22 : memref<!tpu.dma_semaphore, #tpu.memory_space<semaphore_mem>>) src(%dma_wait3A_202 : memref<64xi32, #tpu.memory_space<hbm>>) dst(%arg10 : memref<64xi32, #tpu.memory_space<vmem>>)
      %dma_wait3A_203 = tpu.memref_slice %arg7[%add3A_199] : memref<10240xi32, #tpu.memory_space<vmem>> -> memref<64xi32, #tpu.memory_space<vmem>>
      %dma_wait3A_204 = arith.constant 0 : i32
      %dma_wait3A_205 = arith.constant 0 : i32
      %dma_wait3A_206 = tpu.memref_slice %arg2[%dma_wait3A_204, %dma_wait3A_205] : memref<30336x128xf32, #tpu.memory_space<hbm>> -> memref<30336x128xf32, #tpu.memory_space<hbm>>
      tpu.wait_indirect_dma semaphore(%arg18 : memref<!tpu.dma_semaphore, #tpu.memory_space<semaphore_mem>>) src(%dma_wait3A_206 : memref<30336x128xf32, #tpu.memory_space<hbm>>) dst(%arg14 : memref<64x128xf32, #tpu.memory_space<vmem>>)
      "tpu.region"() ({
        %run_scoped3A = tpu.sem_alloc : memref<!tpu.dma_semaphore, #tpu.memory_space<semaphore_mem>>
        %dma_start3A_226 = arith.constant 0 : i32
        %dma_start3A_227 = arith.constant 0 : i32
        %dma_start3A_228 = tpu.memref_slice %arg24[%dma_start3A_226, %dma_start3A_227] : memref<10112x128xf32, #tpu.memory_space<vmem_shared>> -> memref<10112x128xf32, #tpu.memory_space<vmem_shared>>
        tpu.enqueue_indirect_dma source(%arg14 : memref<64x128xf32, #tpu.memory_space<vmem>>) target(%dma_start3A_228 : memref<10112x128xf32, #tpu.memory_space<vmem_shared>>) offsets(%arg10 : memref<64xi32, #tpu.memory_space<vmem>>) semaphore(%run_scoped3A : memref<!tpu.dma_semaphore, #tpu.memory_space<semaphore_mem>>) {add = true}
        %dma_wait3A_229 = arith.constant 0 : i32
        %dma_wait3A_230 = arith.constant 0 : i32
        %dma_wait3A_231 = tpu.memref_slice %arg24[%dma_wait3A_229, %dma_wait3A_230] : memref<10112x128xf32, #tpu.memory_space<vmem_shared>> -> memref<10112x128xf32, #tpu.memory_space<vmem_shared>>
        tpu.wait_indirect_dma semaphore(%run_scoped3A : memref<!tpu.dma_semaphore, #tpu.memory_space<semaphore_mem>>) src(%arg14 : memref<64x128xf32, #tpu.memory_space<vmem>>) dst(%dma_wait3A_231 : memref<10112x128xf32, #tpu.memory_space<vmem_shared>>)
        tpu.yield
      }) : () -> ()
      %lt3A_207 = arith.constant 39 : i32
      %lt3A_208 = arith.cmpi slt, %scan3A_170, %lt3A_207 : i32
      %convert_element_type3A_209 = arith.extui %lt3A_208 : i1 to i32
      %cond3A_210 = arith.constant 0 : i32
      %cond3A_211 = arith.cmpi ne, %convert_element_type3A_209, %cond3A_210 : i32
      scf.if %cond3A_211 {
        %add3A_226 = arith.constant 256 : i32
        %add3A_227 = arith.addi %add3A_199, %add3A_226 : i32
        %dma_start3A_228 = tpu.memref_slice %arg7[%add3A_227] : memref<10240xi32, #tpu.memory_space<vmem>> -> memref<64xi32, #tpu.memory_space<vmem>>
        %dma_start3A_229 = arith.constant 0 : i32
        %dma_start3A_230 = arith.constant 0 : i32
        %dma_start3A_231 = tpu.memref_slice %arg2[%dma_start3A_229, %dma_start3A_230] : memref<30336x128xf32, #tpu.memory_space<hbm>> -> memref<30336x128xf32, #tpu.memory_space<hbm>>
        tpu.enqueue_indirect_dma source(%dma_start3A_231 : memref<30336x128xf32, #tpu.memory_space<hbm>>) target(%arg14 : memref<64x128xf32, #tpu.memory_space<vmem>>) offsets(%dma_start3A_228 : memref<64xi32, #tpu.memory_space<vmem>>) semaphore(%arg18 : memref<!tpu.dma_semaphore, #tpu.memory_space<semaphore_mem>>)
        %add3A_232 = arith.addi %mul3A_6, %add3A_227 : i32
        %dma_start3A_233 = tpu.memref_slice %arg4[%add3A_232] : memref<983040xi32, #tpu.memory_space<hbm>> -> memref<64xi32, #tpu.memory_space<hbm>>
        %dma_start3A_234 = tpu.memref_slice %arg4[%add3A_232] : memref<983040xi32, #tpu.memory_space<hbm>> -> memref<64xi32, #tpu.memory_space<hbm>>
        tpu.enqueue_dma source(%dma_start3A_234 : memref<64xi32, #tpu.memory_space<hbm>>) target(%arg10 : memref<64xi32, #tpu.memory_space<vmem>>) target_semaphore(%arg22 : memref<!tpu.dma_semaphore, #tpu.memory_space<semaphore_mem>>)
      } else {
      }
      %add3A_212 = arith.constant 192 : i32
      %add3A_213 = arith.addi %mul3A_172, %add3A_212 : i32
      %add3A_214 = arith.addi %mul3A_6, %add3A_213 : i32
      %dma_wait3A_215 = tpu.memref_slice %arg4[%add3A_214] : memref<983040xi32, #tpu.memory_space<hbm>> -> memref<64xi32, #tpu.memory_space<hbm>>
      %dma_wait3A_216 = tpu.memref_slice %arg4[%add3A_214] : memref<983040xi32, #tpu.memory_space<hbm>> -> memref<64xi32, #tpu.memory_space<hbm>>
      tpu.wait_dma2 semaphore(%arg23 : memref<!tpu.dma_semaphore, #tpu.memory_space<semaphore_mem>>) src(%dma_wait3A_216 : memref<64xi32, #tpu.memory_space<hbm>>) dst(%arg11 : memref<64xi32, #tpu.memory_space<vmem>>)
      %dma_wait3A_217 = tpu.memref_slice %arg7[%add3A_213] : memref<10240xi32, #tpu.memory_space<vmem>> -> memref<64xi32, #tpu.memory_space<vmem>>
      %dma_wait3A_218 = arith.constant 0 : i32
      %dma_wait3A_219 = arith.constant 0 : i32
      %dma_wait3A_220 = tpu.memref_slice %arg2[%dma_wait3A_218, %dma_wait3A_219] : memref<30336x128xf32, #tpu.memory_space<hbm>> -> memref<30336x128xf32, #tpu.memory_space<hbm>>
      tpu.wait_indirect_dma semaphore(%arg19 : memref<!tpu.dma_semaphore, #tpu.memory_space<semaphore_mem>>) src(%dma_wait3A_220 : memref<30336x128xf32, #tpu.memory_space<hbm>>) dst(%arg15 : memref<64x128xf32, #tpu.memory_space<vmem>>)
      "tpu.region"() ({
        %run_scoped3A = tpu.sem_alloc : memref<!tpu.dma_semaphore, #tpu.memory_space<semaphore_mem>>
        %dma_start3A_226 = arith.constant 0 : i32
        %dma_start3A_227 = arith.constant 0 : i32
        %dma_start3A_228 = tpu.memref_slice %arg24[%dma_start3A_226, %dma_start3A_227] : memref<10112x128xf32, #tpu.memory_space<vmem_shared>> -> memref<10112x128xf32, #tpu.memory_space<vmem_shared>>
        tpu.enqueue_indirect_dma source(%arg15 : memref<64x128xf32, #tpu.memory_space<vmem>>) target(%dma_start3A_228 : memref<10112x128xf32, #tpu.memory_space<vmem_shared>>) offsets(%arg11 : memref<64xi32, #tpu.memory_space<vmem>>) semaphore(%run_scoped3A : memref<!tpu.dma_semaphore, #tpu.memory_space<semaphore_mem>>) {add = true}
        %dma_wait3A_229 = arith.constant 0 : i32
        %dma_wait3A_230 = arith.constant 0 : i32
        %dma_wait3A_231 = tpu.memref_slice %arg24[%dma_wait3A_229, %dma_wait3A_230] : memref<10112x128xf32, #tpu.memory_space<vmem_shared>> -> memref<10112x128xf32, #tpu.memory_space<vmem_shared>>
        tpu.wait_indirect_dma semaphore(%run_scoped3A : memref<!tpu.dma_semaphore, #tpu.memory_space<semaphore_mem>>) src(%arg15 : memref<64x128xf32, #tpu.memory_space<vmem>>) dst(%dma_wait3A_231 : memref<10112x128xf32, #tpu.memory_space<vmem_shared>>)
        tpu.yield
      }) : () -> ()
      %lt3A_221 = arith.constant 39 : i32
      %lt3A_222 = arith.cmpi slt, %scan3A_170, %lt3A_221 : i32
      %convert_element_type3A_223 = arith.extui %lt3A_222 : i1 to i32
      %cond3A_224 = arith.constant 0 : i32
      %cond3A_225 = arith.cmpi ne, %convert_element_type3A_223, %cond3A_224 : i32
      scf.if %cond3A_225 {
        %add3A_226 = arith.constant 256 : i32
        %add3A_227 = arith.addi %add3A_213, %add3A_226 : i32
        %dma_start3A_228 = tpu.memref_slice %arg7[%add3A_227] : memref<10240xi32, #tpu.memory_space<vmem>> -> memref<64xi32, #tpu.memory_space<vmem>>
        %dma_start3A_229 = arith.constant 0 : i32
        %dma_start3A_230 = arith.constant 0 : i32
        %dma_start3A_231 = tpu.memref_slice %arg2[%dma_start3A_229, %dma_start3A_230] : memref<30336x128xf32, #tpu.memory_space<hbm>> -> memref<30336x128xf32, #tpu.memory_space<hbm>>
        tpu.enqueue_indirect_dma source(%dma_start3A_231 : memref<30336x128xf32, #tpu.memory_space<hbm>>) target(%arg15 : memref<64x128xf32, #tpu.memory_space<vmem>>) offsets(%dma_start3A_228 : memref<64xi32, #tpu.memory_space<vmem>>) semaphore(%arg19 : memref<!tpu.dma_semaphore, #tpu.memory_space<semaphore_mem>>)
        %add3A_232 = arith.addi %mul3A_6, %add3A_227 : i32
        %dma_start3A_233 = tpu.memref_slice %arg4[%add3A_232] : memref<983040xi32, #tpu.memory_space<hbm>> -> memref<64xi32, #tpu.memory_space<hbm>>
        %dma_start3A_234 = tpu.memref_slice %arg4[%add3A_232] : memref<983040xi32, #tpu.memory_space<hbm>> -> memref<64xi32, #tpu.memory_space<hbm>>
        tpu.enqueue_dma source(%dma_start3A_234 : memref<64xi32, #tpu.memory_space<hbm>>) target(%arg11 : memref<64xi32, #tpu.memory_space<vmem>>) target_semaphore(%arg23 : memref<!tpu.dma_semaphore, #tpu.memory_space<semaphore_mem>>)
      } else {
      }
    }
    %scan3A_49 = arith.constant 40 : i32
    %barrier3A_50 = arith.constant 0 : index
    tpu.barrier barrier_id(%barrier3A_50)
    %mul3A_51 = arith.constant 30336 : i32
    %mul3A_52 = arith.muli %arg0, %mul3A_51 : i32
    %add3A_53 = arith.constant 0 : i32
    %add3A_54 = arith.addi %mul3A_52, %add3A_53 : i32
    %add3A_55 = arith.addi %add3A_54, %mul3A_2 : i32
    "tpu.region"() ({
      %run_scoped3A = tpu.sem_alloc : memref<!tpu.dma_semaphore, #tpu.memory_space<semaphore_mem>>
      %dma_start3A_170 = arith.constant 0 : i32
      %dma_start3A_171 = tpu.memref_slice %arg6[%add3A_55, %dma_start3A_170] : memref<60672x128xf32, #tpu.memory_space<hbm>> -> memref<632x128xf32, #tpu.memory_space<hbm>>
      %dma_start3A_172 = arith.constant 0 : i32
      %dma_start3A_173 = tpu.memref_slice %arg24[%mul3A_2, %dma_start3A_172] : memref<10112x128xf32, #tpu.memory_space<vmem_shared>> -> memref<632x128xf32, #tpu.memory_space<vmem_shared>>
      tpu.enqueue_dma source(%dma_start3A_173 : memref<632x128xf32, #tpu.memory_space<vmem_shared>>) target(%dma_start3A_171 : memref<632x128xf32, #tpu.memory_space<hbm>>) target_semaphore(%run_scoped3A : memref<!tpu.dma_semaphore, #tpu.memory_space<semaphore_mem>>)
      %dma_wait3A_174 = arith.constant 0 : i32
      %dma_wait3A_175 = tpu.memref_slice %arg6[%add3A_55, %dma_wait3A_174] : memref<60672x128xf32, #tpu.memory_space<hbm>> -> memref<632x128xf32, #tpu.memory_space<hbm>>
      %dma_wait3A_176 = arith.constant 0 : i32
      %dma_wait3A_177 = tpu.memref_slice %arg24[%mul3A_2, %dma_wait3A_176] : memref<10112x128xf32, #tpu.memory_space<vmem_shared>> -> memref<632x128xf32, #tpu.memory_space<vmem_shared>>
      tpu.wait_dma2 semaphore(%run_scoped3A : memref<!tpu.dma_semaphore, #tpu.memory_space<semaphore_mem>>) src(%dma_wait3A_177 : memref<632x128xf32, #tpu.memory_space<vmem_shared>>) dst(%dma_wait3A_175 : memref<632x128xf32, #tpu.memory_space<hbm>>)
      tpu.yield
    }) : () -> ()
    %add3A_56 = arith.constant 32 : i32
    %add3A_57 = arith.addi %add3A_56, %add3A : i32
    %mul3A_58 = arith.constant 10240 : i32
    %mul3A_59 = arith.muli %add3A_57, %mul3A_58 : i32
    %dma_start3A_60 = tpu.memref_slice %arg3[%mul3A_59] : memref<983040xi32, #tpu.memory_space<hbm>> -> memref<10240xi32, #tpu.memory_space<hbm>>
    %dma_start3A_61 = tpu.memref_slice %arg3[%mul3A_59] : memref<983040xi32, #tpu.memory_space<hbm>> -> memref<10240xi32, #tpu.memory_space<hbm>>
    tpu.enqueue_dma source(%dma_start3A_61 : memref<10240xi32, #tpu.memory_space<hbm>>) target(%arg7 : memref<10240xi32, #tpu.memory_space<vmem>>) target_semaphore(%arg16 : memref<!tpu.dma_semaphore, #tpu.memory_space<semaphore_mem>>)
    "tpu.region"() ({
      %run_scoped3A = tpu.sem_alloc : memref<!tpu.dma_semaphore, #tpu.memory_space<semaphore_mem>>
      %dma_start3A_170 = arith.constant 0 : i32
      %dma_start3A_171 = tpu.memref_slice %arg24[%mul3A_2, %dma_start3A_170] : memref<10112x128xf32, #tpu.memory_space<vmem_shared>> -> memref<632x128xf32, #tpu.memory_space<vmem_shared>>
      tpu.enqueue_dma source(%arg5 : memref<632x128xf32, #tpu.memory_space<hbm>>) target(%dma_start3A_171 : memref<632x128xf32, #tpu.memory_space<vmem_shared>>) target_semaphore(%run_scoped3A : memref<!tpu.dma_semaphore, #tpu.memory_space<semaphore_mem>>)
      %dma_wait3A_172 = arith.constant 0 : i32
      %dma_wait3A_173 = tpu.memref_slice %arg24[%mul3A_2, %dma_wait3A_172] : memref<10112x128xf32, #tpu.memory_space<vmem_shared>> -> memref<632x128xf32, #tpu.memory_space<vmem_shared>>
      tpu.wait_dma2 semaphore(%run_scoped3A : memref<!tpu.dma_semaphore, #tpu.memory_space<semaphore_mem>>) src(%arg5 : memref<632x128xf32, #tpu.memory_space<hbm>>) dst(%dma_wait3A_173 : memref<632x128xf32, #tpu.memory_space<vmem_shared>>)
      tpu.yield
    }) : () -> ()
    %dma_wait3A_62 = tpu.memref_slice %arg3[%mul3A_59] : memref<983040xi32, #tpu.memory_space<hbm>> -> memref<10240xi32, #tpu.memory_space<hbm>>
    %dma_wait3A_63 = tpu.memref_slice %arg3[%mul3A_59] : memref<983040xi32, #tpu.memory_space<hbm>> -> memref<10240xi32, #tpu.memory_space<hbm>>
    tpu.wait_dma2 semaphore(%arg16 : memref<!tpu.dma_semaphore, #tpu.memory_space<semaphore_mem>>) src(%dma_wait3A_63 : memref<10240xi32, #tpu.memory_space<hbm>>) dst(%arg7 : memref<10240xi32, #tpu.memory_space<vmem>>)
    %barrier3A_64 = arith.constant 0 : index
    tpu.barrier barrier_id(%barrier3A_64)
    %dma_start3A_65 = arith.constant 0 : i32
    %dma_start3A_66 = tpu.memref_slice %arg7[%dma_start3A_65] : memref<10240xi32, #tpu.memory_space<vmem>> -> memref<64xi32, #tpu.memory_space<vmem>>
    %dma_start3A_67 = arith.constant 0 : i32
    %dma_start3A_68 = arith.constant 0 : i32
    %dma_start3A_69 = tpu.memref_slice %arg2[%dma_start3A_67, %dma_start3A_68] : memref<30336x128xf32, #tpu.memory_space<hbm>> -> memref<30336x128xf32, #tpu.memory_space<hbm>>
    tpu.enqueue_indirect_dma source(%dma_start3A_69 : memref<30336x128xf32, #tpu.memory_space<hbm>>) target(%arg12 : memref<64x128xf32, #tpu.memory_space<vmem>>) offsets(%dma_start3A_66 : memref<64xi32, #tpu.memory_space<vmem>>) semaphore(%arg16 : memref<!tpu.dma_semaphore, #tpu.memory_space<semaphore_mem>>)
    %add3A_70 = arith.constant 0 : i32
    %add3A_71 = arith.addi %mul3A_59, %add3A_70 : i32
    %dma_start3A_72 = tpu.memref_slice %arg4[%add3A_71] : memref<983040xi32, #tpu.memory_space<hbm>> -> memref<64xi32, #tpu.memory_space<hbm>>
    %dma_start3A_73 = tpu.memref_slice %arg4[%add3A_71] : memref<983040xi32, #tpu.memory_space<hbm>> -> memref<64xi32, #tpu.memory_space<hbm>>
    tpu.enqueue_dma source(%dma_start3A_73 : memref<64xi32, #tpu.memory_space<hbm>>) target(%arg8 : memref<64xi32, #tpu.memory_space<vmem>>) target_semaphore(%arg20 : memref<!tpu.dma_semaphore, #tpu.memory_space<semaphore_mem>>)
    %dma_start3A_74 = arith.constant 64 : i32
    %dma_start3A_75 = tpu.memref_slice %arg7[%dma_start3A_74] : memref<10240xi32, #tpu.memory_space<vmem>> -> memref<64xi32, #tpu.memory_space<vmem>>
    %dma_start3A_76 = arith.constant 0 : i32
    %dma_start3A_77 = arith.constant 0 : i32
    %dma_start3A_78 = tpu.memref_slice %arg2[%dma_start3A_76, %dma_start3A_77] : memref<30336x128xf32, #tpu.memory_space<hbm>> -> memref<30336x128xf32, #tpu.memory_space<hbm>>
    tpu.enqueue_indirect_dma source(%dma_start3A_78 : memref<30336x128xf32, #tpu.memory_space<hbm>>) target(%arg13 : memref<64x128xf32, #tpu.memory_space<vmem>>) offsets(%dma_start3A_75 : memref<64xi32, #tpu.memory_space<vmem>>) semaphore(%arg17 : memref<!tpu.dma_semaphore, #tpu.memory_space<semaphore_mem>>)
    %add3A_79 = arith.constant 64 : i32
    %add3A_80 = arith.addi %mul3A_59, %add3A_79 : i32
    %dma_start3A_81 = tpu.memref_slice %arg4[%add3A_80] : memref<983040xi32, #tpu.memory_space<hbm>> -> memref<64xi32, #tpu.memory_space<hbm>>
    %dma_start3A_82 = tpu.memref_slice %arg4[%add3A_80] : memref<983040xi32, #tpu.memory_space<hbm>> -> memref<64xi32, #tpu.memory_space<hbm>>
    tpu.enqueue_dma source(%dma_start3A_82 : memref<64xi32, #tpu.memory_space<hbm>>) target(%arg9 : memref<64xi32, #tpu.memory_space<vmem>>) target_semaphore(%arg21 : memref<!tpu.dma_semaphore, #tpu.memory_space<semaphore_mem>>)
    %dma_start3A_83 = arith.constant 128 : i32
    %dma_start3A_84 = tpu.memref_slice %arg7[%dma_start3A_83] : memref<10240xi32, #tpu.memory_space<vmem>> -> memref<64xi32, #tpu.memory_space<vmem>>
    %dma_start3A_85 = arith.constant 0 : i32
    %dma_start3A_86 = arith.constant 0 : i32
    %dma_start3A_87 = tpu.memref_slice %arg2[%dma_start3A_85, %dma_start3A_86] : memref<30336x128xf32, #tpu.memory_space<hbm>> -> memref<30336x128xf32, #tpu.memory_space<hbm>>
    tpu.enqueue_indirect_dma source(%dma_start3A_87 : memref<30336x128xf32, #tpu.memory_space<hbm>>) target(%arg14 : memref<64x128xf32, #tpu.memory_space<vmem>>) offsets(%dma_start3A_84 : memref<64xi32, #tpu.memory_space<vmem>>) semaphore(%arg18 : memref<!tpu.dma_semaphore, #tpu.memory_space<semaphore_mem>>)
    %add3A_88 = arith.constant 128 : i32
    %add3A_89 = arith.addi %mul3A_59, %add3A_88 : i32
    %dma_start3A_90 = tpu.memref_slice %arg4[%add3A_89] : memref<983040xi32, #tpu.memory_space<hbm>> -> memref<64xi32, #tpu.memory_space<hbm>>
    %dma_start3A_91 = tpu.memref_slice %arg4[%add3A_89] : memref<983040xi32, #tpu.memory_space<hbm>> -> memref<64xi32, #tpu.memory_space<hbm>>
    tpu.enqueue_dma source(%dma_start3A_91 : memref<64xi32, #tpu.memory_space<hbm>>) target(%arg10 : memref<64xi32, #tpu.memory_space<vmem>>) target_semaphore(%arg22 : memref<!tpu.dma_semaphore, #tpu.memory_space<semaphore_mem>>)
    %dma_start3A_92 = arith.constant 192 : i32
    %dma_start3A_93 = tpu.memref_slice %arg7[%dma_start3A_92] : memref<10240xi32, #tpu.memory_space<vmem>> -> memref<64xi32, #tpu.memory_space<vmem>>
    %dma_start3A_94 = arith.constant 0 : i32
    %dma_start3A_95 = arith.constant 0 : i32
    %dma_start3A_96 = tpu.memref_slice %arg2[%dma_start3A_94, %dma_start3A_95] : memref<30336x128xf32, #tpu.memory_space<hbm>> -> memref<30336x128xf32, #tpu.memory_space<hbm>>
    tpu.enqueue_indirect_dma source(%dma_start3A_96 : memref<30336x128xf32, #tpu.memory_space<hbm>>) target(%arg15 : memref<64x128xf32, #tpu.memory_space<vmem>>) offsets(%dma_start3A_93 : memref<64xi32, #tpu.memory_space<vmem>>) semaphore(%arg19 : memref<!tpu.dma_semaphore, #tpu.memory_space<semaphore_mem>>)
    %add3A_97 = arith.constant 192 : i32
    %add3A_98 = arith.addi %mul3A_59, %add3A_97 : i32
    %dma_start3A_99 = tpu.memref_slice %arg4[%add3A_98] : memref<983040xi32, #tpu.memory_space<hbm>> -> memref<64xi32, #tpu.memory_space<hbm>>
    %dma_start3A_100 = tpu.memref_slice %arg4[%add3A_98] : memref<983040xi32, #tpu.memory_space<hbm>> -> memref<64xi32, #tpu.memory_space<hbm>>
    tpu.enqueue_dma source(%dma_start3A_100 : memref<64xi32, #tpu.memory_space<hbm>>) target(%arg11 : memref<64xi32, #tpu.memory_space<vmem>>) target_semaphore(%arg23 : memref<!tpu.dma_semaphore, #tpu.memory_space<semaphore_mem>>)
    %scan3A_101 = arith.constant 0 : i32
    %scan3A_102 = arith.constant 0 : i32
    %scan3A_103 = arith.constant 40 : i32
    %scan3A_104 = arith.addi %scan3A_102, %scan3A_103 : i32
    %scan3A_105 = arith.constant 1 : i32
    scf.for %scan3A_170 = %scan3A_102 to %scan3A_104 step %scan3A_105  : i32 {
      %mul3A_171 = arith.constant 256 : i32
      %mul3A_172 = arith.muli %scan3A_170, %mul3A_171 : i32
      %add3A_173 = arith.constant 0 : i32
      %add3A_174 = arith.addi %mul3A_172, %add3A_173 : i32
      %add3A_175 = arith.addi %mul3A_59, %add3A_174 : i32
      %dma_wait3A_176 = tpu.memref_slice %arg4[%add3A_175] : memref<983040xi32, #tpu.memory_space<hbm>> -> memref<64xi32, #tpu.memory_space<hbm>>
      %dma_wait3A_177 = tpu.memref_slice %arg4[%add3A_175] : memref<983040xi32, #tpu.memory_space<hbm>> -> memref<64xi32, #tpu.memory_space<hbm>>
      tpu.wait_dma2 semaphore(%arg20 : memref<!tpu.dma_semaphore, #tpu.memory_space<semaphore_mem>>) src(%dma_wait3A_177 : memref<64xi32, #tpu.memory_space<hbm>>) dst(%arg8 : memref<64xi32, #tpu.memory_space<vmem>>)
      %dma_wait3A_178 = tpu.memref_slice %arg7[%add3A_174] : memref<10240xi32, #tpu.memory_space<vmem>> -> memref<64xi32, #tpu.memory_space<vmem>>
      %dma_wait3A_179 = arith.constant 0 : i32
      %dma_wait3A_180 = arith.constant 0 : i32
      %dma_wait3A_181 = tpu.memref_slice %arg2[%dma_wait3A_179, %dma_wait3A_180] : memref<30336x128xf32, #tpu.memory_space<hbm>> -> memref<30336x128xf32, #tpu.memory_space<hbm>>
      tpu.wait_indirect_dma semaphore(%arg16 : memref<!tpu.dma_semaphore, #tpu.memory_space<semaphore_mem>>) src(%dma_wait3A_181 : memref<30336x128xf32, #tpu.memory_space<hbm>>) dst(%arg12 : memref<64x128xf32, #tpu.memory_space<vmem>>)
      "tpu.region"() ({
        %run_scoped3A = tpu.sem_alloc : memref<!tpu.dma_semaphore, #tpu.memory_space<semaphore_mem>>
        %dma_start3A_226 = arith.constant 0 : i32
        %dma_start3A_227 = arith.constant 0 : i32
        %dma_start3A_228 = tpu.memref_slice %arg24[%dma_start3A_226, %dma_start3A_227] : memref<10112x128xf32, #tpu.memory_space<vmem_shared>> -> memref<10112x128xf32, #tpu.memory_space<vmem_shared>>
        tpu.enqueue_indirect_dma source(%arg12 : memref<64x128xf32, #tpu.memory_space<vmem>>) target(%dma_start3A_228 : memref<10112x128xf32, #tpu.memory_space<vmem_shared>>) offsets(%arg8 : memref<64xi32, #tpu.memory_space<vmem>>) semaphore(%run_scoped3A : memref<!tpu.dma_semaphore, #tpu.memory_space<semaphore_mem>>) {add = true}
        %dma_wait3A_229 = arith.constant 0 : i32
        %dma_wait3A_230 = arith.constant 0 : i32
        %dma_wait3A_231 = tpu.memref_slice %arg24[%dma_wait3A_229, %dma_wait3A_230] : memref<10112x128xf32, #tpu.memory_space<vmem_shared>> -> memref<10112x128xf32, #tpu.memory_space<vmem_shared>>
        tpu.wait_indirect_dma semaphore(%run_scoped3A : memref<!tpu.dma_semaphore, #tpu.memory_space<semaphore_mem>>) src(%arg12 : memref<64x128xf32, #tpu.memory_space<vmem>>) dst(%dma_wait3A_231 : memref<10112x128xf32, #tpu.memory_space<vmem_shared>>)
        tpu.yield
      }) : () -> ()
      %lt3A = arith.constant 39 : i32
      %lt3A_182 = arith.cmpi slt, %scan3A_170, %lt3A : i32
      %convert_element_type3A = arith.extui %lt3A_182 : i1 to i32
      %cond3A = arith.constant 0 : i32
      %cond3A_183 = arith.cmpi ne, %convert_element_type3A, %cond3A : i32
      scf.if %cond3A_183 {
        %add3A_226 = arith.constant 256 : i32
        %add3A_227 = arith.addi %add3A_174, %add3A_226 : i32
        %dma_start3A_228 = tpu.memref_slice %arg7[%add3A_227] : memref<10240xi32, #tpu.memory_space<vmem>> -> memref<64xi32, #tpu.memory_space<vmem>>
        %dma_start3A_229 = arith.constant 0 : i32
        %dma_start3A_230 = arith.constant 0 : i32
        %dma_start3A_231 = tpu.memref_slice %arg2[%dma_start3A_229, %dma_start3A_230] : memref<30336x128xf32, #tpu.memory_space<hbm>> -> memref<30336x128xf32, #tpu.memory_space<hbm>>
        tpu.enqueue_indirect_dma source(%dma_start3A_231 : memref<30336x128xf32, #tpu.memory_space<hbm>>) target(%arg12 : memref<64x128xf32, #tpu.memory_space<vmem>>) offsets(%dma_start3A_228 : memref<64xi32, #tpu.memory_space<vmem>>) semaphore(%arg16 : memref<!tpu.dma_semaphore, #tpu.memory_space<semaphore_mem>>)
        %add3A_232 = arith.addi %mul3A_59, %add3A_227 : i32
        %dma_start3A_233 = tpu.memref_slice %arg4[%add3A_232] : memref<983040xi32, #tpu.memory_space<hbm>> -> memref<64xi32, #tpu.memory_space<hbm>>
        %dma_start3A_234 = tpu.memref_slice %arg4[%add3A_232] : memref<983040xi32, #tpu.memory_space<hbm>> -> memref<64xi32, #tpu.memory_space<hbm>>
        tpu.enqueue_dma source(%dma_start3A_234 : memref<64xi32, #tpu.memory_space<hbm>>) target(%arg8 : memref<64xi32, #tpu.memory_space<vmem>>) target_semaphore(%arg20 : memref<!tpu.dma_semaphore, #tpu.memory_space<semaphore_mem>>)
      } else {
      }
      %add3A_184 = arith.constant 64 : i32
      %add3A_185 = arith.addi %mul3A_172, %add3A_184 : i32
      %add3A_186 = arith.addi %mul3A_59, %add3A_185 : i32
      %dma_wait3A_187 = tpu.memref_slice %arg4[%add3A_186] : memref<983040xi32, #tpu.memory_space<hbm>> -> memref<64xi32, #tpu.memory_space<hbm>>
      %dma_wait3A_188 = tpu.memref_slice %arg4[%add3A_186] : memref<983040xi32, #tpu.memory_space<hbm>> -> memref<64xi32, #tpu.memory_space<hbm>>
      tpu.wait_dma2 semaphore(%arg21 : memref<!tpu.dma_semaphore, #tpu.memory_space<semaphore_mem>>) src(%dma_wait3A_188 : memref<64xi32, #tpu.memory_space<hbm>>) dst(%arg9 : memref<64xi32, #tpu.memory_space<vmem>>)
      %dma_wait3A_189 = tpu.memref_slice %arg7[%add3A_185] : memref<10240xi32, #tpu.memory_space<vmem>> -> memref<64xi32, #tpu.memory_space<vmem>>
      %dma_wait3A_190 = arith.constant 0 : i32
      %dma_wait3A_191 = arith.constant 0 : i32
      %dma_wait3A_192 = tpu.memref_slice %arg2[%dma_wait3A_190, %dma_wait3A_191] : memref<30336x128xf32, #tpu.memory_space<hbm>> -> memref<30336x128xf32, #tpu.memory_space<hbm>>
      tpu.wait_indirect_dma semaphore(%arg17 : memref<!tpu.dma_semaphore, #tpu.memory_space<semaphore_mem>>) src(%dma_wait3A_192 : memref<30336x128xf32, #tpu.memory_space<hbm>>) dst(%arg13 : memref<64x128xf32, #tpu.memory_space<vmem>>)
      "tpu.region"() ({
        %run_scoped3A = tpu.sem_alloc : memref<!tpu.dma_semaphore, #tpu.memory_space<semaphore_mem>>
        %dma_start3A_226 = arith.constant 0 : i32
        %dma_start3A_227 = arith.constant 0 : i32
        %dma_start3A_228 = tpu.memref_slice %arg24[%dma_start3A_226, %dma_start3A_227] : memref<10112x128xf32, #tpu.memory_space<vmem_shared>> -> memref<10112x128xf32, #tpu.memory_space<vmem_shared>>
        tpu.enqueue_indirect_dma source(%arg13 : memref<64x128xf32, #tpu.memory_space<vmem>>) target(%dma_start3A_228 : memref<10112x128xf32, #tpu.memory_space<vmem_shared>>) offsets(%arg9 : memref<64xi32, #tpu.memory_space<vmem>>) semaphore(%run_scoped3A : memref<!tpu.dma_semaphore, #tpu.memory_space<semaphore_mem>>) {add = true}
        %dma_wait3A_229 = arith.constant 0 : i32
        %dma_wait3A_230 = arith.constant 0 : i32
        %dma_wait3A_231 = tpu.memref_slice %arg24[%dma_wait3A_229, %dma_wait3A_230] : memref<10112x128xf32, #tpu.memory_space<vmem_shared>> -> memref<10112x128xf32, #tpu.memory_space<vmem_shared>>
        tpu.wait_indirect_dma semaphore(%run_scoped3A : memref<!tpu.dma_semaphore, #tpu.memory_space<semaphore_mem>>) src(%arg13 : memref<64x128xf32, #tpu.memory_space<vmem>>) dst(%dma_wait3A_231 : memref<10112x128xf32, #tpu.memory_space<vmem_shared>>)
        tpu.yield
      }) : () -> ()
      %lt3A_193 = arith.constant 39 : i32
      %lt3A_194 = arith.cmpi slt, %scan3A_170, %lt3A_193 : i32
      %convert_element_type3A_195 = arith.extui %lt3A_194 : i1 to i32
      %cond3A_196 = arith.constant 0 : i32
      %cond3A_197 = arith.cmpi ne, %convert_element_type3A_195, %cond3A_196 : i32
      scf.if %cond3A_197 {
        %add3A_226 = arith.constant 256 : i32
        %add3A_227 = arith.addi %add3A_185, %add3A_226 : i32
        %dma_start3A_228 = tpu.memref_slice %arg7[%add3A_227] : memref<10240xi32, #tpu.memory_space<vmem>> -> memref<64xi32, #tpu.memory_space<vmem>>
        %dma_start3A_229 = arith.constant 0 : i32
        %dma_start3A_230 = arith.constant 0 : i32
        %dma_start3A_231 = tpu.memref_slice %arg2[%dma_start3A_229, %dma_start3A_230] : memref<30336x128xf32, #tpu.memory_space<hbm>> -> memref<30336x128xf32, #tpu.memory_space<hbm>>
        tpu.enqueue_indirect_dma source(%dma_start3A_231 : memref<30336x128xf32, #tpu.memory_space<hbm>>) target(%arg13 : memref<64x128xf32, #tpu.memory_space<vmem>>) offsets(%dma_start3A_228 : memref<64xi32, #tpu.memory_space<vmem>>) semaphore(%arg17 : memref<!tpu.dma_semaphore, #tpu.memory_space<semaphore_mem>>)
        %add3A_232 = arith.addi %mul3A_59, %add3A_227 : i32
        %dma_start3A_233 = tpu.memref_slice %arg4[%add3A_232] : memref<983040xi32, #tpu.memory_space<hbm>> -> memref<64xi32, #tpu.memory_space<hbm>>
        %dma_start3A_234 = tpu.memref_slice %arg4[%add3A_232] : memref<983040xi32, #tpu.memory_space<hbm>> -> memref<64xi32, #tpu.memory_space<hbm>>
        tpu.enqueue_dma source(%dma_start3A_234 : memref<64xi32, #tpu.memory_space<hbm>>) target(%arg9 : memref<64xi32, #tpu.memory_space<vmem>>) target_semaphore(%arg21 : memref<!tpu.dma_semaphore, #tpu.memory_space<semaphore_mem>>)
      } else {
      }
      %add3A_198 = arith.constant 128 : i32
      %add3A_199 = arith.addi %mul3A_172, %add3A_198 : i32
      %add3A_200 = arith.addi %mul3A_59, %add3A_199 : i32
      %dma_wait3A_201 = tpu.memref_slice %arg4[%add3A_200] : memref<983040xi32, #tpu.memory_space<hbm>> -> memref<64xi32, #tpu.memory_space<hbm>>
      %dma_wait3A_202 = tpu.memref_slice %arg4[%add3A_200] : memref<983040xi32, #tpu.memory_space<hbm>> -> memref<64xi32, #tpu.memory_space<hbm>>
      tpu.wait_dma2 semaphore(%arg22 : memref<!tpu.dma_semaphore, #tpu.memory_space<semaphore_mem>>) src(%dma_wait3A_202 : memref<64xi32, #tpu.memory_space<hbm>>) dst(%arg10 : memref<64xi32, #tpu.memory_space<vmem>>)
      %dma_wait3A_203 = tpu.memref_slice %arg7[%add3A_199] : memref<10240xi32, #tpu.memory_space<vmem>> -> memref<64xi32, #tpu.memory_space<vmem>>
      %dma_wait3A_204 = arith.constant 0 : i32
      %dma_wait3A_205 = arith.constant 0 : i32
      %dma_wait3A_206 = tpu.memref_slice %arg2[%dma_wait3A_204, %dma_wait3A_205] : memref<30336x128xf32, #tpu.memory_space<hbm>> -> memref<30336x128xf32, #tpu.memory_space<hbm>>
      tpu.wait_indirect_dma semaphore(%arg18 : memref<!tpu.dma_semaphore, #tpu.memory_space<semaphore_mem>>) src(%dma_wait3A_206 : memref<30336x128xf32, #tpu.memory_space<hbm>>) dst(%arg14 : memref<64x128xf32, #tpu.memory_space<vmem>>)
      "tpu.region"() ({
        %run_scoped3A = tpu.sem_alloc : memref<!tpu.dma_semaphore, #tpu.memory_space<semaphore_mem>>
        %dma_start3A_226 = arith.constant 0 : i32
        %dma_start3A_227 = arith.constant 0 : i32
        %dma_start3A_228 = tpu.memref_slice %arg24[%dma_start3A_226, %dma_start3A_227] : memref<10112x128xf32, #tpu.memory_space<vmem_shared>> -> memref<10112x128xf32, #tpu.memory_space<vmem_shared>>
        tpu.enqueue_indirect_dma source(%arg14 : memref<64x128xf32, #tpu.memory_space<vmem>>) target(%dma_start3A_228 : memref<10112x128xf32, #tpu.memory_space<vmem_shared>>) offsets(%arg10 : memref<64xi32, #tpu.memory_space<vmem>>) semaphore(%run_scoped3A : memref<!tpu.dma_semaphore, #tpu.memory_space<semaphore_mem>>) {add = true}
        %dma_wait3A_229 = arith.constant 0 : i32
        %dma_wait3A_230 = arith.constant 0 : i32
        %dma_wait3A_231 = tpu.memref_slice %arg24[%dma_wait3A_229, %dma_wait3A_230] : memref<10112x128xf32, #tpu.memory_space<vmem_shared>> -> memref<10112x128xf32, #tpu.memory_space<vmem_shared>>
        tpu.wait_indirect_dma semaphore(%run_scoped3A : memref<!tpu.dma_semaphore, #tpu.memory_space<semaphore_mem>>) src(%arg14 : memref<64x128xf32, #tpu.memory_space<vmem>>) dst(%dma_wait3A_231 : memref<10112x128xf32, #tpu.memory_space<vmem_shared>>)
        tpu.yield
      }) : () -> ()
      %lt3A_207 = arith.constant 39 : i32
      %lt3A_208 = arith.cmpi slt, %scan3A_170, %lt3A_207 : i32
      %convert_element_type3A_209 = arith.extui %lt3A_208 : i1 to i32
      %cond3A_210 = arith.constant 0 : i32
      %cond3A_211 = arith.cmpi ne, %convert_element_type3A_209, %cond3A_210 : i32
      scf.if %cond3A_211 {
        %add3A_226 = arith.constant 256 : i32
        %add3A_227 = arith.addi %add3A_199, %add3A_226 : i32
        %dma_start3A_228 = tpu.memref_slice %arg7[%add3A_227] : memref<10240xi32, #tpu.memory_space<vmem>> -> memref<64xi32, #tpu.memory_space<vmem>>
        %dma_start3A_229 = arith.constant 0 : i32
        %dma_start3A_230 = arith.constant 0 : i32
        %dma_start3A_231 = tpu.memref_slice %arg2[%dma_start3A_229, %dma_start3A_230] : memref<30336x128xf32, #tpu.memory_space<hbm>> -> memref<30336x128xf32, #tpu.memory_space<hbm>>
        tpu.enqueue_indirect_dma source(%dma_start3A_231 : memref<30336x128xf32, #tpu.memory_space<hbm>>) target(%arg14 : memref<64x128xf32, #tpu.memory_space<vmem>>) offsets(%dma_start3A_228 : memref<64xi32, #tpu.memory_space<vmem>>) semaphore(%arg18 : memref<!tpu.dma_semaphore, #tpu.memory_space<semaphore_mem>>)
        %add3A_232 = arith.addi %mul3A_59, %add3A_227 : i32
        %dma_start3A_233 = tpu.memref_slice %arg4[%add3A_232] : memref<983040xi32, #tpu.memory_space<hbm>> -> memref<64xi32, #tpu.memory_space<hbm>>
        %dma_start3A_234 = tpu.memref_slice %arg4[%add3A_232] : memref<983040xi32, #tpu.memory_space<hbm>> -> memref<64xi32, #tpu.memory_space<hbm>>
        tpu.enqueue_dma source(%dma_start3A_234 : memref<64xi32, #tpu.memory_space<hbm>>) target(%arg10 : memref<64xi32, #tpu.memory_space<vmem>>) target_semaphore(%arg22 : memref<!tpu.dma_semaphore, #tpu.memory_space<semaphore_mem>>)
      } else {
      }
      %add3A_212 = arith.constant 192 : i32
      %add3A_213 = arith.addi %mul3A_172, %add3A_212 : i32
      %add3A_214 = arith.addi %mul3A_59, %add3A_213 : i32
      %dma_wait3A_215 = tpu.memref_slice %arg4[%add3A_214] : memref<983040xi32, #tpu.memory_space<hbm>> -> memref<64xi32, #tpu.memory_space<hbm>>
      %dma_wait3A_216 = tpu.memref_slice %arg4[%add3A_214] : memref<983040xi32, #tpu.memory_space<hbm>> -> memref<64xi32, #tpu.memory_space<hbm>>
      tpu.wait_dma2 semaphore(%arg23 : memref<!tpu.dma_semaphore, #tpu.memory_space<semaphore_mem>>) src(%dma_wait3A_216 : memref<64xi32, #tpu.memory_space<hbm>>) dst(%arg11 : memref<64xi32, #tpu.memory_space<vmem>>)
      %dma_wait3A_217 = tpu.memref_slice %arg7[%add3A_213] : memref<10240xi32, #tpu.memory_space<vmem>> -> memref<64xi32, #tpu.memory_space<vmem>>
      %dma_wait3A_218 = arith.constant 0 : i32
      %dma_wait3A_219 = arith.constant 0 : i32
      %dma_wait3A_220 = tpu.memref_slice %arg2[%dma_wait3A_218, %dma_wait3A_219] : memref<30336x128xf32, #tpu.memory_space<hbm>> -> memref<30336x128xf32, #tpu.memory_space<hbm>>
      tpu.wait_indirect_dma semaphore(%arg19 : memref<!tpu.dma_semaphore, #tpu.memory_space<semaphore_mem>>) src(%dma_wait3A_220 : memref<30336x128xf32, #tpu.memory_space<hbm>>) dst(%arg15 : memref<64x128xf32, #tpu.memory_space<vmem>>)
      "tpu.region"() ({
        %run_scoped3A = tpu.sem_alloc : memref<!tpu.dma_semaphore, #tpu.memory_space<semaphore_mem>>
        %dma_start3A_226 = arith.constant 0 : i32
        %dma_start3A_227 = arith.constant 0 : i32
        %dma_start3A_228 = tpu.memref_slice %arg24[%dma_start3A_226, %dma_start3A_227] : memref<10112x128xf32, #tpu.memory_space<vmem_shared>> -> memref<10112x128xf32, #tpu.memory_space<vmem_shared>>
        tpu.enqueue_indirect_dma source(%arg15 : memref<64x128xf32, #tpu.memory_space<vmem>>) target(%dma_start3A_228 : memref<10112x128xf32, #tpu.memory_space<vmem_shared>>) offsets(%arg11 : memref<64xi32, #tpu.memory_space<vmem>>) semaphore(%run_scoped3A : memref<!tpu.dma_semaphore, #tpu.memory_space<semaphore_mem>>) {add = true}
        %dma_wait3A_229 = arith.constant 0 : i32
        %dma_wait3A_230 = arith.constant 0 : i32
        %dma_wait3A_231 = tpu.memref_slice %arg24[%dma_wait3A_229, %dma_wait3A_230] : memref<10112x128xf32, #tpu.memory_space<vmem_shared>> -> memref<10112x128xf32, #tpu.memory_space<vmem_shared>>
        tpu.wait_indirect_dma semaphore(%run_scoped3A : memref<!tpu.dma_semaphore, #tpu.memory_space<semaphore_mem>>) src(%arg15 : memref<64x128xf32, #tpu.memory_space<vmem>>) dst(%dma_wait3A_231 : memref<10112x128xf32, #tpu.memory_space<vmem_shared>>)
        tpu.yield
      }) : () -> ()
      %lt3A_221 = arith.constant 39 : i32
      %lt3A_222 = arith.cmpi slt, %scan3A_170, %lt3A_221 : i32
      %convert_element_type3A_223 = arith.extui %lt3A_222 : i1 to i32
      %cond3A_224 = arith.constant 0 : i32
      %cond3A_225 = arith.cmpi ne, %convert_element_type3A_223, %cond3A_224 : i32
      scf.if %cond3A_225 {
        %add3A_226 = arith.constant 256 : i32
        %add3A_227 = arith.addi %add3A_213, %add3A_226 : i32
        %dma_start3A_228 = tpu.memref_slice %arg7[%add3A_227] : memref<10240xi32, #tpu.memory_space<vmem>> -> memref<64xi32, #tpu.memory_space<vmem>>
        %dma_start3A_229 = arith.constant 0 : i32
        %dma_start3A_230 = arith.constant 0 : i32
        %dma_start3A_231 = tpu.memref_slice %arg2[%dma_start3A_229, %dma_start3A_230] : memref<30336x128xf32, #tpu.memory_space<hbm>> -> memref<30336x128xf32, #tpu.memory_space<hbm>>
        tpu.enqueue_indirect_dma source(%dma_start3A_231 : memref<30336x128xf32, #tpu.memory_space<hbm>>) target(%arg15 : memref<64x128xf32, #tpu.memory_space<vmem>>) offsets(%dma_start3A_228 : memref<64xi32, #tpu.memory_space<vmem>>) semaphore(%arg19 : memref<!tpu.dma_semaphore, #tpu.memory_space<semaphore_mem>>)
        %add3A_232 = arith.addi %mul3A_59, %add3A_227 : i32
        %dma_start3A_233 = tpu.memref_slice %arg4[%add3A_232] : memref<983040xi32, #tpu.memory_space<hbm>> -> memref<64xi32, #tpu.memory_space<hbm>>
        %dma_start3A_234 = tpu.memref_slice %arg4[%add3A_232] : memref<983040xi32, #tpu.memory_space<hbm>> -> memref<64xi32, #tpu.memory_space<hbm>>
        tpu.enqueue_dma source(%dma_start3A_234 : memref<64xi32, #tpu.memory_space<hbm>>) target(%arg11 : memref<64xi32, #tpu.memory_space<vmem>>) target_semaphore(%arg23 : memref<!tpu.dma_semaphore, #tpu.memory_space<semaphore_mem>>)
      } else {
      }
    }
    %scan3A_106 = arith.constant 40 : i32
    %barrier3A_107 = arith.constant 0 : index
    tpu.barrier barrier_id(%barrier3A_107)
    %mul3A_108 = arith.constant 30336 : i32
    %mul3A_109 = arith.muli %arg0, %mul3A_108 : i32
    %add3A_110 = arith.constant 10112 : i32
    %add3A_111 = arith.addi %mul3A_109, %add3A_110 : i32
    %add3A_112 = arith.addi %add3A_111, %mul3A_2 : i32
    "tpu.region"() ({
      %run_scoped3A = tpu.sem_alloc : memref<!tpu.dma_semaphore, #tpu.memory_space<semaphore_mem>>
      %dma_start3A_170 = arith.constant 0 : i32
      %dma_start3A_171 = tpu.memref_slice %arg6[%add3A_112, %dma_start3A_170] : memref<60672x128xf32, #tpu.memory_space<hbm>> -> memref<632x128xf32, #tpu.memory_space<hbm>>
      %dma_start3A_172 = arith.constant 0 : i32
      %dma_start3A_173 = tpu.memref_slice %arg24[%mul3A_2, %dma_start3A_172] : memref<10112x128xf32, #tpu.memory_space<vmem_shared>> -> memref<632x128xf32, #tpu.memory_space<vmem_shared>>
      tpu.enqueue_dma source(%dma_start3A_173 : memref<632x128xf32, #tpu.memory_space<vmem_shared>>) target(%dma_start3A_171 : memref<632x128xf32, #tpu.memory_space<hbm>>) target_semaphore(%run_scoped3A : memref<!tpu.dma_semaphore, #tpu.memory_space<semaphore_mem>>)
      %dma_wait3A_174 = arith.constant 0 : i32
      %dma_wait3A_175 = tpu.memref_slice %arg6[%add3A_112, %dma_wait3A_174] : memref<60672x128xf32, #tpu.memory_space<hbm>> -> memref<632x128xf32, #tpu.memory_space<hbm>>
      %dma_wait3A_176 = arith.constant 0 : i32
      %dma_wait3A_177 = tpu.memref_slice %arg24[%mul3A_2, %dma_wait3A_176] : memref<10112x128xf32, #tpu.memory_space<vmem_shared>> -> memref<632x128xf32, #tpu.memory_space<vmem_shared>>
      tpu.wait_dma2 semaphore(%run_scoped3A : memref<!tpu.dma_semaphore, #tpu.memory_space<semaphore_mem>>) src(%dma_wait3A_177 : memref<632x128xf32, #tpu.memory_space<vmem_shared>>) dst(%dma_wait3A_175 : memref<632x128xf32, #tpu.memory_space<hbm>>)
      tpu.yield
    }) : () -> ()
    %add3A_113 = arith.constant 64 : i32
    %add3A_114 = arith.addi %add3A_113, %add3A : i32
    %mul3A_115 = arith.constant 10240 : i32
    %mul3A_116 = arith.muli %add3A_114, %mul3A_115 : i32
    %dma_start3A_117 = tpu.memref_slice %arg3[%mul3A_116] : memref<983040xi32, #tpu.memory_space<hbm>> -> memref<10240xi32, #tpu.memory_space<hbm>>
    %dma_start3A_118 = tpu.memref_slice %arg3[%mul3A_116] : memref<983040xi32, #tpu.memory_space<hbm>> -> memref<10240xi32, #tpu.memory_space<hbm>>
    tpu.enqueue_dma source(%dma_start3A_118 : memref<10240xi32, #tpu.memory_space<hbm>>) target(%arg7 : memref<10240xi32, #tpu.memory_space<vmem>>) target_semaphore(%arg16 : memref<!tpu.dma_semaphore, #tpu.memory_space<semaphore_mem>>)
    "tpu.region"() ({
      %run_scoped3A = tpu.sem_alloc : memref<!tpu.dma_semaphore, #tpu.memory_space<semaphore_mem>>
      %dma_start3A_170 = arith.constant 0 : i32
      %dma_start3A_171 = tpu.memref_slice %arg24[%mul3A_2, %dma_start3A_170] : memref<10112x128xf32, #tpu.memory_space<vmem_shared>> -> memref<632x128xf32, #tpu.memory_space<vmem_shared>>
      tpu.enqueue_dma source(%arg5 : memref<632x128xf32, #tpu.memory_space<hbm>>) target(%dma_start3A_171 : memref<632x128xf32, #tpu.memory_space<vmem_shared>>) target_semaphore(%run_scoped3A : memref<!tpu.dma_semaphore, #tpu.memory_space<semaphore_mem>>)
      %dma_wait3A_172 = arith.constant 0 : i32
      %dma_wait3A_173 = tpu.memref_slice %arg24[%mul3A_2, %dma_wait3A_172] : memref<10112x128xf32, #tpu.memory_space<vmem_shared>> -> memref<632x128xf32, #tpu.memory_space<vmem_shared>>
      tpu.wait_dma2 semaphore(%run_scoped3A : memref<!tpu.dma_semaphore, #tpu.memory_space<semaphore_mem>>) src(%arg5 : memref<632x128xf32, #tpu.memory_space<hbm>>) dst(%dma_wait3A_173 : memref<632x128xf32, #tpu.memory_space<vmem_shared>>)
      tpu.yield
    }) : () -> ()
    %dma_wait3A_119 = tpu.memref_slice %arg3[%mul3A_116] : memref<983040xi32, #tpu.memory_space<hbm>> -> memref<10240xi32, #tpu.memory_space<hbm>>
    %dma_wait3A_120 = tpu.memref_slice %arg3[%mul3A_116] : memref<983040xi32, #tpu.memory_space<hbm>> -> memref<10240xi32, #tpu.memory_space<hbm>>
    tpu.wait_dma2 semaphore(%arg16 : memref<!tpu.dma_semaphore, #tpu.memory_space<semaphore_mem>>) src(%dma_wait3A_120 : memref<10240xi32, #tpu.memory_space<hbm>>) dst(%arg7 : memref<10240xi32, #tpu.memory_space<vmem>>)
    %barrier3A_121 = arith.constant 0 : index
    tpu.barrier barrier_id(%barrier3A_121)
    %dma_start3A_122 = arith.constant 0 : i32
    %dma_start3A_123 = tpu.memref_slice %arg7[%dma_start3A_122] : memref<10240xi32, #tpu.memory_space<vmem>> -> memref<64xi32, #tpu.memory_space<vmem>>
    %dma_start3A_124 = arith.constant 0 : i32
    %dma_start3A_125 = arith.constant 0 : i32
    %dma_start3A_126 = tpu.memref_slice %arg2[%dma_start3A_124, %dma_start3A_125] : memref<30336x128xf32, #tpu.memory_space<hbm>> -> memref<30336x128xf32, #tpu.memory_space<hbm>>
    tpu.enqueue_indirect_dma source(%dma_start3A_126 : memref<30336x128xf32, #tpu.memory_space<hbm>>) target(%arg12 : memref<64x128xf32, #tpu.memory_space<vmem>>) offsets(%dma_start3A_123 : memref<64xi32, #tpu.memory_space<vmem>>) semaphore(%arg16 : memref<!tpu.dma_semaphore, #tpu.memory_space<semaphore_mem>>)
    %add3A_127 = arith.constant 0 : i32
    %add3A_128 = arith.addi %mul3A_116, %add3A_127 : i32
    %dma_start3A_129 = tpu.memref_slice %arg4[%add3A_128] : memref<983040xi32, #tpu.memory_space<hbm>> -> memref<64xi32, #tpu.memory_space<hbm>>
    %dma_start3A_130 = tpu.memref_slice %arg4[%add3A_128] : memref<983040xi32, #tpu.memory_space<hbm>> -> memref<64xi32, #tpu.memory_space<hbm>>
    tpu.enqueue_dma source(%dma_start3A_130 : memref<64xi32, #tpu.memory_space<hbm>>) target(%arg8 : memref<64xi32, #tpu.memory_space<vmem>>) target_semaphore(%arg20 : memref<!tpu.dma_semaphore, #tpu.memory_space<semaphore_mem>>)
    %dma_start3A_131 = arith.constant 64 : i32
    %dma_start3A_132 = tpu.memref_slice %arg7[%dma_start3A_131] : memref<10240xi32, #tpu.memory_space<vmem>> -> memref<64xi32, #tpu.memory_space<vmem>>
    %dma_start3A_133 = arith.constant 0 : i32
    %dma_start3A_134 = arith.constant 0 : i32
    %dma_start3A_135 = tpu.memref_slice %arg2[%dma_start3A_133, %dma_start3A_134] : memref<30336x128xf32, #tpu.memory_space<hbm>> -> memref<30336x128xf32, #tpu.memory_space<hbm>>
    tpu.enqueue_indirect_dma source(%dma_start3A_135 : memref<30336x128xf32, #tpu.memory_space<hbm>>) target(%arg13 : memref<64x128xf32, #tpu.memory_space<vmem>>) offsets(%dma_start3A_132 : memref<64xi32, #tpu.memory_space<vmem>>) semaphore(%arg17 : memref<!tpu.dma_semaphore, #tpu.memory_space<semaphore_mem>>)
    %add3A_136 = arith.constant 64 : i32
    %add3A_137 = arith.addi %mul3A_116, %add3A_136 : i32
    %dma_start3A_138 = tpu.memref_slice %arg4[%add3A_137] : memref<983040xi32, #tpu.memory_space<hbm>> -> memref<64xi32, #tpu.memory_space<hbm>>
    %dma_start3A_139 = tpu.memref_slice %arg4[%add3A_137] : memref<983040xi32, #tpu.memory_space<hbm>> -> memref<64xi32, #tpu.memory_space<hbm>>
    tpu.enqueue_dma source(%dma_start3A_139 : memref<64xi32, #tpu.memory_space<hbm>>) target(%arg9 : memref<64xi32, #tpu.memory_space<vmem>>) target_semaphore(%arg21 : memref<!tpu.dma_semaphore, #tpu.memory_space<semaphore_mem>>)
    %dma_start3A_140 = arith.constant 128 : i32
    %dma_start3A_141 = tpu.memref_slice %arg7[%dma_start3A_140] : memref<10240xi32, #tpu.memory_space<vmem>> -> memref<64xi32, #tpu.memory_space<vmem>>
    %dma_start3A_142 = arith.constant 0 : i32
    %dma_start3A_143 = arith.constant 0 : i32
    %dma_start3A_144 = tpu.memref_slice %arg2[%dma_start3A_142, %dma_start3A_143] : memref<30336x128xf32, #tpu.memory_space<hbm>> -> memref<30336x128xf32, #tpu.memory_space<hbm>>
    tpu.enqueue_indirect_dma source(%dma_start3A_144 : memref<30336x128xf32, #tpu.memory_space<hbm>>) target(%arg14 : memref<64x128xf32, #tpu.memory_space<vmem>>) offsets(%dma_start3A_141 : memref<64xi32, #tpu.memory_space<vmem>>) semaphore(%arg18 : memref<!tpu.dma_semaphore, #tpu.memory_space<semaphore_mem>>)
    %add3A_145 = arith.constant 128 : i32
    %add3A_146 = arith.addi %mul3A_116, %add3A_145 : i32
    %dma_start3A_147 = tpu.memref_slice %arg4[%add3A_146] : memref<983040xi32, #tpu.memory_space<hbm>> -> memref<64xi32, #tpu.memory_space<hbm>>
    %dma_start3A_148 = tpu.memref_slice %arg4[%add3A_146] : memref<983040xi32, #tpu.memory_space<hbm>> -> memref<64xi32, #tpu.memory_space<hbm>>
    tpu.enqueue_dma source(%dma_start3A_148 : memref<64xi32, #tpu.memory_space<hbm>>) target(%arg10 : memref<64xi32, #tpu.memory_space<vmem>>) target_semaphore(%arg22 : memref<!tpu.dma_semaphore, #tpu.memory_space<semaphore_mem>>)
    %dma_start3A_149 = arith.constant 192 : i32
    %dma_start3A_150 = tpu.memref_slice %arg7[%dma_start3A_149] : memref<10240xi32, #tpu.memory_space<vmem>> -> memref<64xi32, #tpu.memory_space<vmem>>
    %dma_start3A_151 = arith.constant 0 : i32
    %dma_start3A_152 = arith.constant 0 : i32
    %dma_start3A_153 = tpu.memref_slice %arg2[%dma_start3A_151, %dma_start3A_152] : memref<30336x128xf32, #tpu.memory_space<hbm>> -> memref<30336x128xf32, #tpu.memory_space<hbm>>
    tpu.enqueue_indirect_dma source(%dma_start3A_153 : memref<30336x128xf32, #tpu.memory_space<hbm>>) target(%arg15 : memref<64x128xf32, #tpu.memory_space<vmem>>) offsets(%dma_start3A_150 : memref<64xi32, #tpu.memory_space<vmem>>) semaphore(%arg19 : memref<!tpu.dma_semaphore, #tpu.memory_space<semaphore_mem>>)
    %add3A_154 = arith.constant 192 : i32
    %add3A_155 = arith.addi %mul3A_116, %add3A_154 : i32
    %dma_start3A_156 = tpu.memref_slice %arg4[%add3A_155] : memref<983040xi32, #tpu.memory_space<hbm>> -> memref<64xi32, #tpu.memory_space<hbm>>
    %dma_start3A_157 = tpu.memref_slice %arg4[%add3A_155] : memref<983040xi32, #tpu.memory_space<hbm>> -> memref<64xi32, #tpu.memory_space<hbm>>
    tpu.enqueue_dma source(%dma_start3A_157 : memref<64xi32, #tpu.memory_space<hbm>>) target(%arg11 : memref<64xi32, #tpu.memory_space<vmem>>) target_semaphore(%arg23 : memref<!tpu.dma_semaphore, #tpu.memory_space<semaphore_mem>>)
    %scan3A_158 = arith.constant 0 : i32
    %scan3A_159 = arith.constant 0 : i32
    %scan3A_160 = arith.constant 40 : i32
    %scan3A_161 = arith.addi %scan3A_159, %scan3A_160 : i32
    %scan3A_162 = arith.constant 1 : i32
    scf.for %scan3A_170 = %scan3A_159 to %scan3A_161 step %scan3A_162  : i32 {
      %mul3A_171 = arith.constant 256 : i32
      %mul3A_172 = arith.muli %scan3A_170, %mul3A_171 : i32
      %add3A_173 = arith.constant 0 : i32
      %add3A_174 = arith.addi %mul3A_172, %add3A_173 : i32
      %add3A_175 = arith.addi %mul3A_116, %add3A_174 : i32
      %dma_wait3A_176 = tpu.memref_slice %arg4[%add3A_175] : memref<983040xi32, #tpu.memory_space<hbm>> -> memref<64xi32, #tpu.memory_space<hbm>>
      %dma_wait3A_177 = tpu.memref_slice %arg4[%add3A_175] : memref<983040xi32, #tpu.memory_space<hbm>> -> memref<64xi32, #tpu.memory_space<hbm>>
      tpu.wait_dma2 semaphore(%arg20 : memref<!tpu.dma_semaphore, #tpu.memory_space<semaphore_mem>>) src(%dma_wait3A_177 : memref<64xi32, #tpu.memory_space<hbm>>) dst(%arg8 : memref<64xi32, #tpu.memory_space<vmem>>)
      %dma_wait3A_178 = tpu.memref_slice %arg7[%add3A_174] : memref<10240xi32, #tpu.memory_space<vmem>> -> memref<64xi32, #tpu.memory_space<vmem>>
      %dma_wait3A_179 = arith.constant 0 : i32
      %dma_wait3A_180 = arith.constant 0 : i32
      %dma_wait3A_181 = tpu.memref_slice %arg2[%dma_wait3A_179, %dma_wait3A_180] : memref<30336x128xf32, #tpu.memory_space<hbm>> -> memref<30336x128xf32, #tpu.memory_space<hbm>>
      tpu.wait_indirect_dma semaphore(%arg16 : memref<!tpu.dma_semaphore, #tpu.memory_space<semaphore_mem>>) src(%dma_wait3A_181 : memref<30336x128xf32, #tpu.memory_space<hbm>>) dst(%arg12 : memref<64x128xf32, #tpu.memory_space<vmem>>)
      "tpu.region"() ({
        %run_scoped3A = tpu.sem_alloc : memref<!tpu.dma_semaphore, #tpu.memory_space<semaphore_mem>>
        %dma_start3A_226 = arith.constant 0 : i32
        %dma_start3A_227 = arith.constant 0 : i32
        %dma_start3A_228 = tpu.memref_slice %arg24[%dma_start3A_226, %dma_start3A_227] : memref<10112x128xf32, #tpu.memory_space<vmem_shared>> -> memref<10112x128xf32, #tpu.memory_space<vmem_shared>>
        tpu.enqueue_indirect_dma source(%arg12 : memref<64x128xf32, #tpu.memory_space<vmem>>) target(%dma_start3A_228 : memref<10112x128xf32, #tpu.memory_space<vmem_shared>>) offsets(%arg8 : memref<64xi32, #tpu.memory_space<vmem>>) semaphore(%run_scoped3A : memref<!tpu.dma_semaphore, #tpu.memory_space<semaphore_mem>>) {add = true}
        %dma_wait3A_229 = arith.constant 0 : i32
        %dma_wait3A_230 = arith.constant 0 : i32
        %dma_wait3A_231 = tpu.memref_slice %arg24[%dma_wait3A_229, %dma_wait3A_230] : memref<10112x128xf32, #tpu.memory_space<vmem_shared>> -> memref<10112x128xf32, #tpu.memory_space<vmem_shared>>
        tpu.wait_indirect_dma semaphore(%run_scoped3A : memref<!tpu.dma_semaphore, #tpu.memory_space<semaphore_mem>>) src(%arg12 : memref<64x128xf32, #tpu.memory_space<vmem>>) dst(%dma_wait3A_231 : memref<10112x128xf32, #tpu.memory_space<vmem_shared>>)
        tpu.yield
      }) : () -> ()
      %lt3A = arith.constant 39 : i32
      %lt3A_182 = arith.cmpi slt, %scan3A_170, %lt3A : i32
      %convert_element_type3A = arith.extui %lt3A_182 : i1 to i32
      %cond3A = arith.constant 0 : i32
      %cond3A_183 = arith.cmpi ne, %convert_element_type3A, %cond3A : i32
      scf.if %cond3A_183 {
        %add3A_226 = arith.constant 256 : i32
        %add3A_227 = arith.addi %add3A_174, %add3A_226 : i32
        %dma_start3A_228 = tpu.memref_slice %arg7[%add3A_227] : memref<10240xi32, #tpu.memory_space<vmem>> -> memref<64xi32, #tpu.memory_space<vmem>>
        %dma_start3A_229 = arith.constant 0 : i32
        %dma_start3A_230 = arith.constant 0 : i32
        %dma_start3A_231 = tpu.memref_slice %arg2[%dma_start3A_229, %dma_start3A_230] : memref<30336x128xf32, #tpu.memory_space<hbm>> -> memref<30336x128xf32, #tpu.memory_space<hbm>>
        tpu.enqueue_indirect_dma source(%dma_start3A_231 : memref<30336x128xf32, #tpu.memory_space<hbm>>) target(%arg12 : memref<64x128xf32, #tpu.memory_space<vmem>>) offsets(%dma_start3A_228 : memref<64xi32, #tpu.memory_space<vmem>>) semaphore(%arg16 : memref<!tpu.dma_semaphore, #tpu.memory_space<semaphore_mem>>)
        %add3A_232 = arith.addi %mul3A_116, %add3A_227 : i32
        %dma_start3A_233 = tpu.memref_slice %arg4[%add3A_232] : memref<983040xi32, #tpu.memory_space<hbm>> -> memref<64xi32, #tpu.memory_space<hbm>>
        %dma_start3A_234 = tpu.memref_slice %arg4[%add3A_232] : memref<983040xi32, #tpu.memory_space<hbm>> -> memref<64xi32, #tpu.memory_space<hbm>>
        tpu.enqueue_dma source(%dma_start3A_234 : memref<64xi32, #tpu.memory_space<hbm>>) target(%arg8 : memref<64xi32, #tpu.memory_space<vmem>>) target_semaphore(%arg20 : memref<!tpu.dma_semaphore, #tpu.memory_space<semaphore_mem>>)
      } else {
      }
      %add3A_184 = arith.constant 64 : i32
      %add3A_185 = arith.addi %mul3A_172, %add3A_184 : i32
      %add3A_186 = arith.addi %mul3A_116, %add3A_185 : i32
      %dma_wait3A_187 = tpu.memref_slice %arg4[%add3A_186] : memref<983040xi32, #tpu.memory_space<hbm>> -> memref<64xi32, #tpu.memory_space<hbm>>
      %dma_wait3A_188 = tpu.memref_slice %arg4[%add3A_186] : memref<983040xi32, #tpu.memory_space<hbm>> -> memref<64xi32, #tpu.memory_space<hbm>>
      tpu.wait_dma2 semaphore(%arg21 : memref<!tpu.dma_semaphore, #tpu.memory_space<semaphore_mem>>) src(%dma_wait3A_188 : memref<64xi32, #tpu.memory_space<hbm>>) dst(%arg9 : memref<64xi32, #tpu.memory_space<vmem>>)
      %dma_wait3A_189 = tpu.memref_slice %arg7[%add3A_185] : memref<10240xi32, #tpu.memory_space<vmem>> -> memref<64xi32, #tpu.memory_space<vmem>>
      %dma_wait3A_190 = arith.constant 0 : i32
      %dma_wait3A_191 = arith.constant 0 : i32
      %dma_wait3A_192 = tpu.memref_slice %arg2[%dma_wait3A_190, %dma_wait3A_191] : memref<30336x128xf32, #tpu.memory_space<hbm>> -> memref<30336x128xf32, #tpu.memory_space<hbm>>
      tpu.wait_indirect_dma semaphore(%arg17 : memref<!tpu.dma_semaphore, #tpu.memory_space<semaphore_mem>>) src(%dma_wait3A_192 : memref<30336x128xf32, #tpu.memory_space<hbm>>) dst(%arg13 : memref<64x128xf32, #tpu.memory_space<vmem>>)
      "tpu.region"() ({
        %run_scoped3A = tpu.sem_alloc : memref<!tpu.dma_semaphore, #tpu.memory_space<semaphore_mem>>
        %dma_start3A_226 = arith.constant 0 : i32
        %dma_start3A_227 = arith.constant 0 : i32
        %dma_start3A_228 = tpu.memref_slice %arg24[%dma_start3A_226, %dma_start3A_227] : memref<10112x128xf32, #tpu.memory_space<vmem_shared>> -> memref<10112x128xf32, #tpu.memory_space<vmem_shared>>
        tpu.enqueue_indirect_dma source(%arg13 : memref<64x128xf32, #tpu.memory_space<vmem>>) target(%dma_start3A_228 : memref<10112x128xf32, #tpu.memory_space<vmem_shared>>) offsets(%arg9 : memref<64xi32, #tpu.memory_space<vmem>>) semaphore(%run_scoped3A : memref<!tpu.dma_semaphore, #tpu.memory_space<semaphore_mem>>) {add = true}
        %dma_wait3A_229 = arith.constant 0 : i32
        %dma_wait3A_230 = arith.constant 0 : i32
        %dma_wait3A_231 = tpu.memref_slice %arg24[%dma_wait3A_229, %dma_wait3A_230] : memref<10112x128xf32, #tpu.memory_space<vmem_shared>> -> memref<10112x128xf32, #tpu.memory_space<vmem_shared>>
        tpu.wait_indirect_dma semaphore(%run_scoped3A : memref<!tpu.dma_semaphore, #tpu.memory_space<semaphore_mem>>) src(%arg13 : memref<64x128xf32, #tpu.memory_space<vmem>>) dst(%dma_wait3A_231 : memref<10112x128xf32, #tpu.memory_space<vmem_shared>>)
        tpu.yield
      }) : () -> ()
      %lt3A_193 = arith.constant 39 : i32
      %lt3A_194 = arith.cmpi slt, %scan3A_170, %lt3A_193 : i32
      %convert_element_type3A_195 = arith.extui %lt3A_194 : i1 to i32
      %cond3A_196 = arith.constant 0 : i32
      %cond3A_197 = arith.cmpi ne, %convert_element_type3A_195, %cond3A_196 : i32
      scf.if %cond3A_197 {
        %add3A_226 = arith.constant 256 : i32
        %add3A_227 = arith.addi %add3A_185, %add3A_226 : i32
        %dma_start3A_228 = tpu.memref_slice %arg7[%add3A_227] : memref<10240xi32, #tpu.memory_space<vmem>> -> memref<64xi32, #tpu.memory_space<vmem>>
        %dma_start3A_229 = arith.constant 0 : i32
        %dma_start3A_230 = arith.constant 0 : i32
        %dma_start3A_231 = tpu.memref_slice %arg2[%dma_start3A_229, %dma_start3A_230] : memref<30336x128xf32, #tpu.memory_space<hbm>> -> memref<30336x128xf32, #tpu.memory_space<hbm>>
        tpu.enqueue_indirect_dma source(%dma_start3A_231 : memref<30336x128xf32, #tpu.memory_space<hbm>>) target(%arg13 : memref<64x128xf32, #tpu.memory_space<vmem>>) offsets(%dma_start3A_228 : memref<64xi32, #tpu.memory_space<vmem>>) semaphore(%arg17 : memref<!tpu.dma_semaphore, #tpu.memory_space<semaphore_mem>>)
        %add3A_232 = arith.addi %mul3A_116, %add3A_227 : i32
        %dma_start3A_233 = tpu.memref_slice %arg4[%add3A_232] : memref<983040xi32, #tpu.memory_space<hbm>> -> memref<64xi32, #tpu.memory_space<hbm>>
        %dma_start3A_234 = tpu.memref_slice %arg4[%add3A_232] : memref<983040xi32, #tpu.memory_space<hbm>> -> memref<64xi32, #tpu.memory_space<hbm>>
        tpu.enqueue_dma source(%dma_start3A_234 : memref<64xi32, #tpu.memory_space<hbm>>) target(%arg9 : memref<64xi32, #tpu.memory_space<vmem>>) target_semaphore(%arg21 : memref<!tpu.dma_semaphore, #tpu.memory_space<semaphore_mem>>)
      } else {
      }
      %add3A_198 = arith.constant 128 : i32
      %add3A_199 = arith.addi %mul3A_172, %add3A_198 : i32
      %add3A_200 = arith.addi %mul3A_116, %add3A_199 : i32
      %dma_wait3A_201 = tpu.memref_slice %arg4[%add3A_200] : memref<983040xi32, #tpu.memory_space<hbm>> -> memref<64xi32, #tpu.memory_space<hbm>>
      %dma_wait3A_202 = tpu.memref_slice %arg4[%add3A_200] : memref<983040xi32, #tpu.memory_space<hbm>> -> memref<64xi32, #tpu.memory_space<hbm>>
      tpu.wait_dma2 semaphore(%arg22 : memref<!tpu.dma_semaphore, #tpu.memory_space<semaphore_mem>>) src(%dma_wait3A_202 : memref<64xi32, #tpu.memory_space<hbm>>) dst(%arg10 : memref<64xi32, #tpu.memory_space<vmem>>)
      %dma_wait3A_203 = tpu.memref_slice %arg7[%add3A_199] : memref<10240xi32, #tpu.memory_space<vmem>> -> memref<64xi32, #tpu.memory_space<vmem>>
      %dma_wait3A_204 = arith.constant 0 : i32
      %dma_wait3A_205 = arith.constant 0 : i32
      %dma_wait3A_206 = tpu.memref_slice %arg2[%dma_wait3A_204, %dma_wait3A_205] : memref<30336x128xf32, #tpu.memory_space<hbm>> -> memref<30336x128xf32, #tpu.memory_space<hbm>>
      tpu.wait_indirect_dma semaphore(%arg18 : memref<!tpu.dma_semaphore, #tpu.memory_space<semaphore_mem>>) src(%dma_wait3A_206 : memref<30336x128xf32, #tpu.memory_space<hbm>>) dst(%arg14 : memref<64x128xf32, #tpu.memory_space<vmem>>)
      "tpu.region"() ({
        %run_scoped3A = tpu.sem_alloc : memref<!tpu.dma_semaphore, #tpu.memory_space<semaphore_mem>>
        %dma_start3A_226 = arith.constant 0 : i32
        %dma_start3A_227 = arith.constant 0 : i32
        %dma_start3A_228 = tpu.memref_slice %arg24[%dma_start3A_226, %dma_start3A_227] : memref<10112x128xf32, #tpu.memory_space<vmem_shared>> -> memref<10112x128xf32, #tpu.memory_space<vmem_shared>>
        tpu.enqueue_indirect_dma source(%arg14 : memref<64x128xf32, #tpu.memory_space<vmem>>) target(%dma_start3A_228 : memref<10112x128xf32, #tpu.memory_space<vmem_shared>>) offsets(%arg10 : memref<64xi32, #tpu.memory_space<vmem>>) semaphore(%run_scoped3A : memref<!tpu.dma_semaphore, #tpu.memory_space<semaphore_mem>>) {add = true}
        %dma_wait3A_229 = arith.constant 0 : i32
        %dma_wait3A_230 = arith.constant 0 : i32
        %dma_wait3A_231 = tpu.memref_slice %arg24[%dma_wait3A_229, %dma_wait3A_230] : memref<10112x128xf32, #tpu.memory_space<vmem_shared>> -> memref<10112x128xf32, #tpu.memory_space<vmem_shared>>
        tpu.wait_indirect_dma semaphore(%run_scoped3A : memref<!tpu.dma_semaphore, #tpu.memory_space<semaphore_mem>>) src(%arg14 : memref<64x128xf32, #tpu.memory_space<vmem>>) dst(%dma_wait3A_231 : memref<10112x128xf32, #tpu.memory_space<vmem_shared>>)
        tpu.yield
      }) : () -> ()
      %lt3A_207 = arith.constant 39 : i32
      %lt3A_208 = arith.cmpi slt, %scan3A_170, %lt3A_207 : i32
      %convert_element_type3A_209 = arith.extui %lt3A_208 : i1 to i32
      %cond3A_210 = arith.constant 0 : i32
      %cond3A_211 = arith.cmpi ne, %convert_element_type3A_209, %cond3A_210 : i32
      scf.if %cond3A_211 {
        %add3A_226 = arith.constant 256 : i32
        %add3A_227 = arith.addi %add3A_199, %add3A_226 : i32
        %dma_start3A_228 = tpu.memref_slice %arg7[%add3A_227] : memref<10240xi32, #tpu.memory_space<vmem>> -> memref<64xi32, #tpu.memory_space<vmem>>
        %dma_start3A_229 = arith.constant 0 : i32
        %dma_start3A_230 = arith.constant 0 : i32
        %dma_start3A_231 = tpu.memref_slice %arg2[%dma_start3A_229, %dma_start3A_230] : memref<30336x128xf32, #tpu.memory_space<hbm>> -> memref<30336x128xf32, #tpu.memory_space<hbm>>
        tpu.enqueue_indirect_dma source(%dma_start3A_231 : memref<30336x128xf32, #tpu.memory_space<hbm>>) target(%arg14 : memref<64x128xf32, #tpu.memory_space<vmem>>) offsets(%dma_start3A_228 : memref<64xi32, #tpu.memory_space<vmem>>) semaphore(%arg18 : memref<!tpu.dma_semaphore, #tpu.memory_space<semaphore_mem>>)
        %add3A_232 = arith.addi %mul3A_116, %add3A_227 : i32
        %dma_start3A_233 = tpu.memref_slice %arg4[%add3A_232] : memref<983040xi32, #tpu.memory_space<hbm>> -> memref<64xi32, #tpu.memory_space<hbm>>
        %dma_start3A_234 = tpu.memref_slice %arg4[%add3A_232] : memref<983040xi32, #tpu.memory_space<hbm>> -> memref<64xi32, #tpu.memory_space<hbm>>
        tpu.enqueue_dma source(%dma_start3A_234 : memref<64xi32, #tpu.memory_space<hbm>>) target(%arg10 : memref<64xi32, #tpu.memory_space<vmem>>) target_semaphore(%arg22 : memref<!tpu.dma_semaphore, #tpu.memory_space<semaphore_mem>>)
      } else {
      }
      %add3A_212 = arith.constant 192 : i32
      %add3A_213 = arith.addi %mul3A_172, %add3A_212 : i32
      %add3A_214 = arith.addi %mul3A_116, %add3A_213 : i32
      %dma_wait3A_215 = tpu.memref_slice %arg4[%add3A_214] : memref<983040xi32, #tpu.memory_space<hbm>> -> memref<64xi32, #tpu.memory_space<hbm>>
      %dma_wait3A_216 = tpu.memref_slice %arg4[%add3A_214] : memref<983040xi32, #tpu.memory_space<hbm>> -> memref<64xi32, #tpu.memory_space<hbm>>
      tpu.wait_dma2 semaphore(%arg23 : memref<!tpu.dma_semaphore, #tpu.memory_space<semaphore_mem>>) src(%dma_wait3A_216 : memref<64xi32, #tpu.memory_space<hbm>>) dst(%arg11 : memref<64xi32, #tpu.memory_space<vmem>>)
      %dma_wait3A_217 = tpu.memref_slice %arg7[%add3A_213] : memref<10240xi32, #tpu.memory_space<vmem>> -> memref<64xi32, #tpu.memory_space<vmem>>
      %dma_wait3A_218 = arith.constant 0 : i32
      %dma_wait3A_219 = arith.constant 0 : i32
      %dma_wait3A_220 = tpu.memref_slice %arg2[%dma_wait3A_218, %dma_wait3A_219] : memref<30336x128xf32, #tpu.memory_space<hbm>> -> memref<30336x128xf32, #tpu.memory_space<hbm>>
      tpu.wait_indirect_dma semaphore(%arg19 : memref<!tpu.dma_semaphore, #tpu.memory_space<semaphore_mem>>) src(%dma_wait3A_220 : memref<30336x128xf32, #tpu.memory_space<hbm>>) dst(%arg15 : memref<64x128xf32, #tpu.memory_space<vmem>>)
      "tpu.region"() ({
        %run_scoped3A = tpu.sem_alloc : memref<!tpu.dma_semaphore, #tpu.memory_space<semaphore_mem>>
        %dma_start3A_226 = arith.constant 0 : i32
        %dma_start3A_227 = arith.constant 0 : i32
        %dma_start3A_228 = tpu.memref_slice %arg24[%dma_start3A_226, %dma_start3A_227] : memref<10112x128xf32, #tpu.memory_space<vmem_shared>> -> memref<10112x128xf32, #tpu.memory_space<vmem_shared>>
        tpu.enqueue_indirect_dma source(%arg15 : memref<64x128xf32, #tpu.memory_space<vmem>>) target(%dma_start3A_228 : memref<10112x128xf32, #tpu.memory_space<vmem_shared>>) offsets(%arg11 : memref<64xi32, #tpu.memory_space<vmem>>) semaphore(%run_scoped3A : memref<!tpu.dma_semaphore, #tpu.memory_space<semaphore_mem>>) {add = true}
        %dma_wait3A_229 = arith.constant 0 : i32
        %dma_wait3A_230 = arith.constant 0 : i32
        %dma_wait3A_231 = tpu.memref_slice %arg24[%dma_wait3A_229, %dma_wait3A_230] : memref<10112x128xf32, #tpu.memory_space<vmem_shared>> -> memref<10112x128xf32, #tpu.memory_space<vmem_shared>>
        tpu.wait_indirect_dma semaphore(%run_scoped3A : memref<!tpu.dma_semaphore, #tpu.memory_space<semaphore_mem>>) src(%arg15 : memref<64x128xf32, #tpu.memory_space<vmem>>) dst(%dma_wait3A_231 : memref<10112x128xf32, #tpu.memory_space<vmem_shared>>)
        tpu.yield
      }) : () -> ()
      %lt3A_221 = arith.constant 39 : i32
      %lt3A_222 = arith.cmpi slt, %scan3A_170, %lt3A_221 : i32
      %convert_element_type3A_223 = arith.extui %lt3A_222 : i1 to i32
      %cond3A_224 = arith.constant 0 : i32
      %cond3A_225 = arith.cmpi ne, %convert_element_type3A_223, %cond3A_224 : i32
      scf.if %cond3A_225 {
        %add3A_226 = arith.constant 256 : i32
        %add3A_227 = arith.addi %add3A_213, %add3A_226 : i32
        %dma_start3A_228 = tpu.memref_slice %arg7[%add3A_227] : memref<10240xi32, #tpu.memory_space<vmem>> -> memref<64xi32, #tpu.memory_space<vmem>>
        %dma_start3A_229 = arith.constant 0 : i32
        %dma_start3A_230 = arith.constant 0 : i32
        %dma_start3A_231 = tpu.memref_slice %arg2[%dma_start3A_229, %dma_start3A_230] : memref<30336x128xf32, #tpu.memory_space<hbm>> -> memref<30336x128xf32, #tpu.memory_space<hbm>>
        tpu.enqueue_indirect_dma source(%dma_start3A_231 : memref<30336x128xf32, #tpu.memory_space<hbm>>) target(%arg15 : memref<64x128xf32, #tpu.memory_space<vmem>>) offsets(%dma_start3A_228 : memref<64xi32, #tpu.memory_space<vmem>>) semaphore(%arg19 : memref<!tpu.dma_semaphore, #tpu.memory_space<semaphore_mem>>)
        %add3A_232 = arith.addi %mul3A_116, %add3A_227 : i32
        %dma_start3A_233 = tpu.memref_slice %arg4[%add3A_232] : memref<983040xi32, #tpu.memory_space<hbm>> -> memref<64xi32, #tpu.memory_space<hbm>>
        %dma_start3A_234 = tpu.memref_slice %arg4[%add3A_232] : memref<983040xi32, #tpu.memory_space<hbm>> -> memref<64xi32, #tpu.memory_space<hbm>>
        tpu.enqueue_dma source(%dma_start3A_234 : memref<64xi32, #tpu.memory_space<hbm>>) target(%arg11 : memref<64xi32, #tpu.memory_space<vmem>>) target_semaphore(%arg23 : memref<!tpu.dma_semaphore, #tpu.memory_space<semaphore_mem>>)
      } else {
      }
    }
    %scan3A_163 = arith.constant 40 : i32
    %barrier3A_164 = arith.constant 0 : index
    tpu.barrier barrier_id(%barrier3A_164)
    %mul3A_165 = arith.constant 30336 : i32
    %mul3A_166 = arith.muli %arg0, %mul3A_165 : i32
    %add3A_167 = arith.constant 20224 : i32
    %add3A_168 = arith.addi %mul3A_166, %add3A_167 : i32
    %add3A_169 = arith.addi %add3A_168, %mul3A_2 : i32
    "tpu.region"() ({
      %run_scoped3A = tpu.sem_alloc : memref<!tpu.dma_semaphore, #tpu.memory_space<semaphore_mem>>
      %dma_start3A_170 = arith.constant 0 : i32
      %dma_start3A_171 = tpu.memref_slice %arg6[%add3A_169, %dma_start3A_170] : memref<60672x128xf32, #tpu.memory_space<hbm>> -> memref<632x128xf32, #tpu.memory_space<hbm>>
      %dma_start3A_172 = arith.constant 0 : i32
      %dma_start3A_173 = tpu.memref_slice %arg24[%mul3A_2, %dma_start3A_172] : memref<10112x128xf32, #tpu.memory_space<vmem_shared>> -> memref<632x128xf32, #tpu.memory_space<vmem_shared>>
      tpu.enqueue_dma source(%dma_start3A_173 : memref<632x128xf32, #tpu.memory_space<vmem_shared>>) target(%dma_start3A_171 : memref<632x128xf32, #tpu.memory_space<hbm>>) target_semaphore(%run_scoped3A : memref<!tpu.dma_semaphore, #tpu.memory_space<semaphore_mem>>)
      %dma_wait3A_174 = arith.constant 0 : i32
      %dma_wait3A_175 = tpu.memref_slice %arg6[%add3A_169, %dma_wait3A_174] : memref<60672x128xf32, #tpu.memory_space<hbm>> -> memref<632x128xf32, #tpu.memory_space<hbm>>
      %dma_wait3A_176 = arith.constant 0 : i32
      %dma_wait3A_177 = tpu.memref_slice %arg24[%mul3A_2, %dma_wait3A_176] : memref<10112x128xf32, #tpu.memory_space<vmem_shared>> -> memref<632x128xf32, #tpu.memory_space<vmem_shared>>
      tpu.wait_dma2 semaphore(%run_scoped3A : memref<!tpu.dma_semaphore, #tpu.memory_space<semaphore_mem>>) src(%dma_wait3A_177 : memref<632x128xf32, #tpu.memory_space<vmem_shared>>) dst(%dma_wait3A_175 : memref<632x128xf32, #tpu.memory_space<hbm>>)
      tpu.yield
    }) : () -> ()
    return
  }
}

#map = affine_map<(d0, d1) -> (0, 0)>
#map1 = affine_map<(d0, d1) -> (0)>
module attributes {stable_mosaic.version = 14 : i64} {
  func.func @_prop_kernel(%arg0: i32, %arg1: i32, %arg2: memref<30336x128xf32, #tpu.memory_space<hbm>>, %arg3: memref<983040xi32, #tpu.memory_space<hbm>>, %arg4: memref<983040xi32, #tpu.memory_space<hbm>>, %arg5: memref<632x128xf32, #tpu.memory_space<hbm>>, %arg6: memref<60672x128xf32, #tpu.memory_space<hbm>>, %arg7: memref<10240xi32, #tpu.memory_space<vmem>>, %arg8: memref<64xi32, #tpu.memory_space<vmem>>, %arg9: memref<64xi32, #tpu.memory_space<vmem>>, %arg10: memref<64xi32, #tpu.memory_space<vmem>>, %arg11: memref<64xi32, #tpu.memory_space<vmem>>, %arg12: memref<64x128xf32, #tpu.memory_space<vmem>>, %arg13: memref<64x128xf32, #tpu.memory_space<vmem>>, %arg14: memref<64x128xf32, #tpu.memory_space<vmem>>, %arg15: memref<64x128xf32, #tpu.memory_space<vmem>>, %arg16: memref<!tpu.dma_semaphore, #tpu.memory_space<semaphore_mem>>, %arg17: memref<!tpu.dma_semaphore, #tpu.memory_space<semaphore_mem>>, %arg18: memref<!tpu.dma_semaphore, #tpu.memory_space<semaphore_mem>>, %arg19: memref<!tpu.dma_semaphore, #tpu.memory_space<semaphore_mem>>, %arg20: memref<!tpu.dma_semaphore, #tpu.memory_space<semaphore_mem>>, %arg21: memref<!tpu.dma_semaphore, #tpu.memory_space<semaphore_mem>>, %arg22: memref<!tpu.dma_semaphore, #tpu.memory_space<semaphore_mem>>, %arg23: memref<!tpu.dma_semaphore, #tpu.memory_space<semaphore_mem>>, %arg24: memref<10112x128xf32, #tpu.memory_space<vmem_shared>>) attributes {dimension_semantics = [#tpu.dimension_semantics<core_parallel>, #tpu.dimension_semantics<subcore_parallel>], iteration_bounds = array<i64: 2, 16>, scalar_prefetch = 0 : i64, scratch_operands = 18 : i64, tpu.core_type = #tpu.core_type<sc_vector_subcore>, window_params = [{transform_indices = #map}, {transform_indices = #map1}, {transform_indices = #map1}, {transform_indices = #map}, {transform_indices = #map}]} {
    %mul3A = arith.constant 2 : i32
    %mul3A_0 = arith.muli %arg1, %mul3A : i32
    %add3A = arith.addi %mul3A_0, %arg0 : i32
    %mul3A_1 = arith.constant 632 : i32
    %mul3A_2 = arith.muli %arg1, %mul3A_1 : i32
    %add3A_3 = arith.constant 0 : i32
    %add3A_4 = arith.addi %add3A_3, %add3A : i32
    %mul3A_5 = arith.constant 10240 : i32
    %mul3A_6 = arith.muli %add3A_4, %mul3A_5 : i32
    %dma_start3A = tpu.memref_slice %arg3[%mul3A_6] : memref<983040xi32, #tpu.memory_space<hbm>> -> memref<10240xi32, #tpu.memory_space<hbm>>
    %dma_start3A_7 = tpu.memref_slice %arg3[%mul3A_6] : memref<983040xi32, #tpu.memory_space<hbm>> -> memref<10240xi32, #tpu.memory_space<hbm>>
    tpu.enqueue_dma source(%dma_start3A_7 : memref<10240xi32, #tpu.memory_space<hbm>>) target(%arg7 : memref<10240xi32, #tpu.memory_space<vmem>>) target_semaphore(%arg16 : memref<!tpu.dma_semaphore, #tpu.memory_space<semaphore_mem>>)
    "tpu.region"() ({
      %run_scoped3A = tpu.sem_alloc : memref<!tpu.dma_semaphore, #tpu.memory_space<semaphore_mem>>
      %dma_start3A_170 = arith.constant 0 : i32
      %dma_start3A_171 = tpu.memref_slice %arg24[%mul3A_2, %dma_start3A_170] : memref<10112x128xf32, #tpu.memory_space<vmem_shared>> -> memref<632x128xf32, #tpu.memory_space<vmem_shared>>
      tpu.enqueue_dma source(%arg5 : memref<632x128xf32, #tpu.memory_space<hbm>>) target(%dma_start3A_171 : memref<632x128xf32, #tpu.memory_space<vmem_shared>>) target_semaphore(%run_scoped3A : memref<!tpu.dma_semaphore, #tpu.memory_space<semaphore_mem>>)
      %dma_wait3A_172 = arith.constant 0 : i32
      %dma_wait3A_173 = tpu.memref_slice %arg24[%mul3A_2, %dma_wait3A_172] : memref<10112x128xf32, #tpu.memory_space<vmem_shared>> -> memref<632x128xf32, #tpu.memory_space<vmem_shared>>
      tpu.wait_dma2 semaphore(%run_scoped3A : memref<!tpu.dma_semaphore, #tpu.memory_space<semaphore_mem>>) src(%arg5 : memref<632x128xf32, #tpu.memory_space<hbm>>) dst(%dma_wait3A_173 : memref<632x128xf32, #tpu.memory_space<vmem_shared>>)
      tpu.yield
    }) : () -> ()
    %dma_wait3A = tpu.memref_slice %arg3[%mul3A_6] : memref<983040xi32, #tpu.memory_space<hbm>> -> memref<10240xi32, #tpu.memory_space<hbm>>
    %dma_wait3A_8 = tpu.memref_slice %arg3[%mul3A_6] : memref<983040xi32, #tpu.memory_space<hbm>> -> memref<10240xi32, #tpu.memory_space<hbm>>
    tpu.wait_dma2 semaphore(%arg16 : memref<!tpu.dma_semaphore, #tpu.memory_space<semaphore_mem>>) src(%dma_wait3A_8 : memref<10240xi32, #tpu.memory_space<hbm>>) dst(%arg7 : memref<10240xi32, #tpu.memory_space<vmem>>)
    %barrier3A = arith.constant 0 : index
    tpu.barrier barrier_id(%barrier3A)
    %dma_start3A_9 = arith.constant 0 : i32
    %dma_start3A_10 = tpu.memref_slice %arg7[%dma_start3A_9] : memref<10240xi32, #tpu.memory_space<vmem>> -> memref<64xi32, #tpu.memory_space<vmem>>
    %dma_start3A_11 = arith.constant 0 : i32
    %dma_start3A_12 = arith.constant 0 : i32
    %dma_start3A_13 = tpu.memref_slice %arg2[%dma_start3A_11, %dma_start3A_12] : memref<30336x128xf32, #tpu.memory_space<hbm>> -> memref<30336x128xf32, #tpu.memory_space<hbm>>
    tpu.enqueue_indirect_dma source(%dma_start3A_13 : memref<30336x128xf32, #tpu.memory_space<hbm>>) target(%arg12 : memref<64x128xf32, #tpu.memory_space<vmem>>) offsets(%dma_start3A_10 : memref<64xi32, #tpu.memory_space<vmem>>) semaphore(%arg16 : memref<!tpu.dma_semaphore, #tpu.memory_space<semaphore_mem>>)
    %add3A_14 = arith.constant 0 : i32
    %add3A_15 = arith.addi %mul3A_6, %add3A_14 : i32
    %dma_start3A_16 = tpu.memref_slice %arg4[%add3A_15] : memref<983040xi32, #tpu.memory_space<hbm>> -> memref<64xi32, #tpu.memory_space<hbm>>
    %dma_start3A_17 = tpu.memref_slice %arg4[%add3A_15] : memref<983040xi32, #tpu.memory_space<hbm>> -> memref<64xi32, #tpu.memory_space<hbm>>
    tpu.enqueue_dma source(%dma_start3A_17 : memref<64xi32, #tpu.memory_space<hbm>>) target(%arg8 : memref<64xi32, #tpu.memory_space<vmem>>) target_semaphore(%arg20 : memref<!tpu.dma_semaphore, #tpu.memory_space<semaphore_mem>>)
    %dma_start3A_18 = arith.constant 64 : i32
    %dma_start3A_19 = tpu.memref_slice %arg7[%dma_start3A_18] : memref<10240xi32, #tpu.memory_space<vmem>> -> memref<64xi32, #tpu.memory_space<vmem>>
    %dma_start3A_20 = arith.constant 0 : i32
    %dma_start3A_21 = arith.constant 0 : i32
    %dma_start3A_22 = tpu.memref_slice %arg2[%dma_start3A_20, %dma_start3A_21] : memref<30336x128xf32, #tpu.memory_space<hbm>> -> memref<30336x128xf32, #tpu.memory_space<hbm>>
    tpu.enqueue_indirect_dma source(%dma_start3A_22 : memref<30336x128xf32, #tpu.memory_space<hbm>>) target(%arg13 : memref<64x128xf32, #tpu.memory_space<vmem>>) offsets(%dma_start3A_19 : memref<64xi32, #tpu.memory_space<vmem>>) semaphore(%arg17 : memref<!tpu.dma_semaphore, #tpu.memory_space<semaphore_mem>>)
    %add3A_23 = arith.constant 64 : i32
    %add3A_24 = arith.addi %mul3A_6, %add3A_23 : i32
    %dma_start3A_25 = tpu.memref_slice %arg4[%add3A_24] : memref<983040xi32, #tpu.memory_space<hbm>> -> memref<64xi32, #tpu.memory_space<hbm>>
    %dma_start3A_26 = tpu.memref_slice %arg4[%add3A_24] : memref<983040xi32, #tpu.memory_space<hbm>> -> memref<64xi32, #tpu.memory_space<hbm>>
    tpu.enqueue_dma source(%dma_start3A_26 : memref<64xi32, #tpu.memory_space<hbm>>) target(%arg9 : memref<64xi32, #tpu.memory_space<vmem>>) target_semaphore(%arg21 : memref<!tpu.dma_semaphore, #tpu.memory_space<semaphore_mem>>)
    %dma_start3A_27 = arith.constant 128 : i32
    %dma_start3A_28 = tpu.memref_slice %arg7[%dma_start3A_27] : memref<10240xi32, #tpu.memory_space<vmem>> -> memref<64xi32, #tpu.memory_space<vmem>>
    %dma_start3A_29 = arith.constant 0 : i32
    %dma_start3A_30 = arith.constant 0 : i32
    %dma_start3A_31 = tpu.memref_slice %arg2[%dma_start3A_29, %dma_start3A_30] : memref<30336x128xf32, #tpu.memory_space<hbm>> -> memref<30336x128xf32, #tpu.memory_space<hbm>>
    tpu.enqueue_indirect_dma source(%dma_start3A_31 : memref<30336x128xf32, #tpu.memory_space<hbm>>) target(%arg14 : memref<64x128xf32, #tpu.memory_space<vmem>>) offsets(%dma_start3A_28 : memref<64xi32, #tpu.memory_space<vmem>>) semaphore(%arg18 : memref<!tpu.dma_semaphore, #tpu.memory_space<semaphore_mem>>)
    %add3A_32 = arith.constant 128 : i32
    %add3A_33 = arith.addi %mul3A_6, %add3A_32 : i32
    %dma_start3A_34 = tpu.memref_slice %arg4[%add3A_33] : memref<983040xi32, #tpu.memory_space<hbm>> -> memref<64xi32, #tpu.memory_space<hbm>>
    %dma_start3A_35 = tpu.memref_slice %arg4[%add3A_33] : memref<983040xi32, #tpu.memory_space<hbm>> -> memref<64xi32, #tpu.memory_space<hbm>>
    tpu.enqueue_dma source(%dma_start3A_35 : memref<64xi32, #tpu.memory_space<hbm>>) target(%arg10 : memref<64xi32, #tpu.memory_space<vmem>>) target_semaphore(%arg22 : memref<!tpu.dma_semaphore, #tpu.memory_space<semaphore_mem>>)
    %dma_start3A_36 = arith.constant 192 : i32
    %dma_start3A_37 = tpu.memref_slice %arg7[%dma_start3A_36] : memref<10240xi32, #tpu.memory_space<vmem>> -> memref<64xi32, #tpu.memory_space<vmem>>
    %dma_start3A_38 = arith.constant 0 : i32
    %dma_start3A_39 = arith.constant 0 : i32
    %dma_start3A_40 = tpu.memref_slice %arg2[%dma_start3A_38, %dma_start3A_39] : memref<30336x128xf32, #tpu.memory_space<hbm>> -> memref<30336x128xf32, #tpu.memory_space<hbm>>
    tpu.enqueue_indirect_dma source(%dma_start3A_40 : memref<30336x128xf32, #tpu.memory_space<hbm>>) target(%arg15 : memref<64x128xf32, #tpu.memory_space<vmem>>) offsets(%dma_start3A_37 : memref<64xi32, #tpu.memory_space<vmem>>) semaphore(%arg19 : memref<!tpu.dma_semaphore, #tpu.memory_space<semaphore_mem>>)
    %add3A_41 = arith.constant 192 : i32
    %add3A_42 = arith.addi %mul3A_6, %add3A_41 : i32
    %dma_start3A_43 = tpu.memref_slice %arg4[%add3A_42] : memref<983040xi32, #tpu.memory_space<hbm>> -> memref<64xi32, #tpu.memory_space<hbm>>
    %dma_start3A_44 = tpu.memref_slice %arg4[%add3A_42] : memref<983040xi32, #tpu.memory_space<hbm>> -> memref<64xi32, #tpu.memory_space<hbm>>
    tpu.enqueue_dma source(%dma_start3A_44 : memref<64xi32, #tpu.memory_space<hbm>>) target(%arg11 : memref<64xi32, #tpu.memory_space<vmem>>) target_semaphore(%arg23 : memref<!tpu.dma_semaphore, #tpu.memory_space<semaphore_mem>>)
    %scan3A = arith.constant 0 : i32
    %scan3A_45 = arith.constant 0 : i32
    %scan3A_46 = arith.constant 40 : i32
    %scan3A_47 = arith.addi %scan3A_45, %scan3A_46 : i32
    %scan3A_48 = arith.constant 1 : i32
    scf.for %scan3A_170 = %scan3A_45 to %scan3A_47 step %scan3A_48  : i32 {
      %mul3A_171 = arith.constant 256 : i32
      %mul3A_172 = arith.muli %scan3A_170, %mul3A_171 : i32
      %add3A_173 = arith.constant 0 : i32
      %add3A_174 = arith.addi %mul3A_172, %add3A_173 : i32
      %add3A_175 = arith.addi %mul3A_6, %add3A_174 : i32
      %dma_wait3A_176 = tpu.memref_slice %arg4[%add3A_175] : memref<983040xi32, #tpu.memory_space<hbm>> -> memref<64xi32, #tpu.memory_space<hbm>>
      %dma_wait3A_177 = tpu.memref_slice %arg4[%add3A_175] : memref<983040xi32, #tpu.memory_space<hbm>> -> memref<64xi32, #tpu.memory_space<hbm>>
      tpu.wait_dma2 semaphore(%arg20 : memref<!tpu.dma_semaphore, #tpu.memory_space<semaphore_mem>>) src(%dma_wait3A_177 : memref<64xi32, #tpu.memory_space<hbm>>) dst(%arg8 : memref<64xi32, #tpu.memory_space<vmem>>)
      %dma_wait3A_178 = tpu.memref_slice %arg7[%add3A_174] : memref<10240xi32, #tpu.memory_space<vmem>> -> memref<64xi32, #tpu.memory_space<vmem>>
      %dma_wait3A_179 = arith.constant 0 : i32
      %dma_wait3A_180 = arith.constant 0 : i32
      %dma_wait3A_181 = tpu.memref_slice %arg2[%dma_wait3A_179, %dma_wait3A_180] : memref<30336x128xf32, #tpu.memory_space<hbm>> -> memref<30336x128xf32, #tpu.memory_space<hbm>>
      tpu.wait_indirect_dma semaphore(%arg16 : memref<!tpu.dma_semaphore, #tpu.memory_space<semaphore_mem>>) src(%dma_wait3A_181 : memref<30336x128xf32, #tpu.memory_space<hbm>>) dst(%arg12 : memref<64x128xf32, #tpu.memory_space<vmem>>)
      "tpu.region"() ({
        %run_scoped3A = tpu.sem_alloc : memref<!tpu.dma_semaphore, #tpu.memory_space<semaphore_mem>>
        %dma_start3A_226 = arith.constant 0 : i32
        %dma_start3A_227 = arith.constant 0 : i32
        %dma_start3A_228 = tpu.memref_slice %arg24[%dma_start3A_226, %dma_start3A_227] : memref<10112x128xf32, #tpu.memory_space<vmem_shared>> -> memref<10112x128xf32, #tpu.memory_space<vmem_shared>>
        tpu.enqueue_indirect_dma source(%arg12 : memref<64x128xf32, #tpu.memory_space<vmem>>) target(%dma_start3A_228 : memref<10112x128xf32, #tpu.memory_space<vmem_shared>>) offsets(%arg8 : memref<64xi32, #tpu.memory_space<vmem>>) semaphore(%run_scoped3A : memref<!tpu.dma_semaphore, #tpu.memory_space<semaphore_mem>>) {add = true}
        %dma_wait3A_229 = arith.constant 0 : i32
        %dma_wait3A_230 = arith.constant 0 : i32
        %dma_wait3A_231 = tpu.memref_slice %arg24[%dma_wait3A_229, %dma_wait3A_230] : memref<10112x128xf32, #tpu.memory_space<vmem_shared>> -> memref<10112x128xf32, #tpu.memory_space<vmem_shared>>
        tpu.wait_indirect_dma semaphore(%run_scoped3A : memref<!tpu.dma_semaphore, #tpu.memory_space<semaphore_mem>>) src(%arg12 : memref<64x128xf32, #tpu.memory_space<vmem>>) dst(%dma_wait3A_231 : memref<10112x128xf32, #tpu.memory_space<vmem_shared>>)
        tpu.yield
      }) : () -> ()
      %lt3A = arith.constant 39 : i32
      %lt3A_182 = arith.cmpi slt, %scan3A_170, %lt3A : i32
      %convert_element_type3A = arith.extui %lt3A_182 : i1 to i32
      %cond3A = arith.constant 0 : i32
      %cond3A_183 = arith.cmpi ne, %convert_element_type3A, %cond3A : i32
      scf.if %cond3A_183 {
        %add3A_226 = arith.constant 256 : i32
        %add3A_227 = arith.addi %add3A_174, %add3A_226 : i32
        %dma_start3A_228 = tpu.memref_slice %arg7[%add3A_227] : memref<10240xi32, #tpu.memory_space<vmem>> -> memref<64xi32, #tpu.memory_space<vmem>>
        %dma_start3A_229 = arith.constant 0 : i32
        %dma_start3A_230 = arith.constant 0 : i32
        %dma_start3A_231 = tpu.memref_slice %arg2[%dma_start3A_229, %dma_start3A_230] : memref<30336x128xf32, #tpu.memory_space<hbm>> -> memref<30336x128xf32, #tpu.memory_space<hbm>>
        tpu.enqueue_indirect_dma source(%dma_start3A_231 : memref<30336x128xf32, #tpu.memory_space<hbm>>) target(%arg12 : memref<64x128xf32, #tpu.memory_space<vmem>>) offsets(%dma_start3A_228 : memref<64xi32, #tpu.memory_space<vmem>>) semaphore(%arg16 : memref<!tpu.dma_semaphore, #tpu.memory_space<semaphore_mem>>)
        %add3A_232 = arith.addi %mul3A_6, %add3A_227 : i32
        %dma_start3A_233 = tpu.memref_slice %arg4[%add3A_232] : memref<983040xi32, #tpu.memory_space<hbm>> -> memref<64xi32, #tpu.memory_space<hbm>>
        %dma_start3A_234 = tpu.memref_slice %arg4[%add3A_232] : memref<983040xi32, #tpu.memory_space<hbm>> -> memref<64xi32, #tpu.memory_space<hbm>>
        tpu.enqueue_dma source(%dma_start3A_234 : memref<64xi32, #tpu.memory_space<hbm>>) target(%arg8 : memref<64xi32, #tpu.memory_space<vmem>>) target_semaphore(%arg20 : memref<!tpu.dma_semaphore, #tpu.memory_space<semaphore_mem>>)
      } else {
      }
      %add3A_184 = arith.constant 64 : i32
      %add3A_185 = arith.addi %mul3A_172, %add3A_184 : i32
      %add3A_186 = arith.addi %mul3A_6, %add3A_185 : i32
      %dma_wait3A_187 = tpu.memref_slice %arg4[%add3A_186] : memref<983040xi32, #tpu.memory_space<hbm>> -> memref<64xi32, #tpu.memory_space<hbm>>
      %dma_wait3A_188 = tpu.memref_slice %arg4[%add3A_186] : memref<983040xi32, #tpu.memory_space<hbm>> -> memref<64xi32, #tpu.memory_space<hbm>>
      tpu.wait_dma2 semaphore(%arg21 : memref<!tpu.dma_semaphore, #tpu.memory_space<semaphore_mem>>) src(%dma_wait3A_188 : memref<64xi32, #tpu.memory_space<hbm>>) dst(%arg9 : memref<64xi32, #tpu.memory_space<vmem>>)
      %dma_wait3A_189 = tpu.memref_slice %arg7[%add3A_185] : memref<10240xi32, #tpu.memory_space<vmem>> -> memref<64xi32, #tpu.memory_space<vmem>>
      %dma_wait3A_190 = arith.constant 0 : i32
      %dma_wait3A_191 = arith.constant 0 : i32
      %dma_wait3A_192 = tpu.memref_slice %arg2[%dma_wait3A_190, %dma_wait3A_191] : memref<30336x128xf32, #tpu.memory_space<hbm>> -> memref<30336x128xf32, #tpu.memory_space<hbm>>
      tpu.wait_indirect_dma semaphore(%arg17 : memref<!tpu.dma_semaphore, #tpu.memory_space<semaphore_mem>>) src(%dma_wait3A_192 : memref<30336x128xf32, #tpu.memory_space<hbm>>) dst(%arg13 : memref<64x128xf32, #tpu.memory_space<vmem>>)
      "tpu.region"() ({
        %run_scoped3A = tpu.sem_alloc : memref<!tpu.dma_semaphore, #tpu.memory_space<semaphore_mem>>
        %dma_start3A_226 = arith.constant 0 : i32
        %dma_start3A_227 = arith.constant 0 : i32
        %dma_start3A_228 = tpu.memref_slice %arg24[%dma_start3A_226, %dma_start3A_227] : memref<10112x128xf32, #tpu.memory_space<vmem_shared>> -> memref<10112x128xf32, #tpu.memory_space<vmem_shared>>
        tpu.enqueue_indirect_dma source(%arg13 : memref<64x128xf32, #tpu.memory_space<vmem>>) target(%dma_start3A_228 : memref<10112x128xf32, #tpu.memory_space<vmem_shared>>) offsets(%arg9 : memref<64xi32, #tpu.memory_space<vmem>>) semaphore(%run_scoped3A : memref<!tpu.dma_semaphore, #tpu.memory_space<semaphore_mem>>) {add = true}
        %dma_wait3A_229 = arith.constant 0 : i32
        %dma_wait3A_230 = arith.constant 0 : i32
        %dma_wait3A_231 = tpu.memref_slice %arg24[%dma_wait3A_229, %dma_wait3A_230] : memref<10112x128xf32, #tpu.memory_space<vmem_shared>> -> memref<10112x128xf32, #tpu.memory_space<vmem_shared>>
        tpu.wait_indirect_dma semaphore(%run_scoped3A : memref<!tpu.dma_semaphore, #tpu.memory_space<semaphore_mem>>) src(%arg13 : memref<64x128xf32, #tpu.memory_space<vmem>>) dst(%dma_wait3A_231 : memref<10112x128xf32, #tpu.memory_space<vmem_shared>>)
        tpu.yield
      }) : () -> ()
      %lt3A_193 = arith.constant 39 : i32
      %lt3A_194 = arith.cmpi slt, %scan3A_170, %lt3A_193 : i32
      %convert_element_type3A_195 = arith.extui %lt3A_194 : i1 to i32
      %cond3A_196 = arith.constant 0 : i32
      %cond3A_197 = arith.cmpi ne, %convert_element_type3A_195, %cond3A_196 : i32
      scf.if %cond3A_197 {
        %add3A_226 = arith.constant 256 : i32
        %add3A_227 = arith.addi %add3A_185, %add3A_226 : i32
        %dma_start3A_228 = tpu.memref_slice %arg7[%add3A_227] : memref<10240xi32, #tpu.memory_space<vmem>> -> memref<64xi32, #tpu.memory_space<vmem>>
        %dma_start3A_229 = arith.constant 0 : i32
        %dma_start3A_230 = arith.constant 0 : i32
        %dma_start3A_231 = tpu.memref_slice %arg2[%dma_start3A_229, %dma_start3A_230] : memref<30336x128xf32, #tpu.memory_space<hbm>> -> memref<30336x128xf32, #tpu.memory_space<hbm>>
        tpu.enqueue_indirect_dma source(%dma_start3A_231 : memref<30336x128xf32, #tpu.memory_space<hbm>>) target(%arg13 : memref<64x128xf32, #tpu.memory_space<vmem>>) offsets(%dma_start3A_228 : memref<64xi32, #tpu.memory_space<vmem>>) semaphore(%arg17 : memref<!tpu.dma_semaphore, #tpu.memory_space<semaphore_mem>>)
        %add3A_232 = arith.addi %mul3A_6, %add3A_227 : i32
        %dma_start3A_233 = tpu.memref_slice %arg4[%add3A_232] : memref<983040xi32, #tpu.memory_space<hbm>> -> memref<64xi32, #tpu.memory_space<hbm>>
        %dma_start3A_234 = tpu.memref_slice %arg4[%add3A_232] : memref<983040xi32, #tpu.memory_space<hbm>> -> memref<64xi32, #tpu.memory_space<hbm>>
        tpu.enqueue_dma source(%dma_start3A_234 : memref<64xi32, #tpu.memory_space<hbm>>) target(%arg9 : memref<64xi32, #tpu.memory_space<vmem>>) target_semaphore(%arg21 : memref<!tpu.dma_semaphore, #tpu.memory_space<semaphore_mem>>)
      } else {
      }
      %add3A_198 = arith.constant 128 : i32
      %add3A_199 = arith.addi %mul3A_172, %add3A_198 : i32
      %add3A_200 = arith.addi %mul3A_6, %add3A_199 : i32
      %dma_wait3A_201 = tpu.memref_slice %arg4[%add3A_200] : memref<983040xi32, #tpu.memory_space<hbm>> -> memref<64xi32, #tpu.memory_space<hbm>>
      %dma_wait3A_202 = tpu.memref_slice %arg4[%add3A_200] : memref<983040xi32, #tpu.memory_space<hbm>> -> memref<64xi32, #tpu.memory_space<hbm>>
      tpu.wait_dma2 semaphore(%arg22 : memref<!tpu.dma_semaphore, #tpu.memory_space<semaphore_mem>>) src(%dma_wait3A_202 : memref<64xi32, #tpu.memory_space<hbm>>) dst(%arg10 : memref<64xi32, #tpu.memory_space<vmem>>)
      %dma_wait3A_203 = tpu.memref_slice %arg7[%add3A_199] : memref<10240xi32, #tpu.memory_space<vmem>> -> memref<64xi32, #tpu.memory_space<vmem>>
      %dma_wait3A_204 = arith.constant 0 : i32
      %dma_wait3A_205 = arith.constant 0 : i32
      %dma_wait3A_206 = tpu.memref_slice %arg2[%dma_wait3A_204, %dma_wait3A_205] : memref<30336x128xf32, #tpu.memory_space<hbm>> -> memref<30336x128xf32, #tpu.memory_space<hbm>>
      tpu.wait_indirect_dma semaphore(%arg18 : memref<!tpu.dma_semaphore, #tpu.memory_space<semaphore_mem>>) src(%dma_wait3A_206 : memref<30336x128xf32, #tpu.memory_space<hbm>>) dst(%arg14 : memref<64x128xf32, #tpu.memory_space<vmem>>)
      "tpu.region"() ({
        %run_scoped3A = tpu.sem_alloc : memref<!tpu.dma_semaphore, #tpu.memory_space<semaphore_mem>>
        %dma_start3A_226 = arith.constant 0 : i32
        %dma_start3A_227 = arith.constant 0 : i32
        %dma_start3A_228 = tpu.memref_slice %arg24[%dma_start3A_226, %dma_start3A_227] : memref<10112x128xf32, #tpu.memory_space<vmem_shared>> -> memref<10112x128xf32, #tpu.memory_space<vmem_shared>>
        tpu.enqueue_indirect_dma source(%arg14 : memref<64x128xf32, #tpu.memory_space<vmem>>) target(%dma_start3A_228 : memref<10112x128xf32, #tpu.memory_space<vmem_shared>>) offsets(%arg10 : memref<64xi32, #tpu.memory_space<vmem>>) semaphore(%run_scoped3A : memref<!tpu.dma_semaphore, #tpu.memory_space<semaphore_mem>>) {add = true}
        %dma_wait3A_229 = arith.constant 0 : i32
        %dma_wait3A_230 = arith.constant 0 : i32
        %dma_wait3A_231 = tpu.memref_slice %arg24[%dma_wait3A_229, %dma_wait3A_230] : memref<10112x128xf32, #tpu.memory_space<vmem_shared>> -> memref<10112x128xf32, #tpu.memory_space<vmem_shared>>
        tpu.wait_indirect_dma semaphore(%run_scoped3A : memref<!tpu.dma_semaphore, #tpu.memory_space<semaphore_mem>>) src(%arg14 : memref<64x128xf32, #tpu.memory_space<vmem>>) dst(%dma_wait3A_231 : memref<10112x128xf32, #tpu.memory_space<vmem_shared>>)
        tpu.yield
      }) : () -> ()
      %lt3A_207 = arith.constant 39 : i32
      %lt3A_208 = arith.cmpi slt, %scan3A_170, %lt3A_207 : i32
      %convert_element_type3A_209 = arith.extui %lt3A_208 : i1 to i32
      %cond3A_210 = arith.constant 0 : i32
      %cond3A_211 = arith.cmpi ne, %convert_element_type3A_209, %cond3A_210 : i32
      scf.if %cond3A_211 {
        %add3A_226 = arith.constant 256 : i32
        %add3A_227 = arith.addi %add3A_199, %add3A_226 : i32
        %dma_start3A_228 = tpu.memref_slice %arg7[%add3A_227] : memref<10240xi32, #tpu.memory_space<vmem>> -> memref<64xi32, #tpu.memory_space<vmem>>
        %dma_start3A_229 = arith.constant 0 : i32
        %dma_start3A_230 = arith.constant 0 : i32
        %dma_start3A_231 = tpu.memref_slice %arg2[%dma_start3A_229, %dma_start3A_230] : memref<30336x128xf32, #tpu.memory_space<hbm>> -> memref<30336x128xf32, #tpu.memory_space<hbm>>
        tpu.enqueue_indirect_dma source(%dma_start3A_231 : memref<30336x128xf32, #tpu.memory_space<hbm>>) target(%arg14 : memref<64x128xf32, #tpu.memory_space<vmem>>) offsets(%dma_start3A_228 : memref<64xi32, #tpu.memory_space<vmem>>) semaphore(%arg18 : memref<!tpu.dma_semaphore, #tpu.memory_space<semaphore_mem>>)
        %add3A_232 = arith.addi %mul3A_6, %add3A_227 : i32
        %dma_start3A_233 = tpu.memref_slice %arg4[%add3A_232] : memref<983040xi32, #tpu.memory_space<hbm>> -> memref<64xi32, #tpu.memory_space<hbm>>
        %dma_start3A_234 = tpu.memref_slice %arg4[%add3A_232] : memref<983040xi32, #tpu.memory_space<hbm>> -> memref<64xi32, #tpu.memory_space<hbm>>
        tpu.enqueue_dma source(%dma_start3A_234 : memref<64xi32, #tpu.memory_space<hbm>>) target(%arg10 : memref<64xi32, #tpu.memory_space<vmem>>) target_semaphore(%arg22 : memref<!tpu.dma_semaphore, #tpu.memory_space<semaphore_mem>>)
      } else {
      }
      %add3A_212 = arith.constant 192 : i32
      %add3A_213 = arith.addi %mul3A_172, %add3A_212 : i32
      %add3A_214 = arith.addi %mul3A_6, %add3A_213 : i32
      %dma_wait3A_215 = tpu.memref_slice %arg4[%add3A_214] : memref<983040xi32, #tpu.memory_space<hbm>> -> memref<64xi32, #tpu.memory_space<hbm>>
      %dma_wait3A_216 = tpu.memref_slice %arg4[%add3A_214] : memref<983040xi32, #tpu.memory_space<hbm>> -> memref<64xi32, #tpu.memory_space<hbm>>
      tpu.wait_dma2 semaphore(%arg23 : memref<!tpu.dma_semaphore, #tpu.memory_space<semaphore_mem>>) src(%dma_wait3A_216 : memref<64xi32, #tpu.memory_space<hbm>>) dst(%arg11 : memref<64xi32, #tpu.memory_space<vmem>>)
      %dma_wait3A_217 = tpu.memref_slice %arg7[%add3A_213] : memref<10240xi32, #tpu.memory_space<vmem>> -> memref<64xi32, #tpu.memory_space<vmem>>
      %dma_wait3A_218 = arith.constant 0 : i32
      %dma_wait3A_219 = arith.constant 0 : i32
      %dma_wait3A_220 = tpu.memref_slice %arg2[%dma_wait3A_218, %dma_wait3A_219] : memref<30336x128xf32, #tpu.memory_space<hbm>> -> memref<30336x128xf32, #tpu.memory_space<hbm>>
      tpu.wait_indirect_dma semaphore(%arg19 : memref<!tpu.dma_semaphore, #tpu.memory_space<semaphore_mem>>) src(%dma_wait3A_220 : memref<30336x128xf32, #tpu.memory_space<hbm>>) dst(%arg15 : memref<64x128xf32, #tpu.memory_space<vmem>>)
      "tpu.region"() ({
        %run_scoped3A = tpu.sem_alloc : memref<!tpu.dma_semaphore, #tpu.memory_space<semaphore_mem>>
        %dma_start3A_226 = arith.constant 0 : i32
        %dma_start3A_227 = arith.constant 0 : i32
        %dma_start3A_228 = tpu.memref_slice %arg24[%dma_start3A_226, %dma_start3A_227] : memref<10112x128xf32, #tpu.memory_space<vmem_shared>> -> memref<10112x128xf32, #tpu.memory_space<vmem_shared>>
        tpu.enqueue_indirect_dma source(%arg15 : memref<64x128xf32, #tpu.memory_space<vmem>>) target(%dma_start3A_228 : memref<10112x128xf32, #tpu.memory_space<vmem_shared>>) offsets(%arg11 : memref<64xi32, #tpu.memory_space<vmem>>) semaphore(%run_scoped3A : memref<!tpu.dma_semaphore, #tpu.memory_space<semaphore_mem>>) {add = true}
        %dma_wait3A_229 = arith.constant 0 : i32
        %dma_wait3A_230 = arith.constant 0 : i32
        %dma_wait3A_231 = tpu.memref_slice %arg24[%dma_wait3A_229, %dma_wait3A_230] : memref<10112x128xf32, #tpu.memory_space<vmem_shared>> -> memref<10112x128xf32, #tpu.memory_space<vmem_shared>>
        tpu.wait_indirect_dma semaphore(%run_scoped3A : memref<!tpu.dma_semaphore, #tpu.memory_space<semaphore_mem>>) src(%arg15 : memref<64x128xf32, #tpu.memory_space<vmem>>) dst(%dma_wait3A_231 : memref<10112x128xf32, #tpu.memory_space<vmem_shared>>)
        tpu.yield
      }) : () -> ()
      %lt3A_221 = arith.constant 39 : i32
      %lt3A_222 = arith.cmpi slt, %scan3A_170, %lt3A_221 : i32
      %convert_element_type3A_223 = arith.extui %lt3A_222 : i1 to i32
      %cond3A_224 = arith.constant 0 : i32
      %cond3A_225 = arith.cmpi ne, %convert_element_type3A_223, %cond3A_224 : i32
      scf.if %cond3A_225 {
        %add3A_226 = arith.constant 256 : i32
        %add3A_227 = arith.addi %add3A_213, %add3A_226 : i32
        %dma_start3A_228 = tpu.memref_slice %arg7[%add3A_227] : memref<10240xi32, #tpu.memory_space<vmem>> -> memref<64xi32, #tpu.memory_space<vmem>>
        %dma_start3A_229 = arith.constant 0 : i32
        %dma_start3A_230 = arith.constant 0 : i32
        %dma_start3A_231 = tpu.memref_slice %arg2[%dma_start3A_229, %dma_start3A_230] : memref<30336x128xf32, #tpu.memory_space<hbm>> -> memref<30336x128xf32, #tpu.memory_space<hbm>>
        tpu.enqueue_indirect_dma source(%dma_start3A_231 : memref<30336x128xf32, #tpu.memory_space<hbm>>) target(%arg15 : memref<64x128xf32, #tpu.memory_space<vmem>>) offsets(%dma_start3A_228 : memref<64xi32, #tpu.memory_space<vmem>>) semaphore(%arg19 : memref<!tpu.dma_semaphore, #tpu.memory_space<semaphore_mem>>)
        %add3A_232 = arith.addi %mul3A_6, %add3A_227 : i32
        %dma_start3A_233 = tpu.memref_slice %arg4[%add3A_232] : memref<983040xi32, #tpu.memory_space<hbm>> -> memref<64xi32, #tpu.memory_space<hbm>>
        %dma_start3A_234 = tpu.memref_slice %arg4[%add3A_232] : memref<983040xi32, #tpu.memory_space<hbm>> -> memref<64xi32, #tpu.memory_space<hbm>>
        tpu.enqueue_dma source(%dma_start3A_234 : memref<64xi32, #tpu.memory_space<hbm>>) target(%arg11 : memref<64xi32, #tpu.memory_space<vmem>>) target_semaphore(%arg23 : memref<!tpu.dma_semaphore, #tpu.memory_space<semaphore_mem>>)
      } else {
      }
    }
    %scan3A_49 = arith.constant 40 : i32
    %barrier3A_50 = arith.constant 0 : index
    tpu.barrier barrier_id(%barrier3A_50)
    %mul3A_51 = arith.constant 30336 : i32
    %mul3A_52 = arith.muli %arg0, %mul3A_51 : i32
    %add3A_53 = arith.constant 0 : i32
    %add3A_54 = arith.addi %mul3A_52, %add3A_53 : i32
    %add3A_55 = arith.addi %add3A_54, %mul3A_2 : i32
    "tpu.region"() ({
      %run_scoped3A = tpu.sem_alloc : memref<!tpu.dma_semaphore, #tpu.memory_space<semaphore_mem>>
      %dma_start3A_170 = arith.constant 0 : i32
      %dma_start3A_171 = tpu.memref_slice %arg6[%add3A_55, %dma_start3A_170] : memref<60672x128xf32, #tpu.memory_space<hbm>> -> memref<632x128xf32, #tpu.memory_space<hbm>>
      %dma_start3A_172 = arith.constant 0 : i32
      %dma_start3A_173 = tpu.memref_slice %arg24[%mul3A_2, %dma_start3A_172] : memref<10112x128xf32, #tpu.memory_space<vmem_shared>> -> memref<632x128xf32, #tpu.memory_space<vmem_shared>>
      tpu.enqueue_dma source(%dma_start3A_173 : memref<632x128xf32, #tpu.memory_space<vmem_shared>>) target(%dma_start3A_171 : memref<632x128xf32, #tpu.memory_space<hbm>>) target_semaphore(%run_scoped3A : memref<!tpu.dma_semaphore, #tpu.memory_space<semaphore_mem>>)
      %dma_wait3A_174 = arith.constant 0 : i32
      %dma_wait3A_175 = tpu.memref_slice %arg6[%add3A_55, %dma_wait3A_174] : memref<60672x128xf32, #tpu.memory_space<hbm>> -> memref<632x128xf32, #tpu.memory_space<hbm>>
      %dma_wait3A_176 = arith.constant 0 : i32
      %dma_wait3A_177 = tpu.memref_slice %arg24[%mul3A_2, %dma_wait3A_176] : memref<10112x128xf32, #tpu.memory_space<vmem_shared>> -> memref<632x128xf32, #tpu.memory_space<vmem_shared>>
      tpu.wait_dma2 semaphore(%run_scoped3A : memref<!tpu.dma_semaphore, #tpu.memory_space<semaphore_mem>>) src(%dma_wait3A_177 : memref<632x128xf32, #tpu.memory_space<vmem_shared>>) dst(%dma_wait3A_175 : memref<632x128xf32, #tpu.memory_space<hbm>>)
      tpu.yield
    }) : () -> ()
    %add3A_56 = arith.constant 32 : i32
    %add3A_57 = arith.addi %add3A_56, %add3A : i32
    %mul3A_58 = arith.constant 10240 : i32
    %mul3A_59 = arith.muli %add3A_57, %mul3A_58 : i32
    %dma_start3A_60 = tpu.memref_slice %arg3[%mul3A_59] : memref<983040xi32, #tpu.memory_space<hbm>> -> memref<10240xi32, #tpu.memory_space<hbm>>
    %dma_start3A_61 = tpu.memref_slice %arg3[%mul3A_59] : memref<983040xi32, #tpu.memory_space<hbm>> -> memref<10240xi32, #tpu.memory_space<hbm>>
    tpu.enqueue_dma source(%dma_start3A_61 : memref<10240xi32, #tpu.memory_space<hbm>>) target(%arg7 : memref<10240xi32, #tpu.memory_space<vmem>>) target_semaphore(%arg16 : memref<!tpu.dma_semaphore, #tpu.memory_space<semaphore_mem>>)
    "tpu.region"() ({
      %run_scoped3A = tpu.sem_alloc : memref<!tpu.dma_semaphore, #tpu.memory_space<semaphore_mem>>
      %dma_start3A_170 = arith.constant 0 : i32
      %dma_start3A_171 = tpu.memref_slice %arg24[%mul3A_2, %dma_start3A_170] : memref<10112x128xf32, #tpu.memory_space<vmem_shared>> -> memref<632x128xf32, #tpu.memory_space<vmem_shared>>
      tpu.enqueue_dma source(%arg5 : memref<632x128xf32, #tpu.memory_space<hbm>>) target(%dma_start3A_171 : memref<632x128xf32, #tpu.memory_space<vmem_shared>>) target_semaphore(%run_scoped3A : memref<!tpu.dma_semaphore, #tpu.memory_space<semaphore_mem>>)
      %dma_wait3A_172 = arith.constant 0 : i32
      %dma_wait3A_173 = tpu.memref_slice %arg24[%mul3A_2, %dma_wait3A_172] : memref<10112x128xf32, #tpu.memory_space<vmem_shared>> -> memref<632x128xf32, #tpu.memory_space<vmem_shared>>
      tpu.wait_dma2 semaphore(%run_scoped3A : memref<!tpu.dma_semaphore, #tpu.memory_space<semaphore_mem>>) src(%arg5 : memref<632x128xf32, #tpu.memory_space<hbm>>) dst(%dma_wait3A_173 : memref<632x128xf32, #tpu.memory_space<vmem_shared>>)
      tpu.yield
    }) : () -> ()
    %dma_wait3A_62 = tpu.memref_slice %arg3[%mul3A_59] : memref<983040xi32, #tpu.memory_space<hbm>> -> memref<10240xi32, #tpu.memory_space<hbm>>
    %dma_wait3A_63 = tpu.memref_slice %arg3[%mul3A_59] : memref<983040xi32, #tpu.memory_space<hbm>> -> memref<10240xi32, #tpu.memory_space<hbm>>
    tpu.wait_dma2 semaphore(%arg16 : memref<!tpu.dma_semaphore, #tpu.memory_space<semaphore_mem>>) src(%dma_wait3A_63 : memref<10240xi32, #tpu.memory_space<hbm>>) dst(%arg7 : memref<10240xi32, #tpu.memory_space<vmem>>)
    %barrier3A_64 = arith.constant 0 : index
    tpu.barrier barrier_id(%barrier3A_64)
    %dma_start3A_65 = arith.constant 0 : i32
    %dma_start3A_66 = tpu.memref_slice %arg7[%dma_start3A_65] : memref<10240xi32, #tpu.memory_space<vmem>> -> memref<64xi32, #tpu.memory_space<vmem>>
    %dma_start3A_67 = arith.constant 0 : i32
    %dma_start3A_68 = arith.constant 0 : i32
    %dma_start3A_69 = tpu.memref_slice %arg2[%dma_start3A_67, %dma_start3A_68] : memref<30336x128xf32, #tpu.memory_space<hbm>> -> memref<30336x128xf32, #tpu.memory_space<hbm>>
    tpu.enqueue_indirect_dma source(%dma_start3A_69 : memref<30336x128xf32, #tpu.memory_space<hbm>>) target(%arg12 : memref<64x128xf32, #tpu.memory_space<vmem>>) offsets(%dma_start3A_66 : memref<64xi32, #tpu.memory_space<vmem>>) semaphore(%arg16 : memref<!tpu.dma_semaphore, #tpu.memory_space<semaphore_mem>>)
    %add3A_70 = arith.constant 0 : i32
    %add3A_71 = arith.addi %mul3A_59, %add3A_70 : i32
    %dma_start3A_72 = tpu.memref_slice %arg4[%add3A_71] : memref<983040xi32, #tpu.memory_space<hbm>> -> memref<64xi32, #tpu.memory_space<hbm>>
    %dma_start3A_73 = tpu.memref_slice %arg4[%add3A_71] : memref<983040xi32, #tpu.memory_space<hbm>> -> memref<64xi32, #tpu.memory_space<hbm>>
    tpu.enqueue_dma source(%dma_start3A_73 : memref<64xi32, #tpu.memory_space<hbm>>) target(%arg8 : memref<64xi32, #tpu.memory_space<vmem>>) target_semaphore(%arg20 : memref<!tpu.dma_semaphore, #tpu.memory_space<semaphore_mem>>)
    %dma_start3A_74 = arith.constant 64 : i32
    %dma_start3A_75 = tpu.memref_slice %arg7[%dma_start3A_74] : memref<10240xi32, #tpu.memory_space<vmem>> -> memref<64xi32, #tpu.memory_space<vmem>>
    %dma_start3A_76 = arith.constant 0 : i32
    %dma_start3A_77 = arith.constant 0 : i32
    %dma_start3A_78 = tpu.memref_slice %arg2[%dma_start3A_76, %dma_start3A_77] : memref<30336x128xf32, #tpu.memory_space<hbm>> -> memref<30336x128xf32, #tpu.memory_space<hbm>>
    tpu.enqueue_indirect_dma source(%dma_start3A_78 : memref<30336x128xf32, #tpu.memory_space<hbm>>) target(%arg13 : memref<64x128xf32, #tpu.memory_space<vmem>>) offsets(%dma_start3A_75 : memref<64xi32, #tpu.memory_space<vmem>>) semaphore(%arg17 : memref<!tpu.dma_semaphore, #tpu.memory_space<semaphore_mem>>)
    %add3A_79 = arith.constant 64 : i32
    %add3A_80 = arith.addi %mul3A_59, %add3A_79 : i32
    %dma_start3A_81 = tpu.memref_slice %arg4[%add3A_80] : memref<983040xi32, #tpu.memory_space<hbm>> -> memref<64xi32, #tpu.memory_space<hbm>>
    %dma_start3A_82 = tpu.memref_slice %arg4[%add3A_80] : memref<983040xi32, #tpu.memory_space<hbm>> -> memref<64xi32, #tpu.memory_space<hbm>>
    tpu.enqueue_dma source(%dma_start3A_82 : memref<64xi32, #tpu.memory_space<hbm>>) target(%arg9 : memref<64xi32, #tpu.memory_space<vmem>>) target_semaphore(%arg21 : memref<!tpu.dma_semaphore, #tpu.memory_space<semaphore_mem>>)
    %dma_start3A_83 = arith.constant 128 : i32
    %dma_start3A_84 = tpu.memref_slice %arg7[%dma_start3A_83] : memref<10240xi32, #tpu.memory_space<vmem>> -> memref<64xi32, #tpu.memory_space<vmem>>
    %dma_start3A_85 = arith.constant 0 : i32
    %dma_start3A_86 = arith.constant 0 : i32
    %dma_start3A_87 = tpu.memref_slice %arg2[%dma_start3A_85, %dma_start3A_86] : memref<30336x128xf32, #tpu.memory_space<hbm>> -> memref<30336x128xf32, #tpu.memory_space<hbm>>
    tpu.enqueue_indirect_dma source(%dma_start3A_87 : memref<30336x128xf32, #tpu.memory_space<hbm>>) target(%arg14 : memref<64x128xf32, #tpu.memory_space<vmem>>) offsets(%dma_start3A_84 : memref<64xi32, #tpu.memory_space<vmem>>) semaphore(%arg18 : memref<!tpu.dma_semaphore, #tpu.memory_space<semaphore_mem>>)
    %add3A_88 = arith.constant 128 : i32
    %add3A_89 = arith.addi %mul3A_59, %add3A_88 : i32
    %dma_start3A_90 = tpu.memref_slice %arg4[%add3A_89] : memref<983040xi32, #tpu.memory_space<hbm>> -> memref<64xi32, #tpu.memory_space<hbm>>
    %dma_start3A_91 = tpu.memref_slice %arg4[%add3A_89] : memref<983040xi32, #tpu.memory_space<hbm>> -> memref<64xi32, #tpu.memory_space<hbm>>
    tpu.enqueue_dma source(%dma_start3A_91 : memref<64xi32, #tpu.memory_space<hbm>>) target(%arg10 : memref<64xi32, #tpu.memory_space<vmem>>) target_semaphore(%arg22 : memref<!tpu.dma_semaphore, #tpu.memory_space<semaphore_mem>>)
    %dma_start3A_92 = arith.constant 192 : i32
    %dma_start3A_93 = tpu.memref_slice %arg7[%dma_start3A_92] : memref<10240xi32, #tpu.memory_space<vmem>> -> memref<64xi32, #tpu.memory_space<vmem>>
    %dma_start3A_94 = arith.constant 0 : i32
    %dma_start3A_95 = arith.constant 0 : i32
    %dma_start3A_96 = tpu.memref_slice %arg2[%dma_start3A_94, %dma_start3A_95] : memref<30336x128xf32, #tpu.memory_space<hbm>> -> memref<30336x128xf32, #tpu.memory_space<hbm>>
    tpu.enqueue_indirect_dma source(%dma_start3A_96 : memref<30336x128xf32, #tpu.memory_space<hbm>>) target(%arg15 : memref<64x128xf32, #tpu.memory_space<vmem>>) offsets(%dma_start3A_93 : memref<64xi32, #tpu.memory_space<vmem>>) semaphore(%arg19 : memref<!tpu.dma_semaphore, #tpu.memory_space<semaphore_mem>>)
    %add3A_97 = arith.constant 192 : i32
    %add3A_98 = arith.addi %mul3A_59, %add3A_97 : i32
    %dma_start3A_99 = tpu.memref_slice %arg4[%add3A_98] : memref<983040xi32, #tpu.memory_space<hbm>> -> memref<64xi32, #tpu.memory_space<hbm>>
    %dma_start3A_100 = tpu.memref_slice %arg4[%add3A_98] : memref<983040xi32, #tpu.memory_space<hbm>> -> memref<64xi32, #tpu.memory_space<hbm>>
    tpu.enqueue_dma source(%dma_start3A_100 : memref<64xi32, #tpu.memory_space<hbm>>) target(%arg11 : memref<64xi32, #tpu.memory_space<vmem>>) target_semaphore(%arg23 : memref<!tpu.dma_semaphore, #tpu.memory_space<semaphore_mem>>)
    %scan3A_101 = arith.constant 0 : i32
    %scan3A_102 = arith.constant 0 : i32
    %scan3A_103 = arith.constant 40 : i32
    %scan3A_104 = arith.addi %scan3A_102, %scan3A_103 : i32
    %scan3A_105 = arith.constant 1 : i32
    scf.for %scan3A_170 = %scan3A_102 to %scan3A_104 step %scan3A_105  : i32 {
      %mul3A_171 = arith.constant 256 : i32
      %mul3A_172 = arith.muli %scan3A_170, %mul3A_171 : i32
      %add3A_173 = arith.constant 0 : i32
      %add3A_174 = arith.addi %mul3A_172, %add3A_173 : i32
      %add3A_175 = arith.addi %mul3A_59, %add3A_174 : i32
      %dma_wait3A_176 = tpu.memref_slice %arg4[%add3A_175] : memref<983040xi32, #tpu.memory_space<hbm>> -> memref<64xi32, #tpu.memory_space<hbm>>
      %dma_wait3A_177 = tpu.memref_slice %arg4[%add3A_175] : memref<983040xi32, #tpu.memory_space<hbm>> -> memref<64xi32, #tpu.memory_space<hbm>>
      tpu.wait_dma2 semaphore(%arg20 : memref<!tpu.dma_semaphore, #tpu.memory_space<semaphore_mem>>) src(%dma_wait3A_177 : memref<64xi32, #tpu.memory_space<hbm>>) dst(%arg8 : memref<64xi32, #tpu.memory_space<vmem>>)
      %dma_wait3A_178 = tpu.memref_slice %arg7[%add3A_174] : memref<10240xi32, #tpu.memory_space<vmem>> -> memref<64xi32, #tpu.memory_space<vmem>>
      %dma_wait3A_179 = arith.constant 0 : i32
      %dma_wait3A_180 = arith.constant 0 : i32
      %dma_wait3A_181 = tpu.memref_slice %arg2[%dma_wait3A_179, %dma_wait3A_180] : memref<30336x128xf32, #tpu.memory_space<hbm>> -> memref<30336x128xf32, #tpu.memory_space<hbm>>
      tpu.wait_indirect_dma semaphore(%arg16 : memref<!tpu.dma_semaphore, #tpu.memory_space<semaphore_mem>>) src(%dma_wait3A_181 : memref<30336x128xf32, #tpu.memory_space<hbm>>) dst(%arg12 : memref<64x128xf32, #tpu.memory_space<vmem>>)
      "tpu.region"() ({
        %run_scoped3A = tpu.sem_alloc : memref<!tpu.dma_semaphore, #tpu.memory_space<semaphore_mem>>
        %dma_start3A_226 = arith.constant 0 : i32
        %dma_start3A_227 = arith.constant 0 : i32
        %dma_start3A_228 = tpu.memref_slice %arg24[%dma_start3A_226, %dma_start3A_227] : memref<10112x128xf32, #tpu.memory_space<vmem_shared>> -> memref<10112x128xf32, #tpu.memory_space<vmem_shared>>
        tpu.enqueue_indirect_dma source(%arg12 : memref<64x128xf32, #tpu.memory_space<vmem>>) target(%dma_start3A_228 : memref<10112x128xf32, #tpu.memory_space<vmem_shared>>) offsets(%arg8 : memref<64xi32, #tpu.memory_space<vmem>>) semaphore(%run_scoped3A : memref<!tpu.dma_semaphore, #tpu.memory_space<semaphore_mem>>) {add = true}
        %dma_wait3A_229 = arith.constant 0 : i32
        %dma_wait3A_230 = arith.constant 0 : i32
        %dma_wait3A_231 = tpu.memref_slice %arg24[%dma_wait3A_229, %dma_wait3A_230] : memref<10112x128xf32, #tpu.memory_space<vmem_shared>> -> memref<10112x128xf32, #tpu.memory_space<vmem_shared>>
        tpu.wait_indirect_dma semaphore(%run_scoped3A : memref<!tpu.dma_semaphore, #tpu.memory_space<semaphore_mem>>) src(%arg12 : memref<64x128xf32, #tpu.memory_space<vmem>>) dst(%dma_wait3A_231 : memref<10112x128xf32, #tpu.memory_space<vmem_shared>>)
        tpu.yield
      }) : () -> ()
      %lt3A = arith.constant 39 : i32
      %lt3A_182 = arith.cmpi slt, %scan3A_170, %lt3A : i32
      %convert_element_type3A = arith.extui %lt3A_182 : i1 to i32
      %cond3A = arith.constant 0 : i32
      %cond3A_183 = arith.cmpi ne, %convert_element_type3A, %cond3A : i32
      scf.if %cond3A_183 {
        %add3A_226 = arith.constant 256 : i32
        %add3A_227 = arith.addi %add3A_174, %add3A_226 : i32
        %dma_start3A_228 = tpu.memref_slice %arg7[%add3A_227] : memref<10240xi32, #tpu.memory_space<vmem>> -> memref<64xi32, #tpu.memory_space<vmem>>
        %dma_start3A_229 = arith.constant 0 : i32
        %dma_start3A_230 = arith.constant 0 : i32
        %dma_start3A_231 = tpu.memref_slice %arg2[%dma_start3A_229, %dma_start3A_230] : memref<30336x128xf32, #tpu.memory_space<hbm>> -> memref<30336x128xf32, #tpu.memory_space<hbm>>
        tpu.enqueue_indirect_dma source(%dma_start3A_231 : memref<30336x128xf32, #tpu.memory_space<hbm>>) target(%arg12 : memref<64x128xf32, #tpu.memory_space<vmem>>) offsets(%dma_start3A_228 : memref<64xi32, #tpu.memory_space<vmem>>) semaphore(%arg16 : memref<!tpu.dma_semaphore, #tpu.memory_space<semaphore_mem>>)
        %add3A_232 = arith.addi %mul3A_59, %add3A_227 : i32
        %dma_start3A_233 = tpu.memref_slice %arg4[%add3A_232] : memref<983040xi32, #tpu.memory_space<hbm>> -> memref<64xi32, #tpu.memory_space<hbm>>
        %dma_start3A_234 = tpu.memref_slice %arg4[%add3A_232] : memref<983040xi32, #tpu.memory_space<hbm>> -> memref<64xi32, #tpu.memory_space<hbm>>
        tpu.enqueue_dma source(%dma_start3A_234 : memref<64xi32, #tpu.memory_space<hbm>>) target(%arg8 : memref<64xi32, #tpu.memory_space<vmem>>) target_semaphore(%arg20 : memref<!tpu.dma_semaphore, #tpu.memory_space<semaphore_mem>>)
      } else {
      }
      %add3A_184 = arith.constant 64 : i32
      %add3A_185 = arith.addi %mul3A_172, %add3A_184 : i32
      %add3A_186 = arith.addi %mul3A_59, %add3A_185 : i32
      %dma_wait3A_187 = tpu.memref_slice %arg4[%add3A_186] : memref<983040xi32, #tpu.memory_space<hbm>> -> memref<64xi32, #tpu.memory_space<hbm>>
      %dma_wait3A_188 = tpu.memref_slice %arg4[%add3A_186] : memref<983040xi32, #tpu.memory_space<hbm>> -> memref<64xi32, #tpu.memory_space<hbm>>
      tpu.wait_dma2 semaphore(%arg21 : memref<!tpu.dma_semaphore, #tpu.memory_space<semaphore_mem>>) src(%dma_wait3A_188 : memref<64xi32, #tpu.memory_space<hbm>>) dst(%arg9 : memref<64xi32, #tpu.memory_space<vmem>>)
      %dma_wait3A_189 = tpu.memref_slice %arg7[%add3A_185] : memref<10240xi32, #tpu.memory_space<vmem>> -> memref<64xi32, #tpu.memory_space<vmem>>
      %dma_wait3A_190 = arith.constant 0 : i32
      %dma_wait3A_191 = arith.constant 0 : i32
      %dma_wait3A_192 = tpu.memref_slice %arg2[%dma_wait3A_190, %dma_wait3A_191] : memref<30336x128xf32, #tpu.memory_space<hbm>> -> memref<30336x128xf32, #tpu.memory_space<hbm>>
      tpu.wait_indirect_dma semaphore(%arg17 : memref<!tpu.dma_semaphore, #tpu.memory_space<semaphore_mem>>) src(%dma_wait3A_192 : memref<30336x128xf32, #tpu.memory_space<hbm>>) dst(%arg13 : memref<64x128xf32, #tpu.memory_space<vmem>>)
      "tpu.region"() ({
        %run_scoped3A = tpu.sem_alloc : memref<!tpu.dma_semaphore, #tpu.memory_space<semaphore_mem>>
        %dma_start3A_226 = arith.constant 0 : i32
        %dma_start3A_227 = arith.constant 0 : i32
        %dma_start3A_228 = tpu.memref_slice %arg24[%dma_start3A_226, %dma_start3A_227] : memref<10112x128xf32, #tpu.memory_space<vmem_shared>> -> memref<10112x128xf32, #tpu.memory_space<vmem_shared>>
        tpu.enqueue_indirect_dma source(%arg13 : memref<64x128xf32, #tpu.memory_space<vmem>>) target(%dma_start3A_228 : memref<10112x128xf32, #tpu.memory_space<vmem_shared>>) offsets(%arg9 : memref<64xi32, #tpu.memory_space<vmem>>) semaphore(%run_scoped3A : memref<!tpu.dma_semaphore, #tpu.memory_space<semaphore_mem>>) {add = true}
        %dma_wait3A_229 = arith.constant 0 : i32
        %dma_wait3A_230 = arith.constant 0 : i32
        %dma_wait3A_231 = tpu.memref_slice %arg24[%dma_wait3A_229, %dma_wait3A_230] : memref<10112x128xf32, #tpu.memory_space<vmem_shared>> -> memref<10112x128xf32, #tpu.memory_space<vmem_shared>>
        tpu.wait_indirect_dma semaphore(%run_scoped3A : memref<!tpu.dma_semaphore, #tpu.memory_space<semaphore_mem>>) src(%arg13 : memref<64x128xf32, #tpu.memory_space<vmem>>) dst(%dma_wait3A_231 : memref<10112x128xf32, #tpu.memory_space<vmem_shared>>)
        tpu.yield
      }) : () -> ()
      %lt3A_193 = arith.constant 39 : i32
      %lt3A_194 = arith.cmpi slt, %scan3A_170, %lt3A_193 : i32
      %convert_element_type3A_195 = arith.extui %lt3A_194 : i1 to i32
      %cond3A_196 = arith.constant 0 : i32
      %cond3A_197 = arith.cmpi ne, %convert_element_type3A_195, %cond3A_196 : i32
      scf.if %cond3A_197 {
        %add3A_226 = arith.constant 256 : i32
        %add3A_227 = arith.addi %add3A_185, %add3A_226 : i32
        %dma_start3A_228 = tpu.memref_slice %arg7[%add3A_227] : memref<10240xi32, #tpu.memory_space<vmem>> -> memref<64xi32, #tpu.memory_space<vmem>>
        %dma_start3A_229 = arith.constant 0 : i32
        %dma_start3A_230 = arith.constant 0 : i32
        %dma_start3A_231 = tpu.memref_slice %arg2[%dma_start3A_229, %dma_start3A_230] : memref<30336x128xf32, #tpu.memory_space<hbm>> -> memref<30336x128xf32, #tpu.memory_space<hbm>>
        tpu.enqueue_indirect_dma source(%dma_start3A_231 : memref<30336x128xf32, #tpu.memory_space<hbm>>) target(%arg13 : memref<64x128xf32, #tpu.memory_space<vmem>>) offsets(%dma_start3A_228 : memref<64xi32, #tpu.memory_space<vmem>>) semaphore(%arg17 : memref<!tpu.dma_semaphore, #tpu.memory_space<semaphore_mem>>)
        %add3A_232 = arith.addi %mul3A_59, %add3A_227 : i32
        %dma_start3A_233 = tpu.memref_slice %arg4[%add3A_232] : memref<983040xi32, #tpu.memory_space<hbm>> -> memref<64xi32, #tpu.memory_space<hbm>>
        %dma_start3A_234 = tpu.memref_slice %arg4[%add3A_232] : memref<983040xi32, #tpu.memory_space<hbm>> -> memref<64xi32, #tpu.memory_space<hbm>>
        tpu.enqueue_dma source(%dma_start3A_234 : memref<64xi32, #tpu.memory_space<hbm>>) target(%arg9 : memref<64xi32, #tpu.memory_space<vmem>>) target_semaphore(%arg21 : memref<!tpu.dma_semaphore, #tpu.memory_space<semaphore_mem>>)
      } else {
      }
      %add3A_198 = arith.constant 128 : i32
      %add3A_199 = arith.addi %mul3A_172, %add3A_198 : i32
      %add3A_200 = arith.addi %mul3A_59, %add3A_199 : i32
      %dma_wait3A_201 = tpu.memref_slice %arg4[%add3A_200] : memref<983040xi32, #tpu.memory_space<hbm>> -> memref<64xi32, #tpu.memory_space<hbm>>
      %dma_wait3A_202 = tpu.memref_slice %arg4[%add3A_200] : memref<983040xi32, #tpu.memory_space<hbm>> -> memref<64xi32, #tpu.memory_space<hbm>>
      tpu.wait_dma2 semaphore(%arg22 : memref<!tpu.dma_semaphore, #tpu.memory_space<semaphore_mem>>) src(%dma_wait3A_202 : memref<64xi32, #tpu.memory_space<hbm>>) dst(%arg10 : memref<64xi32, #tpu.memory_space<vmem>>)
      %dma_wait3A_203 = tpu.memref_slice %arg7[%add3A_199] : memref<10240xi32, #tpu.memory_space<vmem>> -> memref<64xi32, #tpu.memory_space<vmem>>
      %dma_wait3A_204 = arith.constant 0 : i32
      %dma_wait3A_205 = arith.constant 0 : i32
      %dma_wait3A_206 = tpu.memref_slice %arg2[%dma_wait3A_204, %dma_wait3A_205] : memref<30336x128xf32, #tpu.memory_space<hbm>> -> memref<30336x128xf32, #tpu.memory_space<hbm>>
      tpu.wait_indirect_dma semaphore(%arg18 : memref<!tpu.dma_semaphore, #tpu.memory_space<semaphore_mem>>) src(%dma_wait3A_206 : memref<30336x128xf32, #tpu.memory_space<hbm>>) dst(%arg14 : memref<64x128xf32, #tpu.memory_space<vmem>>)
      "tpu.region"() ({
        %run_scoped3A = tpu.sem_alloc : memref<!tpu.dma_semaphore, #tpu.memory_space<semaphore_mem>>
        %dma_start3A_226 = arith.constant 0 : i32
        %dma_start3A_227 = arith.constant 0 : i32
        %dma_start3A_228 = tpu.memref_slice %arg24[%dma_start3A_226, %dma_start3A_227] : memref<10112x128xf32, #tpu.memory_space<vmem_shared>> -> memref<10112x128xf32, #tpu.memory_space<vmem_shared>>
        tpu.enqueue_indirect_dma source(%arg14 : memref<64x128xf32, #tpu.memory_space<vmem>>) target(%dma_start3A_228 : memref<10112x128xf32, #tpu.memory_space<vmem_shared>>) offsets(%arg10 : memref<64xi32, #tpu.memory_space<vmem>>) semaphore(%run_scoped3A : memref<!tpu.dma_semaphore, #tpu.memory_space<semaphore_mem>>) {add = true}
        %dma_wait3A_229 = arith.constant 0 : i32
        %dma_wait3A_230 = arith.constant 0 : i32
        %dma_wait3A_231 = tpu.memref_slice %arg24[%dma_wait3A_229, %dma_wait3A_230] : memref<10112x128xf32, #tpu.memory_space<vmem_shared>> -> memref<10112x128xf32, #tpu.memory_space<vmem_shared>>
        tpu.wait_indirect_dma semaphore(%run_scoped3A : memref<!tpu.dma_semaphore, #tpu.memory_space<semaphore_mem>>) src(%arg14 : memref<64x128xf32, #tpu.memory_space<vmem>>) dst(%dma_wait3A_231 : memref<10112x128xf32, #tpu.memory_space<vmem_shared>>)
        tpu.yield
      }) : () -> ()
      %lt3A_207 = arith.constant 39 : i32
      %lt3A_208 = arith.cmpi slt, %scan3A_170, %lt3A_207 : i32
      %convert_element_type3A_209 = arith.extui %lt3A_208 : i1 to i32
      %cond3A_210 = arith.constant 0 : i32
      %cond3A_211 = arith.cmpi ne, %convert_element_type3A_209, %cond3A_210 : i32
      scf.if %cond3A_211 {
        %add3A_226 = arith.constant 256 : i32
        %add3A_227 = arith.addi %add3A_199, %add3A_226 : i32
        %dma_start3A_228 = tpu.memref_slice %arg7[%add3A_227] : memref<10240xi32, #tpu.memory_space<vmem>> -> memref<64xi32, #tpu.memory_space<vmem>>
        %dma_start3A_229 = arith.constant 0 : i32
        %dma_start3A_230 = arith.constant 0 : i32
        %dma_start3A_231 = tpu.memref_slice %arg2[%dma_start3A_229, %dma_start3A_230] : memref<30336x128xf32, #tpu.memory_space<hbm>> -> memref<30336x128xf32, #tpu.memory_space<hbm>>
        tpu.enqueue_indirect_dma source(%dma_start3A_231 : memref<30336x128xf32, #tpu.memory_space<hbm>>) target(%arg14 : memref<64x128xf32, #tpu.memory_space<vmem>>) offsets(%dma_start3A_228 : memref<64xi32, #tpu.memory_space<vmem>>) semaphore(%arg18 : memref<!tpu.dma_semaphore, #tpu.memory_space<semaphore_mem>>)
        %add3A_232 = arith.addi %mul3A_59, %add3A_227 : i32
        %dma_start3A_233 = tpu.memref_slice %arg4[%add3A_232] : memref<983040xi32, #tpu.memory_space<hbm>> -> memref<64xi32, #tpu.memory_space<hbm>>
        %dma_start3A_234 = tpu.memref_slice %arg4[%add3A_232] : memref<983040xi32, #tpu.memory_space<hbm>> -> memref<64xi32, #tpu.memory_space<hbm>>
        tpu.enqueue_dma source(%dma_start3A_234 : memref<64xi32, #tpu.memory_space<hbm>>) target(%arg10 : memref<64xi32, #tpu.memory_space<vmem>>) target_semaphore(%arg22 : memref<!tpu.dma_semaphore, #tpu.memory_space<semaphore_mem>>)
      } else {
      }
      %add3A_212 = arith.constant 192 : i32
      %add3A_213 = arith.addi %mul3A_172, %add3A_212 : i32
      %add3A_214 = arith.addi %mul3A_59, %add3A_213 : i32
      %dma_wait3A_215 = tpu.memref_slice %arg4[%add3A_214] : memref<983040xi32, #tpu.memory_space<hbm>> -> memref<64xi32, #tpu.memory_space<hbm>>
      %dma_wait3A_216 = tpu.memref_slice %arg4[%add3A_214] : memref<983040xi32, #tpu.memory_space<hbm>> -> memref<64xi32, #tpu.memory_space<hbm>>
      tpu.wait_dma2 semaphore(%arg23 : memref<!tpu.dma_semaphore, #tpu.memory_space<semaphore_mem>>) src(%dma_wait3A_216 : memref<64xi32, #tpu.memory_space<hbm>>) dst(%arg11 : memref<64xi32, #tpu.memory_space<vmem>>)
      %dma_wait3A_217 = tpu.memref_slice %arg7[%add3A_213] : memref<10240xi32, #tpu.memory_space<vmem>> -> memref<64xi32, #tpu.memory_space<vmem>>
      %dma_wait3A_218 = arith.constant 0 : i32
      %dma_wait3A_219 = arith.constant 0 : i32
      %dma_wait3A_220 = tpu.memref_slice %arg2[%dma_wait3A_218, %dma_wait3A_219] : memref<30336x128xf32, #tpu.memory_space<hbm>> -> memref<30336x128xf32, #tpu.memory_space<hbm>>
      tpu.wait_indirect_dma semaphore(%arg19 : memref<!tpu.dma_semaphore, #tpu.memory_space<semaphore_mem>>) src(%dma_wait3A_220 : memref<30336x128xf32, #tpu.memory_space<hbm>>) dst(%arg15 : memref<64x128xf32, #tpu.memory_space<vmem>>)
      "tpu.region"() ({
        %run_scoped3A = tpu.sem_alloc : memref<!tpu.dma_semaphore, #tpu.memory_space<semaphore_mem>>
        %dma_start3A_226 = arith.constant 0 : i32
        %dma_start3A_227 = arith.constant 0 : i32
        %dma_start3A_228 = tpu.memref_slice %arg24[%dma_start3A_226, %dma_start3A_227] : memref<10112x128xf32, #tpu.memory_space<vmem_shared>> -> memref<10112x128xf32, #tpu.memory_space<vmem_shared>>
        tpu.enqueue_indirect_dma source(%arg15 : memref<64x128xf32, #tpu.memory_space<vmem>>) target(%dma_start3A_228 : memref<10112x128xf32, #tpu.memory_space<vmem_shared>>) offsets(%arg11 : memref<64xi32, #tpu.memory_space<vmem>>) semaphore(%run_scoped3A : memref<!tpu.dma_semaphore, #tpu.memory_space<semaphore_mem>>) {add = true}
        %dma_wait3A_229 = arith.constant 0 : i32
        %dma_wait3A_230 = arith.constant 0 : i32
        %dma_wait3A_231 = tpu.memref_slice %arg24[%dma_wait3A_229, %dma_wait3A_230] : memref<10112x128xf32, #tpu.memory_space<vmem_shared>> -> memref<10112x128xf32, #tpu.memory_space<vmem_shared>>
        tpu.wait_indirect_dma semaphore(%run_scoped3A : memref<!tpu.dma_semaphore, #tpu.memory_space<semaphore_mem>>) src(%arg15 : memref<64x128xf32, #tpu.memory_space<vmem>>) dst(%dma_wait3A_231 : memref<10112x128xf32, #tpu.memory_space<vmem_shared>>)
        tpu.yield
      }) : () -> ()
      %lt3A_221 = arith.constant 39 : i32
      %lt3A_222 = arith.cmpi slt, %scan3A_170, %lt3A_221 : i32
      %convert_element_type3A_223 = arith.extui %lt3A_222 : i1 to i32
      %cond3A_224 = arith.constant 0 : i32
      %cond3A_225 = arith.cmpi ne, %convert_element_type3A_223, %cond3A_224 : i32
      scf.if %cond3A_225 {
        %add3A_226 = arith.constant 256 : i32
        %add3A_227 = arith.addi %add3A_213, %add3A_226 : i32
        %dma_start3A_228 = tpu.memref_slice %arg7[%add3A_227] : memref<10240xi32, #tpu.memory_space<vmem>> -> memref<64xi32, #tpu.memory_space<vmem>>
        %dma_start3A_229 = arith.constant 0 : i32
        %dma_start3A_230 = arith.constant 0 : i32
        %dma_start3A_231 = tpu.memref_slice %arg2[%dma_start3A_229, %dma_start3A_230] : memref<30336x128xf32, #tpu.memory_space<hbm>> -> memref<30336x128xf32, #tpu.memory_space<hbm>>
        tpu.enqueue_indirect_dma source(%dma_start3A_231 : memref<30336x128xf32, #tpu.memory_space<hbm>>) target(%arg15 : memref<64x128xf32, #tpu.memory_space<vmem>>) offsets(%dma_start3A_228 : memref<64xi32, #tpu.memory_space<vmem>>) semaphore(%arg19 : memref<!tpu.dma_semaphore, #tpu.memory_space<semaphore_mem>>)
        %add3A_232 = arith.addi %mul3A_59, %add3A_227 : i32
        %dma_start3A_233 = tpu.memref_slice %arg4[%add3A_232] : memref<983040xi32, #tpu.memory_space<hbm>> -> memref<64xi32, #tpu.memory_space<hbm>>
        %dma_start3A_234 = tpu.memref_slice %arg4[%add3A_232] : memref<983040xi32, #tpu.memory_space<hbm>> -> memref<64xi32, #tpu.memory_space<hbm>>
        tpu.enqueue_dma source(%dma_start3A_234 : memref<64xi32, #tpu.memory_space<hbm>>) target(%arg11 : memref<64xi32, #tpu.memory_space<vmem>>) target_semaphore(%arg23 : memref<!tpu.dma_semaphore, #tpu.memory_space<semaphore_mem>>)
      } else {
      }
    }
    %scan3A_106 = arith.constant 40 : i32
    %barrier3A_107 = arith.constant 0 : index
    tpu.barrier barrier_id(%barrier3A_107)
    %mul3A_108 = arith.constant 30336 : i32
    %mul3A_109 = arith.muli %arg0, %mul3A_108 : i32
    %add3A_110 = arith.constant 10112 : i32
    %add3A_111 = arith.addi %mul3A_109, %add3A_110 : i32
    %add3A_112 = arith.addi %add3A_111, %mul3A_2 : i32
    "tpu.region"() ({
      %run_scoped3A = tpu.sem_alloc : memref<!tpu.dma_semaphore, #tpu.memory_space<semaphore_mem>>
      %dma_start3A_170 = arith.constant 0 : i32
      %dma_start3A_171 = tpu.memref_slice %arg6[%add3A_112, %dma_start3A_170] : memref<60672x128xf32, #tpu.memory_space<hbm>> -> memref<632x128xf32, #tpu.memory_space<hbm>>
      %dma_start3A_172 = arith.constant 0 : i32
      %dma_start3A_173 = tpu.memref_slice %arg24[%mul3A_2, %dma_start3A_172] : memref<10112x128xf32, #tpu.memory_space<vmem_shared>> -> memref<632x128xf32, #tpu.memory_space<vmem_shared>>
      tpu.enqueue_dma source(%dma_start3A_173 : memref<632x128xf32, #tpu.memory_space<vmem_shared>>) target(%dma_start3A_171 : memref<632x128xf32, #tpu.memory_space<hbm>>) target_semaphore(%run_scoped3A : memref<!tpu.dma_semaphore, #tpu.memory_space<semaphore_mem>>)
      %dma_wait3A_174 = arith.constant 0 : i32
      %dma_wait3A_175 = tpu.memref_slice %arg6[%add3A_112, %dma_wait3A_174] : memref<60672x128xf32, #tpu.memory_space<hbm>> -> memref<632x128xf32, #tpu.memory_space<hbm>>
      %dma_wait3A_176 = arith.constant 0 : i32
      %dma_wait3A_177 = tpu.memref_slice %arg24[%mul3A_2, %dma_wait3A_176] : memref<10112x128xf32, #tpu.memory_space<vmem_shared>> -> memref<632x128xf32, #tpu.memory_space<vmem_shared>>
      tpu.wait_dma2 semaphore(%run_scoped3A : memref<!tpu.dma_semaphore, #tpu.memory_space<semaphore_mem>>) src(%dma_wait3A_177 : memref<632x128xf32, #tpu.memory_space<vmem_shared>>) dst(%dma_wait3A_175 : memref<632x128xf32, #tpu.memory_space<hbm>>)
      tpu.yield
    }) : () -> ()
    %add3A_113 = arith.constant 64 : i32
    %add3A_114 = arith.addi %add3A_113, %add3A : i32
    %mul3A_115 = arith.constant 10240 : i32
    %mul3A_116 = arith.muli %add3A_114, %mul3A_115 : i32
    %dma_start3A_117 = tpu.memref_slice %arg3[%mul3A_116] : memref<983040xi32, #tpu.memory_space<hbm>> -> memref<10240xi32, #tpu.memory_space<hbm>>
    %dma_start3A_118 = tpu.memref_slice %arg3[%mul3A_116] : memref<983040xi32, #tpu.memory_space<hbm>> -> memref<10240xi32, #tpu.memory_space<hbm>>
    tpu.enqueue_dma source(%dma_start3A_118 : memref<10240xi32, #tpu.memory_space<hbm>>) target(%arg7 : memref<10240xi32, #tpu.memory_space<vmem>>) target_semaphore(%arg16 : memref<!tpu.dma_semaphore, #tpu.memory_space<semaphore_mem>>)
    "tpu.region"() ({
      %run_scoped3A = tpu.sem_alloc : memref<!tpu.dma_semaphore, #tpu.memory_space<semaphore_mem>>
      %dma_start3A_170 = arith.constant 0 : i32
      %dma_start3A_171 = tpu.memref_slice %arg24[%mul3A_2, %dma_start3A_170] : memref<10112x128xf32, #tpu.memory_space<vmem_shared>> -> memref<632x128xf32, #tpu.memory_space<vmem_shared>>
      tpu.enqueue_dma source(%arg5 : memref<632x128xf32, #tpu.memory_space<hbm>>) target(%dma_start3A_171 : memref<632x128xf32, #tpu.memory_space<vmem_shared>>) target_semaphore(%run_scoped3A : memref<!tpu.dma_semaphore, #tpu.memory_space<semaphore_mem>>)
      %dma_wait3A_172 = arith.constant 0 : i32
      %dma_wait3A_173 = tpu.memref_slice %arg24[%mul3A_2, %dma_wait3A_172] : memref<10112x128xf32, #tpu.memory_space<vmem_shared>> -> memref<632x128xf32, #tpu.memory_space<vmem_shared>>
      tpu.wait_dma2 semaphore(%run_scoped3A : memref<!tpu.dma_semaphore, #tpu.memory_space<semaphore_mem>>) src(%arg5 : memref<632x128xf32, #tpu.memory_space<hbm>>) dst(%dma_wait3A_173 : memref<632x128xf32, #tpu.memory_space<vmem_shared>>)
      tpu.yield
    }) : () -> ()
    %dma_wait3A_119 = tpu.memref_slice %arg3[%mul3A_116] : memref<983040xi32, #tpu.memory_space<hbm>> -> memref<10240xi32, #tpu.memory_space<hbm>>
    %dma_wait3A_120 = tpu.memref_slice %arg3[%mul3A_116] : memref<983040xi32, #tpu.memory_space<hbm>> -> memref<10240xi32, #tpu.memory_space<hbm>>
    tpu.wait_dma2 semaphore(%arg16 : memref<!tpu.dma_semaphore, #tpu.memory_space<semaphore_mem>>) src(%dma_wait3A_120 : memref<10240xi32, #tpu.memory_space<hbm>>) dst(%arg7 : memref<10240xi32, #tpu.memory_space<vmem>>)
    %barrier3A_121 = arith.constant 0 : index
    tpu.barrier barrier_id(%barrier3A_121)
    %dma_start3A_122 = arith.constant 0 : i32
    %dma_start3A_123 = tpu.memref_slice %arg7[%dma_start3A_122] : memref<10240xi32, #tpu.memory_space<vmem>> -> memref<64xi32, #tpu.memory_space<vmem>>
    %dma_start3A_124 = arith.constant 0 : i32
    %dma_start3A_125 = arith.constant 0 : i32
    %dma_start3A_126 = tpu.memref_slice %arg2[%dma_start3A_124, %dma_start3A_125] : memref<30336x128xf32, #tpu.memory_space<hbm>> -> memref<30336x128xf32, #tpu.memory_space<hbm>>
    tpu.enqueue_indirect_dma source(%dma_start3A_126 : memref<30336x128xf32, #tpu.memory_space<hbm>>) target(%arg12 : memref<64x128xf32, #tpu.memory_space<vmem>>) offsets(%dma_start3A_123 : memref<64xi32, #tpu.memory_space<vmem>>) semaphore(%arg16 : memref<!tpu.dma_semaphore, #tpu.memory_space<semaphore_mem>>)
    %add3A_127 = arith.constant 0 : i32
    %add3A_128 = arith.addi %mul3A_116, %add3A_127 : i32
    %dma_start3A_129 = tpu.memref_slice %arg4[%add3A_128] : memref<983040xi32, #tpu.memory_space<hbm>> -> memref<64xi32, #tpu.memory_space<hbm>>
    %dma_start3A_130 = tpu.memref_slice %arg4[%add3A_128] : memref<983040xi32, #tpu.memory_space<hbm>> -> memref<64xi32, #tpu.memory_space<hbm>>
    tpu.enqueue_dma source(%dma_start3A_130 : memref<64xi32, #tpu.memory_space<hbm>>) target(%arg8 : memref<64xi32, #tpu.memory_space<vmem>>) target_semaphore(%arg20 : memref<!tpu.dma_semaphore, #tpu.memory_space<semaphore_mem>>)
    %dma_start3A_131 = arith.constant 64 : i32
    %dma_start3A_132 = tpu.memref_slice %arg7[%dma_start3A_131] : memref<10240xi32, #tpu.memory_space<vmem>> -> memref<64xi32, #tpu.memory_space<vmem>>
    %dma_start3A_133 = arith.constant 0 : i32
    %dma_start3A_134 = arith.constant 0 : i32
    %dma_start3A_135 = tpu.memref_slice %arg2[%dma_start3A_133, %dma_start3A_134] : memref<30336x128xf32, #tpu.memory_space<hbm>> -> memref<30336x128xf32, #tpu.memory_space<hbm>>
    tpu.enqueue_indirect_dma source(%dma_start3A_135 : memref<30336x128xf32, #tpu.memory_space<hbm>>) target(%arg13 : memref<64x128xf32, #tpu.memory_space<vmem>>) offsets(%dma_start3A_132 : memref<64xi32, #tpu.memory_space<vmem>>) semaphore(%arg17 : memref<!tpu.dma_semaphore, #tpu.memory_space<semaphore_mem>>)
    %add3A_136 = arith.constant 64 : i32
    %add3A_137 = arith.addi %mul3A_116, %add3A_136 : i32
    %dma_start3A_138 = tpu.memref_slice %arg4[%add3A_137] : memref<983040xi32, #tpu.memory_space<hbm>> -> memref<64xi32, #tpu.memory_space<hbm>>
    %dma_start3A_139 = tpu.memref_slice %arg4[%add3A_137] : memref<983040xi32, #tpu.memory_space<hbm>> -> memref<64xi32, #tpu.memory_space<hbm>>
    tpu.enqueue_dma source(%dma_start3A_139 : memref<64xi32, #tpu.memory_space<hbm>>) target(%arg9 : memref<64xi32, #tpu.memory_space<vmem>>) target_semaphore(%arg21 : memref<!tpu.dma_semaphore, #tpu.memory_space<semaphore_mem>>)
    %dma_start3A_140 = arith.constant 128 : i32
    %dma_start3A_141 = tpu.memref_slice %arg7[%dma_start3A_140] : memref<10240xi32, #tpu.memory_space<vmem>> -> memref<64xi32, #tpu.memory_space<vmem>>
    %dma_start3A_142 = arith.constant 0 : i32
    %dma_start3A_143 = arith.constant 0 : i32
    %dma_start3A_144 = tpu.memref_slice %arg2[%dma_start3A_142, %dma_start3A_143] : memref<30336x128xf32, #tpu.memory_space<hbm>> -> memref<30336x128xf32, #tpu.memory_space<hbm>>
    tpu.enqueue_indirect_dma source(%dma_start3A_144 : memref<30336x128xf32, #tpu.memory_space<hbm>>) target(%arg14 : memref<64x128xf32, #tpu.memory_space<vmem>>) offsets(%dma_start3A_141 : memref<64xi32, #tpu.memory_space<vmem>>) semaphore(%arg18 : memref<!tpu.dma_semaphore, #tpu.memory_space<semaphore_mem>>)
    %add3A_145 = arith.constant 128 : i32
    %add3A_146 = arith.addi %mul3A_116, %add3A_145 : i32
    %dma_start3A_147 = tpu.memref_slice %arg4[%add3A_146] : memref<983040xi32, #tpu.memory_space<hbm>> -> memref<64xi32, #tpu.memory_space<hbm>>
    %dma_start3A_148 = tpu.memref_slice %arg4[%add3A_146] : memref<983040xi32, #tpu.memory_space<hbm>> -> memref<64xi32, #tpu.memory_space<hbm>>
    tpu.enqueue_dma source(%dma_start3A_148 : memref<64xi32, #tpu.memory_space<hbm>>) target(%arg10 : memref<64xi32, #tpu.memory_space<vmem>>) target_semaphore(%arg22 : memref<!tpu.dma_semaphore, #tpu.memory_space<semaphore_mem>>)
    %dma_start3A_149 = arith.constant 192 : i32
    %dma_start3A_150 = tpu.memref_slice %arg7[%dma_start3A_149] : memref<10240xi32, #tpu.memory_space<vmem>> -> memref<64xi32, #tpu.memory_space<vmem>>
    %dma_start3A_151 = arith.constant 0 : i32
    %dma_start3A_152 = arith.constant 0 : i32
    %dma_start3A_153 = tpu.memref_slice %arg2[%dma_start3A_151, %dma_start3A_152] : memref<30336x128xf32, #tpu.memory_space<hbm>> -> memref<30336x128xf32, #tpu.memory_space<hbm>>
    tpu.enqueue_indirect_dma source(%dma_start3A_153 : memref<30336x128xf32, #tpu.memory_space<hbm>>) target(%arg15 : memref<64x128xf32, #tpu.memory_space<vmem>>) offsets(%dma_start3A_150 : memref<64xi32, #tpu.memory_space<vmem>>) semaphore(%arg19 : memref<!tpu.dma_semaphore, #tpu.memory_space<semaphore_mem>>)
    %add3A_154 = arith.constant 192 : i32
    %add3A_155 = arith.addi %mul3A_116, %add3A_154 : i32
    %dma_start3A_156 = tpu.memref_slice %arg4[%add3A_155] : memref<983040xi32, #tpu.memory_space<hbm>> -> memref<64xi32, #tpu.memory_space<hbm>>
    %dma_start3A_157 = tpu.memref_slice %arg4[%add3A_155] : memref<983040xi32, #tpu.memory_space<hbm>> -> memref<64xi32, #tpu.memory_space<hbm>>
    tpu.enqueue_dma source(%dma_start3A_157 : memref<64xi32, #tpu.memory_space<hbm>>) target(%arg11 : memref<64xi32, #tpu.memory_space<vmem>>) target_semaphore(%arg23 : memref<!tpu.dma_semaphore, #tpu.memory_space<semaphore_mem>>)
    %scan3A_158 = arith.constant 0 : i32
    %scan3A_159 = arith.constant 0 : i32
    %scan3A_160 = arith.constant 40 : i32
    %scan3A_161 = arith.addi %scan3A_159, %scan3A_160 : i32
    %scan3A_162 = arith.constant 1 : i32
    scf.for %scan3A_170 = %scan3A_159 to %scan3A_161 step %scan3A_162  : i32 {
      %mul3A_171 = arith.constant 256 : i32
      %mul3A_172 = arith.muli %scan3A_170, %mul3A_171 : i32
      %add3A_173 = arith.constant 0 : i32
      %add3A_174 = arith.addi %mul3A_172, %add3A_173 : i32
      %add3A_175 = arith.addi %mul3A_116, %add3A_174 : i32
      %dma_wait3A_176 = tpu.memref_slice %arg4[%add3A_175] : memref<983040xi32, #tpu.memory_space<hbm>> -> memref<64xi32, #tpu.memory_space<hbm>>
      %dma_wait3A_177 = tpu.memref_slice %arg4[%add3A_175] : memref<983040xi32, #tpu.memory_space<hbm>> -> memref<64xi32, #tpu.memory_space<hbm>>
      tpu.wait_dma2 semaphore(%arg20 : memref<!tpu.dma_semaphore, #tpu.memory_space<semaphore_mem>>) src(%dma_wait3A_177 : memref<64xi32, #tpu.memory_space<hbm>>) dst(%arg8 : memref<64xi32, #tpu.memory_space<vmem>>)
      %dma_wait3A_178 = tpu.memref_slice %arg7[%add3A_174] : memref<10240xi32, #tpu.memory_space<vmem>> -> memref<64xi32, #tpu.memory_space<vmem>>
      %dma_wait3A_179 = arith.constant 0 : i32
      %dma_wait3A_180 = arith.constant 0 : i32
      %dma_wait3A_181 = tpu.memref_slice %arg2[%dma_wait3A_179, %dma_wait3A_180] : memref<30336x128xf32, #tpu.memory_space<hbm>> -> memref<30336x128xf32, #tpu.memory_space<hbm>>
      tpu.wait_indirect_dma semaphore(%arg16 : memref<!tpu.dma_semaphore, #tpu.memory_space<semaphore_mem>>) src(%dma_wait3A_181 : memref<30336x128xf32, #tpu.memory_space<hbm>>) dst(%arg12 : memref<64x128xf32, #tpu.memory_space<vmem>>)
      "tpu.region"() ({
        %run_scoped3A = tpu.sem_alloc : memref<!tpu.dma_semaphore, #tpu.memory_space<semaphore_mem>>
        %dma_start3A_226 = arith.constant 0 : i32
        %dma_start3A_227 = arith.constant 0 : i32
        %dma_start3A_228 = tpu.memref_slice %arg24[%dma_start3A_226, %dma_start3A_227] : memref<10112x128xf32, #tpu.memory_space<vmem_shared>> -> memref<10112x128xf32, #tpu.memory_space<vmem_shared>>
        tpu.enqueue_indirect_dma source(%arg12 : memref<64x128xf32, #tpu.memory_space<vmem>>) target(%dma_start3A_228 : memref<10112x128xf32, #tpu.memory_space<vmem_shared>>) offsets(%arg8 : memref<64xi32, #tpu.memory_space<vmem>>) semaphore(%run_scoped3A : memref<!tpu.dma_semaphore, #tpu.memory_space<semaphore_mem>>) {add = true}
        %dma_wait3A_229 = arith.constant 0 : i32
        %dma_wait3A_230 = arith.constant 0 : i32
        %dma_wait3A_231 = tpu.memref_slice %arg24[%dma_wait3A_229, %dma_wait3A_230] : memref<10112x128xf32, #tpu.memory_space<vmem_shared>> -> memref<10112x128xf32, #tpu.memory_space<vmem_shared>>
        tpu.wait_indirect_dma semaphore(%run_scoped3A : memref<!tpu.dma_semaphore, #tpu.memory_space<semaphore_mem>>) src(%arg12 : memref<64x128xf32, #tpu.memory_space<vmem>>) dst(%dma_wait3A_231 : memref<10112x128xf32, #tpu.memory_space<vmem_shared>>)
        tpu.yield
      }) : () -> ()
      %lt3A = arith.constant 39 : i32
      %lt3A_182 = arith.cmpi slt, %scan3A_170, %lt3A : i32
      %convert_element_type3A = arith.extui %lt3A_182 : i1 to i32
      %cond3A = arith.constant 0 : i32
      %cond3A_183 = arith.cmpi ne, %convert_element_type3A, %cond3A : i32
      scf.if %cond3A_183 {
        %add3A_226 = arith.constant 256 : i32
        %add3A_227 = arith.addi %add3A_174, %add3A_226 : i32
        %dma_start3A_228 = tpu.memref_slice %arg7[%add3A_227] : memref<10240xi32, #tpu.memory_space<vmem>> -> memref<64xi32, #tpu.memory_space<vmem>>
        %dma_start3A_229 = arith.constant 0 : i32
        %dma_start3A_230 = arith.constant 0 : i32
        %dma_start3A_231 = tpu.memref_slice %arg2[%dma_start3A_229, %dma_start3A_230] : memref<30336x128xf32, #tpu.memory_space<hbm>> -> memref<30336x128xf32, #tpu.memory_space<hbm>>
        tpu.enqueue_indirect_dma source(%dma_start3A_231 : memref<30336x128xf32, #tpu.memory_space<hbm>>) target(%arg12 : memref<64x128xf32, #tpu.memory_space<vmem>>) offsets(%dma_start3A_228 : memref<64xi32, #tpu.memory_space<vmem>>) semaphore(%arg16 : memref<!tpu.dma_semaphore, #tpu.memory_space<semaphore_mem>>)
        %add3A_232 = arith.addi %mul3A_116, %add3A_227 : i32
        %dma_start3A_233 = tpu.memref_slice %arg4[%add3A_232] : memref<983040xi32, #tpu.memory_space<hbm>> -> memref<64xi32, #tpu.memory_space<hbm>>
        %dma_start3A_234 = tpu.memref_slice %arg4[%add3A_232] : memref<983040xi32, #tpu.memory_space<hbm>> -> memref<64xi32, #tpu.memory_space<hbm>>
        tpu.enqueue_dma source(%dma_start3A_234 : memref<64xi32, #tpu.memory_space<hbm>>) target(%arg8 : memref<64xi32, #tpu.memory_space<vmem>>) target_semaphore(%arg20 : memref<!tpu.dma_semaphore, #tpu.memory_space<semaphore_mem>>)
      } else {
      }
      %add3A_184 = arith.constant 64 : i32
      %add3A_185 = arith.addi %mul3A_172, %add3A_184 : i32
      %add3A_186 = arith.addi %mul3A_116, %add3A_185 : i32
      %dma_wait3A_187 = tpu.memref_slice %arg4[%add3A_186] : memref<983040xi32, #tpu.memory_space<hbm>> -> memref<64xi32, #tpu.memory_space<hbm>>
      %dma_wait3A_188 = tpu.memref_slice %arg4[%add3A_186] : memref<983040xi32, #tpu.memory_space<hbm>> -> memref<64xi32, #tpu.memory_space<hbm>>
      tpu.wait_dma2 semaphore(%arg21 : memref<!tpu.dma_semaphore, #tpu.memory_space<semaphore_mem>>) src(%dma_wait3A_188 : memref<64xi32, #tpu.memory_space<hbm>>) dst(%arg9 : memref<64xi32, #tpu.memory_space<vmem>>)
      %dma_wait3A_189 = tpu.memref_slice %arg7[%add3A_185] : memref<10240xi32, #tpu.memory_space<vmem>> -> memref<64xi32, #tpu.memory_space<vmem>>
      %dma_wait3A_190 = arith.constant 0 : i32
      %dma_wait3A_191 = arith.constant 0 : i32
      %dma_wait3A_192 = tpu.memref_slice %arg2[%dma_wait3A_190, %dma_wait3A_191] : memref<30336x128xf32, #tpu.memory_space<hbm>> -> memref<30336x128xf32, #tpu.memory_space<hbm>>
      tpu.wait_indirect_dma semaphore(%arg17 : memref<!tpu.dma_semaphore, #tpu.memory_space<semaphore_mem>>) src(%dma_wait3A_192 : memref<30336x128xf32, #tpu.memory_space<hbm>>) dst(%arg13 : memref<64x128xf32, #tpu.memory_space<vmem>>)
      "tpu.region"() ({
        %run_scoped3A = tpu.sem_alloc : memref<!tpu.dma_semaphore, #tpu.memory_space<semaphore_mem>>
        %dma_start3A_226 = arith.constant 0 : i32
        %dma_start3A_227 = arith.constant 0 : i32
        %dma_start3A_228 = tpu.memref_slice %arg24[%dma_start3A_226, %dma_start3A_227] : memref<10112x128xf32, #tpu.memory_space<vmem_shared>> -> memref<10112x128xf32, #tpu.memory_space<vmem_shared>>
        tpu.enqueue_indirect_dma source(%arg13 : memref<64x128xf32, #tpu.memory_space<vmem>>) target(%dma_start3A_228 : memref<10112x128xf32, #tpu.memory_space<vmem_shared>>) offsets(%arg9 : memref<64xi32, #tpu.memory_space<vmem>>) semaphore(%run_scoped3A : memref<!tpu.dma_semaphore, #tpu.memory_space<semaphore_mem>>) {add = true}
        %dma_wait3A_229 = arith.constant 0 : i32
        %dma_wait3A_230 = arith.constant 0 : i32
        %dma_wait3A_231 = tpu.memref_slice %arg24[%dma_wait3A_229, %dma_wait3A_230] : memref<10112x128xf32, #tpu.memory_space<vmem_shared>> -> memref<10112x128xf32, #tpu.memory_space<vmem_shared>>
        tpu.wait_indirect_dma semaphore(%run_scoped3A : memref<!tpu.dma_semaphore, #tpu.memory_space<semaphore_mem>>) src(%arg13 : memref<64x128xf32, #tpu.memory_space<vmem>>) dst(%dma_wait3A_231 : memref<10112x128xf32, #tpu.memory_space<vmem_shared>>)
        tpu.yield
      }) : () -> ()
      %lt3A_193 = arith.constant 39 : i32
      %lt3A_194 = arith.cmpi slt, %scan3A_170, %lt3A_193 : i32
      %convert_element_type3A_195 = arith.extui %lt3A_194 : i1 to i32
      %cond3A_196 = arith.constant 0 : i32
      %cond3A_197 = arith.cmpi ne, %convert_element_type3A_195, %cond3A_196 : i32
      scf.if %cond3A_197 {
        %add3A_226 = arith.constant 256 : i32
        %add3A_227 = arith.addi %add3A_185, %add3A_226 : i32
        %dma_start3A_228 = tpu.memref_slice %arg7[%add3A_227] : memref<10240xi32, #tpu.memory_space<vmem>> -> memref<64xi32, #tpu.memory_space<vmem>>
        %dma_start3A_229 = arith.constant 0 : i32
        %dma_start3A_230 = arith.constant 0 : i32
        %dma_start3A_231 = tpu.memref_slice %arg2[%dma_start3A_229, %dma_start3A_230] : memref<30336x128xf32, #tpu.memory_space<hbm>> -> memref<30336x128xf32, #tpu.memory_space<hbm>>
        tpu.enqueue_indirect_dma source(%dma_start3A_231 : memref<30336x128xf32, #tpu.memory_space<hbm>>) target(%arg13 : memref<64x128xf32, #tpu.memory_space<vmem>>) offsets(%dma_start3A_228 : memref<64xi32, #tpu.memory_space<vmem>>) semaphore(%arg17 : memref<!tpu.dma_semaphore, #tpu.memory_space<semaphore_mem>>)
        %add3A_232 = arith.addi %mul3A_116, %add3A_227 : i32
        %dma_start3A_233 = tpu.memref_slice %arg4[%add3A_232] : memref<983040xi32, #tpu.memory_space<hbm>> -> memref<64xi32, #tpu.memory_space<hbm>>
        %dma_start3A_234 = tpu.memref_slice %arg4[%add3A_232] : memref<983040xi32, #tpu.memory_space<hbm>> -> memref<64xi32, #tpu.memory_space<hbm>>
        tpu.enqueue_dma source(%dma_start3A_234 : memref<64xi32, #tpu.memory_space<hbm>>) target(%arg9 : memref<64xi32, #tpu.memory_space<vmem>>) target_semaphore(%arg21 : memref<!tpu.dma_semaphore, #tpu.memory_space<semaphore_mem>>)
      } else {
      }
      %add3A_198 = arith.constant 128 : i32
      %add3A_199 = arith.addi %mul3A_172, %add3A_198 : i32
      %add3A_200 = arith.addi %mul3A_116, %add3A_199 : i32
      %dma_wait3A_201 = tpu.memref_slice %arg4[%add3A_200] : memref<983040xi32, #tpu.memory_space<hbm>> -> memref<64xi32, #tpu.memory_space<hbm>>
      %dma_wait3A_202 = tpu.memref_slice %arg4[%add3A_200] : memref<983040xi32, #tpu.memory_space<hbm>> -> memref<64xi32, #tpu.memory_space<hbm>>
      tpu.wait_dma2 semaphore(%arg22 : memref<!tpu.dma_semaphore, #tpu.memory_space<semaphore_mem>>) src(%dma_wait3A_202 : memref<64xi32, #tpu.memory_space<hbm>>) dst(%arg10 : memref<64xi32, #tpu.memory_space<vmem>>)
      %dma_wait3A_203 = tpu.memref_slice %arg7[%add3A_199] : memref<10240xi32, #tpu.memory_space<vmem>> -> memref<64xi32, #tpu.memory_space<vmem>>
      %dma_wait3A_204 = arith.constant 0 : i32
      %dma_wait3A_205 = arith.constant 0 : i32
      %dma_wait3A_206 = tpu.memref_slice %arg2[%dma_wait3A_204, %dma_wait3A_205] : memref<30336x128xf32, #tpu.memory_space<hbm>> -> memref<30336x128xf32, #tpu.memory_space<hbm>>
      tpu.wait_indirect_dma semaphore(%arg18 : memref<!tpu.dma_semaphore, #tpu.memory_space<semaphore_mem>>) src(%dma_wait3A_206 : memref<30336x128xf32, #tpu.memory_space<hbm>>) dst(%arg14 : memref<64x128xf32, #tpu.memory_space<vmem>>)
      "tpu.region"() ({
        %run_scoped3A = tpu.sem_alloc : memref<!tpu.dma_semaphore, #tpu.memory_space<semaphore_mem>>
        %dma_start3A_226 = arith.constant 0 : i32
        %dma_start3A_227 = arith.constant 0 : i32
        %dma_start3A_228 = tpu.memref_slice %arg24[%dma_start3A_226, %dma_start3A_227] : memref<10112x128xf32, #tpu.memory_space<vmem_shared>> -> memref<10112x128xf32, #tpu.memory_space<vmem_shared>>
        tpu.enqueue_indirect_dma source(%arg14 : memref<64x128xf32, #tpu.memory_space<vmem>>) target(%dma_start3A_228 : memref<10112x128xf32, #tpu.memory_space<vmem_shared>>) offsets(%arg10 : memref<64xi32, #tpu.memory_space<vmem>>) semaphore(%run_scoped3A : memref<!tpu.dma_semaphore, #tpu.memory_space<semaphore_mem>>) {add = true}
        %dma_wait3A_229 = arith.constant 0 : i32
        %dma_wait3A_230 = arith.constant 0 : i32
        %dma_wait3A_231 = tpu.memref_slice %arg24[%dma_wait3A_229, %dma_wait3A_230] : memref<10112x128xf32, #tpu.memory_space<vmem_shared>> -> memref<10112x128xf32, #tpu.memory_space<vmem_shared>>
        tpu.wait_indirect_dma semaphore(%run_scoped3A : memref<!tpu.dma_semaphore, #tpu.memory_space<semaphore_mem>>) src(%arg14 : memref<64x128xf32, #tpu.memory_space<vmem>>) dst(%dma_wait3A_231 : memref<10112x128xf32, #tpu.memory_space<vmem_shared>>)
        tpu.yield
      }) : () -> ()
      %lt3A_207 = arith.constant 39 : i32
      %lt3A_208 = arith.cmpi slt, %scan3A_170, %lt3A_207 : i32
      %convert_element_type3A_209 = arith.extui %lt3A_208 : i1 to i32
      %cond3A_210 = arith.constant 0 : i32
      %cond3A_211 = arith.cmpi ne, %convert_element_type3A_209, %cond3A_210 : i32
      scf.if %cond3A_211 {
        %add3A_226 = arith.constant 256 : i32
        %add3A_227 = arith.addi %add3A_199, %add3A_226 : i32
        %dma_start3A_228 = tpu.memref_slice %arg7[%add3A_227] : memref<10240xi32, #tpu.memory_space<vmem>> -> memref<64xi32, #tpu.memory_space<vmem>>
        %dma_start3A_229 = arith.constant 0 : i32
        %dma_start3A_230 = arith.constant 0 : i32
        %dma_start3A_231 = tpu.memref_slice %arg2[%dma_start3A_229, %dma_start3A_230] : memref<30336x128xf32, #tpu.memory_space<hbm>> -> memref<30336x128xf32, #tpu.memory_space<hbm>>
        tpu.enqueue_indirect_dma source(%dma_start3A_231 : memref<30336x128xf32, #tpu.memory_space<hbm>>) target(%arg14 : memref<64x128xf32, #tpu.memory_space<vmem>>) offsets(%dma_start3A_228 : memref<64xi32, #tpu.memory_space<vmem>>) semaphore(%arg18 : memref<!tpu.dma_semaphore, #tpu.memory_space<semaphore_mem>>)
        %add3A_232 = arith.addi %mul3A_116, %add3A_227 : i32
        %dma_start3A_233 = tpu.memref_slice %arg4[%add3A_232] : memref<983040xi32, #tpu.memory_space<hbm>> -> memref<64xi32, #tpu.memory_space<hbm>>
        %dma_start3A_234 = tpu.memref_slice %arg4[%add3A_232] : memref<983040xi32, #tpu.memory_space<hbm>> -> memref<64xi32, #tpu.memory_space<hbm>>
        tpu.enqueue_dma source(%dma_start3A_234 : memref<64xi32, #tpu.memory_space<hbm>>) target(%arg10 : memref<64xi32, #tpu.memory_space<vmem>>) target_semaphore(%arg22 : memref<!tpu.dma_semaphore, #tpu.memory_space<semaphore_mem>>)
      } else {
      }
      %add3A_212 = arith.constant 192 : i32
      %add3A_213 = arith.addi %mul3A_172, %add3A_212 : i32
      %add3A_214 = arith.addi %mul3A_116, %add3A_213 : i32
      %dma_wait3A_215 = tpu.memref_slice %arg4[%add3A_214] : memref<983040xi32, #tpu.memory_space<hbm>> -> memref<64xi32, #tpu.memory_space<hbm>>
      %dma_wait3A_216 = tpu.memref_slice %arg4[%add3A_214] : memref<983040xi32, #tpu.memory_space<hbm>> -> memref<64xi32, #tpu.memory_space<hbm>>
      tpu.wait_dma2 semaphore(%arg23 : memref<!tpu.dma_semaphore, #tpu.memory_space<semaphore_mem>>) src(%dma_wait3A_216 : memref<64xi32, #tpu.memory_space<hbm>>) dst(%arg11 : memref<64xi32, #tpu.memory_space<vmem>>)
      %dma_wait3A_217 = tpu.memref_slice %arg7[%add3A_213] : memref<10240xi32, #tpu.memory_space<vmem>> -> memref<64xi32, #tpu.memory_space<vmem>>
      %dma_wait3A_218 = arith.constant 0 : i32
      %dma_wait3A_219 = arith.constant 0 : i32
      %dma_wait3A_220 = tpu.memref_slice %arg2[%dma_wait3A_218, %dma_wait3A_219] : memref<30336x128xf32, #tpu.memory_space<hbm>> -> memref<30336x128xf32, #tpu.memory_space<hbm>>
      tpu.wait_indirect_dma semaphore(%arg19 : memref<!tpu.dma_semaphore, #tpu.memory_space<semaphore_mem>>) src(%dma_wait3A_220 : memref<30336x128xf32, #tpu.memory_space<hbm>>) dst(%arg15 : memref<64x128xf32, #tpu.memory_space<vmem>>)
      "tpu.region"() ({
        %run_scoped3A = tpu.sem_alloc : memref<!tpu.dma_semaphore, #tpu.memory_space<semaphore_mem>>
        %dma_start3A_226 = arith.constant 0 : i32
        %dma_start3A_227 = arith.constant 0 : i32
        %dma_start3A_228 = tpu.memref_slice %arg24[%dma_start3A_226, %dma_start3A_227] : memref<10112x128xf32, #tpu.memory_space<vmem_shared>> -> memref<10112x128xf32, #tpu.memory_space<vmem_shared>>
        tpu.enqueue_indirect_dma source(%arg15 : memref<64x128xf32, #tpu.memory_space<vmem>>) target(%dma_start3A_228 : memref<10112x128xf32, #tpu.memory_space<vmem_shared>>) offsets(%arg11 : memref<64xi32, #tpu.memory_space<vmem>>) semaphore(%run_scoped3A : memref<!tpu.dma_semaphore, #tpu.memory_space<semaphore_mem>>) {add = true}
        %dma_wait3A_229 = arith.constant 0 : i32
        %dma_wait3A_230 = arith.constant 0 : i32
        %dma_wait3A_231 = tpu.memref_slice %arg24[%dma_wait3A_229, %dma_wait3A_230] : memref<10112x128xf32, #tpu.memory_space<vmem_shared>> -> memref<10112x128xf32, #tpu.memory_space<vmem_shared>>
        tpu.wait_indirect_dma semaphore(%run_scoped3A : memref<!tpu.dma_semaphore, #tpu.memory_space<semaphore_mem>>) src(%arg15 : memref<64x128xf32, #tpu.memory_space<vmem>>) dst(%dma_wait3A_231 : memref<10112x128xf32, #tpu.memory_space<vmem_shared>>)
        tpu.yield
      }) : () -> ()
      %lt3A_221 = arith.constant 39 : i32
      %lt3A_222 = arith.cmpi slt, %scan3A_170, %lt3A_221 : i32
      %convert_element_type3A_223 = arith.extui %lt3A_222 : i1 to i32
      %cond3A_224 = arith.constant 0 : i32
      %cond3A_225 = arith.cmpi ne, %convert_element_type3A_223, %cond3A_224 : i32
      scf.if %cond3A_225 {
        %add3A_226 = arith.constant 256 : i32
        %add3A_227 = arith.addi %add3A_213, %add3A_226 : i32
        %dma_start3A_228 = tpu.memref_slice %arg7[%add3A_227] : memref<10240xi32, #tpu.memory_space<vmem>> -> memref<64xi32, #tpu.memory_space<vmem>>
        %dma_start3A_229 = arith.constant 0 : i32
        %dma_start3A_230 = arith.constant 0 : i32
        %dma_start3A_231 = tpu.memref_slice %arg2[%dma_start3A_229, %dma_start3A_230] : memref<30336x128xf32, #tpu.memory_space<hbm>> -> memref<30336x128xf32, #tpu.memory_space<hbm>>
        tpu.enqueue_indirect_dma source(%dma_start3A_231 : memref<30336x128xf32, #tpu.memory_space<hbm>>) target(%arg15 : memref<64x128xf32, #tpu.memory_space<vmem>>) offsets(%dma_start3A_228 : memref<64xi32, #tpu.memory_space<vmem>>) semaphore(%arg19 : memref<!tpu.dma_semaphore, #tpu.memory_space<semaphore_mem>>)
        %add3A_232 = arith.addi %mul3A_116, %add3A_227 : i32
        %dma_start3A_233 = tpu.memref_slice %arg4[%add3A_232] : memref<983040xi32, #tpu.memory_space<hbm>> -> memref<64xi32, #tpu.memory_space<hbm>>
        %dma_start3A_234 = tpu.memref_slice %arg4[%add3A_232] : memref<983040xi32, #tpu.memory_space<hbm>> -> memref<64xi32, #tpu.memory_space<hbm>>
        tpu.enqueue_dma source(%dma_start3A_234 : memref<64xi32, #tpu.memory_space<hbm>>) target(%arg11 : memref<64xi32, #tpu.memory_space<vmem>>) target_semaphore(%arg23 : memref<!tpu.dma_semaphore, #tpu.memory_space<semaphore_mem>>)
      } else {
      }
    }
    %scan3A_163 = arith.constant 40 : i32
    %barrier3A_164 = arith.constant 0 : index
    tpu.barrier barrier_id(%barrier3A_164)
    %mul3A_165 = arith.constant 30336 : i32
    %mul3A_166 = arith.muli %arg0, %mul3A_165 : i32
    %add3A_167 = arith.constant 20224 : i32
    %add3A_168 = arith.addi %mul3A_166, %add3A_167 : i32
    %add3A_169 = arith.addi %add3A_168, %mul3A_2 : i32
    "tpu.region"() ({
      %run_scoped3A = tpu.sem_alloc : memref<!tpu.dma_semaphore, #tpu.memory_space<semaphore_mem>>
      %dma_start3A_170 = arith.constant 0 : i32
      %dma_start3A_171 = tpu.memref_slice %arg6[%add3A_169, %dma_start3A_170] : memref<60672x128xf32, #tpu.memory_space<hbm>> -> memref<632x128xf32, #tpu.memory_space<hbm>>
      %dma_start3A_172 = arith.constant 0 : i32
      %dma_start3A_173 = tpu.memref_slice %arg24[%mul3A_2, %dma_start3A_172] : memref<10112x128xf32, #tpu.memory_space<vmem_shared>> -> memref<632x128xf32, #tpu.memory_space<vmem_shared>>
      tpu.enqueue_dma source(%dma_start3A_173 : memref<632x128xf32, #tpu.memory_space<vmem_shared>>) target(%dma_start3A_171 : memref<632x128xf32, #tpu.memory_space<hbm>>) target_semaphore(%run_scoped3A : memref<!tpu.dma_semaphore, #tpu.memory_space<semaphore_mem>>)
      %dma_wait3A_174 = arith.constant 0 : i32
      %dma_wait3A_175 = tpu.memref_slice %arg6[%add3A_169, %dma_wait3A_174] : memref<60672x128xf32, #tpu.memory_space<hbm>> -> memref<632x128xf32, #tpu.memory_space<hbm>>
      %dma_wait3A_176 = arith.constant 0 : i32
      %dma_wait3A_177 = tpu.memref_slice %arg24[%mul3A_2, %dma_wait3A_176] : memref<10112x128xf32, #tpu.memory_space<vmem_shared>> -> memref<632x128xf32, #tpu.memory_space<vmem_shared>>
      tpu.wait_dma2 semaphore(%run_scoped3A : memref<!tpu.dma_semaphore, #tpu.memory_space<semaphore_mem>>) src(%dma_wait3A_177 : memref<632x128xf32, #tpu.memory_space<vmem_shared>>) dst(%dma_wait3A_175 : memref<632x128xf32, #tpu.memory_space<hbm>>)
      tpu.yield
    }) : () -> ()
    return
  }
}

module attributes {stable_mosaic.version = 14 : i64} {
  func.func @_prescale_body(%arg0: i32, %arg1: i32, %arg2: memref<1x1000x128xf32, #tpu.memory_space<vmem>>, %arg3: memref<1x128x128xf32, #tpu.memory_space<vmem>>, %arg4: memref<1x1x1000x128xf32, #tpu.memory_space<vmem>>, %arg5: memref<1x1x1000x128xf32, #tpu.memory_space<vmem>>, %arg6: memref<1x1000x128xf32, #tpu.memory_space<vmem>>, %arg7: memref<1x1000x16xf32, #tpu.memory_space<vmem>>) attributes {dimension_semantics = [#tpu.dimension_semantics<arbitrary>, #tpu.dimension_semantics<arbitrary>], iteration_bounds = array<i64: 3, 10>, scalar_prefetch = 0 : i64, scratch_operands = 0 : i64, tpu.core_type = #tpu.core_type<tc>, window_params = [{transform_indices = @transform_0, window_bounds = array<i64: 1, 1000, 128>}, {transform_indices = @transform_1, window_bounds = array<i64: 1, 128, 128>}, {transform_indices = @transform_2, window_bounds = array<i64: 1, 1, 1000, 128>}, {transform_indices = @transform_3, window_bounds = array<i64: 1, 1, 1000, 128>}, {transform_indices = @transform_4, window_bounds = array<i64: 1, 1000, 128>}, {transform_indices = @transform_5, window_bounds = array<i64: 1, 1000, 16>}]} {
    %get3A = arith.constant 0 : index
    %get3A_0 = arith.constant 0 : index
    %get3A_1 = arith.constant 0 : index
    %get3A_2 = arith.constant 0 : index
    %get3A_3 = vector.load %arg4[%get3A, %get3A_0, %get3A_1, %get3A_2] : memref<1x1x1000x128xf32, #tpu.memory_space<vmem>>, vector<1x1x1000x128xf32>
    %get3A_4 = vector.shape_cast %get3A_3 : vector<1x1x1000x128xf32> to vector<1000x128xf32>
    %get3A_5 = arith.constant 0 : index
    %get3A_6 = arith.constant 0 : index
    %get3A_7 = arith.constant 0 : index
    %get3A_8 = arith.constant 0 : index
    %get3A_9 = vector.load %arg5[%get3A_5, %get3A_6, %get3A_7, %get3A_8] : memref<1x1x1000x128xf32, #tpu.memory_space<vmem>>, vector<1x1x1000x128xf32>
    %get3A_10 = vector.shape_cast %get3A_9 : vector<1x1x1000x128xf32> to vector<1000x128xf32>
    %slice3A = vector.extract_strided_slice %get3A_4 {offsets = [0, 0], sizes = [1000, 1], strides = [1, 1]} : vector<1000x128xf32> to vector<1000x1xf32>
    %add3A = arith.constant 1.000000e+00 : f32
    %add3A_11 = vector.broadcast %add3A : f32 to vector<1000x1xf32>
    %add3A_12 = arith.addf %add3A_11, %slice3A : vector<1000x1xf32>
    %slice3A_13 = vector.extract_strided_slice %get3A_10 {offsets = [0, 0], sizes = [1000, 1], strides = [1, 1]} : vector<1000x128xf32> to vector<1000x1xf32>
    %add3A_14 = arith.addf %add3A_12, %slice3A_13 : vector<1000x1xf32>
    %rsqrt3A = math.rsqrt %add3A_14 : vector<1000x1xf32>
    %get3A_15 = arith.constant 0 : index
    %get3A_16 = arith.constant 0 : index
    %get3A_17 = arith.constant 0 : index
    %get3A_18 = vector.load %arg2[%get3A_15, %get3A_16, %get3A_17] : memref<1x1000x128xf32, #tpu.memory_space<vmem>>, vector<1x1000x128xf32>
    %get3A_19 = vector.shape_cast %get3A_18 : vector<1x1000x128xf32> to vector<1000x128xf32>
    %get3A_20 = arith.constant 0 : index
    %get3A_21 = arith.constant 0 : index
    %get3A_22 = arith.constant 0 : index
    %get3A_23 = vector.load %arg3[%get3A_20, %get3A_21, %get3A_22] : memref<1x128x128xf32, #tpu.memory_space<vmem>>, vector<1x128x128xf32>
    %get3A_24 = vector.shape_cast %get3A_23 : vector<1x128x128xf32> to vector<128x128xf32>
    %dot_general3A = arith.constant dense<0.000000e+00> : vector<1000x128xf32>
    %dot_general3A_25 = tpu.matmul %get3A_19, %get3A_24, %dot_general3A {dimension_numbers = #tpu.dot_dimension_numbers<[1], [0], [0], [1], [0, 0, 1, 1], [], []>, transpose_lhs_hint = false} : vector<1000x128xf32>, vector<128x128xf32>, vector<1000x128xf32> -> vector<1000x128xf32>
    %mul3A = vector.broadcast %rsqrt3A : vector<1000x1xf32> to vector<1000x128xf32>
    %mul3A_26 = arith.mulf %dot_general3A_25, %mul3A : vector<1000x128xf32>
    %swap3A = arith.constant 0 : index
    %swap3A_27 = arith.constant 0 : index
    %swap3A_28 = arith.constant 0 : index
    %swap3A_29 = vector.load %arg6[%swap3A, %swap3A_27, %swap3A_28] : memref<1x1000x128xf32, #tpu.memory_space<vmem>>, vector<1x1000x128xf32>
    %swap3A_30 = vector.shape_cast %swap3A_29 : vector<1x1000x128xf32> to vector<1000x128xf32>
    %swap3A_31 = vector.shape_cast %mul3A_26 : vector<1000x128xf32> to vector<1x1000x128xf32>
    tpu.vector_store %arg6[%swap3A, %swap3A_27, %swap3A_28], %swap3A_31 {strides = array<i32>} : memref<1x1000x128xf32, #tpu.memory_space<vmem>>, vector<1x1000x128xf32>,
    %broadcast_in_dim3A = vector.shape_cast %rsqrt3A : vector<1000x1xf32> to vector<1000x1xf32>
    %broadcast_in_dim3A_32 = vector.broadcast %broadcast_in_dim3A : vector<1000x1xf32> to vector<1000x16xf32>
    %swap3A_33 = arith.constant 0 : index
    %swap3A_34 = arith.constant 0 : index
    %swap3A_35 = arith.constant 0 : index
    %swap3A_36 = vector.load %arg7[%swap3A_33, %swap3A_34, %swap3A_35] : memref<1x1000x16xf32, #tpu.memory_space<vmem>>, vector<1x1000x16xf32>
    %swap3A_37 = vector.shape_cast %swap3A_36 : vector<1x1000x16xf32> to vector<1000x16xf32>
    %swap3A_38 = vector.shape_cast %broadcast_in_dim3A_32 : vector<1000x16xf32> to vector<1x1000x16xf32>
    tpu.vector_store %arg7[%swap3A_33, %swap3A_34, %swap3A_35], %swap3A_38 {strides = array<i32>} : memref<1x1000x16xf32, #tpu.memory_space<vmem>>, vector<1x1000x16xf32>,
    return
  }
  func.func @transform_0(%arg0: i32, %arg1: i32) -> (i32, i32, i32) {
    %c0_i32 = arith.constant 0 : i32
    %c0_i32_0 = arith.constant 0 : i32
    return %arg0, %arg1, %c0_i32 : i32, i32, i32
  }
  func.func @transform_1(%arg0: i32, %arg1: i32) -> (i32, i32, i32) {
    %c0_i32 = arith.constant 0 : i32
    %c0_i32_0 = arith.constant 0 : i32
    %c0_i32_1 = arith.constant 0 : i32
    return %arg0, %c0_i32, %c0_i32_0 : i32, i32, i32
  }
  func.func @transform_2(%arg0: i32, %arg1: i32) -> (i32, i32, i32, i32) {
    %c0_i32 = arith.constant 0 : i32
    %c0_i32_0 = arith.constant 0 : i32
    %c0_i32_1 = arith.constant 0 : i32
    return %c0_i32, %arg0, %arg1, %c0_i32_0 : i32, i32, i32, i32
  }
  func.func @transform_3(%arg0: i32, %arg1: i32) -> (i32, i32, i32, i32) {
    %c1_i32 = arith.constant 1 : i32
    %c0_i32 = arith.constant 0 : i32
    %c0_i32_0 = arith.constant 0 : i32
    return %c1_i32, %arg0, %arg1, %c0_i32 : i32, i32, i32, i32
  }
  func.func @transform_4(%arg0: i32, %arg1: i32) -> (i32, i32, i32) {
    %c0_i32 = arith.constant 0 : i32
    %c0_i32_0 = arith.constant 0 : i32
    return %arg0, %arg1, %c0_i32 : i32, i32, i32
  }
  func.func @transform_5(%arg0: i32, %arg1: i32) -> (i32, i32, i32) {
    %c0_i32 = arith.constant 0 : i32
    %c0_i32_0 = arith.constant 0 : i32
    return %arg0, %arg1, %c0_i32 : i32, i32, i32
  }
}

module attributes {stable_mosaic.version = 14 : i64} {
  func.func @_layer2_body(%arg0: i32, %arg1: i32, %arg2: memref<1x1x1000x128xf32, #tpu.memory_space<vmem>>, %arg3: memref<1x1x1000x128xf32, #tpu.memory_space<vmem>>, %arg4: memref<1x1000x128xf32, #tpu.memory_space<vmem>>, %arg5: memref<1x1000x16xf32, #tpu.memory_space<vmem>>, %arg6: memref<1x128x128xf32, #tpu.memory_space<vmem>>, %arg7: memref<1x1x128xf32, #tpu.memory_space<vmem>>, %arg8: memref<1x1000x128xf32, #tpu.memory_space<vmem>>) attributes {dimension_semantics = [#tpu.dimension_semantics<arbitrary>, #tpu.dimension_semantics<arbitrary>], iteration_bounds = array<i64: 3, 10>, scalar_prefetch = 0 : i64, scratch_operands = 0 : i64, tpu.core_type = #tpu.core_type<tc>, window_params = [{transform_indices = @transform_0, window_bounds = array<i64: 1, 1, 1000, 128>}, {transform_indices = @transform_1, window_bounds = array<i64: 1, 1, 1000, 128>}, {transform_indices = @transform_2, window_bounds = array<i64: 1, 1000, 128>}, {transform_indices = @transform_3, window_bounds = array<i64: 1, 1000, 16>}, {transform_indices = @transform_4, window_bounds = array<i64: 1, 128, 128>}, {transform_indices = @transform_5, window_bounds = array<i64: 1, 1, 128>}, {transform_indices = @transform_6, window_bounds = array<i64: 1, 1000, 128>}]} {
    %get3A = arith.constant 0 : index
    %get3A_0 = arith.constant 0 : index
    %get3A_1 = arith.constant 0 : index
    %get3A_2 = vector.load %arg5[%get3A, %get3A_0, %get3A_1] : memref<1x1000x16xf32, #tpu.memory_space<vmem>>, vector<1x1000x16xf32>
    %get3A_3 = vector.shape_cast %get3A_2 : vector<1x1000x16xf32> to vector<1000x16xf32>
    %slice3A = vector.extract_strided_slice %get3A_3 {offsets = [0, 0], sizes = [1000, 1], strides = [1, 1]} : vector<1000x16xf32> to vector<1000x1xf32>
    %get3A_4 = arith.constant 0 : index
    %get3A_5 = arith.constant 0 : index
    %get3A_6 = arith.constant 0 : index
    %get3A_7 = arith.constant 0 : index
    %get3A_8 = vector.load %arg2[%get3A_4, %get3A_5, %get3A_6, %get3A_7] : memref<1x1x1000x128xf32, #tpu.memory_space<vmem>>, vector<1x1x1000x128xf32>
    %get3A_9 = vector.shape_cast %get3A_8 : vector<1x1x1000x128xf32> to vector<1000x128xf32>
    %get3A_10 = arith.constant 0 : index
    %get3A_11 = arith.constant 0 : index
    %get3A_12 = arith.constant 0 : index
    %get3A_13 = arith.constant 0 : index
    %get3A_14 = vector.load %arg3[%get3A_10, %get3A_11, %get3A_12, %get3A_13] : memref<1x1x1000x128xf32, #tpu.memory_space<vmem>>, vector<1x1x1000x128xf32>
    %get3A_15 = vector.shape_cast %get3A_14 : vector<1x1x1000x128xf32> to vector<1000x128xf32>
    %add3A = arith.addf %get3A_9, %get3A_15 : vector<1000x128xf32>
    %get3A_16 = arith.constant 0 : index
    %get3A_17 = arith.constant 0 : index
    %get3A_18 = arith.constant 0 : index
    %get3A_19 = vector.load %arg4[%get3A_16, %get3A_17, %get3A_18] : memref<1x1000x128xf32, #tpu.memory_space<vmem>>, vector<1x1000x128xf32>
    %get3A_20 = vector.shape_cast %get3A_19 : vector<1x1000x128xf32> to vector<1000x128xf32>
    %add3A_21 = arith.addf %add3A, %get3A_20 : vector<1000x128xf32>
    %mul3A = vector.broadcast %slice3A : vector<1000x1xf32> to vector<1000x128xf32>
    %mul3A_22 = arith.mulf %add3A_21, %mul3A : vector<1000x128xf32>
    %get3A_23 = arith.constant 0 : index
    %get3A_24 = arith.constant 0 : index
    %get3A_25 = arith.constant 0 : index
    %get3A_26 = vector.load %arg7[%get3A_23, %get3A_24, %get3A_25] : memref<1x1x128xf32, #tpu.memory_space<vmem>>, vector<1x1x128xf32>
    %get3A_27 = vector.shape_cast %get3A_26 : vector<1x1x128xf32> to vector<128xf32>
    %broadcast_in_dim3A = vector.shape_cast %get3A_27 : vector<128xf32> to vector<1x128xf32>
    %add3A_28 = vector.broadcast %broadcast_in_dim3A : vector<1x128xf32> to vector<1000x128xf32>
    %add3A_29 = arith.addf %mul3A_22, %add3A_28 : vector<1000x128xf32>
    %max3A = arith.constant 0.000000e+00 : f32
    %max3A_30 = vector.broadcast %max3A : f32 to vector<1000x128xf32>
    %max3A_31 = arith.maximumf %add3A_29, %max3A_30 : vector<1000x128xf32>
    %get3A_32 = arith.constant 0 : index
    %get3A_33 = arith.constant 0 : index
    %get3A_34 = arith.constant 0 : index
    %get3A_35 = vector.load %arg6[%get3A_32, %get3A_33, %get3A_34] : memref<1x128x128xf32, #tpu.memory_space<vmem>>, vector<1x128x128xf32>
    %get3A_36 = vector.shape_cast %get3A_35 : vector<1x128x128xf32> to vector<128x128xf32>
    %dot_general3A = arith.constant dense<0.000000e+00> : vector<1000x128xf32>
    %dot_general3A_37 = tpu.matmul %max3A_31, %get3A_36, %dot_general3A {dimension_numbers = #tpu.dot_dimension_numbers<[1], [0], [0], [1], [0, 0, 1, 1], [], []>, transpose_lhs_hint = false} : vector<1000x128xf32>, vector<128x128xf32>, vector<1000x128xf32> -> vector<1000x128xf32>
    %mul3A_38 = vector.broadcast %slice3A : vector<1000x1xf32> to vector<1000x128xf32>
    %mul3A_39 = arith.mulf %dot_general3A_37, %mul3A_38 : vector<1000x128xf32>
    %swap3A = arith.constant 0 : index
    %swap3A_40 = arith.constant 0 : index
    %swap3A_41 = arith.constant 0 : index
    %swap3A_42 = vector.load %arg8[%swap3A, %swap3A_40, %swap3A_41] : memref<1x1000x128xf32, #tpu.memory_space<vmem>>, vector<1x1000x128xf32>
    %swap3A_43 = vector.shape_cast %swap3A_42 : vector<1x1000x128xf32> to vector<1000x128xf32>
    %swap3A_44 = vector.shape_cast %mul3A_39 : vector<1000x128xf32> to vector<1x1000x128xf32>
    tpu.vector_store %arg8[%swap3A, %swap3A_40, %swap3A_41], %swap3A_44 {strides = array<i32>} : memref<1x1000x128xf32, #tpu.memory_space<vmem>>, vector<1x1000x128xf32>,
    return
  }
  func.func @transform_0(%arg0: i32, %arg1: i32) -> (i32, i32, i32, i32) {
    %c0_i32 = arith.constant 0 : i32
    %c0_i32_0 = arith.constant 0 : i32
    %c0_i32_1 = arith.constant 0 : i32
    return %c0_i32, %arg0, %arg1, %c0_i32_0 : i32, i32, i32, i32
  }
  func.func @transform_1(%arg0: i32, %arg1: i32) -> (i32, i32, i32, i32) {
    %c1_i32 = arith.constant 1 : i32
    %c0_i32 = arith.constant 0 : i32
    %c0_i32_0 = arith.constant 0 : i32
    return %c1_i32, %arg0, %arg1, %c0_i32 : i32, i32, i32, i32
  }
  func.func @transform_2(%arg0: i32, %arg1: i32) -> (i32, i32, i32) {
    %c0_i32 = arith.constant 0 : i32
    %c0_i32_0 = arith.constant 0 : i32
    return %arg0, %arg1, %c0_i32 : i32, i32, i32
  }
  func.func @transform_3(%arg0: i32, %arg1: i32) -> (i32, i32, i32) {
    %c0_i32 = arith.constant 0 : i32
    %c0_i32_0 = arith.constant 0 : i32
    return %arg0, %arg1, %c0_i32 : i32, i32, i32
  }
  func.func @transform_4(%arg0: i32, %arg1: i32) -> (i32, i32, i32) {
    %c0_i32 = arith.constant 0 : i32
    %c0_i32_0 = arith.constant 0 : i32
    %c0_i32_1 = arith.constant 0 : i32
    return %arg0, %c0_i32, %c0_i32_0 : i32, i32, i32
  }
  func.func @transform_5(%arg0: i32, %arg1: i32) -> (i32, i32, i32) {
    %c0_i32 = arith.constant 0 : i32
    %c0_i32_0 = arith.constant 0 : i32
    %c0_i32_1 = arith.constant 0 : i32
    return %arg0, %c0_i32, %c0_i32_0 : i32, i32, i32
  }
  func.func @transform_6(%arg0: i32, %arg1: i32) -> (i32, i32, i32) {
    %c0_i32 = arith.constant 0 : i32
    %c0_i32_0 = arith.constant 0 : i32
    return %arg0, %arg1, %c0_i32 : i32, i32, i32
  }
}

module attributes {stable_mosaic.version = 14 : i64} {
  func.func @_gru_body(%arg0: i32, %arg1: memref<1x3x1000x128xf32, #tpu.memory_space<vmem>>, %arg2: memref<1x3x1000x128xf32, #tpu.memory_space<vmem>>, %arg3: memref<3x1000x128xf32, #tpu.memory_space<vmem>>, %arg4: memref<3x1000x16xf32, #tpu.memory_space<vmem>>, %arg5: memref<3x128xf32, #tpu.memory_space<vmem>>, %arg6: memref<128x384xf32, #tpu.memory_space<vmem>>, %arg7: memref<128x384xf32, #tpu.memory_space<vmem>>, %arg8: memref<1x384xf32, #tpu.memory_space<vmem>>, %arg9: memref<1x384xf32, #tpu.memory_space<vmem>>, %arg10: memref<1x128xf32, #tpu.memory_space<vmem>>, %arg11: memref<1x128xf32, #tpu.memory_space<vmem>>, %arg12: memref<3x1000x128xf32, #tpu.memory_space<vmem>>) attributes {dimension_semantics = [#tpu.dimension_semantics<arbitrary>], iteration_bounds = array<i64: 10>, scalar_prefetch = 0 : i64, scratch_operands = 0 : i64, tpu.core_type = #tpu.core_type<tc>, window_params = [{transform_indices = @transform_0, window_bounds = array<i64: 1, 3, 1000, 128>}, {transform_indices = @transform_1, window_bounds = array<i64: 1, 3, 1000, 128>}, {transform_indices = @transform_2, window_bounds = array<i64: 3, 1000, 128>}, {transform_indices = @transform_3, window_bounds = array<i64: 3, 1000, 16>}, {pipeline_mode = #tpu.pipeline_mode<synchronous>, transform_indices = @transform_4, window_bounds = array<i64: 3, 128>}, {pipeline_mode = #tpu.pipeline_mode<synchronous>, transform_indices = @transform_5, window_bounds = array<i64: 128, 384>}, {pipeline_mode = #tpu.pipeline_mode<synchronous>, transform_indices = @transform_6, window_bounds = array<i64: 128, 384>}, {pipeline_mode = #tpu.pipeline_mode<synchronous>, transform_indices = @transform_7, window_bounds = array<i64: 1, 384>}, {pipeline_mode = #tpu.pipeline_mode<synchronous>, transform_indices = @transform_8, window_bounds = array<i64: 1, 384>}, {pipeline_mode = #tpu.pipeline_mode<synchronous>, transform_indices = @transform_9, window_bounds = array<i64: 1, 128>}, {pipeline_mode = #tpu.pipeline_mode<synchronous>, transform_indices = @transform_10, window_bounds = array<i64: 1, 128>}, {transform_indices = @transform_11, window_bounds = array<i64: 3, 1000, 128>}]} {
    %get3A = arith.constant 0 : index
    %get3A_0 = arith.constant 0 : index
    %get3A_1 = arith.constant 0 : index
    %get3A_2 = vector.load %arg4[%get3A, %get3A_0, %get3A_1] : memref<3x1000x16xf32, #tpu.memory_space<vmem>>, vector<1x1000x16xf32>
    %get3A_3 = vector.shape_cast %get3A_2 : vector<1x1000x16xf32> to vector<1000x16xf32>
    %slice3A = vector.extract_strided_slice %get3A_3 {offsets = [0, 0], sizes = [1000, 1], strides = [1, 1]} : vector<1000x16xf32> to vector<1000x1xf32>
    %get3A_4 = arith.constant 0 : index
    %get3A_5 = arith.constant 0 : index
    %get3A_6 = arith.constant 0 : index
    %get3A_7 = arith.constant 0 : index
    %get3A_8 = vector.load %arg1[%get3A_4, %get3A_5, %get3A_6, %get3A_7] : memref<1x3x1000x128xf32, #tpu.memory_space<vmem>>, vector<1x1x1000x128xf32>
    %get3A_9 = vector.shape_cast %get3A_8 : vector<1x1x1000x128xf32> to vector<1000x128xf32>
    %get3A_10 = arith.constant 0 : index
    %get3A_11 = arith.constant 0 : index
    %get3A_12 = arith.constant 0 : index
    %get3A_13 = arith.constant 0 : index
    %get3A_14 = vector.load %arg2[%get3A_10, %get3A_11, %get3A_12, %get3A_13] : memref<1x3x1000x128xf32, #tpu.memory_space<vmem>>, vector<1x1x1000x128xf32>
    %get3A_15 = vector.shape_cast %get3A_14 : vector<1x1x1000x128xf32> to vector<1000x128xf32>
    %add3A = arith.addf %get3A_9, %get3A_15 : vector<1000x128xf32>
    %get3A_16 = arith.constant 0 : index
    %get3A_17 = arith.constant 0 : index
    %get3A_18 = arith.constant 0 : index
    %get3A_19 = vector.load %arg3[%get3A_16, %get3A_17, %get3A_18] : memref<3x1000x128xf32, #tpu.memory_space<vmem>>, vector<1x1000x128xf32>
    %get3A_20 = vector.shape_cast %get3A_19 : vector<1x1000x128xf32> to vector<1000x128xf32>
    %add3A_21 = arith.addf %add3A, %get3A_20 : vector<1000x128xf32>
    %mul3A = vector.broadcast %slice3A : vector<1000x1xf32> to vector<1000x128xf32>
    %mul3A_22 = arith.mulf %add3A_21, %mul3A : vector<1000x128xf32>
    %get3A_23 = arith.constant 0 : index
    %get3A_24 = arith.constant 0 : index
    %get3A_25 = vector.load %arg5[%get3A_23, %get3A_24] : memref<3x128xf32, #tpu.memory_space<vmem>>, vector<1x128xf32>
    %get3A_26 = vector.shape_cast %get3A_25 : vector<1x128xf32> to vector<128xf32>
    %broadcast_in_dim3A = vector.shape_cast %get3A_26 : vector<128xf32> to vector<1x128xf32>
    %add3A_27 = vector.broadcast %broadcast_in_dim3A : vector<1x128xf32> to vector<1000x128xf32>
    %add3A_28 = arith.addf %mul3A_22, %add3A_27 : vector<1000x128xf32>
    %mul3A_29 = arith.mulf %add3A_28, %add3A_28 : vector<1000x128xf32>
    %reduce_sum3A = arith.constant dense<0.000000e+00> : vector<1000xf32>
    %reduce_sum3A_30 = vector.multi_reduction <add>, %mul3A_29, %reduce_sum3A [1] : vector<1000x128xf32> to vector<1000xf32>
    %broadcast_in_dim3A_31 = vector.shape_cast %reduce_sum3A_30 : vector<1000xf32> to vector<1000x1xf32>
    %sqrt3A = math.sqrt %broadcast_in_dim3A_31 : vector<1000x1xf32>
    %max3A = arith.constant 9.99999996E-13 : f32
    %max3A_32 = vector.broadcast %max3A : f32 to vector<1000x1xf32>
    %max3A_33 = arith.maximumf %sqrt3A, %max3A_32 : vector<1000x1xf32>
    %div3A = vector.broadcast %max3A_33 : vector<1000x1xf32> to vector<1000x128xf32>
    %div3A_34 = arith.divf %add3A_28, %div3A : vector<1000x128xf32>
    %get3A_35 = arith.constant 1 : index
    %get3A_36 = arith.constant 0 : index
    %get3A_37 = arith.constant 0 : index
    %get3A_38 = vector.load %arg4[%get3A_35, %get3A_36, %get3A_37] : memref<3x1000x16xf32, #tpu.memory_space<vmem>>, vector<1x1000x16xf32>
    %get3A_39 = vector.shape_cast %get3A_38 : vector<1x1000x16xf32> to vector<1000x16xf32>
    %slice3A_40 = vector.extract_strided_slice %get3A_39 {offsets = [0, 0], sizes = [1000, 1], strides = [1, 1]} : vector<1000x16xf32> to vector<1000x1xf32>
    %get3A_41 = arith.constant 0 : index
    %get3A_42 = arith.constant 1 : index
    %get3A_43 = arith.constant 0 : index
    %get3A_44 = arith.constant 0 : index
    %get3A_45 = vector.load %arg1[%get3A_41, %get3A_42, %get3A_43, %get3A_44] : memref<1x3x1000x128xf32, #tpu.memory_space<vmem>>, vector<1x1x1000x128xf32>
    %get3A_46 = vector.shape_cast %get3A_45 : vector<1x1x1000x128xf32> to vector<1000x128xf32>
    %get3A_47 = arith.constant 0 : index
    %get3A_48 = arith.constant 1 : index
    %get3A_49 = arith.constant 0 : index
    %get3A_50 = arith.constant 0 : index
    %get3A_51 = vector.load %arg2[%get3A_47, %get3A_48, %get3A_49, %get3A_50] : memref<1x3x1000x128xf32, #tpu.memory_space<vmem>>, vector<1x1x1000x128xf32>
    %get3A_52 = vector.shape_cast %get3A_51 : vector<1x1x1000x128xf32> to vector<1000x128xf32>
    %add3A_53 = arith.addf %get3A_46, %get3A_52 : vector<1000x128xf32>
    %get3A_54 = arith.constant 1 : index
    %get3A_55 = arith.constant 0 : index
    %get3A_56 = arith.constant 0 : index
    %get3A_57 = vector.load %arg3[%get3A_54, %get3A_55, %get3A_56] : memref<3x1000x128xf32, #tpu.memory_space<vmem>>, vector<1x1000x128xf32>
    %get3A_58 = vector.shape_cast %get3A_57 : vector<1x1000x128xf32> to vector<1000x128xf32>
    %add3A_59 = arith.addf %add3A_53, %get3A_58 : vector<1000x128xf32>
    %mul3A_60 = vector.broadcast %slice3A_40 : vector<1000x1xf32> to vector<1000x128xf32>
    %mul3A_61 = arith.mulf %add3A_59, %mul3A_60 : vector<1000x128xf32>
    %get3A_62 = arith.constant 1 : index
    %get3A_63 = arith.constant 0 : index
    %get3A_64 = vector.load %arg5[%get3A_62, %get3A_63] : memref<3x128xf32, #tpu.memory_space<vmem>>, vector<1x128xf32>
    %get3A_65 = vector.shape_cast %get3A_64 : vector<1x128xf32> to vector<128xf32>
    %broadcast_in_dim3A_66 = vector.shape_cast %get3A_65 : vector<128xf32> to vector<1x128xf32>
    %add3A_67 = vector.broadcast %broadcast_in_dim3A_66 : vector<1x128xf32> to vector<1000x128xf32>
    %add3A_68 = arith.addf %mul3A_61, %add3A_67 : vector<1000x128xf32>
    %mul3A_69 = arith.mulf %add3A_68, %add3A_68 : vector<1000x128xf32>
    %reduce_sum3A_70 = arith.constant dense<0.000000e+00> : vector<1000xf32>
    %reduce_sum3A_71 = vector.multi_reduction <add>, %mul3A_69, %reduce_sum3A_70 [1] : vector<1000x128xf32> to vector<1000xf32>
    %broadcast_in_dim3A_72 = vector.shape_cast %reduce_sum3A_71 : vector<1000xf32> to vector<1000x1xf32>
    %sqrt3A_73 = math.sqrt %broadcast_in_dim3A_72 : vector<1000x1xf32>
    %max3A_74 = arith.constant 9.99999996E-13 : f32
    %max3A_75 = vector.broadcast %max3A_74 : f32 to vector<1000x1xf32>
    %max3A_76 = arith.maximumf %sqrt3A_73, %max3A_75 : vector<1000x1xf32>
    %div3A_77 = vector.broadcast %max3A_76 : vector<1000x1xf32> to vector<1000x128xf32>
    %div3A_78 = arith.divf %add3A_68, %div3A_77 : vector<1000x128xf32>
    %get3A_79 = arith.constant 2 : index
    %get3A_80 = arith.constant 0 : index
    %get3A_81 = arith.constant 0 : index
    %get3A_82 = vector.load %arg4[%get3A_79, %get3A_80, %get3A_81] : memref<3x1000x16xf32, #tpu.memory_space<vmem>>, vector<1x1000x16xf32>
    %get3A_83 = vector.shape_cast %get3A_82 : vector<1x1000x16xf32> to vector<1000x16xf32>
    %slice3A_84 = vector.extract_strided_slice %get3A_83 {offsets = [0, 0], sizes = [1000, 1], strides = [1, 1]} : vector<1000x16xf32> to vector<1000x1xf32>
    %get3A_85 = arith.constant 0 : index
    %get3A_86 = arith.constant 2 : index
    %get3A_87 = arith.constant 0 : index
    %get3A_88 = arith.constant 0 : index
    %get3A_89 = vector.load %arg1[%get3A_85, %get3A_86, %get3A_87, %get3A_88] : memref<1x3x1000x128xf32, #tpu.memory_space<vmem>>, vector<1x1x1000x128xf32>
    %get3A_90 = vector.shape_cast %get3A_89 : vector<1x1x1000x128xf32> to vector<1000x128xf32>
    %get3A_91 = arith.constant 0 : index
    %get3A_92 = arith.constant 2 : index
    %get3A_93 = arith.constant 0 : index
    %get3A_94 = arith.constant 0 : index
    %get3A_95 = vector.load %arg2[%get3A_91, %get3A_92, %get3A_93, %get3A_94] : memref<1x3x1000x128xf32, #tpu.memory_space<vmem>>, vector<1x1x1000x128xf32>
    %get3A_96 = vector.shape_cast %get3A_95 : vector<1x1x1000x128xf32> to vector<1000x128xf32>
    %add3A_97 = arith.addf %get3A_90, %get3A_96 : vector<1000x128xf32>
    %get3A_98 = arith.constant 2 : index
    %get3A_99 = arith.constant 0 : index
    %get3A_100 = arith.constant 0 : index
    %get3A_101 = vector.load %arg3[%get3A_98, %get3A_99, %get3A_100] : memref<3x1000x128xf32, #tpu.memory_space<vmem>>, vector<1x1000x128xf32>
    %get3A_102 = vector.shape_cast %get3A_101 : vector<1x1000x128xf32> to vector<1000x128xf32>
    %add3A_103 = arith.addf %add3A_97, %get3A_102 : vector<1000x128xf32>
    %mul3A_104 = vector.broadcast %slice3A_84 : vector<1000x1xf32> to vector<1000x128xf32>
    %mul3A_105 = arith.mulf %add3A_103, %mul3A_104 : vector<1000x128xf32>
    %get3A_106 = arith.constant 2 : index
    %get3A_107 = arith.constant 0 : index
    %get3A_108 = vector.load %arg5[%get3A_106, %get3A_107] : memref<3x128xf32, #tpu.memory_space<vmem>>, vector<1x128xf32>
    %get3A_109 = vector.shape_cast %get3A_108 : vector<1x128xf32> to vector<128xf32>
    %broadcast_in_dim3A_110 = vector.shape_cast %get3A_109 : vector<128xf32> to vector<1x128xf32>
    %add3A_111 = vector.broadcast %broadcast_in_dim3A_110 : vector<1x128xf32> to vector<1000x128xf32>
    %add3A_112 = arith.addf %mul3A_105, %add3A_111 : vector<1000x128xf32>
    %mul3A_113 = arith.mulf %add3A_112, %add3A_112 : vector<1000x128xf32>
    %reduce_sum3A_114 = arith.constant dense<0.000000e+00> : vector<1000xf32>
    %reduce_sum3A_115 = vector.multi_reduction <add>, %mul3A_113, %reduce_sum3A_114 [1] : vector<1000x128xf32> to vector<1000xf32>
    %broadcast_in_dim3A_116 = vector.shape_cast %reduce_sum3A_115 : vector<1000xf32> to vector<1000x1xf32>
    %sqrt3A_117 = math.sqrt %broadcast_in_dim3A_116 : vector<1000x1xf32>
    %max3A_118 = arith.constant 9.99999996E-13 : f32
    %max3A_119 = vector.broadcast %max3A_118 : f32 to vector<1000x1xf32>
    %max3A_120 = arith.maximumf %sqrt3A_117, %max3A_119 : vector<1000x1xf32>
    %div3A_121 = vector.broadcast %max3A_120 : vector<1000x1xf32> to vector<1000x128xf32>
    %div3A_122 = arith.divf %add3A_112, %div3A_121 : vector<1000x128xf32>
    %broadcast_in_dim3A_123 = arith.constant 0.000000e+00 : f32
    %broadcast_in_dim3A_124 = vector.broadcast %broadcast_in_dim3A_123 : f32 to vector<1000x128xf32>
    %get3A_125 = arith.constant 0 : index
    %get3A_126 = arith.constant 0 : index
    %get3A_127 = vector.load %arg10[%get3A_125, %get3A_126] : memref<1x128xf32, #tpu.memory_space<vmem>>, vector<1x128xf32>
    %get3A_128 = vector.shape_cast %get3A_127 : vector<1x128xf32> to vector<128xf32>
    %get3A_129 = arith.constant 0 : index
    %get3A_130 = arith.constant 0 : index
    %get3A_131 = vector.load %arg11[%get3A_129, %get3A_130] : memref<1x128xf32, #tpu.memory_space<vmem>>, vector<1x128xf32>
    %get3A_132 = vector.shape_cast %get3A_131 : vector<1x128xf32> to vector<128xf32>
    %get3A_133 = arith.constant 0 : index
    %get3A_134 = arith.constant 0 : index
    %get3A_135 = vector.load %arg6[%get3A_133, %get3A_134] : memref<128x384xf32, #tpu.memory_space<vmem>>, vector<128x384xf32>
    %get3A_136 = arith.constant 0 : index
    %get3A_137 = arith.constant 0 : index
    %get3A_138 = vector.load %arg7[%get3A_136, %get3A_137] : memref<128x384xf32, #tpu.memory_space<vmem>>, vector<128x384xf32>
    %dot_general3A = arith.constant dense<0.000000e+00> : vector<1000x384xf32>
    %dot_general3A_139 = tpu.matmul %div3A_34, %get3A_135, %dot_general3A {dimension_numbers = #tpu.dot_dimension_numbers<[1], [0], [0], [1], [0, 0, 1, 1], [], []>, transpose_lhs_hint = false} : vector<1000x128xf32>, vector<128x384xf32>, vector<1000x384xf32> -> vector<1000x384xf32>
    %get3A_140 = arith.constant 0 : index
    %get3A_141 = arith.constant 0 : index
    %get3A_142 = vector.load %arg8[%get3A_140, %get3A_141] : memref<1x384xf32, #tpu.memory_space<vmem>>, vector<1x384xf32>
    %get3A_143 = vector.shape_cast %get3A_142 : vector<1x384xf32> to vector<384xf32>
    %broadcast_in_dim3A_144 = vector.shape_cast %get3A_143 : vector<384xf32> to vector<1x384xf32>
    %add3A_145 = vector.broadcast %broadcast_in_dim3A_144 : vector<1x384xf32> to vector<1000x384xf32>
    %add3A_146 = arith.addf %dot_general3A_139, %add3A_145 : vector<1000x384xf32>
    %dot_general3A_147 = arith.constant dense<0.000000e+00> : vector<1000x384xf32>
    %dot_general3A_148 = tpu.matmul %broadcast_in_dim3A_124, %get3A_138, %dot_general3A_147 {dimension_numbers = #tpu.dot_dimension_numbers<[1], [0], [0], [1], [0, 0, 1, 1], [], []>, transpose_lhs_hint = false} : vector<1000x128xf32>, vector<128x384xf32>, vector<1000x384xf32> -> vector<1000x384xf32>
    %get3A_149 = arith.constant 0 : index
    %get3A_150 = arith.constant 0 : index
    %get3A_151 = vector.load %arg9[%get3A_149, %get3A_150] : memref<1x384xf32, #tpu.memory_space<vmem>>, vector<1x384xf32>
    %get3A_152 = vector.shape_cast %get3A_151 : vector<1x384xf32> to vector<384xf32>
    %broadcast_in_dim3A_153 = vector.shape_cast %get3A_152 : vector<384xf32> to vector<1x384xf32>
    %add3A_154 = vector.broadcast %broadcast_in_dim3A_153 : vector<1x384xf32> to vector<1000x384xf32>
    %add3A_155 = arith.addf %dot_general3A_148, %add3A_154 : vector<1000x384xf32>
    %slice3A_156 = vector.extract_strided_slice %add3A_146 {offsets = [0, 0], sizes = [1000, 128], strides = [1, 1]} : vector<1000x384xf32> to vector<1000x128xf32>
    %slice3A_157 = vector.extract_strided_slice %add3A_155 {offsets = [0, 0], sizes = [1000, 128], strides = [1, 1]} : vector<1000x384xf32> to vector<1000x128xf32>
    %add3A_158 = arith.addf %slice3A_156, %slice3A_157 : vector<1000x128xf32>
    %logistic3A = arith.negf %add3A_158 : vector<1000x128xf32>
    %logistic3A_159 = math.exp %logistic3A : vector<1000x128xf32>
    %logistic3A_160 = arith.constant 1.000000e+00 : f32
    %logistic3A_161 = vector.broadcast %logistic3A_160 : f32 to vector<1000x128xf32>
    %logistic3A_162 = arith.addf %logistic3A_161, %logistic3A_159 : vector<1000x128xf32>
    %logistic3A_163 = arith.divf %logistic3A_161, %logistic3A_162 : vector<1000x128xf32>
    %slice3A_164 = vector.extract_strided_slice %add3A_146 {offsets = [0, 128], sizes = [1000, 128], strides = [1, 1]} : vector<1000x384xf32> to vector<1000x128xf32>
    %slice3A_165 = vector.extract_strided_slice %add3A_155 {offsets = [0, 128], sizes = [1000, 128], strides = [1, 1]} : vector<1000x384xf32> to vector<1000x128xf32>
    %add3A_166 = arith.addf %slice3A_164, %slice3A_165 : vector<1000x128xf32>
    %logistic3A_167 = arith.negf %add3A_166 : vector<1000x128xf32>
    %logistic3A_168 = math.exp %logistic3A_167 : vector<1000x128xf32>
    %logistic3A_169 = arith.constant 1.000000e+00 : f32
    %logistic3A_170 = vector.broadcast %logistic3A_169 : f32 to vector<1000x128xf32>
    %logistic3A_171 = arith.addf %logistic3A_170, %logistic3A_168 : vector<1000x128xf32>
    %logistic3A_172 = arith.divf %logistic3A_170, %logistic3A_171 : vector<1000x128xf32>
    %slice3A_173 = vector.extract_strided_slice %add3A_146 {offsets = [0, 256], sizes = [1000, 128], strides = [1, 1]} : vector<1000x384xf32> to vector<1000x128xf32>
    %slice3A_174 = vector.extract_strided_slice %add3A_155 {offsets = [0, 256], sizes = [1000, 128], strides = [1, 1]} : vector<1000x384xf32> to vector<1000x128xf32>
    %mul3A_175 = arith.mulf %logistic3A_163, %slice3A_174 : vector<1000x128xf32>
    %add3A_176 = arith.addf %slice3A_173, %mul3A_175 : vector<1000x128xf32>
    %tanh3A = math.tanh %add3A_176 : vector<1000x128xf32>
    %sub3A = arith.constant 1.000000e+00 : f32
    %sub3A_177 = vector.broadcast %sub3A : f32 to vector<1000x128xf32>
    %sub3A_178 = arith.subf %sub3A_177, %logistic3A_172 : vector<1000x128xf32>
    %mul3A_179 = arith.mulf %sub3A_178, %tanh3A : vector<1000x128xf32>
    %mul3A_180 = arith.mulf %logistic3A_172, %broadcast_in_dim3A_124 : vector<1000x128xf32>
    %add3A_181 = arith.addf %mul3A_179, %mul3A_180 : vector<1000x128xf32>
    %reduce_sum3A_182 = arith.constant dense<0.000000e+00> : vector<1000xf32>
    %reduce_sum3A_183 = vector.multi_reduction <add>, %add3A_181, %reduce_sum3A_182 [1] : vector<1000x128xf32> to vector<1000xf32>
    %broadcast_in_dim3A_184 = vector.shape_cast %reduce_sum3A_183 : vector<1000xf32> to vector<1000x1xf32>
    %div3A_185 = arith.constant 1.280000e+02 : f32
    %div3A_186 = vector.broadcast %div3A_185 : f32 to vector<1000x1xf32>
    %div3A_187 = arith.divf %broadcast_in_dim3A_184, %div3A_186 : vector<1000x1xf32>
    %sub3A_188 = vector.broadcast %div3A_187 : vector<1000x1xf32> to vector<1000x128xf32>
    %sub3A_189 = arith.subf %add3A_181, %sub3A_188 : vector<1000x128xf32>
    %sub3A_190 = vector.broadcast %div3A_187 : vector<1000x1xf32> to vector<1000x128xf32>
    %sub3A_191 = arith.subf %add3A_181, %sub3A_190 : vector<1000x128xf32>
    %mul3A_192 = arith.mulf %sub3A_189, %sub3A_191 : vector<1000x128xf32>
    %reduce_sum3A_193 = arith.constant dense<0.000000e+00> : vector<1000xf32>
    %reduce_sum3A_194 = vector.multi_reduction <add>, %mul3A_192, %reduce_sum3A_193 [1] : vector<1000x128xf32> to vector<1000xf32>
    %broadcast_in_dim3A_195 = vector.shape_cast %reduce_sum3A_194 : vector<1000xf32> to vector<1000x1xf32>
    %div3A_196 = arith.constant 1.280000e+02 : f32
    %div3A_197 = vector.broadcast %div3A_196 : f32 to vector<1000x1xf32>
    %div3A_198 = arith.divf %broadcast_in_dim3A_195, %div3A_197 : vector<1000x1xf32>
    %sub3A_199 = vector.broadcast %div3A_187 : vector<1000x1xf32> to vector<1000x128xf32>
    %sub3A_200 = arith.subf %add3A_181, %sub3A_199 : vector<1000x128xf32>
    %broadcast_in_dim3A_201 = vector.shape_cast %get3A_128 : vector<128xf32> to vector<1x128xf32>
    %mul3A_202 = vector.broadcast %broadcast_in_dim3A_201 : vector<1x128xf32> to vector<1000x128xf32>
    %mul3A_203 = arith.mulf %mul3A_202, %sub3A_200 : vector<1000x128xf32>
    %add3A_204 = arith.constant 9.99999974E-6 : f32
    %add3A_205 = vector.broadcast %add3A_204 : f32 to vector<1000x1xf32>
    %add3A_206 = arith.addf %div3A_198, %add3A_205 : vector<1000x1xf32>
    %rsqrt3A = math.rsqrt %add3A_206 : vector<1000x1xf32>
    %mul3A_207 = vector.broadcast %rsqrt3A : vector<1000x1xf32> to vector<1000x128xf32>
    %mul3A_208 = arith.mulf %mul3A_203, %mul3A_207 : vector<1000x128xf32>
    %broadcast_in_dim3A_209 = vector.shape_cast %get3A_132 : vector<128xf32> to vector<1x128xf32>
    %add3A_210 = vector.broadcast %broadcast_in_dim3A_209 : vector<1x128xf32> to vector<1000x128xf32>
    %add3A_211 = arith.addf %mul3A_208, %add3A_210 : vector<1000x128xf32>
    %swap3A = arith.constant 0 : index
    %swap3A_212 = arith.constant 0 : index
    %swap3A_213 = arith.constant 0 : index
    %swap3A_214 = vector.load %arg12[%swap3A, %swap3A_212, %swap3A_213] : memref<3x1000x128xf32, #tpu.memory_space<vmem>>, vector<1x1000x128xf32>
    %swap3A_215 = vector.shape_cast %swap3A_214 : vector<1x1000x128xf32> to vector<1000x128xf32>
    %swap3A_216 = vector.shape_cast %add3A_211 : vector<1000x128xf32> to vector<1x1000x128xf32>
    tpu.vector_store %arg12[%swap3A, %swap3A_212, %swap3A_213], %swap3A_216 {strides = array<i32>} : memref<3x1000x128xf32, #tpu.memory_space<vmem>>, vector<1x1000x128xf32>,
    %dot_general3A_217 = arith.constant dense<0.000000e+00> : vector<1000x384xf32>
    %dot_general3A_218 = tpu.matmul %div3A_78, %get3A_135, %dot_general3A_217 {dimension_numbers = #tpu.dot_dimension_numbers<[1], [0], [0], [1], [0, 0, 1, 1], [], []>, transpose_lhs_hint = false} : vector<1000x128xf32>, vector<128x384xf32>, vector<1000x384xf32> -> vector<1000x384xf32>
    %get3A_219 = arith.constant 0 : index
    %get3A_220 = arith.constant 0 : index
    %get3A_221 = vector.load %arg8[%get3A_219, %get3A_220] : memref<1x384xf32, #tpu.memory_space<vmem>>, vector<1x384xf32>
    %get3A_222 = vector.shape_cast %get3A_221 : vector<1x384xf32> to vector<384xf32>
    %broadcast_in_dim3A_223 = vector.shape_cast %get3A_222 : vector<384xf32> to vector<1x384xf32>
    %add3A_224 = vector.broadcast %broadcast_in_dim3A_223 : vector<1x384xf32> to vector<1000x384xf32>
    %add3A_225 = arith.addf %dot_general3A_218, %add3A_224 : vector<1000x384xf32>
    %dot_general3A_226 = arith.constant dense<0.000000e+00> : vector<1000x384xf32>
    %dot_general3A_227 = tpu.matmul %add3A_181, %get3A_138, %dot_general3A_226 {dimension_numbers = #tpu.dot_dimension_numbers<[1], [0], [0], [1], [0, 0, 1, 1], [], []>, transpose_lhs_hint = false} : vector<1000x128xf32>, vector<128x384xf32>, vector<1000x384xf32> -> vector<1000x384xf32>
    %get3A_228 = arith.constant 0 : index
    %get3A_229 = arith.constant 0 : index
    %get3A_230 = vector.load %arg9[%get3A_228, %get3A_229] : memref<1x384xf32, #tpu.memory_space<vmem>>, vector<1x384xf32>
    %get3A_231 = vector.shape_cast %get3A_230 : vector<1x384xf32> to vector<384xf32>
    %broadcast_in_dim3A_232 = vector.shape_cast %get3A_231 : vector<384xf32> to vector<1x384xf32>
    %add3A_233 = vector.broadcast %broadcast_in_dim3A_232 : vector<1x384xf32> to vector<1000x384xf32>
    %add3A_234 = arith.addf %dot_general3A_227, %add3A_233 : vector<1000x384xf32>
    %slice3A_235 = vector.extract_strided_slice %add3A_225 {offsets = [0, 0], sizes = [1000, 128], strides = [1, 1]} : vector<1000x384xf32> to vector<1000x128xf32>
    %slice3A_236 = vector.extract_strided_slice %add3A_234 {offsets = [0, 0], sizes = [1000, 128], strides = [1, 1]} : vector<1000x384xf32> to vector<1000x128xf32>
    %add3A_237 = arith.addf %slice3A_235, %slice3A_236 : vector<1000x128xf32>
    %logistic3A_238 = arith.negf %add3A_237 : vector<1000x128xf32>
    %logistic3A_239 = math.exp %logistic3A_238 : vector<1000x128xf32>
    %logistic3A_240 = arith.constant 1.000000e+00 : f32
    %logistic3A_241 = vector.broadcast %logistic3A_240 : f32 to vector<1000x128xf32>
    %logistic3A_242 = arith.addf %logistic3A_241, %logistic3A_239 : vector<1000x128xf32>
    %logistic3A_243 = arith.divf %logistic3A_241, %logistic3A_242 : vector<1000x128xf32>
    %slice3A_244 = vector.extract_strided_slice %add3A_225 {offsets = [0, 128], sizes = [1000, 128], strides = [1, 1]} : vector<1000x384xf32> to vector<1000x128xf32>
    %slice3A_245 = vector.extract_strided_slice %add3A_234 {offsets = [0, 128], sizes = [1000, 128], strides = [1, 1]} : vector<1000x384xf32> to vector<1000x128xf32>
    %add3A_246 = arith.addf %slice3A_244, %slice3A_245 : vector<1000x128xf32>
    %logistic3A_247 = arith.negf %add3A_246 : vector<1000x128xf32>
    %logistic3A_248 = math.exp %logistic3A_247 : vector<1000x128xf32>
    %logistic3A_249 = arith.constant 1.000000e+00 : f32
    %logistic3A_250 = vector.broadcast %logistic3A_249 : f32 to vector<1000x128xf32>
    %logistic3A_251 = arith.addf %logistic3A_250, %logistic3A_248 : vector<1000x128xf32>
    %logistic3A_252 = arith.divf %logistic3A_250, %logistic3A_251 : vector<1000x128xf32>
    %slice3A_253 = vector.extract_strided_slice %add3A_225 {offsets = [0, 256], sizes = [1000, 128], strides = [1, 1]} : vector<1000x384xf32> to vector<1000x128xf32>
    %slice3A_254 = vector.extract_strided_slice %add3A_234 {offsets = [0, 256], sizes = [1000, 128], strides = [1, 1]} : vector<1000x384xf32> to vector<1000x128xf32>
    %mul3A_255 = arith.mulf %logistic3A_243, %slice3A_254 : vector<1000x128xf32>
    %add3A_256 = arith.addf %slice3A_253, %mul3A_255 : vector<1000x128xf32>
    %tanh3A_257 = math.tanh %add3A_256 : vector<1000x128xf32>
    %sub3A_258 = arith.constant 1.000000e+00 : f32
    %sub3A_259 = vector.broadcast %sub3A_258 : f32 to vector<1000x128xf32>
    %sub3A_260 = arith.subf %sub3A_259, %logistic3A_252 : vector<1000x128xf32>
    %mul3A_261 = arith.mulf %sub3A_260, %tanh3A_257 : vector<1000x128xf32>
    %mul3A_262 = arith.mulf %logistic3A_252, %add3A_181 : vector<1000x128xf32>
    %add3A_263 = arith.addf %mul3A_261, %mul3A_262 : vector<1000x128xf32>
    %reduce_sum3A_264 = arith.constant dense<0.000000e+00> : vector<1000xf32>
    %reduce_sum3A_265 = vector.multi_reduction <add>, %add3A_263, %reduce_sum3A_264 [1] : vector<1000x128xf32> to vector<1000xf32>
    %broadcast_in_dim3A_266 = vector.shape_cast %reduce_sum3A_265 : vector<1000xf32> to vector<1000x1xf32>
    %div3A_267 = arith.constant 1.280000e+02 : f32
    %div3A_268 = vector.broadcast %div3A_267 : f32 to vector<1000x1xf32>
    %div3A_269 = arith.divf %broadcast_in_dim3A_266, %div3A_268 : vector<1000x1xf32>
    %sub3A_270 = vector.broadcast %div3A_269 : vector<1000x1xf32> to vector<1000x128xf32>
    %sub3A_271 = arith.subf %add3A_263, %sub3A_270 : vector<1000x128xf32>
    %sub3A_272 = vector.broadcast %div3A_269 : vector<1000x1xf32> to vector<1000x128xf32>
    %sub3A_273 = arith.subf %add3A_263, %sub3A_272 : vector<1000x128xf32>
    %mul3A_274 = arith.mulf %sub3A_271, %sub3A_273 : vector<1000x128xf32>
    %reduce_sum3A_275 = arith.constant dense<0.000000e+00> : vector<1000xf32>
    %reduce_sum3A_276 = vector.multi_reduction <add>, %mul3A_274, %reduce_sum3A_275 [1] : vector<1000x128xf32> to vector<1000xf32>
    %broadcast_in_dim3A_277 = vector.shape_cast %reduce_sum3A_276 : vector<1000xf32> to vector<1000x1xf32>
    %div3A_278 = arith.constant 1.280000e+02 : f32
    %div3A_279 = vector.broadcast %div3A_278 : f32 to vector<1000x1xf32>
    %div3A_280 = arith.divf %broadcast_in_dim3A_277, %div3A_279 : vector<1000x1xf32>
    %sub3A_281 = vector.broadcast %div3A_269 : vector<1000x1xf32> to vector<1000x128xf32>
    %sub3A_282 = arith.subf %add3A_263, %sub3A_281 : vector<1000x128xf32>
    %broadcast_in_dim3A_283 = vector.shape_cast %get3A_128 : vector<128xf32> to vector<1x128xf32>
    %mul3A_284 = vector.broadcast %broadcast_in_dim3A_283 : vector<1x128xf32> to vector<1000x128xf32>
    %mul3A_285 = arith.mulf %mul3A_284, %sub3A_282 : vector<1000x128xf32>
    %add3A_286 = arith.constant 9.99999974E-6 : f32
    %add3A_287 = vector.broadcast %add3A_286 : f32 to vector<1000x1xf32>
    %add3A_288 = arith.addf %div3A_280, %add3A_287 : vector<1000x1xf32>
    %rsqrt3A_289 = math.rsqrt %add3A_288 : vector<1000x1xf32>
    %mul3A_290 = vector.broadcast %rsqrt3A_289 : vector<1000x1xf32> to vector<1000x128xf32>
    %mul3A_291 = arith.mulf %mul3A_285, %mul3A_290 : vector<1000x128xf32>
    %broadcast_in_dim3A_292 = vector.shape_cast %get3A_132 : vector<128xf32> to vector<1x128xf32>
    %add3A_293 = vector.broadcast %broadcast_in_dim3A_292 : vector<1x128xf32> to vector<1000x128xf32>
    %add3A_294 = arith.addf %mul3A_291, %add3A_293 : vector<1000x128xf32>
    %swap3A_295 = arith.constant 1 : index
    %swap3A_296 = arith.constant 0 : index
    %swap3A_297 = arith.constant 0 : index
    %swap3A_298 = vector.load %arg12[%swap3A_295, %swap3A_296, %swap3A_297] : memref<3x1000x128xf32, #tpu.memory_space<vmem>>, vector<1x1000x128xf32>
    %swap3A_299 = vector.shape_cast %swap3A_298 : vector<1x1000x128xf32> to vector<1000x128xf32>
    %swap3A_300 = vector.shape_cast %add3A_294 : vector<1000x128xf32> to vector<1x1000x128xf32>
    tpu.vector_store %arg12[%swap3A_295, %swap3A_296, %swap3A_297], %swap3A_300 {strides = array<i32>} : memref<3x1000x128xf32, #tpu.memory_space<vmem>>, vector<1x1000x128xf32>,
    %dot_general3A_301 = arith.constant dense<0.000000e+00> : vector<1000x384xf32>
    %dot_general3A_302 = tpu.matmul %div3A_122, %get3A_135, %dot_general3A_301 {dimension_numbers = #tpu.dot_dimension_numbers<[1], [0], [0], [1], [0, 0, 1, 1], [], []>, transpose_lhs_hint = false} : vector<1000x128xf32>, vector<128x384xf32>, vector<1000x384xf32> -> vector<1000x384xf32>
    %get3A_303 = arith.constant 0 : index
    %get3A_304 = arith.constant 0 : index
    %get3A_305 = vector.load %arg8[%get3A_303, %get3A_304] : memref<1x384xf32, #tpu.memory_space<vmem>>, vector<1x384xf32>
    %get3A_306 = vector.shape_cast %get3A_305 : vector<1x384xf32> to vector<384xf32>
    %broadcast_in_dim3A_307 = vector.shape_cast %get3A_306 : vector<384xf32> to vector<1x384xf32>
    %add3A_308 = vector.broadcast %broadcast_in_dim3A_307 : vector<1x384xf32> to vector<1000x384xf32>
    %add3A_309 = arith.addf %dot_general3A_302, %add3A_308 : vector<1000x384xf32>
    %dot_general3A_310 = arith.constant dense<0.000000e+00> : vector<1000x384xf32>
    %dot_general3A_311 = tpu.matmul %add3A_263, %get3A_138, %dot_general3A_310 {dimension_numbers = #tpu.dot_dimension_numbers<[1], [0], [0], [1], [0, 0, 1, 1], [], []>, transpose_lhs_hint = false} : vector<1000x128xf32>, vector<128x384xf32>, vector<1000x384xf32> -> vector<1000x384xf32>
    %get3A_312 = arith.constant 0 : index
    %get3A_313 = arith.constant 0 : index
    %get3A_314 = vector.load %arg9[%get3A_312, %get3A_313] : memref<1x384xf32, #tpu.memory_space<vmem>>, vector<1x384xf32>
    %get3A_315 = vector.shape_cast %get3A_314 : vector<1x384xf32> to vector<384xf32>
    %broadcast_in_dim3A_316 = vector.shape_cast %get3A_315 : vector<384xf32> to vector<1x384xf32>
    %add3A_317 = vector.broadcast %broadcast_in_dim3A_316 : vector<1x384xf32> to vector<1000x384xf32>
    %add3A_318 = arith.addf %dot_general3A_311, %add3A_317 : vector<1000x384xf32>
    %slice3A_319 = vector.extract_strided_slice %add3A_309 {offsets = [0, 0], sizes = [1000, 128], strides = [1, 1]} : vector<1000x384xf32> to vector<1000x128xf32>
    %slice3A_320 = vector.extract_strided_slice %add3A_318 {offsets = [0, 0], sizes = [1000, 128], strides = [1, 1]} : vector<1000x384xf32> to vector<1000x128xf32>
    %add3A_321 = arith.addf %slice3A_319, %slice3A_320 : vector<1000x128xf32>
    %logistic3A_322 = arith.negf %add3A_321 : vector<1000x128xf32>
    %logistic3A_323 = math.exp %logistic3A_322 : vector<1000x128xf32>
    %logistic3A_324 = arith.constant 1.000000e+00 : f32
    %logistic3A_325 = vector.broadcast %logistic3A_324 : f32 to vector<1000x128xf32>
    %logistic3A_326 = arith.addf %logistic3A_325, %logistic3A_323 : vector<1000x128xf32>
    %logistic3A_327 = arith.divf %logistic3A_325, %logistic3A_326 : vector<1000x128xf32>
    %slice3A_328 = vector.extract_strided_slice %add3A_309 {offsets = [0, 128], sizes = [1000, 128], strides = [1, 1]} : vector<1000x384xf32> to vector<1000x128xf32>
    %slice3A_329 = vector.extract_strided_slice %add3A_318 {offsets = [0, 128], sizes = [1000, 128], strides = [1, 1]} : vector<1000x384xf32> to vector<1000x128xf32>
    %add3A_330 = arith.addf %slice3A_328, %slice3A_329 : vector<1000x128xf32>
    %logistic3A_331 = arith.negf %add3A_330 : vector<1000x128xf32>
    %logistic3A_332 = math.exp %logistic3A_331 : vector<1000x128xf32>
    %logistic3A_333 = arith.constant 1.000000e+00 : f32
    %logistic3A_334 = vector.broadcast %logistic3A_333 : f32 to vector<1000x128xf32>
    %logistic3A_335 = arith.addf %logistic3A_334, %logistic3A_332 : vector<1000x128xf32>
    %logistic3A_336 = arith.divf %logistic3A_334, %logistic3A_335 : vector<1000x128xf32>
    %slice3A_337 = vector.extract_strided_slice %add3A_309 {offsets = [0, 256], sizes = [1000, 128], strides = [1, 1]} : vector<1000x384xf32> to vector<1000x128xf32>
    %slice3A_338 = vector.extract_strided_slice %add3A_318 {offsets = [0, 256], sizes = [1000, 128], strides = [1, 1]} : vector<1000x384xf32> to vector<1000x128xf32>
    %mul3A_339 = arith.mulf %logistic3A_327, %slice3A_338 : vector<1000x128xf32>
    %add3A_340 = arith.addf %slice3A_337, %mul3A_339 : vector<1000x128xf32>
    %tanh3A_341 = math.tanh %add3A_340 : vector<1000x128xf32>
    %sub3A_342 = arith.constant 1.000000e+00 : f32
    %sub3A_343 = vector.broadcast %sub3A_342 : f32 to vector<1000x128xf32>
    %sub3A_344 = arith.subf %sub3A_343, %logistic3A_336 : vector<1000x128xf32>
    %mul3A_345 = arith.mulf %sub3A_344, %tanh3A_341 : vector<1000x128xf32>
    %mul3A_346 = arith.mulf %logistic3A_336, %add3A_263 : vector<1000x128xf32>
    %add3A_347 = arith.addf %mul3A_345, %mul3A_346 : vector<1000x128xf32>
    %reduce_sum3A_348 = arith.constant dense<0.000000e+00> : vector<1000xf32>
    %reduce_sum3A_349 = vector.multi_reduction <add>, %add3A_347, %reduce_sum3A_348 [1] : vector<1000x128xf32> to vector<1000xf32>
    %broadcast_in_dim3A_350 = vector.shape_cast %reduce_sum3A_349 : vector<1000xf32> to vector<1000x1xf32>
    %div3A_351 = arith.constant 1.280000e+02 : f32
    %div3A_352 = vector.broadcast %div3A_351 : f32 to vector<1000x1xf32>
    %div3A_353 = arith.divf %broadcast_in_dim3A_350, %div3A_352 : vector<1000x1xf32>
    %sub3A_354 = vector.broadcast %div3A_353 : vector<1000x1xf32> to vector<1000x128xf32>
    %sub3A_355 = arith.subf %add3A_347, %sub3A_354 : vector<1000x128xf32>
    %sub3A_356 = vector.broadcast %div3A_353 : vector<1000x1xf32> to vector<1000x128xf32>
    %sub3A_357 = arith.subf %add3A_347, %sub3A_356 : vector<1000x128xf32>
    %mul3A_358 = arith.mulf %sub3A_355, %sub3A_357 : vector<1000x128xf32>
    %reduce_sum3A_359 = arith.constant dense<0.000000e+00> : vector<1000xf32>
    %reduce_sum3A_360 = vector.multi_reduction <add>, %mul3A_358, %reduce_sum3A_359 [1] : vector<1000x128xf32> to vector<1000xf32>
    %broadcast_in_dim3A_361 = vector.shape_cast %reduce_sum3A_360 : vector<1000xf32> to vector<1000x1xf32>
    %div3A_362 = arith.constant 1.280000e+02 : f32
    %div3A_363 = vector.broadcast %div3A_362 : f32 to vector<1000x1xf32>
    %div3A_364 = arith.divf %broadcast_in_dim3A_361, %div3A_363 : vector<1000x1xf32>
    %sub3A_365 = vector.broadcast %div3A_353 : vector<1000x1xf32> to vector<1000x128xf32>
    %sub3A_366 = arith.subf %add3A_347, %sub3A_365 : vector<1000x128xf32>
    %broadcast_in_dim3A_367 = vector.shape_cast %get3A_128 : vector<128xf32> to vector<1x128xf32>
    %mul3A_368 = vector.broadcast %broadcast_in_dim3A_367 : vector<1x128xf32> to vector<1000x128xf32>
    %mul3A_369 = arith.mulf %mul3A_368, %sub3A_366 : vector<1000x128xf32>
    %add3A_370 = arith.constant 9.99999974E-6 : f32
    %add3A_371 = vector.broadcast %add3A_370 : f32 to vector<1000x1xf32>
    %add3A_372 = arith.addf %div3A_364, %add3A_371 : vector<1000x1xf32>
    %rsqrt3A_373 = math.rsqrt %add3A_372 : vector<1000x1xf32>
    %mul3A_374 = vector.broadcast %rsqrt3A_373 : vector<1000x1xf32> to vector<1000x128xf32>
    %mul3A_375 = arith.mulf %mul3A_369, %mul3A_374 : vector<1000x128xf32>
    %broadcast_in_dim3A_376 = vector.shape_cast %get3A_132 : vector<128xf32> to vector<1x128xf32>
    %add3A_377 = vector.broadcast %broadcast_in_dim3A_376 : vector<1x128xf32> to vector<1000x128xf32>
    %add3A_378 = arith.addf %mul3A_375, %add3A_377 : vector<1000x128xf32>
    %swap3A_379 = arith.constant 2 : index
    %swap3A_380 = arith.constant 0 : index
    %swap3A_381 = arith.constant 0 : index
    %swap3A_382 = vector.load %arg12[%swap3A_379, %swap3A_380, %swap3A_381] : memref<3x1000x128xf32, #tpu.memory_space<vmem>>, vector<1x1000x128xf32>
    %swap3A_383 = vector.shape_cast %swap3A_382 : vector<1x1000x128xf32> to vector<1000x128xf32>
    %swap3A_384 = vector.shape_cast %add3A_378 : vector<1000x128xf32> to vector<1x1000x128xf32>
    tpu.vector_store %arg12[%swap3A_379, %swap3A_380, %swap3A_381], %swap3A_384 {strides = array<i32>} : memref<3x1000x128xf32, #tpu.memory_space<vmem>>, vector<1x1000x128xf32>,
    return
  }
  func.func @transform_0(%arg0: i32) -> (i32, i32, i32, i32) {
    %c0_i32 = arith.constant 0 : i32
    %c0_i32_0 = arith.constant 0 : i32
    %c0_i32_1 = arith.constant 0 : i32
    %c0_i32_2 = arith.constant 0 : i32
    return %c0_i32, %c0_i32_0, %arg0, %c0_i32_1 : i32, i32, i32, i32
  }
  func.func @transform_1(%arg0: i32) -> (i32, i32, i32, i32) {
    %c1_i32 = arith.constant 1 : i32
    %c0_i32 = arith.constant 0 : i32
    %c0_i32_0 = arith.constant 0 : i32
    %c0_i32_1 = arith.constant 0 : i32
    return %c1_i32, %c0_i32, %arg0, %c0_i32_0 : i32, i32, i32, i32
  }
  func.func @transform_2(%arg0: i32) -> (i32, i32, i32) {
    %c0_i32 = arith.constant 0 : i32
    %c0_i32_0 = arith.constant 0 : i32
    %c0_i32_1 = arith.constant 0 : i32
    return %c0_i32, %arg0, %c0_i32_0 : i32, i32, i32
  }
  func.func @transform_3(%arg0: i32) -> (i32, i32, i32) {
    %c0_i32 = arith.constant 0 : i32
    %c0_i32_0 = arith.constant 0 : i32
    %c0_i32_1 = arith.constant 0 : i32
    return %c0_i32, %arg0, %c0_i32_0 : i32, i32, i32
  }
  func.func @transform_4(%arg0: i32) -> (i32, i32) {
    %c0_i32 = arith.constant 0 : i32
    %c0_i32_0 = arith.constant 0 : i32
    %c0_i32_1 = arith.constant 0 : i32
    return %c0_i32, %c0_i32_0 : i32, i32
  }
  func.func @transform_5(%arg0: i32) -> (i32, i32) {
    %c0_i32 = arith.constant 0 : i32
    %c0_i32_0 = arith.constant 0 : i32
    %c0_i32_1 = arith.constant 0 : i32
    return %c0_i32, %c0_i32_0 : i32, i32
  }
  func.func @transform_6(%arg0: i32) -> (i32, i32) {
    %c0_i32 = arith.constant 0 : i32
    %c0_i32_0 = arith.constant 0 : i32
    %c0_i32_1 = arith.constant 0 : i32
    return %c0_i32, %c0_i32_0 : i32, i32
  }
  func.func @transform_7(%arg0: i32) -> (i32, i32) {
    %c0_i32 = arith.constant 0 : i32
    %c0_i32_0 = arith.constant 0 : i32
    %c0_i32_1 = arith.constant 0 : i32
    return %c0_i32, %c0_i32_0 : i32, i32
  }
  func.func @transform_8(%arg0: i32) -> (i32, i32) {
    %c0_i32 = arith.constant 0 : i32
    %c0_i32_0 = arith.constant 0 : i32
    %c0_i32_1 = arith.constant 0 : i32
    return %c0_i32, %c0_i32_0 : i32, i32
  }
  func.func @transform_9(%arg0: i32) -> (i32, i32) {
    %c0_i32 = arith.constant 0 : i32
    %c0_i32_0 = arith.constant 0 : i32
    %c0_i32_1 = arith.constant 0 : i32
    return %c0_i32, %c0_i32_0 : i32, i32
  }
  func.func @transform_10(%arg0: i32) -> (i32, i32) {
    %c0_i32 = arith.constant 0 : i32
    %c0_i32_0 = arith.constant 0 : i32
    %c0_i32_1 = arith.constant 0 : i32
    return %c0_i32, %c0_i32_0 : i32, i32
  }
  func.func @transform_11(%arg0: i32) -> (i32, i32, i32) {
    %c0_i32 = arith.constant 0 : i32
    %c0_i32_0 = arith.constant 0 : i32
    %c0_i32_1 = arith.constant 0 : i32
    return %c0_i32, %arg0, %c0_i32_0 : i32, i32, i32
  }
}

</mosaic_0001>

<sc_bundles>
// kernel: kernel.11.cloned.1.call-start
scs
__scs_entry_jumppad:
0x0: {  	(pc) =	sbr.rel $0x88, $3  }
0x1: {  	(tag) =	ssettag $0x0;
	lr =	simm.s32 $0x1  }
0x2: {  	[smem:$0x3F95] =	sst lr;
	_ =	strace $0xD0000000  }
0x3: {  	_ = 	snop  }
0x4: {  	_ = 	snop  }
0x5: {  	_ = 	snop  }
0x6: {  	_ = 	snop  }
0x7: {  	_ = 	snop  }
__scs_overlays_trampoline_lowered:
0x8: {  	[smem:$0x3FA4] =	sst s0  }
0x9: {  	[smem:$0x3FA5] =	sst s1  }
0xa: {  	[smem:$0x3FA6] =	sst s2  }
0xb: {  	[smem:$0x3FA7] =	sst s3  }
0xc: {  	[smem:$0x3FA8] =	sst s4  }
0xd: {  	[smem:$0x3FA9] =	sst s5  }
0xe: {  	[smem:$0x3FAA] =	sst s6  }
0xf: {  	[smem:$0x3FAB] =	sst s7  }
0x10: {  	[smem:$0x3FAC] =	sst s8  }
0x11: {  	[smem:$0x3FAD] =	sst s9;
	s0 =	simm.s32 @!p0 $0x0  }
0x12: {  	s1 =	sld [smem:$0x3F93];
	s0 =	simm.s32 @p0 $0x1  }
0x13: {  	[smem:$0x3FAE] =	sst s0;
	s0 =	simm.s32 @!p1 $0x0  }
0x14: {  	s2 =	sld [smem:$0x3F92];
	s0 =	simm.s32 @p1 $0x1  }
0x15: {  	[smem:$0x3FAF] =	sst s0;
	s0 =	simm.s32 @!p2 $0x0  }
0x16: {  	s3 =	sld [smem:$0x3FDB];
	s0 =	simm.s32 @p2 $0x1  }
0x17: {  	s4 =	simm.s32 $0x1BF5;
	[smem:$0x3FB1] =	sst s0  }
0x18: {  	s0 =	sld [smem:$0x3F94];
	_ =	swait.ge [sflag:s4], $0x0  }
0x19: {  	s7 =	sld [smem:$0x3F95]  }
0x1a: {  	s8 =	sadd.s32 $0xFFFFE003, lr  }
0x1b: {  	s9 =	sadd.s32 $0xFFFFFEF7, lr;
	s5 =	simm.s32 $0xFFFFFFFF;
	p2 =	slt.u32 s8, $0xFFFFF086  }
0x1c: {  	p1 =	slt.u32 s9, $0xF7A;
	s5 =	simm.s32 @!p2 $0x0  }
0x1d: {  	s5 =	simm.s32 @p1 $0x1;
	p0 =	seq.s32 s7, s2  }
0x1e: {  	s7 =	smul.u32 @!p0 $0xF7A, s2;
	p2 =	seq.s32 @!p0 s5, $0x0  }
0x1f: {  	s9 =	smul.u32 $0xF7A, s1;
	s8 =	simm.s32 @!p0 $0x1BF5;
	p2 =	por !p2, p0  }
0x20: {  	[sflag:s8] =	ssyncset.s32 @!p0 $0xFFFFF086;
	s6 =	sadd.s32 @!p0 s3, s7;
	s7 =	simm.s32 @!p0 $0x108  }
0x21: {  	s3 =	sadd.s32 s3, s9;
	s6 =	sadd.s32 @!p0 $0x88, s6;
	s7 =	simm.s32 @p2 $0x1082  }
0x22: {  	[simem:s7], [sflag:s8] =	dma.local @!p0 [hbm:s6], $0xF7A  }
0x23: {  	s9 =	sor.u32 $0xD0000000, s2;
	s6 =	simm.s32 $0x108;
	_ =	swait.ge @!p0 [sflag:s8], $0x0  }
0x24: {  	s3 =	sadd.s32 $0x88, s3;
	s6 =	simm.s32 @!p1 $0x1082;
	[sflag:s4] =	ssyncset.s32 $0xFFFFF086  }
0x25: {  	[simem:s6], [sflag:s4] =	dma.local [hbm:s3], $0xF7A  }
0x26: {  	[smem:$0x3F95] =	sst s1;
	(tag) =	ssettag s2;
	_ =	strace s9  }
0x27: {  	s1 =	sld [smem:$0x3FA5]  }
0x28: {  	s2 =	sld [smem:$0x3FA6]  }
0x29: {  	s4 =	sld [smem:$0x3FA8]  }
0x2a: {  	p0 =	seq.s32 s5, $0x0;
	s5 =	sld [smem:$0x3FA9]  }
0x2b: {  	s6 =	sld [smem:$0x3FAA]  }
0x2c: {  	s7 =	sld [smem:$0x3FAB]  }
0x2d: {  	s3 =	simm.s32 $0x108;
	s8 =	sld [smem:$0x3FAC]  }
0x2e: {  	s3 =	simm.s32 @!p0 $0x1082;
	s9 =	sld [smem:$0x3FAD]  }
0x2f: {  	lr =	sadd.s32 s0, s3;
	s0 =	sld [smem:$0x3FA4]  }
0x30: {  	s3 =	sld [smem:$0x3FA7]  }
0x31: {  	[smem:$0x3FB0] =	sst s10  }
0x32: {  	s10 =	sld [smem:$0x3FAE];
	_ =	sdelay $0x3  }
0x33: {  	p0 =	seq.s32 s10, $0x1;
	s10 =	sld [smem:$0x3FB0];
	_ =	sdelay $0x3  }
0x34: {  	[smem:$0x3FB0] =	sst s10  }
0x35: {  	s10 =	sld [smem:$0x3FAF];
	_ =	sdelay $0x3  }
0x36: {  	p1 =	seq.s32 s10, $0x1;
	s10 =	sld [smem:$0x3FB0];
	_ =	sdelay $0x3  }
0x37: {  	[smem:$0x3FB0] =	sst s10  }
0x38: {  	s10 =	sld [smem:$0x3FB1]  }
0x39: {  	_ = 	snop;
	(pc) =	sbr.ind lr, $3  }
0x3a: {  	_ = 	snop  }
0x3b: {  	_ = 	snop  }
0x3c: {  	p2 =	seq.s32 s10, $0x1;
	s10 =	sld [smem:$0x3FB0]  }
0x3d: {  	_ =	shalt  }
0x3e: {  	_ =	shalt  }
0x3f: {  	_ =	shalt  }
0x40: {  	_ =	shalt  }
0x41: {  	_ =	shalt  }
0x42: {  	_ =	shalt  }
0x43: {  	_ =	shalt  }
0x44: {  	_ =	shalt  }
0x45: {  	_ =	shalt  }
0x46: {  	_ =	shalt  }
0x47: {  	_ =	shalt  }
0x48: {  	_ =	shalt  }
0x49: {  	_ =	shalt  }
0x4a: {  	_ =	shalt  }
0x4b: {  	_ =	shalt  }
0x4c: {  	_ =	shalt  }
0x4d: {  	_ =	shalt  }
0x4e: {  	_ =	shalt  }
0x4f: {  	_ =	shalt  }
0x50: {  	_ =	shalt  }
0x51: {  	_ =	shalt  }
0x52: {  	_ =	shalt  }
0x53: {  	_ =	shalt  }
0x54: {  	_ =	shalt  }
0x55: {  	_ =	shalt  }
0x56: {  	_ =	shalt  }
0x57: {  	_ =	shalt  }
0x58: {  	_ =	shalt  }
0x59: {  	_ =	shalt  }
0x5a: {  	_ =	shalt  }
0x5b: {  	_ =	shalt  }
0x5c: {  	_ =	shalt  }
0x5d: {  	_ =	shalt  }
0x5e: {  	_ =	shalt  }
0x5f: {  	_ =	shalt  }
0x60: {  	_ =	shalt  }
0x61: {  	_ =	shalt  }
0x62: {  	_ =	shalt  }
0x63: {  	_ =	shalt  }
0x64: {  	_ =	shalt  }
0x65: {  	_ =	shalt  }
0x66: {  	_ =	shalt  }
0x67: {  	_ =	shalt  }
0x68: {  	_ =	shalt  }
0x69: {  	_ =	shalt  }
0x6a: {  	_ =	shalt  }
0x6b: {  	_ =	shalt  }
0x6c: {  	_ =	shalt  }
0x6d: {  	_ =	shalt  }
0x6e: {  	_ =	shalt  }
0x6f: {  	_ =	shalt  }
0x70: {  	_ =	shalt  }
0x71: {  	_ =	shalt  }
0x72: {  	_ =	shalt  }
0x73: {  	_ =	shalt  }
0x74: {  	_ =	shalt  }
0x75: {  	_ =	shalt  }
0x76: {  	_ =	shalt  }
0x77: {  	_ =	shalt  }
0x78: {  	_ =	shalt  }
0x79: {  	_ =	shalt  }
0x7a: {  	_ =	shalt  }
0x7b: {  	_ =	shalt  }
0x7c: {  	_ =	shalt  }
0x7d: {  	_ =	shalt  }
0x7e: {  	_ =	shalt  }
0x7f: {  	_ =	shalt  }
0x80: {  	_ =	shalt  }
0x81: {  	_ =	shalt  }
0x82: {  	_ =	shalt  }
0x83: {  	_ =	shalt  }
0x84: {  	_ =	shalt  }
0x85: {  	_ =	shalt  }
0x86: {  	_ =	shalt  }
0x87: {  	_ =	shalt  }
.Lfunc_end0:
.L_simem_size_0:
called_computation.1_lowered:
.L_overlay_start_0:
0x88: {  	s2 =	sld [smem:$0x3FD9]  }
0x89: {  	s3 =	sld [smem:$0x3FFE];
	_ =	sdelay $0x1  }
0x8a: {  	s1 =	srdreg.scid  }
0x8b: {  	s0 =	sand.u32 $0x1, s1  }
0x8c: {  	s17 =	sshll.u32 s0, $0xA;
	s2 =	sadd.s32 s3, s2  }
0x8d: {  	s2 =	sadd.s32 s2, s17  }
0x8e: {  	[smem:$0x3FBC] =	sst s2  }
0x8f: {  	_ = 	snop  }
0x90: {  	s2 =	sld [smem:$0x3FD0];
	(tm) =	ssettm $0x1  }
0x91: {  	s18 =	sld [smem:$0x3FFB];
	_ =	sdelay $0x3  }
0x92: {  	_ =	strace s18  }
0x93: {  	s3 =	sld [smem:$0x3FFC];
	_ =	sdelay $0x3  }
0x94: {  	_ =	strace s3  }
0x95: {  	s3 =	sld [smem:$0x3FFD];
	_ =	sdelay $0x3  }
0x96: {  	_ =	strace s3  }
0x97: {  	_ =	strace $0x8FFFFFFF  }
0x98: {  	s19 =	sld [smem:$0x3FDB];
	_ =	sdelay $0x1  }
0x99: {  	s4 =	simm.s32 $_scs_section_size  }
0x9a: {  	s5 =	simm.s32 $_size__tile_overlayer_lowered;
	s6 =	simm.s32 $_tile_overlayer_lowered  }
0x9b: {  	s22 =	simm.s32 $0x1BFF;
	s21 =	sshll.u32 s6, $0x1;
	s3 =	sadd.s32 s4, s19  }
0x9c: {  	s7 =	simm.s32 $0x0;
	s20 =	sshll.u32 s5, $0x1;
	s5 =	sadd.s32 s21, s3  }
0x9d: {  	[timem:s7], [sflag:s22] =	dma.local [hbm:s5], s20  }
0x9e: {  	_ =	swait.ge [sflag:s22], s20  }
0x9f: {  	s4 =	ssub.s32 $0x0, s20;
	[sflag:s22] =	ssyncset.done $0x0  }
0xa0: {  	[sflag:s22] =	ssyncadd.s32 s4;
	_ =	sdelay $0x1  }
0xa1: {  	s23 =	simm.s32 $0x1B8B  }
0xa2: {  	_ =	swait.ge [sflag:s23], $0x1  }
0xa3: {  	[sflag:s23] =	ssyncset.done $0x0  }
0xa4: {  	s25 =	simm.s32 $0x1B8E;
	s24 =	sld [smem:$0x3FFE];
	[sflag:s23] =	ssyncadd.s32 $0xFFFFFFFF  }
0xa5: {  	s26 =	simm.s32 $execute0_lowered;
	[smem:$0x3FD2] =	sst s25  }
0xa6: {  	s5 =	sshll.u32 s26, $0x1;
	_ =	strace $0x80000049;
	[dreg:$0x1] =	wrdreg $0xFFFFFFFF  }
0xa7: {  	s28 =	simm.s32 $_size_execute0_lowered;
	s3 =	sadd.s32 s3, s5;
	[dreg:$0x0] =	wrdreg $0x0  }
0xa8: {  	s5 =	sshll.u32 s28, $0x1;
	[dreg:$0x2] =	wrdreg s3  }
0xa9: {  	[dreg:$0x3] =	wrdreg s5  }
0xaa: {  	[dreg:$0x4] =	wrdreg $0xC0  }
0xab: {  	_ =	task [dreg:s7], $0x5FFFF  }
0xac: {  	[dreg:$0x1] =	wrdreg $0xFFFFFFFF  }
0xad: {  	[dreg:$0x0] =	wrdreg $0x60  }
0xae: {  	[dreg:$0x2] =	wrdreg s24  }
0xaf: {  	[dreg:$0x3] =	wrdreg s2  }
0xb0: {  	[dreg:$0x4] =	wrdreg $0xAA000  }
0xb1: {  	[dreg:$0x5] =	wrdreg $0x9  }
0xb2: {  	_ =	task.clear_ibuf [dreg:s7], $0x6FFFF;
	_ =	strace $0x90000049  }
0xb3: {  	s29 =	simm.s32 $0x9;
	_ =	strace $0x8000004B  }
0xb4: {  	_ =	swait.ge [sflag:s29], $0x1  }
0xb5: {  	[sflag:s29] =	ssyncadd.s32 $0xFFFFFFFF  }
0xb6: {  	_ =	strace $0x9000004B  }
0xb7: {  	_ =	sfence  }
0xb8: {  	s30 =	sld [smem:$0x0];
	_ =	sdelay $0x2  }
0xb9: {  	s31 =	sshll.u32 s1, $0xD;
	s1 =	sshrl.u32 s1, $0x2  }
0xba: {  	s3 =	sand.u32 $0x4000, s31;
	s1 =	sadd.s32 s1, s30  }
0xbb: {  	s0 =	sor.u32 s3, s0;
	s1 =	sshll.u32 s1, $0x11  }
0xbc: {  	s0 =	sor.u32 s1, s0  }
0xbd: {  	s0 =	sadd.s32 $0x8F2B, s0  }
0xbe: {  	[sflag:s0] =	ssyncadd.remote.s32 $0x1  }
0xbf: {  	_ =	sfence.sel $0xFFFF  }
0xc0: {  	[dreg:$0x0] =	wrdreg $0xFFFFFFFF;
	(pc) =	sbr.abs _section_cstart, $3  }
0xc1: {  	[dreg:$0x1] =	wrdreg $0xFFFFFFFF  }
0xc2: {  	_ =	task.clear_ibuf [dreg:s7], $0x2FFFF;
	_ =	strace $0x9FFFFFFF  }
0xc3: {  	(tm) =	ssettm $0x7FFFFFFF  }
tec
execute0_lowered:
.L_overlay_start_1:
0x0: {  	(tag) =	ssettag $0x1  }
0x1: {  	s0 =	rddreg [dreg:$0x0]  }
0x2: {  	s1 =	rddreg [dreg:$0x1];
	s12 =	stileid.u32  }
0x3: {  	s4 =	srdreg.scid;
	s5 =	smul.u32 $0x278, s12  }
0x4: {  	s2 =	rddreg [dreg:$0x2];
	s4 =	sand.u32 $0x1, s4;
	s10 =	smul.u32 $0x5000, s12  }
0x5: {  	s3 =	simm.s32 $0x0;
	s6 =	sshll.u32 s12, $0x1;
	s7 =	smul.u32 $0x7680, s4  }
0x6: {  	s6 =	sor.u32 s4, s6;
	s9 =	ssub.s32 $0x2, s4;
	s4 =	smul.u32 $0x2800, s4  }
0x7: {  	[smem:$0x7FF] =	sst s3;
	s8 =	sadd.s32 $0xF3E00, s0;
	s6 =	smul.u32 $0x2800, s6  }
0x8: {  	s17 =	sshrl.u32 s9, $0x1;
	s7 =	sadd.s32 s5, s7;
	s4 =	sadd.s32 s4, s10  }
0x9: {  	s9 =	ssub.s32 s9, s17;
	s6 =	sshrl.u32 s6, $0x3;
	s20 =	sor.u32 $0x100, s4  }
0xa: {  	s22 =	sor.u32 $0x140, s4;
	s24 =	sor.u32 $0x180, s4;
	s26 =	sor.u32 $0x1C0, s4  }
0xb: {  	s14 =	sadd.s32 $0x50140, s4;
	s16 =	sadd.s32 $0x50180, s4;
	s7 =	sshll.u32 s7, $0x4  }
0xc: {  	s18 =	sadd.s32 s8, s6;
	s5 =	sadd.s32 s1, s6;
	s11 =	sadd.s32 $0xA000, s6  }
0xd: {  	s6 =	sadd.s32 $0x14000, s6;
	s21 =	sshrl.u32 s20, $0x3;
	s23 =	sshrl.u32 s22, $0x3  }
0xe: {  	s25 =	sshrl.u32 s24, $0x3;
	s10 =	sshrl.u32 s26, $0x3;
	s15 =	sshrl.u32 s14, $0x3  }
0xf: {  	s17 =	sshrl.u32 s16, $0x3;
	[dreg:$0x4] =	wrdreg s18;
	s13 =	sadd.s32 s8, s11  }
0x10: {  	s20 =	sadd.s32 $0xA0100, s4;
	s19 =	sadd.s32 s1, s11;
	[dreg:$0x6] =	wrdreg s13  }
0x11: {  	s22 =	sadd.s32 $0xA0140, s4;
	s8 =	sadd.s32 s8, s6;
	[dreg:$0x7] =	wrdreg s19  }
0x12: {  	s24 =	sadd.s32 $0xA0180, s4;
	s6 =	sadd.s32 s1, s6;
	[dreg:$0x8] =	wrdreg s8  }
0x13: {  	s26 =	smul.u32 $0x4F000, s12;
	[dreg:$0x9] =	wrdreg s6;
	s6 =	sadd.s32 s21, s1  }
0x14: {  	s11 =	sadd.s32 $0x50100, s4;
	[dreg:$0xa] =	wrdreg s6;
	s6 =	sadd.s32 s23, s1  }
0x15: {  	s18 =	sadd.s32 $0x501C0, s4;
	[dreg:$0xb] =	wrdreg s6;
	s6 =	sadd.s32 s25, s1  }
0x16: {  	s13 =	sshrl.u32 s11, $0x3;
	[dreg:$0xc] =	wrdreg s6;
	s6 =	sadd.s32 s10, s1  }
0x17: {  	s4 =	sadd.s32 $0xA01C0, s4;
	[dreg:$0xd] =	wrdreg s6;
	s6 =	sadd.s32 s13, s1  }
0x18: {  	s19 =	sshrl.u32 s18, $0x3;
	[dreg:$0xe] =	wrdreg s6;
	s6 =	sadd.s32 s15, s1  }
0x19: {  	s21 =	sshrl.u32 s20, $0x3;
	[dreg:$0xf] =	wrdreg s6;
	s6 =	sadd.s32 s17, s1  }
0x1a: {  	s4 =	sshrl.u32 s4, $0x3;
	[dreg:$0x10] =	wrdreg s6;
	s6 =	sadd.s32 s19, s1  }
0x1b: {  	s23 =	sshrl.u32 s22, $0x3;
	[dreg:$0x11] =	wrdreg s6;
	s6 =	sadd.s32 s21, s1  }
0x1c: {  	s25 =	sshrl.u32 s24, $0x3;
	[dreg:$0x12] =	wrdreg s6;
	s6 =	sadd.s32 s23, s1  }
0x1d: {  	s8 =	sshrl.u32 s26, $0x2;
	[dreg:$0x13] =	wrdreg s6;
	s6 =	sadd.s32 s25, s1  }
0x1e: {  	s22 =	sadd.s32 $0x111E00, s0;
	s1 =	sadd.s32 s4, s1;
	[dreg:$0x14] =	wrdreg s6  }
0x1f: {  	[dreg:$0x15] =	wrdreg s1;
	s1 =	sadd.s32 s7, s0;
	s0 =	sadd.s32 $0x3E00, s0  }
0x20: {  	s10 =	sadd.s32 s8, s2;
	_ =	strace $0x8000004A;
	[dreg:$0x16] =	wrdreg s0  }
0x21: {  	s15 =	smax.u32 s9, $0x1;
	[dreg:$0x17] =	wrdreg s10  }
0x22: {  	s16 =	sadd.s32 $0x8, s5;
	[dreg:$0x1b] =	wrdreg s15  }
0x23: {  	s28 =	simm.s32 $0x5;
	s17 =	sadd.s32 $0x10, s5;
	[dreg:$0x1c] =	wrdreg s16  }
0x24: {  	s29 =	simm.s32 $0x7;
	s18 =	sadd.s32 $0x18, s5;
	[dreg:$0x1d] =	wrdreg s17  }
0x25: {  	s30 =	simm.s32 $0x3;
	s19 =	sadd.s32 $0xA008, s5;
	[dreg:$0x1e] =	wrdreg s18  }
0x26: {  	s31 =	simm.s32 $0x8;
	s20 =	sadd.s32 $0xA010, s5;
	[dreg:$0x1f] =	wrdreg s19  }
0x27: {  	s11 =	sshll.u32 s12, $0x6;
	s21 =	sadd.s32 $0xA018, s5;
	[smem:$0x7F9] =	sst s20  }
0x28: {  	s26 =	sadd.s32 $0x14018, s5;
	s23 =	sadd.s32 $0x14008, s5;
	[smem:$0x7FA] =	sst s21  }
0x29: {  	s24 =	sadd.s32 $0x14010, s5;
	s25 =	sor.u32 $0x1C09, s11;
	[smem:$0x7FB] =	sst s23  }
0x2a: {  	s11 =	simm.s32 $0x9;
	s12 =	sadd.s32 $0x6600, s1;
	[smem:$0x7FC] =	sst s24  }
0x2b: {  	s13 =	sadd.s32 $0x2DE00, s1;
	s14 =	sadd.s32 $0x55600, s1;
	[dreg:$0x5] =	wrdreg s5  }
.Ltmp0:
0x2c: {  	[smem:$0x7FD] =	sst s26;
	s15 =	simm.s32 $0x2800;
	(pc) =	sbr.rel .LBB2_1-.Ltmp0, $4  }
0x2d: {  	s19 =	simm.s32 $0x6A00;
	s20 =	simm.s32 $0x2900;
	[dreg:$0x18] =	wrdreg s12  }
0x2e: {  	s24 =	simm.s32 $0x8A00;
	s26 =	simm.s32 $0x2980;
	[dreg:$0x19] =	wrdreg s13  }
0x2f: {  	s0 =	simm.s32 $0x4;
	s1 =	simm.s32 $0x0;
	[dreg:$0x1a] =	wrdreg s14  }
0x30: {  	s12 =	simm.s32 $0x1;
	s13 =	simm.s32 $0x40;
	s14 =	simm.s32 $0x2A00  }
.LBB2_10:
0x31: {  	_ =	swait.ge [sflag:s31], $0x40  }
0x32: {  	[sflag:s31] =	ssyncset.done $0x0  }
0x33: {  	[sflag:s31] =	ssyncadd.s32 $0xFFFFFFC0  }
0x34: {  	_ =	swait.ge [sflag:s0], $0x2000  }
0x35: {  	[sflag:s0] =	ssyncset.done $0x0  }
0x36: {  	[sflag:s0] =	ssyncadd.s32 $0xFFFFE000  }
0x37: {  	[spmem:s2] =	stream.indirect.scatter.add.f32 [tilespmem:s24], [sflag:$0x9], $0x80, s26, s13, $0xb8;
	[tilespmem:$0x1E600] =	vst v63  }
0x38: {  	_ =	swait.ge [sflag:s11], $0x2000  }
0x39: {  	[sflag:s11] =	ssyncset.done $0x0  }
0x3a: {  	[sflag:s11] =	ssyncadd.s32 $0xFFFFE000  }
0x3b: {  	[bflag:$0x0] =	sbarrier.arrive $0xFFFF  }
0x3c: {  	s5 =	rddreg [dreg:$0x1a]  }
0x3d: {  	[hbm:s5], [sflag:s25] =	dma.local [spmem:s4], $0x2780  }
0x3e: {  	_ =	swait.ge [sflag:s11], $0x2780  }
0x3f: {  	s1 =	sadd.s32 $0x1, s1;
	s23 =	rddreg [dreg:$0x1b]  }
0x40: {  	p0 =	sne.s32 s1, s23  }
.Ltmp1:
0x41: {  	_ = 	snop;
	(pc) =	sbr.rel @!p0 .LBB2_11-.Ltmp1, $3  }
0x42: {  	_ =	sdelay $0x1  }
0x43: {  	[sflag:s11] =	ssyncset.done $0x0  }
0x44: {  	[sflag:s11] =	ssyncadd.s32 $0xFFFFD880  }
.LBB2_1:
0x45: {  	s4 =	rddreg [dreg:$0x4]  }
0x46: {  	s8 =	rddreg [dreg:$0x17]  }
0x47: {  	[tilespmem:s3], [sflag:$0x1] =	stream.linear.gather [hbm4b:s4+s3], $0x2800, $0x38;
	[tilespmem:$0x1E600] =	vst v63  }
0x48: {  	s5 =	rddreg [dreg:$0x16];
	s4 =	sshrl.u32 s8, $0x3  }
0x49: {  	[spmem:s4], [sflag:s25] =	dma.local [hbm:s5], $0x2780  }
0x4a: {  	_ =	swait.ge [sflag:s11], $0x2780  }
0x4b: {  	[sflag:s11] =	ssyncset.done $0x0  }
0x4c: {  	[sflag:s11] =	ssyncadd.s32 $0xFFFFD880  }
0x4d: {  	_ =	swait.ge [sflag:s12], $0x2800  }
0x4e: {  	[sflag:s12] =	ssyncset.done $0x0  }
0x4f: {  	[sflag:s12] =	ssyncadd.s32 $0xFFFFD800  }
0x50: {  	[bflag:$0x0] =	sbarrier.arrive $0xFFFF  }
0x51: {  	[tilespmem:s14], [sflag:$0x1] =	stream.indirect.gather [hbm4b:s22+s13], $0x80, s3, s13, $0xb8;
	[tilespmem:$0x1E600] =	vst v63  }
0x52: {  	s9 =	rddreg [dreg:$0x5]  }
0x53: {  	s16 =	rddreg [dreg:$0x1c]  }
0x54: {  	[tilespmem:s15], [sflag:$0x5] =	stream.linear.gather [hbm4b:s9+s3], $0x40, $0x38;
	[tilespmem:$0x1E600] =	vst v63  }
0x55: {  	s10 =	simm.s32 $0x4A00;
	s18 =	rddreg [dreg:$0x1d]  }
0x56: {  	[tilespmem:s10], [sflag:$0x2] =	stream.indirect.gather [hbm4b:s22+s13], $0x80, s13, s13, $0xb8;
	[tilespmem:$0x1E600] =	vst v63  }
0x57: {  	s6 =	simm.s32 $0x2880;
	s23 =	rddreg [dreg:$0x1e]  }
0x58: {  	[tilespmem:s6], [sflag:$0x6] =	stream.linear.gather [hbm4b:s16+s3], $0x40, $0x38;
	[tilespmem:$0x1E600] =	vst v63  }
0x59: {  	s17 =	simm.s32 $0x80;
	s7 =	rddreg [dreg:$0xc]  }
0x5a: {  	[tilespmem:s19], [sflag:$0x3] =	stream.indirect.gather [hbm4b:s22+s13], $0x80, s17, s13, $0xb8;
	[tilespmem:$0x1E600] =	vst v63  }
0x5b: {  	s8 =	rddreg [dreg:$0xb]  }
0x5c: {  	[tilespmem:s20], [sflag:$0x7] =	stream.linear.gather [hbm4b:s18+s3], $0x40, $0x38;
	[tilespmem:$0x1E600] =	vst v63  }
0x5d: {  	s21 =	simm.s32 $0xC0;
	s9 =	rddreg [dreg:$0xa]  }
0x5e: {  	[tilespmem:s24], [sflag:$0x4] =	stream.indirect.gather [hbm4b:s22+s13], $0x80, s21, s13, $0xb8;
	[tilespmem:$0x1E600] =	vst v63  }
0x5f: {  	s10 =	simm.s32 $0x0;
	s6 =	rddreg [dreg:$0xd]  }
0x60: {  	[tilespmem:s26], [sflag:$0x8] =	stream.linear.gather [hbm4b:s23+s3], $0x40, $0x38;
	[tilespmem:$0x1E600] =	vst v63  }
.LBB2_2:
0x61: {  	_ =	swait.ge [sflag:s28], $0x40  }
0x62: {  	[sflag:s28] =	ssyncset.done $0x0  }
0x63: {  	[sflag:s28] =	ssyncadd.s32 $0xFFFFFFC0  }
0x64: {  	_ =	swait.ge [sflag:s12], $0x2000  }
0x65: {  	[sflag:s12] =	ssyncset.done $0x0  }
0x66: {  	[sflag:s12] =	ssyncadd.s32 $0xFFFFE000  }
0x67: {  	[spmem:s2] =	stream.indirect.scatter.add.f32 [tilespmem:s14], [sflag:$0x9], $0x80, s15, s13, $0xb8;
	[tilespmem:$0x1E600] =	vst v63  }
0x68: {  	_ =	swait.ge [sflag:s11], $0x2000  }
0x69: {  	p0 =	seq.s32 s10, $0x9C00;
	[sflag:s11] =	ssyncset.done $0x0  }
0x6a: {  	s5 =	simm.s32 @p0 $0x6;
	[sflag:s11] =	ssyncadd.s32 $0xFFFFE000  }
0x6b: {  	_ =	swait.ge @p0 [sflag:s5], $0x40  }
0x6c: {  	[sflag:s5] =	ssyncset.done @p0 $0x0  }
0x6d: {  	[sflag:s5] =	ssyncadd.s32 @p0 $0xFFFFFFC0;
	s5 =	simm.s32 @p0 $0x2  }
0x6e: {  	_ =	swait.ge @p0 [sflag:s5], $0x2000  }
0x6f: {  	s16 =	simm.s32 @p0 $0x2880;
	[sflag:s5] =	ssyncset.done @p0 $0x0  }
0x70: {  	s17 =	simm.s32 @p0 $0x4A00;
	[sflag:s5] =	ssyncadd.s32 @p0 $0xFFFFE000;
	s5 =	simm.s32 @p0 $0x40  }
0x71: {  	[spmem:s2] =	stream.indirect.scatter.add.f32 @p0 [tilespmem:s17], [sflag:$0x9], $0x80, s16, s5, $0xb8;
	[tilespmem:$0x1E600] =	vst v63  }
0x72: {  	s5 =	simm.s32 @p0 $0x9  }
0x73: {  	_ =	swait.ge @p0 [sflag:s5], $0x2000  }
0x74: {  	[sflag:s5] =	ssyncset.done @p0 $0x0  }
0x75: {  	[sflag:s5] =	ssyncadd.s32 @p0 $0xFFFFE000;
	s5 =	sshra.s32 @!p0 s10, $0x2  }
0x76: {  	s18 =	simm.s32 @!p0 $0x2A00;
	s17 =	simm.s32 @!p0 $0x40;
	s16 =	sadd.s32 @!p0 $0x100, s5  }
0x77: {  	[tilespmem:s18], [sflag:$0x1] =	stream.indirect.gather @!p0 [hbm4b:s22+s17], $0x80, s16, s17, $0xb8;
	[tilespmem:$0x1E600] =	vst v63  }
0x78: {  	s16 =	simm.s32 @!p0 $0x0;
	s18 =	simm.s32 @!p0 $0x2800  }
0x79: {  	[tilespmem:s18], [sflag:$0x5] =	stream.linear.gather @!p0 [hbm4b:s9+s16], $0x40, $0x38;
	[tilespmem:$0x1E600] =	vst v63  }
0x7a: {  	s18 =	simm.s32 @!p0 $0x6  }
0x7b: {  	_ =	swait.ge @!p0 [sflag:s18], $0x40  }
0x7c: {  	[sflag:s18] =	ssyncset.done @!p0 $0x0  }
0x7d: {  	[sflag:s18] =	ssyncadd.s32 @!p0 $0xFFFFFFC0;
	s18 =	simm.s32 @!p0 $0x2  }
0x7e: {  	_ =	swait.ge @!p0 [sflag:s18], $0x2000  }
0x7f: {  	s21 =	simm.s32 @!p0 $0x4A00;
	[sflag:s18] =	ssyncset.done @!p0 $0x0  }
0x80: {  	s23 =	simm.s32 @!p0 $0x9;
	[sflag:s18] =	ssyncadd.s32 @!p0 $0xFFFFE000;
	s18 =	simm.s32 @!p0 $0x2880  }
0x81: {  	[spmem:s2] =	stream.indirect.scatter.add.f32 @!p0 [tilespmem:s21], [sflag:$0x9], $0x80, s18, s17, $0xb8;
	[tilespmem:$0x1E600] =	vst v63  }
0x82: {  	_ =	swait.ge @!p0 [sflag:s23], $0x2000  }
0x83: {  	[sflag:s23] =	ssyncset.done @!p0 $0x0  }
0x84: {  	s5 =	sadd.s32 @!p0 $0x140, s5;
	[sflag:s23] =	ssyncadd.s32 @!p0 $0xFFFFE000  }
0x85: {  	[tilespmem:s21], [sflag:$0x2] =	stream.indirect.gather @!p0 [hbm4b:s22+s17], $0x80, s5, s17, $0xb8;
	[tilespmem:$0x1E600] =	vst v63  }
0x86: {  	_ = 	snop  }
0x87: {  	[tilespmem:s18], [sflag:$0x6] =	stream.linear.gather @!p0 [hbm4b:s8+s16], $0x40, $0x38;
	[tilespmem:$0x1E600] =	vst v63  }
0x88: {  	_ =	swait.ge [sflag:s29], $0x40  }
0x89: {  	[sflag:s29] =	ssyncset.done $0x0  }
0x8a: {  	[sflag:s29] =	ssyncadd.s32 $0xFFFFFFC0  }
0x8b: {  	_ =	swait.ge [sflag:s30], $0x2000  }
0x8c: {  	[sflag:s30] =	ssyncset.done $0x0  }
.Ltmp2:
0x8d: {  	[sflag:s30] =	ssyncadd.s32 $0xFFFFE000;
	(pc) =	sbr.rel @p0 .LBB2_4-.Ltmp2, $4  }
0x8e: {  	[spmem:s2] =	stream.indirect.scatter.add.f32 [tilespmem:s19], [sflag:$0x9], $0x80, s20, s13, $0xb8;
	[tilespmem:$0x1E600] =	vst v63  }
0x8f: {  	_ =	swait.ge [sflag:s11], $0x2000  }
0x90: {  	[sflag:s11] =	ssyncset.done $0x0  }
0x91: {  	[sflag:s11] =	ssyncadd.s32 $0xFFFFE000  }
0x92: {  	s5 =	sshra.s32 s10, $0x2  }
0x93: {  	s16 =	sadd.s32 $0x180, s5  }
0x94: {  	[tilespmem:s19], [sflag:$0x3] =	stream.indirect.gather [hbm4b:s22+s13], $0x80, s16, s13, $0xb8;
	[tilespmem:$0x1E600] =	vst v63  }
0x95: {  	_ = 	snop  }
0x96: {  	[tilespmem:s20], [sflag:$0x7] =	stream.linear.gather [hbm4b:s7+s3], $0x40, $0x38;
	[tilespmem:$0x1E600] =	vst v63  }
0x97: {  	_ =	swait.ge [sflag:s31], $0x40  }
0x98: {  	[sflag:s31] =	ssyncset.done $0x0  }
0x99: {  	[sflag:s31] =	ssyncadd.s32 $0xFFFFFFC0  }
0x9a: {  	_ =	swait.ge [sflag:s0], $0x2000  }
0x9b: {  	[sflag:s0] =	ssyncset.done $0x0  }
0x9c: {  	[sflag:s0] =	ssyncadd.s32 $0xFFFFE000  }
0x9d: {  	[spmem:s2] =	stream.indirect.scatter.add.f32 [tilespmem:s24], [sflag:$0x9], $0x80, s26, s13, $0xb8;
	[tilespmem:$0x1E600] =	vst v63  }
0x9e: {  	_ =	swait.ge [sflag:s11], $0x2000  }
0x9f: {  	[sflag:s11] =	ssyncset.done $0x0  }
.Ltmp3:
0xa0: {  	s5 =	sadd.s32 $0x1C0, s5;
	[sflag:s11] =	ssyncadd.s32 $0xFFFFE000;
	(pc) =	sbr.rel .LBB2_2-.Ltmp3, $4  }
0xa1: {  	[tilespmem:s24], [sflag:$0x4] =	stream.indirect.gather [hbm4b:s22+s13], $0x80, s5, s13, $0xb8;
	[tilespmem:$0x1E600] =	vst v63  }
0xa2: {  	s10 =	sadd.s32 $0x400, s10;
	s9 =	sadd.s32 $0x20, s9  }
0xa3: {  	[tilespmem:s26], [sflag:$0x8] =	stream.linear.gather [hbm4b:s6+s3], $0x40, $0x38;
	[tilespmem:$0x1E600] =	vst v63  }
0xa4: {  	s8 =	sadd.s32 $0x20, s8;
	s7 =	sadd.s32 $0x20, s7;
	s6 =	sadd.s32 $0x20, s6  }
.LBB2_4:
0xa5: {  	_ =	swait.ge [sflag:s31], $0x40  }
0xa6: {  	[sflag:s31] =	ssyncset.done $0x0  }
0xa7: {  	[sflag:s31] =	ssyncadd.s32 $0xFFFFFFC0  }
0xa8: {  	_ =	swait.ge [sflag:s0], $0x2000  }
0xa9: {  	[sflag:s0] =	ssyncset.done $0x0  }
0xaa: {  	[sflag:s0] =	ssyncadd.s32 $0xFFFFE000  }
0xab: {  	[spmem:s2] =	stream.indirect.scatter.add.f32 [tilespmem:s24], [sflag:$0x9], $0x80, s26, s13, $0xb8;
	[tilespmem:$0x1E600] =	vst v63  }
0xac: {  	_ =	swait.ge [sflag:s11], $0x2000  }
0xad: {  	[sflag:s11] =	ssyncset.done $0x0  }
0xae: {  	[sflag:s11] =	ssyncadd.s32 $0xFFFFE000  }
0xaf: {  	[bflag:$0x0] =	sbarrier.arrive $0xFFFF  }
0xb0: {  	s5 =	rddreg [dreg:$0x18]  }
0xb1: {  	[hbm:s5], [sflag:s25] =	dma.local [spmem:s4], $0x2780  }
0xb2: {  	_ =	swait.ge [sflag:s11], $0x2780  }
0xb3: {  	[sflag:s11] =	ssyncset.done $0x0;
	s7 =	rddreg [dreg:$0x6]  }
0xb4: {  	s6 =	simm.s32 $0x0;
	s8 =	rddreg [dreg:$0x16];
	[sflag:s11] =	ssyncadd.s32 $0xFFFFD880  }
0xb5: {  	[tilespmem:s6], [sflag:$0x1] =	stream.linear.gather [hbm4b:s7+s6], $0x2800, $0x38;
	[tilespmem:$0x1E600] =	vst v63  }
0xb6: {  	[spmem:s4], [sflag:s25] =	dma.local [hbm:s8], $0x2780  }
0xb7: {  	_ =	swait.ge [sflag:s11], $0x2780  }
0xb8: {  	[sflag:s11] =	ssyncset.done $0x0  }
0xb9: {  	[sflag:s11] =	ssyncadd.s32 $0xFFFFD880  }
0xba: {  	_ =	swait.ge [sflag:s12], $0x2800  }
0xbb: {  	[sflag:s12] =	ssyncset.done $0x0  }
0xbc: {  	[sflag:s12] =	ssyncadd.s32 $0xFFFFD800  }
0xbd: {  	[bflag:$0x0] =	sbarrier.arrive $0xFFFF  }
0xbe: {  	[tilespmem:s14], [sflag:$0x1] =	stream.indirect.gather [hbm4b:s22+s13], $0x80, s6, s13, $0xb8;
	[tilespmem:$0x1E600] =	vst v63  }
0xbf: {  	s9 =	rddreg [dreg:$0x7]  }
0xc0: {  	s16 =	rddreg [dreg:$0x1f]  }
0xc1: {  	[tilespmem:s15], [sflag:$0x5] =	stream.linear.gather [hbm4b:s9+s6], $0x40, $0x38;
	[tilespmem:$0x1E600] =	vst v63  }
0xc2: {  	s10 =	simm.s32 $0x4A00;
	s18 =	sld [smem:$0x7F9]  }
0xc3: {  	[tilespmem:s10], [sflag:$0x2] =	stream.indirect.gather [hbm4b:s22+s13], $0x80, s13, s13, $0xb8;
	[tilespmem:$0x1E600] =	vst v63  }
0xc4: {  	s7 =	simm.s32 $0x2880;
	s23 =	sld [smem:$0x7FA]  }
0xc5: {  	[tilespmem:s7], [sflag:$0x6] =	stream.linear.gather [hbm4b:s16+s6], $0x40, $0x38;
	[tilespmem:$0x1E600] =	vst v63  }
0xc6: {  	s17 =	simm.s32 $0x80;
	s8 =	rddreg [dreg:$0x10]  }
0xc7: {  	[tilespmem:s19], [sflag:$0x3] =	stream.indirect.gather [hbm4b:s22+s13], $0x80, s17, s13, $0xb8;
	[tilespmem:$0x1E600] =	vst v63  }
0xc8: {  	s9 =	rddreg [dreg:$0xf]  }
0xc9: {  	[tilespmem:s20], [sflag:$0x7] =	stream.linear.gather [hbm4b:s18+s6], $0x40, $0x38;
	[tilespmem:$0x1E600] =	vst v63  }
0xca: {  	s21 =	simm.s32 $0xC0;
	s10 =	rddreg [dreg:$0xe]  }
0xcb: {  	[tilespmem:s24], [sflag:$0x4] =	stream.indirect.gather [hbm4b:s22+s13], $0x80, s21, s13, $0xb8;
	[tilespmem:$0x1E600] =	vst v63  }
0xcc: {  	s7 =	rddreg [dreg:$0x11]  }
0xcd: {  	[tilespmem:s26], [sflag:$0x8] =	stream.linear.gather [hbm4b:s23+s6], $0x40, $0x38;
	[tilespmem:$0x1E600] =	vst v63  }
.LBB2_5:
0xce: {  	_ =	swait.ge [sflag:s28], $0x40  }
0xcf: {  	[sflag:s28] =	ssyncset.done $0x0  }
0xd0: {  	[sflag:s28] =	ssyncadd.s32 $0xFFFFFFC0  }
0xd1: {  	_ =	swait.ge [sflag:s12], $0x2000  }
0xd2: {  	[sflag:s12] =	ssyncset.done $0x0  }
0xd3: {  	[sflag:s12] =	ssyncadd.s32 $0xFFFFE000  }
0xd4: {  	[spmem:s2] =	stream.indirect.scatter.add.f32 [tilespmem:s14], [sflag:$0x9], $0x80, s15, s13, $0xb8;
	[tilespmem:$0x1E600] =	vst v63  }
0xd5: {  	_ =	swait.ge [sflag:s11], $0x2000  }
0xd6: {  	p0 =	seq.s32 s6, $0x9C00;
	[sflag:s11] =	ssyncset.done $0x0  }
0xd7: {  	s5 =	simm.s32 @p0 $0x6;
	[sflag:s11] =	ssyncadd.s32 $0xFFFFE000  }
0xd8: {  	_ =	swait.ge @p0 [sflag:s5], $0x40  }
0xd9: {  	[sflag:s5] =	ssyncset.done @p0 $0x0  }
0xda: {  	[sflag:s5] =	ssyncadd.s32 @p0 $0xFFFFFFC0;
	s5 =	simm.s32 @p0 $0x2  }
0xdb: {  	_ =	swait.ge @p0 [sflag:s5], $0x2000  }
0xdc: {  	s16 =	simm.s32 @p0 $0x2880;
	[sflag:s5] =	ssyncset.done @p0 $0x0  }
0xdd: {  	s17 =	simm.s32 @p0 $0x4A00;
	[sflag:s5] =	ssyncadd.s32 @p0 $0xFFFFE000;
	s5 =	simm.s32 @p0 $0x40  }
0xde: {  	[spmem:s2] =	stream.indirect.scatter.add.f32 @p0 [tilespmem:s17], [sflag:$0x9], $0x80, s16, s5, $0xb8;
	[tilespmem:$0x1E600] =	vst v63  }
0xdf: {  	s5 =	simm.s32 @p0 $0x9  }
0xe0: {  	_ =	swait.ge @p0 [sflag:s5], $0x2000  }
0xe1: {  	[sflag:s5] =	ssyncset.done @p0 $0x0  }
0xe2: {  	[sflag:s5] =	ssyncadd.s32 @p0 $0xFFFFE000;
	s5 =	sshra.s32 @!p0 s6, $0x2  }
0xe3: {  	s18 =	simm.s32 @!p0 $0x2A00;
	s17 =	simm.s32 @!p0 $0x40;
	s16 =	sadd.s32 @!p0 $0x100, s5  }
0xe4: {  	[tilespmem:s18], [sflag:$0x1] =	stream.indirect.gather @!p0 [hbm4b:s22+s17], $0x80, s16, s17, $0xb8;
	[tilespmem:$0x1E600] =	vst v63  }
0xe5: {  	s16 =	simm.s32 @!p0 $0x0;
	s18 =	simm.s32 @!p0 $0x2800  }
0xe6: {  	[tilespmem:s18], [sflag:$0x5] =	stream.linear.gather @!p0 [hbm4b:s10+s16], $0x40, $0x38;
	[tilespmem:$0x1E600] =	vst v63  }
0xe7: {  	s18 =	simm.s32 @!p0 $0x6  }
0xe8: {  	_ =	swait.ge @!p0 [sflag:s18], $0x40  }
0xe9: {  	[sflag:s18] =	ssyncset.done @!p0 $0x0  }
0xea: {  	[sflag:s18] =	ssyncadd.s32 @!p0 $0xFFFFFFC0;
	s18 =	simm.s32 @!p0 $0x2  }
0xeb: {  	_ =	swait.ge @!p0 [sflag:s18], $0x2000  }
0xec: {  	s21 =	simm.s32 @!p0 $0x4A00;
	[sflag:s18] =	ssyncset.done @!p0 $0x0  }
0xed: {  	s23 =	simm.s32 @!p0 $0x9;
	[sflag:s18] =	ssyncadd.s32 @!p0 $0xFFFFE000;
	s18 =	simm.s32 @!p0 $0x2880  }
0xee: {  	[spmem:s2] =	stream.indirect.scatter.add.f32 @!p0 [tilespmem:s21], [sflag:$0x9], $0x80, s18, s17, $0xb8;
	[tilespmem:$0x1E600] =	vst v63  }
0xef: {  	_ =	swait.ge @!p0 [sflag:s23], $0x2000  }
0xf0: {  	[sflag:s23] =	ssyncset.done @!p0 $0x0  }
0xf1: {  	s5 =	sadd.s32 @!p0 $0x140, s5;
	[sflag:s23] =	ssyncadd.s32 @!p0 $0xFFFFE000  }
0xf2: {  	[tilespmem:s21], [sflag:$0x2] =	stream.indirect.gather @!p0 [hbm4b:s22+s17], $0x80, s5, s17, $0xb8;
	[tilespmem:$0x1E600] =	vst v63  }
0xf3: {  	_ = 	snop  }
0xf4: {  	[tilespmem:s18], [sflag:$0x6] =	stream.linear.gather @!p0 [hbm4b:s9+s16], $0x40, $0x38;
	[tilespmem:$0x1E600] =	vst v63  }
0xf5: {  	_ =	swait.ge [sflag:s29], $0x40  }
0xf6: {  	[sflag:s29] =	ssyncset.done $0x0  }
0xf7: {  	[sflag:s29] =	ssyncadd.s32 $0xFFFFFFC0  }
0xf8: {  	_ =	swait.ge [sflag:s30], $0x2000  }
0xf9: {  	[sflag:s30] =	ssyncset.done $0x0  }
.Ltmp4:
0xfa: {  	[sflag:s30] =	ssyncadd.s32 $0xFFFFE000;
	(pc) =	sbr.rel @p0 .LBB2_7-.Ltmp4, $4  }
0xfb: {  	[spmem:s2] =	stream.indirect.scatter.add.f32 [tilespmem:s19], [sflag:$0x9], $0x80, s20, s13, $0xb8;
	[tilespmem:$0x1E600] =	vst v63  }
0xfc: {  	_ =	swait.ge [sflag:s11], $0x2000  }
0xfd: {  	[sflag:s11] =	ssyncset.done $0x0  }
0xfe: {  	[sflag:s11] =	ssyncadd.s32 $0xFFFFE000  }
0xff: {  	s5 =	sshra.s32 s6, $0x2  }
0x100: {  	s16 =	sadd.s32 $0x180, s5  }
0x101: {  	[tilespmem:s19], [sflag:$0x3] =	stream.indirect.gather [hbm4b:s22+s13], $0x80, s16, s13, $0xb8;
	[tilespmem:$0x1E600] =	vst v63  }
0x102: {  	_ = 	snop  }
0x103: {  	[tilespmem:s20], [sflag:$0x7] =	stream.linear.gather [hbm4b:s8+s3], $0x40, $0x38;
	[tilespmem:$0x1E600] =	vst v63  }
0x104: {  	_ =	swait.ge [sflag:s31], $0x40  }
0x105: {  	[sflag:s31] =	ssyncset.done $0x0  }
0x106: {  	[sflag:s31] =	ssyncadd.s32 $0xFFFFFFC0  }
0x107: {  	_ =	swait.ge [sflag:s0], $0x2000  }
0x108: {  	[sflag:s0] =	ssyncset.done $0x0  }
0x109: {  	[sflag:s0] =	ssyncadd.s32 $0xFFFFE000  }
0x10a: {  	[spmem:s2] =	stream.indirect.scatter.add.f32 [tilespmem:s24], [sflag:$0x9], $0x80, s26, s13, $0xb8;
	[tilespmem:$0x1E600] =	vst v63  }
0x10b: {  	_ =	swait.ge [sflag:s11], $0x2000  }
0x10c: {  	[sflag:s11] =	ssyncset.done $0x0  }
.Ltmp5:
0x10d: {  	s5 =	sadd.s32 $0x1C0, s5;
	[sflag:s11] =	ssyncadd.s32 $0xFFFFE000;
	(pc) =	sbr.rel .LBB2_5-.Ltmp5, $4  }
0x10e: {  	[tilespmem:s24], [sflag:$0x4] =	stream.indirect.gather [hbm4b:s22+s13], $0x80, s5, s13, $0xb8;
	[tilespmem:$0x1E600] =	vst v63  }
0x10f: {  	s6 =	sadd.s32 $0x400, s6;
	s10 =	sadd.s32 $0x20, s10  }
0x110: {  	[tilespmem:s26], [sflag:$0x8] =	stream.linear.gather [hbm4b:s7+s3], $0x40, $0x38;
	[tilespmem:$0x1E600] =	vst v63  }
0x111: {  	s9 =	sadd.s32 $0x20, s9;
	s8 =	sadd.s32 $0x20, s8;
	s7 =	sadd.s32 $0x20, s7  }
.LBB2_7:
0x112: {  	_ =	swait.ge [sflag:s31], $0x40  }
0x113: {  	[sflag:s31] =	ssyncset.done $0x0  }
0x114: {  	[sflag:s31] =	ssyncadd.s32 $0xFFFFFFC0  }
0x115: {  	_ =	swait.ge [sflag:s0], $0x2000  }
0x116: {  	[sflag:s0] =	ssyncset.done $0x0  }
0x117: {  	[sflag:s0] =	ssyncadd.s32 $0xFFFFE000  }
0x118: {  	[spmem:s2] =	stream.indirect.scatter.add.f32 [tilespmem:s24], [sflag:$0x9], $0x80, s26, s13, $0xb8;
	[tilespmem:$0x1E600] =	vst v63  }
0x119: {  	_ =	swait.ge [sflag:s11], $0x2000  }
0x11a: {  	[sflag:s11] =	ssyncset.done $0x0  }
0x11b: {  	[sflag:s11] =	ssyncadd.s32 $0xFFFFE000  }
0x11c: {  	[bflag:$0x0] =	sbarrier.arrive $0xFFFF  }
0x11d: {  	s5 =	rddreg [dreg:$0x19]  }
0x11e: {  	[hbm:s5], [sflag:s25] =	dma.local [spmem:s4], $0x2780  }
0x11f: {  	_ =	swait.ge [sflag:s11], $0x2780  }
0x120: {  	[sflag:s11] =	ssyncset.done $0x0;
	s7 =	rddreg [dreg:$0x8]  }
0x121: {  	s6 =	simm.s32 $0x0;
	s8 =	rddreg [dreg:$0x16];
	[sflag:s11] =	ssyncadd.s32 $0xFFFFD880  }
0x122: {  	[tilespmem:s6], [sflag:$0x1] =	stream.linear.gather [hbm4b:s7+s6], $0x2800, $0x38;
	[tilespmem:$0x1E600] =	vst v63  }
0x123: {  	[spmem:s4], [sflag:s25] =	dma.local [hbm:s8], $0x2780  }
0x124: {  	_ =	swait.ge [sflag:s11], $0x2780  }
0x125: {  	[sflag:s11] =	ssyncset.done $0x0  }
0x126: {  	[sflag:s11] =	ssyncadd.s32 $0xFFFFD880  }
0x127: {  	_ =	swait.ge [sflag:s12], $0x2800  }
0x128: {  	[sflag:s12] =	ssyncset.done $0x0  }
0x129: {  	[sflag:s12] =	ssyncadd.s32 $0xFFFFD800  }
0x12a: {  	[bflag:$0x0] =	sbarrier.arrive $0xFFFF  }
0x12b: {  	[tilespmem:s14], [sflag:$0x1] =	stream.indirect.gather [hbm4b:s22+s13], $0x80, s6, s13, $0xb8;
	[tilespmem:$0x1E600] =	vst v63  }
0x12c: {  	s9 =	rddreg [dreg:$0x9]  }
0x12d: {  	s16 =	sld [smem:$0x7FB]  }
0x12e: {  	[tilespmem:s15], [sflag:$0x5] =	stream.linear.gather [hbm4b:s9+s6], $0x40, $0x38;
	[tilespmem:$0x1E600] =	vst v63  }
0x12f: {  	s10 =	simm.s32 $0x4A00;
	s18 =	sld [smem:$0x7FC]  }
0x130: {  	[tilespmem:s10], [sflag:$0x2] =	stream.indirect.gather [hbm4b:s22+s13], $0x80, s13, s13, $0xb8;
	[tilespmem:$0x1E600] =	vst v63  }
0x131: {  	s7 =	simm.s32 $0x2880;
	s23 =	sld [smem:$0x7FD]  }
0x132: {  	[tilespmem:s7], [sflag:$0x6] =	stream.linear.gather [hbm4b:s16+s6], $0x40, $0x38;
	[tilespmem:$0x1E600] =	vst v63  }
0x133: {  	s17 =	simm.s32 $0x80;
	s8 =	rddreg [dreg:$0x14]  }
0x134: {  	[tilespmem:s19], [sflag:$0x3] =	stream.indirect.gather [hbm4b:s22+s13], $0x80, s17, s13, $0xb8;
	[tilespmem:$0x1E600] =	vst v63  }
0x135: {  	s9 =	rddreg [dreg:$0x13]  }
0x136: {  	[tilespmem:s20], [sflag:$0x7] =	stream.linear.gather [hbm4b:s18+s6], $0x40, $0x38;
	[tilespmem:$0x1E600] =	vst v63  }
0x137: {  	s21 =	simm.s32 $0xC0;
	s10 =	rddreg [dreg:$0x12]  }
0x138: {  	[tilespmem:s24], [sflag:$0x4] =	stream.indirect.gather [hbm4b:s22+s13], $0x80, s21, s13, $0xb8;
	[tilespmem:$0x1E600] =	vst v63  }
0x139: {  	s7 =	rddreg [dreg:$0x15]  }
0x13a: {  	[tilespmem:s26], [sflag:$0x8] =	stream.linear.gather [hbm4b:s23+s6], $0x40, $0x38;
	[tilespmem:$0x1E600] =	vst v63  }
.LBB2_8:
0x13b: {  	_ =	swait.ge [sflag:s28], $0x40  }
0x13c: {  	[sflag:s28] =	ssyncset.done $0x0  }
0x13d: {  	[sflag:s28] =	ssyncadd.s32 $0xFFFFFFC0  }
0x13e: {  	_ =	swait.ge [sflag:s12], $0x2000  }
0x13f: {  	[sflag:s12] =	ssyncset.done $0x0  }
0x140: {  	[sflag:s12] =	ssyncadd.s32 $0xFFFFE000  }
0x141: {  	[spmem:s2] =	stream.indirect.scatter.add.f32 [tilespmem:s14], [sflag:$0x9], $0x80, s15, s13, $0xb8;
	[tilespmem:$0x1E600] =	vst v63  }
0x142: {  	_ =	swait.ge [sflag:s11], $0x2000  }
0x143: {  	p0 =	seq.s32 s6, $0x9C00;
	[sflag:s11] =	ssyncset.done $0x0  }
0x144: {  	s5 =	simm.s32 @p0 $0x6;
	[sflag:s11] =	ssyncadd.s32 $0xFFFFE000  }
0x145: {  	_ =	swait.ge @p0 [sflag:s5], $0x40  }
0x146: {  	[sflag:s5] =	ssyncset.done @p0 $0x0  }
0x147: {  	[sflag:s5] =	ssyncadd.s32 @p0 $0xFFFFFFC0;
	s5 =	simm.s32 @p0 $0x2  }
0x148: {  	_ =	swait.ge @p0 [sflag:s5], $0x2000  }
0x149: {  	s16 =	simm.s32 @p0 $0x2880;
	[sflag:s5] =	ssyncset.done @p0 $0x0  }
0x14a: {  	s17 =	simm.s32 @p0 $0x4A00;
	[sflag:s5] =	ssyncadd.s32 @p0 $0xFFFFE000;
	s5 =	simm.s32 @p0 $0x40  }
0x14b: {  	[spmem:s2] =	stream.indirect.scatter.add.f32 @p0 [tilespmem:s17], [sflag:$0x9], $0x80, s16, s5, $0xb8;
	[tilespmem:$0x1E600] =	vst v63  }
0x14c: {  	s5 =	simm.s32 @p0 $0x9  }
0x14d: {  	_ =	swait.ge @p0 [sflag:s5], $0x2000  }
0x14e: {  	[sflag:s5] =	ssyncset.done @p0 $0x0  }
0x14f: {  	[sflag:s5] =	ssyncadd.s32 @p0 $0xFFFFE000;
	s5 =	sshra.s32 @!p0 s6, $0x2  }
0x150: {  	s18 =	simm.s32 @!p0 $0x2A00;
	s17 =	simm.s32 @!p0 $0x40;
	s16 =	sadd.s32 @!p0 $0x100, s5  }
0x151: {  	[tilespmem:s18], [sflag:$0x1] =	stream.indirect.gather @!p0 [hbm4b:s22+s17], $0x80, s16, s17, $0xb8;
	[tilespmem:$0x1E600] =	vst v63  }
0x152: {  	s16 =	simm.s32 @!p0 $0x0;
	s18 =	simm.s32 @!p0 $0x2800  }
0x153: {  	[tilespmem:s18], [sflag:$0x5] =	stream.linear.gather @!p0 [hbm4b:s10+s16], $0x40, $0x38;
	[tilespmem:$0x1E600] =	vst v63  }
0x154: {  	s18 =	simm.s32 @!p0 $0x6  }
0x155: {  	_ =	swait.ge @!p0 [sflag:s18], $0x40  }
0x156: {  	[sflag:s18] =	ssyncset.done @!p0 $0x0  }
0x157: {  	[sflag:s18] =	ssyncadd.s32 @!p0 $0xFFFFFFC0;
	s18 =	simm.s32 @!p0 $0x2  }
0x158: {  	_ =	swait.ge @!p0 [sflag:s18], $0x2000  }
0x159: {  	s21 =	simm.s32 @!p0 $0x4A00;
	[sflag:s18] =	ssyncset.done @!p0 $0x0  }
0x15a: {  	s23 =	simm.s32 @!p0 $0x9;
	[sflag:s18] =	ssyncadd.s32 @!p0 $0xFFFFE000;
	s18 =	simm.s32 @!p0 $0x2880  }
0x15b: {  	[spmem:s2] =	stream.indirect.scatter.add.f32 @!p0 [tilespmem:s21], [sflag:$0x9], $0x80, s18, s17, $0xb8;
	[tilespmem:$0x1E600] =	vst v63  }
0x15c: {  	_ =	swait.ge @!p0 [sflag:s23], $0x2000  }
0x15d: {  	[sflag:s23] =	ssyncset.done @!p0 $0x0  }
0x15e: {  	s5 =	sadd.s32 @!p0 $0x140, s5;
	[sflag:s23] =	ssyncadd.s32 @!p0 $0xFFFFE000  }
0x15f: {  	[tilespmem:s21], [sflag:$0x2] =	stream.indirect.gather @!p0 [hbm4b:s22+s17], $0x80, s5, s17, $0xb8;
	[tilespmem:$0x1E600] =	vst v63  }
0x160: {  	_ = 	snop  }
0x161: {  	[tilespmem:s18], [sflag:$0x6] =	stream.linear.gather @!p0 [hbm4b:s9+s16], $0x40, $0x38;
	[tilespmem:$0x1E600] =	vst v63  }
0x162: {  	_ =	swait.ge [sflag:s29], $0x40  }
0x163: {  	[sflag:s29] =	ssyncset.done $0x0  }
0x164: {  	[sflag:s29] =	ssyncadd.s32 $0xFFFFFFC0  }
0x165: {  	_ =	swait.ge [sflag:s30], $0x2000  }
0x166: {  	[sflag:s30] =	ssyncset.done $0x0  }
.Ltmp6:
0x167: {  	[sflag:s30] =	ssyncadd.s32 $0xFFFFE000;
	(pc) =	sbr.rel @p0 .LBB2_10-.Ltmp6, $4  }
0x168: {  	[spmem:s2] =	stream.indirect.scatter.add.f32 [tilespmem:s19], [sflag:$0x9], $0x80, s20, s13, $0xb8;
	[tilespmem:$0x1E600] =	vst v63  }
0x169: {  	_ =	swait.ge [sflag:s11], $0x2000  }
0x16a: {  	[sflag:s11] =	ssyncset.done $0x0  }
0x16b: {  	[sflag:s11] =	ssyncadd.s32 $0xFFFFE000  }
0x16c: {  	s5 =	sshra.s32 s6, $0x2  }
0x16d: {  	s16 =	sadd.s32 $0x180, s5  }
0x16e: {  	[tilespmem:s19], [sflag:$0x3] =	stream.indirect.gather [hbm4b:s22+s13], $0x80, s16, s13, $0xb8;
	[tilespmem:$0x1E600] =	vst v63  }
0x16f: {  	_ = 	snop  }
0x170: {  	[tilespmem:s20], [sflag:$0x7] =	stream.linear.gather [hbm4b:s8+s3], $0x40, $0x38;
	[tilespmem:$0x1E600] =	vst v63  }
0x171: {  	_ =	swait.ge [sflag:s31], $0x40  }
0x172: {  	[sflag:s31] =	ssyncset.done $0x0  }
0x173: {  	[sflag:s31] =	ssyncadd.s32 $0xFFFFFFC0  }
0x174: {  	_ =	swait.ge [sflag:s0], $0x2000  }
0x175: {  	[sflag:s0] =	ssyncset.done $0x0  }
0x176: {  	[sflag:s0] =	ssyncadd.s32 $0xFFFFE000  }
0x177: {  	[spmem:s2] =	stream.indirect.scatter.add.f32 [tilespmem:s24], [sflag:$0x9], $0x80, s26, s13, $0xb8;
	[tilespmem:$0x1E600] =	vst v63  }
0x178: {  	_ =	swait.ge [sflag:s11], $0x2000  }
0x179: {  	[sflag:s11] =	ssyncset.done $0x0  }
.Ltmp7:
0x17a: {  	s5 =	sadd.s32 $0x1C0, s5;
	[sflag:s11] =	ssyncadd.s32 $0xFFFFE000;
	(pc) =	sbr.rel .LBB2_8-.Ltmp7, $4  }
0x17b: {  	[tilespmem:s24], [sflag:$0x4] =	stream.indirect.gather [hbm4b:s22+s13], $0x80, s5, s13, $0xb8;
	[tilespmem:$0x1E600] =	vst v63  }
0x17c: {  	s6 =	sadd.s32 $0x400, s6;
	s10 =	sadd.s32 $0x20, s10  }
0x17d: {  	[tilespmem:s26], [sflag:$0x8] =	stream.linear.gather [hbm4b:s7+s3], $0x40, $0x38;
	[tilespmem:$0x1E600] =	vst v63  }
0x17e: {  	s9 =	sadd.s32 $0x20, s9;
	s8 =	sadd.s32 $0x20, s8;
	s7 =	sadd.s32 $0x20, s7  }
.LBB2_11:
0x17f: {  	_ =	sfence.sel $0x180000  }
0x180: {  	[bflag:$0x0] =	sbarrier.arrive $0xFFFF  }
0x181: {  	_ =	strace $0x9000004A  }
0x182: {  	s0 =	stileid.u32;
	[bflag:$0x2] =	sbarrier.arrive $0xFFFF  }
0x183: {  	p0 =	sne.s32 s0, $0x0;
	s0 =	rddreg [dreg:$0x3]  }
0x184: {  	s0 =	sadd.s32 @!p0 $0x100000, s0  }
0x185: {  	[sflag:s0] =	ssyncadd.tile.s32 @!p0 $0x1;
	_ =	shalt  }
.Lfunc_end2:
_tile_overlayer_lowered:
.L_overlay_start_2:
0x186: {  	(tag) =	ssettag $0x2  }
0x187: {  	s0 =	rddreg [dreg:$0x0];
	s2 =	stileid.u32  }
0x188: {  	s1 =	rddreg [dreg:$0x1];
	p0 =	sne.s32 s2, $0x0  }
0x189: {  	s3 =	rddreg [dreg:$0x2];
	[bflag:$0x3] =	sbarrier.arrive $0xFFFF;
	s2 =	simm.s32 @!p0 $0x1C09  }
0x18a: {  	[timem:s3], [sflag:s2] =	dma.local @!p0 [hbm:s0], s1  }
0x18b: {  	s0 =	simm.s32 @!p0 $0x9  }
0x18c: {  	_ =	swait.ge @!p0 [sflag:s0], s1  }
0x18d: {  	s1 =	ssub.s32 @!p0 $0x0, s1;
	[sflag:s0] =	ssyncset.done @!p0 $0x0  }
0x18e: {  	[sflag:s0] =	ssyncadd.s32 @!p0 s1  }
0x18f: {  	[bflag:$0x3] =	sbarrier.arrive $0xFFFF  }
0x190: {  	_ =	shalt  }

// kernel: kernel.14.cloned.1.call-start
scs
__scs_entry_jumppad:
0x0: {  	(pc) =	sbr.rel $0x88, $3  }
0x1: {  	(tag) =	ssettag $0x0;
	lr =	simm.s32 $0x1  }
0x2: {  	[smem:$0x3F95] =	sst lr;
	_ =	strace $0xD0000000  }
0x3: {  	_ = 	snop  }
0x4: {  	_ = 	snop  }
0x5: {  	_ = 	snop  }
0x6: {  	_ = 	snop  }
0x7: {  	_ = 	snop  }
__scs_overlays_trampoline_lowered:
0x8: {  	[smem:$0x3FA4] =	sst s0  }
0x9: {  	[smem:$0x3FA5] =	sst s1  }
0xa: {  	[smem:$0x3FA6] =	sst s2  }
0xb: {  	[smem:$0x3FA7] =	sst s3  }
0xc: {  	[smem:$0x3FA8] =	sst s4  }
0xd: {  	[smem:$0x3FA9] =	sst s5  }
0xe: {  	[smem:$0x3FAA] =	sst s6  }
0xf: {  	[smem:$0x3FAB] =	sst s7  }
0x10: {  	[smem:$0x3FAC] =	sst s8  }
0x11: {  	[smem:$0x3FAD] =	sst s9;
	s0 =	simm.s32 @!p0 $0x0  }
0x12: {  	s1 =	sld [smem:$0x3F93];
	s0 =	simm.s32 @p0 $0x1  }
0x13: {  	[smem:$0x3FAE] =	sst s0;
	s0 =	simm.s32 @!p1 $0x0  }
0x14: {  	s2 =	sld [smem:$0x3F92];
	s0 =	simm.s32 @p1 $0x1  }
0x15: {  	[smem:$0x3FAF] =	sst s0;
	s0 =	simm.s32 @!p2 $0x0  }
0x16: {  	s3 =	sld [smem:$0x3FDB];
	s0 =	simm.s32 @p2 $0x1  }
0x17: {  	s4 =	simm.s32 $0x1BF5;
	[smem:$0x3FB1] =	sst s0  }
0x18: {  	s0 =	sld [smem:$0x3F94];
	_ =	swait.ge [sflag:s4], $0x0  }
0x19: {  	s7 =	sld [smem:$0x3F95]  }
0x1a: {  	s8 =	sadd.s32 $0xFFFFE003, lr  }
0x1b: {  	s9 =	sadd.s32 $0xFFFFFEF7, lr;
	s5 =	simm.s32 $0xFFFFFFFF;
	p2 =	slt.u32 s8, $0xFFFFF086  }
0x1c: {  	p1 =	slt.u32 s9, $0xF7A;
	s5 =	simm.s32 @!p2 $0x0  }
0x1d: {  	s5 =	simm.s32 @p1 $0x1;
	p0 =	seq.s32 s7, s2  }
0x1e: {  	s7 =	smul.u32 @!p0 $0xF7A, s2;
	p2 =	seq.s32 @!p0 s5, $0x0  }
0x1f: {  	s9 =	smul.u32 $0xF7A, s1;
	s8 =	simm.s32 @!p0 $0x1BF5;
	p2 =	por !p2, p0  }
0x20: {  	[sflag:s8] =	ssyncset.s32 @!p0 $0xFFFFF086;
	s6 =	sadd.s32 @!p0 s3, s7;
	s7 =	simm.s32 @!p0 $0x108  }
0x21: {  	s3 =	sadd.s32 s3, s9;
	s6 =	sadd.s32 @!p0 $0x88, s6;
	s7 =	simm.s32 @p2 $0x1082  }
0x22: {  	[simem:s7], [sflag:s8] =	dma.local @!p0 [hbm:s6], $0xF7A  }
0x23: {  	s9 =	sor.u32 $0xD0000000, s2;
	s6 =	simm.s32 $0x108;
	_ =	swait.ge @!p0 [sflag:s8], $0x0  }
0x24: {  	s3 =	sadd.s32 $0x88, s3;
	s6 =	simm.s32 @!p1 $0x1082;
	[sflag:s4] =	ssyncset.s32 $0xFFFFF086  }
0x25: {  	[simem:s6], [sflag:s4] =	dma.local [hbm:s3], $0xF7A  }
0x26: {  	[smem:$0x3F95] =	sst s1;
	(tag) =	ssettag s2;
	_ =	strace s9  }
0x27: {  	s1 =	sld [smem:$0x3FA5]  }
0x28: {  	s2 =	sld [smem:$0x3FA6]  }
0x29: {  	s4 =	sld [smem:$0x3FA8]  }
0x2a: {  	p0 =	seq.s32 s5, $0x0;
	s5 =	sld [smem:$0x3FA9]  }
0x2b: {  	s6 =	sld [smem:$0x3FAA]  }
0x2c: {  	s7 =	sld [smem:$0x3FAB]  }
0x2d: {  	s3 =	simm.s32 $0x108;
	s8 =	sld [smem:$0x3FAC]  }
0x2e: {  	s3 =	simm.s32 @!p0 $0x1082;
	s9 =	sld [smem:$0x3FAD]  }
0x2f: {  	lr =	sadd.s32 s0, s3;
	s0 =	sld [smem:$0x3FA4]  }
0x30: {  	s3 =	sld [smem:$0x3FA7]  }
0x31: {  	[smem:$0x3FB0] =	sst s10  }
0x32: {  	s10 =	sld [smem:$0x3FAE];
	_ =	sdelay $0x3  }
0x33: {  	p0 =	seq.s32 s10, $0x1;
	s10 =	sld [smem:$0x3FB0];
	_ =	sdelay $0x3  }
0x34: {  	[smem:$0x3FB0] =	sst s10  }
0x35: {  	s10 =	sld [smem:$0x3FAF];
	_ =	sdelay $0x3  }
0x36: {  	p1 =	seq.s32 s10, $0x1;
	s10 =	sld [smem:$0x3FB0];
	_ =	sdelay $0x3  }
0x37: {  	[smem:$0x3FB0] =	sst s10  }
0x38: {  	s10 =	sld [smem:$0x3FB1]  }
0x39: {  	_ = 	snop;
	(pc) =	sbr.ind lr, $3  }
0x3a: {  	_ = 	snop  }
0x3b: {  	_ = 	snop  }
0x3c: {  	p2 =	seq.s32 s10, $0x1;
	s10 =	sld [smem:$0x3FB0]  }
0x3d: {  	_ =	shalt  }
0x3e: {  	_ =	shalt  }
0x3f: {  	_ =	shalt  }
0x40: {  	_ =	shalt  }
0x41: {  	_ =	shalt  }
0x42: {  	_ =	shalt  }
0x43: {  	_ =	shalt  }
0x44: {  	_ =	shalt  }
0x45: {  	_ =	shalt  }
0x46: {  	_ =	shalt  }
0x47: {  	_ =	shalt  }
0x48: {  	_ =	shalt  }
0x49: {  	_ =	shalt  }
0x4a: {  	_ =	shalt  }
0x4b: {  	_ =	shalt  }
0x4c: {  	_ =	shalt  }
0x4d: {  	_ =	shalt  }
0x4e: {  	_ =	shalt  }
0x4f: {  	_ =	shalt  }
0x50: {  	_ =	shalt  }
0x51: {  	_ =	shalt  }
0x52: {  	_ =	shalt  }
0x53: {  	_ =	shalt  }
0x54: {  	_ =	shalt  }
0x55: {  	_ =	shalt  }
0x56: {  	_ =	shalt  }
0x57: {  	_ =	shalt  }
0x58: {  	_ =	shalt  }
0x59: {  	_ =	shalt  }
0x5a: {  	_ =	shalt  }
0x5b: {  	_ =	shalt  }
0x5c: {  	_ =	shalt  }
0x5d: {  	_ =	shalt  }
0x5e: {  	_ =	shalt  }
0x5f: {  	_ =	shalt  }
0x60: {  	_ =	shalt  }
0x61: {  	_ =	shalt  }
0x62: {  	_ =	shalt  }
0x63: {  	_ =	shalt  }
0x64: {  	_ =	shalt  }
0x65: {  	_ =	shalt  }
0x66: {  	_ =	shalt  }
0x67: {  	_ =	shalt  }
0x68: {  	_ =	shalt  }
0x69: {  	_ =	shalt  }
0x6a: {  	_ =	shalt  }
0x6b: {  	_ =	shalt  }
0x6c: {  	_ =	shalt  }
0x6d: {  	_ =	shalt  }
0x6e: {  	_ =	shalt  }
0x6f: {  	_ =	shalt  }
0x70: {  	_ =	shalt  }
0x71: {  	_ =	shalt  }
0x72: {  	_ =	shalt  }
0x73: {  	_ =	shalt  }
0x74: {  	_ =	shalt  }
0x75: {  	_ =	shalt  }
0x76: {  	_ =	shalt  }
0x77: {  	_ =	shalt  }
0x78: {  	_ =	shalt  }
0x79: {  	_ =	shalt  }
0x7a: {  	_ =	shalt  }
0x7b: {  	_ =	shalt  }
0x7c: {  	_ =	shalt  }
0x7d: {  	_ =	shalt  }
0x7e: {  	_ =	shalt  }
0x7f: {  	_ =	shalt  }
0x80: {  	_ =	shalt  }
0x81: {  	_ =	shalt  }
0x82: {  	_ =	shalt  }
0x83: {  	_ =	shalt  }
0x84: {  	_ =	shalt  }
0x85: {  	_ =	shalt  }
0x86: {  	_ =	shalt  }
0x87: {  	_ =	shalt  }
.Lfunc_end0:
.L_simem_size_0:
called_computation.2_lowered:
.L_overlay_start_0:
0x88: {  	s2 =	sld [smem:$0x3FD9]  }
0x89: {  	s3 =	sld [smem:$0x3FFE];
	_ =	sdelay $0x1  }
0x8a: {  	s1 =	srdreg.scid  }
0x8b: {  	s0 =	sand.u32 $0x1, s1  }
0x8c: {  	s17 =	sshll.u32 s0, $0xA;
	s2 =	sadd.s32 s3, s2  }
0x8d: {  	s2 =	sadd.s32 s2, s17  }
0x8e: {  	[smem:$0x3FBC] =	sst s2  }
0x8f: {  	_ = 	snop  }
0x90: {  	s2 =	sld [smem:$0x3FD0];
	(tm) =	ssettm $0x1  }
0x91: {  	s18 =	sld [smem:$0x3FFB];
	_ =	sdelay $0x3  }
0x92: {  	_ =	strace s18  }
0x93: {  	s3 =	sld [smem:$0x3FFC];
	_ =	sdelay $0x3  }
0x94: {  	_ =	strace s3  }
0x95: {  	s3 =	sld [smem:$0x3FFD];
	_ =	sdelay $0x3  }
0x96: {  	_ =	strace s3  }
0x97: {  	_ =	strace $0x8FFFFFFF  }
0x98: {  	s19 =	sld [smem:$0x3FDB];
	_ =	sdelay $0x1  }
0x99: {  	s4 =	simm.s32 $_scs_section_size  }
0x9a: {  	s5 =	simm.s32 $_size__tile_overlayer_lowered;
	s6 =	simm.s32 $_tile_overlayer_lowered  }
0x9b: {  	s22 =	simm.s32 $0x1BFF;
	s21 =	sshll.u32 s6, $0x1;
	s3 =	sadd.s32 s4, s19  }
0x9c: {  	s7 =	simm.s32 $0x0;
	s20 =	sshll.u32 s5, $0x1;
	s5 =	sadd.s32 s21, s3  }
0x9d: {  	[timem:s7], [sflag:s22] =	dma.local [hbm:s5], s20  }
0x9e: {  	_ =	swait.ge [sflag:s22], s20  }
0x9f: {  	s4 =	ssub.s32 $0x0, s20;
	[sflag:s22] =	ssyncset.done $0x0  }
0xa0: {  	[sflag:s22] =	ssyncadd.s32 s4;
	_ =	sdelay $0x1  }
0xa1: {  	s23 =	simm.s32 $0x1B8B  }
0xa2: {  	_ =	swait.ge [sflag:s23], $0x1  }
0xa3: {  	[sflag:s23] =	ssyncset.done $0x0  }
0xa4: {  	s25 =	simm.s32 $0x1B8E;
	s24 =	sld [smem:$0x3FFE];
	[sflag:s23] =	ssyncadd.s32 $0xFFFFFFFF  }
0xa5: {  	s26 =	simm.s32 $execute0_lowered;
	[smem:$0x3FD2] =	sst s25  }
0xa6: {  	s5 =	sshll.u32 s26, $0x1;
	_ =	strace $0x8000004C;
	[dreg:$0x1] =	wrdreg $0xFFFFFFFF  }
0xa7: {  	s28 =	simm.s32 $_size_execute0_lowered;
	s3 =	sadd.s32 s3, s5;
	[dreg:$0x0] =	wrdreg $0x0  }
0xa8: {  	s5 =	sshll.u32 s28, $0x1;
	[dreg:$0x2] =	wrdreg s3  }
0xa9: {  	[dreg:$0x3] =	wrdreg s5  }
0xaa: {  	[dreg:$0x4] =	wrdreg $0xC0  }
0xab: {  	_ =	task [dreg:s7], $0x5FFFF  }
0xac: {  	[dreg:$0x1] =	wrdreg $0xFFFFFFFF  }
0xad: {  	[dreg:$0x0] =	wrdreg $0x60  }
0xae: {  	[dreg:$0x2] =	wrdreg s24  }
0xaf: {  	[dreg:$0x3] =	wrdreg s2  }
0xb0: {  	[dreg:$0x4] =	wrdreg $0xAA000  }
0xb1: {  	[dreg:$0x5] =	wrdreg $0x9  }
0xb2: {  	_ =	task.clear_ibuf [dreg:s7], $0x6FFFF;
	_ =	strace $0x9000004C  }
0xb3: {  	s29 =	simm.s32 $0x9;
	_ =	strace $0x8000004E  }
0xb4: {  	_ =	swait.ge [sflag:s29], $0x1  }
0xb5: {  	[sflag:s29] =	ssyncadd.s32 $0xFFFFFFFF  }
0xb6: {  	_ =	strace $0x9000004E  }
0xb7: {  	_ =	sfence  }
0xb8: {  	s30 =	sld [smem:$0x0];
	_ =	sdelay $0x2  }
0xb9: {  	s31 =	sshll.u32 s1, $0xD;
	s1 =	sshrl.u32 s1, $0x2  }
0xba: {  	s3 =	sand.u32 $0x4000, s31;
	s1 =	sadd.s32 s1, s30  }
0xbb: {  	s0 =	sor.u32 s3, s0;
	s1 =	sshll.u32 s1, $0x11  }
0xbc: {  	s0 =	sor.u32 s1, s0  }
0xbd: {  	s0 =	sadd.s32 $0x8F2B, s0  }
0xbe: {  	[sflag:s0] =	ssyncadd.remote.s32 $0x1  }
0xbf: {  	_ =	sfence.sel $0xFFFF  }
0xc0: {  	[dreg:$0x0] =	wrdreg $0xFFFFFFFF;
	(pc) =	sbr.abs _section_cstart, $3  }
0xc1: {  	[dreg:$0x1] =	wrdreg $0xFFFFFFFF  }
0xc2: {  	_ =	task.clear_ibuf [dreg:s7], $0x2FFFF;
	_ =	strace $0x9FFFFFFF  }
0xc3: {  	(tm) =	ssettm $0x7FFFFFFF  }
tec
execute0_lowered:
.L_overlay_start_1:
0x0: {  	(tag) =	ssettag $0x1  }
0x1: {  	s0 =	rddreg [dreg:$0x0]  }
0x2: {  	s1 =	rddreg [dreg:$0x1];
	s12 =	stileid.u32  }
0x3: {  	s4 =	srdreg.scid;
	s5 =	smul.u32 $0x278, s12  }
0x4: {  	s2 =	rddreg [dreg:$0x2];
	s4 =	sand.u32 $0x1, s4;
	s10 =	smul.u32 $0x5000, s12  }
0x5: {  	s3 =	simm.s32 $0x0;
	s6 =	sshll.u32 s12, $0x1;
	s7 =	smul.u32 $0x7680, s4  }
0x6: {  	s6 =	sor.u32 s4, s6;
	s9 =	ssub.s32 $0x2, s4;
	s4 =	smul.u32 $0x2800, s4  }
0x7: {  	[smem:$0x7FF] =	sst s3;
	s8 =	sadd.s32 $0xF3E00, s0;
	s6 =	smul.u32 $0x2800, s6  }
0x8: {  	s17 =	sshrl.u32 s9, $0x1;
	s7 =	sadd.s32 s5, s7;
	s4 =	sadd.s32 s4, s10  }
0x9: {  	s9 =	ssub.s32 s9, s17;
	s6 =	sshrl.u32 s6, $0x3;
	s20 =	sor.u32 $0x100, s4  }
0xa: {  	s22 =	sor.u32 $0x140, s4;
	s24 =	sor.u32 $0x180, s4;
	s26 =	sor.u32 $0x1C0, s4  }
0xb: {  	s14 =	sadd.s32 $0x50140, s4;
	s16 =	sadd.s32 $0x50180, s4;
	s7 =	sshll.u32 s7, $0x4  }
0xc: {  	s18 =	sadd.s32 s8, s6;
	s5 =	sadd.s32 s1, s6;
	s11 =	sadd.s32 $0xA000, s6  }
0xd: {  	s6 =	sadd.s32 $0x14000, s6;
	s21 =	sshrl.u32 s20, $0x3;
	s23 =	sshrl.u32 s22, $0x3  }
0xe: {  	s25 =	sshrl.u32 s24, $0x3;
	s10 =	sshrl.u32 s26, $0x3;
	s15 =	sshrl.u32 s14, $0x3  }
0xf: {  	s17 =	sshrl.u32 s16, $0x3;
	[dreg:$0x4] =	wrdreg s18;
	s13 =	sadd.s32 s8, s11  }
0x10: {  	s20 =	sadd.s32 $0xA0100, s4;
	s19 =	sadd.s32 s1, s11;
	[dreg:$0x6] =	wrdreg s13  }
0x11: {  	s22 =	sadd.s32 $0xA0140, s4;
	s8 =	sadd.s32 s8, s6;
	[dreg:$0x7] =	wrdreg s19  }
0x12: {  	s24 =	sadd.s32 $0xA0180, s4;
	s6 =	sadd.s32 s1, s6;
	[dreg:$0x8] =	wrdreg s8  }
0x13: {  	s26 =	smul.u32 $0x4F000, s12;
	[dreg:$0x9] =	wrdreg s6;
	s6 =	sadd.s32 s21, s1  }
0x14: {  	s11 =	sadd.s32 $0x50100, s4;
	[dreg:$0xa] =	wrdreg s6;
	s6 =	sadd.s32 s23, s1  }
0x15: {  	s18 =	sadd.s32 $0x501C0, s4;
	[dreg:$0xb] =	wrdreg s6;
	s6 =	sadd.s32 s25, s1  }
0x16: {  	s13 =	sshrl.u32 s11, $0x3;
	[dreg:$0xc] =	wrdreg s6;
	s6 =	sadd.s32 s10, s1  }
0x17: {  	s4 =	sadd.s32 $0xA01C0, s4;
	[dreg:$0xd] =	wrdreg s6;
	s6 =	sadd.s32 s13, s1  }
0x18: {  	s19 =	sshrl.u32 s18, $0x3;
	[dreg:$0xe] =	wrdreg s6;
	s6 =	sadd.s32 s15, s1  }
0x19: {  	s21 =	sshrl.u32 s20, $0x3;
	[dreg:$0xf] =	wrdreg s6;
	s6 =	sadd.s32 s17, s1  }
0x1a: {  	s4 =	sshrl.u32 s4, $0x3;
	[dreg:$0x10] =	wrdreg s6;
	s6 =	sadd.s32 s19, s1  }
0x1b: {  	s23 =	sshrl.u32 s22, $0x3;
	[dreg:$0x11] =	wrdreg s6;
	s6 =	sadd.s32 s21, s1  }
0x1c: {  	s25 =	sshrl.u32 s24, $0x3;
	[dreg:$0x12] =	wrdreg s6;
	s6 =	sadd.s32 s23, s1  }
0x1d: {  	s8 =	sshrl.u32 s26, $0x2;
	[dreg:$0x13] =	wrdreg s6;
	s6 =	sadd.s32 s25, s1  }
0x1e: {  	s22 =	sadd.s32 $0x111E00, s0;
	s1 =	sadd.s32 s4, s1;
	[dreg:$0x14] =	wrdreg s6  }
0x1f: {  	[dreg:$0x15] =	wrdreg s1;
	s1 =	sadd.s32 s7, s0;
	s0 =	sadd.s32 $0x3E00, s0  }
0x20: {  	s10 =	sadd.s32 s8, s2;
	_ =	strace $0x8000004D;
	[dreg:$0x16] =	wrdreg s0  }
0x21: {  	s15 =	smax.u32 s9, $0x1;
	[dreg:$0x17] =	wrdreg s10  }
0x22: {  	s16 =	sadd.s32 $0x8, s5;
	[dreg:$0x1b] =	wrdreg s15  }
0x23: {  	s28 =	simm.s32 $0x5;
	s17 =	sadd.s32 $0x10, s5;
	[dreg:$0x1c] =	wrdreg s16  }
0x24: {  	s29 =	simm.s32 $0x7;
	s18 =	sadd.s32 $0x18, s5;
	[dreg:$0x1d] =	wrdreg s17  }
0x25: {  	s30 =	simm.s32 $0x3;
	s19 =	sadd.s32 $0xA008, s5;
	[dreg:$0x1e] =	wrdreg s18  }
0x26: {  	s31 =	simm.s32 $0x8;
	s20 =	sadd.s32 $0xA010, s5;
	[dreg:$0x1f] =	wrdreg s19  }
0x27: {  	s11 =	sshll.u32 s12, $0x6;
	s21 =	sadd.s32 $0xA018, s5;
	[smem:$0x7F9] =	sst s20  }
0x28: {  	s26 =	sadd.s32 $0x14018, s5;
	s23 =	sadd.s32 $0x14008, s5;
	[smem:$0x7FA] =	sst s21  }
0x29: {  	s24 =	sadd.s32 $0x14010, s5;
	s25 =	sor.u32 $0x1C09, s11;
	[smem:$0x7FB] =	sst s23  }
0x2a: {  	s11 =	simm.s32 $0x9;
	s12 =	sadd.s32 $0x6600, s1;
	[smem:$0x7FC] =	sst s24  }
0x2b: {  	s13 =	sadd.s32 $0x2DE00, s1;
	s14 =	sadd.s32 $0x55600, s1;
	[dreg:$0x5] =	wrdreg s5  }
.Ltmp0:
0x2c: {  	[smem:$0x7FD] =	sst s26;
	s15 =	simm.s32 $0x2800;
	(pc) =	sbr.rel .LBB2_1-.Ltmp0, $4  }
0x2d: {  	s19 =	simm.s32 $0x6A00;
	s20 =	simm.s32 $0x2900;
	[dreg:$0x18] =	wrdreg s12  }
0x2e: {  	s24 =	simm.s32 $0x8A00;
	s26 =	simm.s32 $0x2980;
	[dreg:$0x19] =	wrdreg s13  }
0x2f: {  	s0 =	simm.s32 $0x4;
	s1 =	simm.s32 $0x0;
	[dreg:$0x1a] =	wrdreg s14  }
0x30: {  	s12 =	simm.s32 $0x1;
	s13 =	simm.s32 $0x40;
	s14 =	simm.s32 $0x2A00  }
.LBB2_10:
0x31: {  	_ =	swait.ge [sflag:s31], $0x40  }
0x32: {  	[sflag:s31] =	ssyncset.done $0x0  }
0x33: {  	[sflag:s31] =	ssyncadd.s32 $0xFFFFFFC0  }
0x34: {  	_ =	swait.ge [sflag:s0], $0x2000  }
0x35: {  	[sflag:s0] =	ssyncset.done $0x0  }
0x36: {  	[sflag:s0] =	ssyncadd.s32 $0xFFFFE000  }
0x37: {  	[spmem:s2] =	stream.indirect.scatter.add.f32 [tilespmem:s24], [sflag:$0x9], $0x80, s26, s13, $0xb8;
	[tilespmem:$0x1E600] =	vst v63  }
0x38: {  	_ =	swait.ge [sflag:s11], $0x2000  }
0x39: {  	[sflag:s11] =	ssyncset.done $0x0  }
0x3a: {  	[sflag:s11] =	ssyncadd.s32 $0xFFFFE000  }
0x3b: {  	[bflag:$0x0] =	sbarrier.arrive $0xFFFF  }
0x3c: {  	s5 =	rddreg [dreg:$0x1a]  }
0x3d: {  	[hbm:s5], [sflag:s25] =	dma.local [spmem:s4], $0x2780  }
0x3e: {  	_ =	swait.ge [sflag:s11], $0x2780  }
0x3f: {  	s1 =	sadd.s32 $0x1, s1;
	s23 =	rddreg [dreg:$0x1b]  }
0x40: {  	p0 =	sne.s32 s1, s23  }
.Ltmp1:
0x41: {  	_ = 	snop;
	(pc) =	sbr.rel @!p0 .LBB2_11-.Ltmp1, $3  }
0x42: {  	_ =	sdelay $0x1  }
0x43: {  	[sflag:s11] =	ssyncset.done $0x0  }
0x44: {  	[sflag:s11] =	ssyncadd.s32 $0xFFFFD880  }
.LBB2_1:
0x45: {  	s4 =	rddreg [dreg:$0x4]  }
0x46: {  	s8 =	rddreg [dreg:$0x17]  }
0x47: {  	[tilespmem:s3], [sflag:$0x1] =	stream.linear.gather [hbm4b:s4+s3], $0x2800, $0x38;
	[tilespmem:$0x1E600] =	vst v63  }
0x48: {  	s5 =	rddreg [dreg:$0x16];
	s4 =	sshrl.u32 s8, $0x3  }
0x49: {  	[spmem:s4], [sflag:s25] =	dma.local [hbm:s5], $0x2780  }
0x4a: {  	_ =	swait.ge [sflag:s11], $0x2780  }
0x4b: {  	[sflag:s11] =	ssyncset.done $0x0  }
0x4c: {  	[sflag:s11] =	ssyncadd.s32 $0xFFFFD880  }
0x4d: {  	_ =	swait.ge [sflag:s12], $0x2800  }
0x4e: {  	[sflag:s12] =	ssyncset.done $0x0  }
0x4f: {  	[sflag:s12] =	ssyncadd.s32 $0xFFFFD800  }
0x50: {  	[bflag:$0x0] =	sbarrier.arrive $0xFFFF  }
0x51: {  	[tilespmem:s14], [sflag:$0x1] =	stream.indirect.gather [hbm4b:s22+s13], $0x80, s3, s13, $0xb8;
	[tilespmem:$0x1E600] =	vst v63  }
0x52: {  	s9 =	rddreg [dreg:$0x5]  }
0x53: {  	s16 =	rddreg [dreg:$0x1c]  }
0x54: {  	[tilespmem:s15], [sflag:$0x5] =	stream.linear.gather [hbm4b:s9+s3], $0x40, $0x38;
	[tilespmem:$0x1E600] =	vst v63  }
0x55: {  	s10 =	simm.s32 $0x4A00;
	s18 =	rddreg [dreg:$0x1d]  }
0x56: {  	[tilespmem:s10], [sflag:$0x2] =	stream.indirect.gather [hbm4b:s22+s13], $0x80, s13, s13, $0xb8;
	[tilespmem:$0x1E600] =	vst v63  }
0x57: {  	s6 =	simm.s32 $0x2880;
	s23 =	rddreg [dreg:$0x1e]  }
0x58: {  	[tilespmem:s6], [sflag:$0x6] =	stream.linear.gather [hbm4b:s16+s3], $0x40, $0x38;
	[tilespmem:$0x1E600] =	vst v63  }
0x59: {  	s17 =	simm.s32 $0x80;
	s7 =	rddreg [dreg:$0xc]  }
0x5a: {  	[tilespmem:s19], [sflag:$0x3] =	stream.indirect.gather [hbm4b:s22+s13], $0x80, s17, s13, $0xb8;
	[tilespmem:$0x1E600] =	vst v63  }
0x5b: {  	s8 =	rddreg [dreg:$0xb]  }
0x5c: {  	[tilespmem:s20], [sflag:$0x7] =	stream.linear.gather [hbm4b:s18+s3], $0x40, $0x38;
	[tilespmem:$0x1E600] =	vst v63  }
0x5d: {  	s21 =	simm.s32 $0xC0;
	s9 =	rddreg [dreg:$0xa]  }
0x5e: {  	[tilespmem:s24], [sflag:$0x4] =	stream.indirect.gather [hbm4b:s22+s13], $0x80, s21, s13, $0xb8;
	[tilespmem:$0x1E600] =	vst v63  }
0x5f: {  	s10 =	simm.s32 $0x0;
	s6 =	rddreg [dreg:$0xd]  }
0x60: {  	[tilespmem:s26], [sflag:$0x8] =	stream.linear.gather [hbm4b:s23+s3], $0x40, $0x38;
	[tilespmem:$0x1E600] =	vst v63  }
.LBB2_2:
0x61: {  	_ =	swait.ge [sflag:s28], $0x40  }
0x62: {  	[sflag:s28] =	ssyncset.done $0x0  }
0x63: {  	[sflag:s28] =	ssyncadd.s32 $0xFFFFFFC0  }
0x64: {  	_ =	swait.ge [sflag:s12], $0x2000  }
0x65: {  	[sflag:s12] =	ssyncset.done $0x0  }
0x66: {  	[sflag:s12] =	ssyncadd.s32 $0xFFFFE000  }
0x67: {  	[spmem:s2] =	stream.indirect.scatter.add.f32 [tilespmem:s14], [sflag:$0x9], $0x80, s15, s13, $0xb8;
	[tilespmem:$0x1E600] =	vst v63  }
0x68: {  	_ =	swait.ge [sflag:s11], $0x2000  }
0x69: {  	p0 =	seq.s32 s10, $0x9C00;
	[sflag:s11] =	ssyncset.done $0x0  }
0x6a: {  	s5 =	simm.s32 @p0 $0x6;
	[sflag:s11] =	ssyncadd.s32 $0xFFFFE000  }
0x6b: {  	_ =	swait.ge @p0 [sflag:s5], $0x40  }
0x6c: {  	[sflag:s5] =	ssyncset.done @p0 $0x0  }
0x6d: {  	[sflag:s5] =	ssyncadd.s32 @p0 $0xFFFFFFC0;
	s5 =	simm.s32 @p0 $0x2  }
0x6e: {  	_ =	swait.ge @p0 [sflag:s5], $0x2000  }
0x6f: {  	s16 =	simm.s32 @p0 $0x2880;
	[sflag:s5] =	ssyncset.done @p0 $0x0  }
0x70: {  	s17 =	simm.s32 @p0 $0x4A00;
	[sflag:s5] =	ssyncadd.s32 @p0 $0xFFFFE000;
	s5 =	simm.s32 @p0 $0x40  }
0x71: {  	[spmem:s2] =	stream.indirect.scatter.add.f32 @p0 [tilespmem:s17], [sflag:$0x9], $0x80, s16, s5, $0xb8;
	[tilespmem:$0x1E600] =	vst v63  }
0x72: {  	s5 =	simm.s32 @p0 $0x9  }
0x73: {  	_ =	swait.ge @p0 [sflag:s5], $0x2000  }
0x74: {  	[sflag:s5] =	ssyncset.done @p0 $0x0  }
0x75: {  	[sflag:s5] =	ssyncadd.s32 @p0 $0xFFFFE000;
	s5 =	sshra.s32 @!p0 s10, $0x2  }
0x76: {  	s18 =	simm.s32 @!p0 $0x2A00;
	s17 =	simm.s32 @!p0 $0x40;
	s16 =	sadd.s32 @!p0 $0x100, s5  }
0x77: {  	[tilespmem:s18], [sflag:$0x1] =	stream.indirect.gather @!p0 [hbm4b:s22+s17], $0x80, s16, s17, $0xb8;
	[tilespmem:$0x1E600] =	vst v63  }
0x78: {  	s16 =	simm.s32 @!p0 $0x0;
	s18 =	simm.s32 @!p0 $0x2800  }
0x79: {  	[tilespmem:s18], [sflag:$0x5] =	stream.linear.gather @!p0 [hbm4b:s9+s16], $0x40, $0x38;
	[tilespmem:$0x1E600] =	vst v63  }
0x7a: {  	s18 =	simm.s32 @!p0 $0x6  }
0x7b: {  	_ =	swait.ge @!p0 [sflag:s18], $0x40  }
0x7c: {  	[sflag:s18] =	ssyncset.done @!p0 $0x0  }
0x7d: {  	[sflag:s18] =	ssyncadd.s32 @!p0 $0xFFFFFFC0;
	s18 =	simm.s32 @!p0 $0x2  }
0x7e: {  	_ =	swait.ge @!p0 [sflag:s18], $0x2000  }
0x7f: {  	s21 =	simm.s32 @!p0 $0x4A00;
	[sflag:s18] =	ssyncset.done @!p0 $0x0  }
0x80: {  	s23 =	simm.s32 @!p0 $0x9;
	[sflag:s18] =	ssyncadd.s32 @!p0 $0xFFFFE000;
	s18 =	simm.s32 @!p0 $0x2880  }
0x81: {  	[spmem:s2] =	stream.indirect.scatter.add.f32 @!p0 [tilespmem:s21], [sflag:$0x9], $0x80, s18, s17, $0xb8;
	[tilespmem:$0x1E600] =	vst v63  }
0x82: {  	_ =	swait.ge @!p0 [sflag:s23], $0x2000  }
0x83: {  	[sflag:s23] =	ssyncset.done @!p0 $0x0  }
0x84: {  	s5 =	sadd.s32 @!p0 $0x140, s5;
	[sflag:s23] =	ssyncadd.s32 @!p0 $0xFFFFE000  }
0x85: {  	[tilespmem:s21], [sflag:$0x2] =	stream.indirect.gather @!p0 [hbm4b:s22+s17], $0x80, s5, s17, $0xb8;
	[tilespmem:$0x1E600] =	vst v63  }
0x86: {  	_ = 	snop  }
0x87: {  	[tilespmem:s18], [sflag:$0x6] =	stream.linear.gather @!p0 [hbm4b:s8+s16], $0x40, $0x38;
	[tilespmem:$0x1E600] =	vst v63  }
0x88: {  	_ =	swait.ge [sflag:s29], $0x40  }
0x89: {  	[sflag:s29] =	ssyncset.done $0x0  }
0x8a: {  	[sflag:s29] =	ssyncadd.s32 $0xFFFFFFC0  }
0x8b: {  	_ =	swait.ge [sflag:s30], $0x2000  }
0x8c: {  	[sflag:s30] =	ssyncset.done $0x0  }
.Ltmp2:
0x8d: {  	[sflag:s30] =	ssyncadd.s32 $0xFFFFE000;
	(pc) =	sbr.rel @p0 .LBB2_4-.Ltmp2, $4  }
0x8e: {  	[spmem:s2] =	stream.indirect.scatter.add.f32 [tilespmem:s19], [sflag:$0x9], $0x80, s20, s13, $0xb8;
	[tilespmem:$0x1E600] =	vst v63  }
0x8f: {  	_ =	swait.ge [sflag:s11], $0x2000  }
0x90: {  	[sflag:s11] =	ssyncset.done $0x0  }
0x91: {  	[sflag:s11] =	ssyncadd.s32 $0xFFFFE000  }
0x92: {  	s5 =	sshra.s32 s10, $0x2  }
0x93: {  	s16 =	sadd.s32 $0x180, s5  }
0x94: {  	[tilespmem:s19], [sflag:$0x3] =	stream.indirect.gather [hbm4b:s22+s13], $0x80, s16, s13, $0xb8;
	[tilespmem:$0x1E600] =	vst v63  }
0x95: {  	_ = 	snop  }
0x96: {  	[tilespmem:s20], [sflag:$0x7] =	stream.linear.gather [hbm4b:s7+s3], $0x40, $0x38;
	[tilespmem:$0x1E600] =	vst v63  }
0x97: {  	_ =	swait.ge [sflag:s31], $0x40  }
0x98: {  	[sflag:s31] =	ssyncset.done $0x0  }
0x99: {  	[sflag:s31] =	ssyncadd.s32 $0xFFFFFFC0  }
0x9a: {  	_ =	swait.ge [sflag:s0], $0x2000  }
0x9b: {  	[sflag:s0] =	ssyncset.done $0x0  }
0x9c: {  	[sflag:s0] =	ssyncadd.s32 $0xFFFFE000  }
0x9d: {  	[spmem:s2] =	stream.indirect.scatter.add.f32 [tilespmem:s24], [sflag:$0x9], $0x80, s26, s13, $0xb8;
	[tilespmem:$0x1E600] =	vst v63  }
0x9e: {  	_ =	swait.ge [sflag:s11], $0x2000  }
0x9f: {  	[sflag:s11] =	ssyncset.done $0x0  }
.Ltmp3:
0xa0: {  	s5 =	sadd.s32 $0x1C0, s5;
	[sflag:s11] =	ssyncadd.s32 $0xFFFFE000;
	(pc) =	sbr.rel .LBB2_2-.Ltmp3, $4  }
0xa1: {  	[tilespmem:s24], [sflag:$0x4] =	stream.indirect.gather [hbm4b:s22+s13], $0x80, s5, s13, $0xb8;
	[tilespmem:$0x1E600] =	vst v63  }
0xa2: {  	s10 =	sadd.s32 $0x400, s10;
	s9 =	sadd.s32 $0x20, s9  }
0xa3: {  	[tilespmem:s26], [sflag:$0x8] =	stream.linear.gather [hbm4b:s6+s3], $0x40, $0x38;
	[tilespmem:$0x1E600] =	vst v63  }
0xa4: {  	s8 =	sadd.s32 $0x20, s8;
	s7 =	sadd.s32 $0x20, s7;
	s6 =	sadd.s32 $0x20, s6  }
.LBB2_4:
0xa5: {  	_ =	swait.ge [sflag:s31], $0x40  }
0xa6: {  	[sflag:s31] =	ssyncset.done $0x0  }
0xa7: {  	[sflag:s31] =	ssyncadd.s32 $0xFFFFFFC0  }
0xa8: {  	_ =	swait.ge [sflag:s0], $0x2000  }
0xa9: {  	[sflag:s0] =	ssyncset.done $0x0  }
0xaa: {  	[sflag:s0] =	ssyncadd.s32 $0xFFFFE000  }
0xab: {  	[spmem:s2] =	stream.indirect.scatter.add.f32 [tilespmem:s24], [sflag:$0x9], $0x80, s26, s13, $0xb8;
	[tilespmem:$0x1E600] =	vst v63  }
0xac: {  	_ =	swait.ge [sflag:s11], $0x2000  }
0xad: {  	[sflag:s11] =	ssyncset.done $0x0  }
0xae: {  	[sflag:s11] =	ssyncadd.s32 $0xFFFFE000  }
0xaf: {  	[bflag:$0x0] =	sbarrier.arrive $0xFFFF  }
0xb0: {  	s5 =	rddreg [dreg:$0x18]  }
0xb1: {  	[hbm:s5], [sflag:s25] =	dma.local [spmem:s4], $0x2780  }
0xb2: {  	_ =	swait.ge [sflag:s11], $0x2780  }
0xb3: {  	[sflag:s11] =	ssyncset.done $0x0;
	s7 =	rddreg [dreg:$0x6]  }
0xb4: {  	s6 =	simm.s32 $0x0;
	s8 =	rddreg [dreg:$0x16];
	[sflag:s11] =	ssyncadd.s32 $0xFFFFD880  }
0xb5: {  	[tilespmem:s6], [sflag:$0x1] =	stream.linear.gather [hbm4b:s7+s6], $0x2800, $0x38;
	[tilespmem:$0x1E600] =	vst v63  }
0xb6: {  	[spmem:s4], [sflag:s25] =	dma.local [hbm:s8], $0x2780  }
0xb7: {  	_ =	swait.ge [sflag:s11], $0x2780  }
0xb8: {  	[sflag:s11] =	ssyncset.done $0x0  }
0xb9: {  	[sflag:s11] =	ssyncadd.s32 $0xFFFFD880  }
0xba: {  	_ =	swait.ge [sflag:s12], $0x2800  }
0xbb: {  	[sflag:s12] =	ssyncset.done $0x0  }
0xbc: {  	[sflag:s12] =	ssyncadd.s32 $0xFFFFD800  }
0xbd: {  	[bflag:$0x0] =	sbarrier.arrive $0xFFFF  }
0xbe: {  	[tilespmem:s14], [sflag:$0x1] =	stream.indirect.gather [hbm4b:s22+s13], $0x80, s6, s13, $0xb8;
	[tilespmem:$0x1E600] =	vst v63  }
0xbf: {  	s9 =	rddreg [dreg:$0x7]  }
0xc0: {  	s16 =	rddreg [dreg:$0x1f]  }
0xc1: {  	[tilespmem:s15], [sflag:$0x5] =	stream.linear.gather [hbm4b:s9+s6], $0x40, $0x38;
	[tilespmem:$0x1E600] =	vst v63  }
0xc2: {  	s10 =	simm.s32 $0x4A00;
	s18 =	sld [smem:$0x7F9]  }
0xc3: {  	[tilespmem:s10], [sflag:$0x2] =	stream.indirect.gather [hbm4b:s22+s13], $0x80, s13, s13, $0xb8;
	[tilespmem:$0x1E600] =	vst v63  }
0xc4: {  	s7 =	simm.s32 $0x2880;
	s23 =	sld [smem:$0x7FA]  }
0xc5: {  	[tilespmem:s7], [sflag:$0x6] =	stream.linear.gather [hbm4b:s16+s6], $0x40, $0x38;
	[tilespmem:$0x1E600] =	vst v63  }
0xc6: {  	s17 =	simm.s32 $0x80;
	s8 =	rddreg [dreg:$0x10]  }
0xc7: {  	[tilespmem:s19], [sflag:$0x3] =	stream.indirect.gather [hbm4b:s22+s13], $0x80, s17, s13, $0xb8;
	[tilespmem:$0x1E600] =	vst v63  }
0xc8: {  	s9 =	rddreg [dreg:$0xf]  }
0xc9: {  	[tilespmem:s20], [sflag:$0x7] =	stream.linear.gather [hbm4b:s18+s6], $0x40, $0x38;
	[tilespmem:$0x1E600] =	vst v63  }
0xca: {  	s21 =	simm.s32 $0xC0;
	s10 =	rddreg [dreg:$0xe]  }
0xcb: {  	[tilespmem:s24], [sflag:$0x4] =	stream.indirect.gather [hbm4b:s22+s13], $0x80, s21, s13, $0xb8;
	[tilespmem:$0x1E600] =	vst v63  }
0xcc: {  	s7 =	rddreg [dreg:$0x11]  }
0xcd: {  	[tilespmem:s26], [sflag:$0x8] =	stream.linear.gather [hbm4b:s23+s6], $0x40, $0x38;
	[tilespmem:$0x1E600] =	vst v63  }
.LBB2_5:
0xce: {  	_ =	swait.ge [sflag:s28], $0x40  }
0xcf: {  	[sflag:s28] =	ssyncset.done $0x0  }
0xd0: {  	[sflag:s28] =	ssyncadd.s32 $0xFFFFFFC0  }
0xd1: {  	_ =	swait.ge [sflag:s12], $0x2000  }
0xd2: {  	[sflag:s12] =	ssyncset.done $0x0  }
0xd3: {  	[sflag:s12] =	ssyncadd.s32 $0xFFFFE000  }
0xd4: {  	[spmem:s2] =	stream.indirect.scatter.add.f32 [tilespmem:s14], [sflag:$0x9], $0x80, s15, s13, $0xb8;
	[tilespmem:$0x1E600] =	vst v63  }
0xd5: {  	_ =	swait.ge [sflag:s11], $0x2000  }
0xd6: {  	p0 =	seq.s32 s6, $0x9C00;
	[sflag:s11] =	ssyncset.done $0x0  }
0xd7: {  	s5 =	simm.s32 @p0 $0x6;
	[sflag:s11] =	ssyncadd.s32 $0xFFFFE000  }
0xd8: {  	_ =	swait.ge @p0 [sflag:s5], $0x40  }
0xd9: {  	[sflag:s5] =	ssyncset.done @p0 $0x0  }
0xda: {  	[sflag:s5] =	ssyncadd.s32 @p0 $0xFFFFFFC0;
	s5 =	simm.s32 @p0 $0x2  }
0xdb: {  	_ =	swait.ge @p0 [sflag:s5], $0x2000  }
0xdc: {  	s16 =	simm.s32 @p0 $0x2880;
	[sflag:s5] =	ssyncset.done @p0 $0x0  }
0xdd: {  	s17 =	simm.s32 @p0 $0x4A00;
	[sflag:s5] =	ssyncadd.s32 @p0 $0xFFFFE000;
	s5 =	simm.s32 @p0 $0x40  }
0xde: {  	[spmem:s2] =	stream.indirect.scatter.add.f32 @p0 [tilespmem:s17], [sflag:$0x9], $0x80, s16, s5, $0xb8;
	[tilespmem:$0x1E600] =	vst v63  }
0xdf: {  	s5 =	simm.s32 @p0 $0x9  }
0xe0: {  	_ =	swait.ge @p0 [sflag:s5], $0x2000  }
0xe1: {  	[sflag:s5] =	ssyncset.done @p0 $0x0  }
0xe2: {  	[sflag:s5] =	ssyncadd.s32 @p0 $0xFFFFE000;
	s5 =	sshra.s32 @!p0 s6, $0x2  }
0xe3: {  	s18 =	simm.s32 @!p0 $0x2A00;
	s17 =	simm.s32 @!p0 $0x40;
	s16 =	sadd.s32 @!p0 $0x100, s5  }
0xe4: {  	[tilespmem:s18], [sflag:$0x1] =	stream.indirect.gather @!p0 [hbm4b:s22+s17], $0x80, s16, s17, $0xb8;
	[tilespmem:$0x1E600] =	vst v63  }
0xe5: {  	s16 =	simm.s32 @!p0 $0x0;
	s18 =	simm.s32 @!p0 $0x2800  }
0xe6: {  	[tilespmem:s18], [sflag:$0x5] =	stream.linear.gather @!p0 [hbm4b:s10+s16], $0x40, $0x38;
	[tilespmem:$0x1E600] =	vst v63  }
0xe7: {  	s18 =	simm.s32 @!p0 $0x6  }
0xe8: {  	_ =	swait.ge @!p0 [sflag:s18], $0x40  }
0xe9: {  	[sflag:s18] =	ssyncset.done @!p0 $0x0  }
0xea: {  	[sflag:s18] =	ssyncadd.s32 @!p0 $0xFFFFFFC0;
	s18 =	simm.s32 @!p0 $0x2  }
0xeb: {  	_ =	swait.ge @!p0 [sflag:s18], $0x2000  }
0xec: {  	s21 =	simm.s32 @!p0 $0x4A00;
	[sflag:s18] =	ssyncset.done @!p0 $0x0  }
0xed: {  	s23 =	simm.s32 @!p0 $0x9;
	[sflag:s18] =	ssyncadd.s32 @!p0 $0xFFFFE000;
	s18 =	simm.s32 @!p0 $0x2880  }
0xee: {  	[spmem:s2] =	stream.indirect.scatter.add.f32 @!p0 [tilespmem:s21], [sflag:$0x9], $0x80, s18, s17, $0xb8;
	[tilespmem:$0x1E600] =	vst v63  }
0xef: {  	_ =	swait.ge @!p0 [sflag:s23], $0x2000  }
0xf0: {  	[sflag:s23] =	ssyncset.done @!p0 $0x0  }
0xf1: {  	s5 =	sadd.s32 @!p0 $0x140, s5;
	[sflag:s23] =	ssyncadd.s32 @!p0 $0xFFFFE000  }
0xf2: {  	[tilespmem:s21], [sflag:$0x2] =	stream.indirect.gather @!p0 [hbm4b:s22+s17], $0x80, s5, s17, $0xb8;
	[tilespmem:$0x1E600] =	vst v63  }
0xf3: {  	_ = 	snop  }
0xf4: {  	[tilespmem:s18], [sflag:$0x6] =	stream.linear.gather @!p0 [hbm4b:s9+s16], $0x40, $0x38;
	[tilespmem:$0x1E600] =	vst v63  }
0xf5: {  	_ =	swait.ge [sflag:s29], $0x40  }
0xf6: {  	[sflag:s29] =	ssyncset.done $0x0  }
0xf7: {  	[sflag:s29] =	ssyncadd.s32 $0xFFFFFFC0  }
0xf8: {  	_ =	swait.ge [sflag:s30], $0x2000  }
0xf9: {  	[sflag:s30] =	ssyncset.done $0x0  }
.Ltmp4:
0xfa: {  	[sflag:s30] =	ssyncadd.s32 $0xFFFFE000;
	(pc) =	sbr.rel @p0 .LBB2_7-.Ltmp4, $4  }
0xfb: {  	[spmem:s2] =	stream.indirect.scatter.add.f32 [tilespmem:s19], [sflag:$0x9], $0x80, s20, s13, $0xb8;
	[tilespmem:$0x1E600] =	vst v63  }
0xfc: {  	_ =	swait.ge [sflag:s11], $0x2000  }
0xfd: {  	[sflag:s11] =	ssyncset.done $0x0  }
0xfe: {  	[sflag:s11] =	ssyncadd.s32 $0xFFFFE000  }
0xff: {  	s5 =	sshra.s32 s6, $0x2  }
0x100: {  	s16 =	sadd.s32 $0x180, s5  }
0x101: {  	[tilespmem:s19], [sflag:$0x3] =	stream.indirect.gather [hbm4b:s22+s13], $0x80, s16, s13, $0xb8;
	[tilespmem:$0x1E600] =	vst v63  }
0x102: {  	_ = 	snop  }
0x103: {  	[tilespmem:s20], [sflag:$0x7] =	stream.linear.gather [hbm4b:s8+s3], $0x40, $0x38;
	[tilespmem:$0x1E600] =	vst v63  }
0x104: {  	_ =	swait.ge [sflag:s31], $0x40  }
0x105: {  	[sflag:s31] =	ssyncset.done $0x0  }
0x106: {  	[sflag:s31] =	ssyncadd.s32 $0xFFFFFFC0  }
0x107: {  	_ =	swait.ge [sflag:s0], $0x2000  }
0x108: {  	[sflag:s0] =	ssyncset.done $0x0  }
0x109: {  	[sflag:s0] =	ssyncadd.s32 $0xFFFFE000  }
0x10a: {  	[spmem:s2] =	stream.indirect.scatter.add.f32 [tilespmem:s24], [sflag:$0x9], $0x80, s26, s13, $0xb8;
	[tilespmem:$0x1E600] =	vst v63  }
0x10b: {  	_ =	swait.ge [sflag:s11], $0x2000  }
0x10c: {  	[sflag:s11] =	ssyncset.done $0x0  }
.Ltmp5:
0x10d: {  	s5 =	sadd.s32 $0x1C0, s5;
	[sflag:s11] =	ssyncadd.s32 $0xFFFFE000;
	(pc) =	sbr.rel .LBB2_5-.Ltmp5, $4  }
0x10e: {  	[tilespmem:s24], [sflag:$0x4] =	stream.indirect.gather [hbm4b:s22+s13], $0x80, s5, s13, $0xb8;
	[tilespmem:$0x1E600] =	vst v63  }
0x10f: {  	s6 =	sadd.s32 $0x400, s6;
	s10 =	sadd.s32 $0x20, s10  }
0x110: {  	[tilespmem:s26], [sflag:$0x8] =	stream.linear.gather [hbm4b:s7+s3], $0x40, $0x38;
	[tilespmem:$0x1E600] =	vst v63  }
0x111: {  	s9 =	sadd.s32 $0x20, s9;
	s8 =	sadd.s32 $0x20, s8;
	s7 =	sadd.s32 $0x20, s7  }
.LBB2_7:
0x112: {  	_ =	swait.ge [sflag:s31], $0x40  }
0x113: {  	[sflag:s31] =	ssyncset.done $0x0  }
0x114: {  	[sflag:s31] =	ssyncadd.s32 $0xFFFFFFC0  }
0x115: {  	_ =	swait.ge [sflag:s0], $0x2000  }
0x116: {  	[sflag:s0] =	ssyncset.done $0x0  }
0x117: {  	[sflag:s0] =	ssyncadd.s32 $0xFFFFE000  }
0x118: {  	[spmem:s2] =	stream.indirect.scatter.add.f32 [tilespmem:s24], [sflag:$0x9], $0x80, s26, s13, $0xb8;
	[tilespmem:$0x1E600] =	vst v63  }
0x119: {  	_ =	swait.ge [sflag:s11], $0x2000  }
0x11a: {  	[sflag:s11] =	ssyncset.done $0x0  }
0x11b: {  	[sflag:s11] =	ssyncadd.s32 $0xFFFFE000  }
0x11c: {  	[bflag:$0x0] =	sbarrier.arrive $0xFFFF  }
0x11d: {  	s5 =	rddreg [dreg:$0x19]  }
0x11e: {  	[hbm:s5], [sflag:s25] =	dma.local [spmem:s4], $0x2780  }
0x11f: {  	_ =	swait.ge [sflag:s11], $0x2780  }
0x120: {  	[sflag:s11] =	ssyncset.done $0x0;
	s7 =	rddreg [dreg:$0x8]  }
0x121: {  	s6 =	simm.s32 $0x0;
	s8 =	rddreg [dreg:$0x16];
	[sflag:s11] =	ssyncadd.s32 $0xFFFFD880  }
0x122: {  	[tilespmem:s6], [sflag:$0x1] =	stream.linear.gather [hbm4b:s7+s6], $0x2800, $0x38;
	[tilespmem:$0x1E600] =	vst v63  }
0x123: {  	[spmem:s4], [sflag:s25] =	dma.local [hbm:s8], $0x2780  }
0x124: {  	_ =	swait.ge [sflag:s11], $0x2780  }
0x125: {  	[sflag:s11] =	ssyncset.done $0x0  }
0x126: {  	[sflag:s11] =	ssyncadd.s32 $0xFFFFD880  }
0x127: {  	_ =	swait.ge [sflag:s12], $0x2800  }
0x128: {  	[sflag:s12] =	ssyncset.done $0x0  }
0x129: {  	[sflag:s12] =	ssyncadd.s32 $0xFFFFD800  }
0x12a: {  	[bflag:$0x0] =	sbarrier.arrive $0xFFFF  }
0x12b: {  	[tilespmem:s14], [sflag:$0x1] =	stream.indirect.gather [hbm4b:s22+s13], $0x80, s6, s13, $0xb8;
	[tilespmem:$0x1E600] =	vst v63  }
0x12c: {  	s9 =	rddreg [dreg:$0x9]  }
0x12d: {  	s16 =	sld [smem:$0x7FB]  }
0x12e: {  	[tilespmem:s15], [sflag:$0x5] =	stream.linear.gather [hbm4b:s9+s6], $0x40, $0x38;
	[tilespmem:$0x1E600] =	vst v63  }
0x12f: {  	s10 =	simm.s32 $0x4A00;
	s18 =	sld [smem:$0x7FC]  }
0x130: {  	[tilespmem:s10], [sflag:$0x2] =	stream.indirect.gather [hbm4b:s22+s13], $0x80, s13, s13, $0xb8;
	[tilespmem:$0x1E600] =	vst v63  }
0x131: {  	s7 =	simm.s32 $0x2880;
	s23 =	sld [smem:$0x7FD]  }
0x132: {  	[tilespmem:s7], [sflag:$0x6] =	stream.linear.gather [hbm4b:s16+s6], $0x40, $0x38;
	[tilespmem:$0x1E600] =	vst v63  }
0x133: {  	s17 =	simm.s32 $0x80;
	s8 =	rddreg [dreg:$0x14]  }
0x134: {  	[tilespmem:s19], [sflag:$0x3] =	stream.indirect.gather [hbm4b:s22+s13], $0x80, s17, s13, $0xb8;
	[tilespmem:$0x1E600] =	vst v63  }
0x135: {  	s9 =	rddreg [dreg:$0x13]  }
0x136: {  	[tilespmem:s20], [sflag:$0x7] =	stream.linear.gather [hbm4b:s18+s6], $0x40, $0x38;
	[tilespmem:$0x1E600] =	vst v63  }
0x137: {  	s21 =	simm.s32 $0xC0;
	s10 =	rddreg [dreg:$0x12]  }
0x138: {  	[tilespmem:s24], [sflag:$0x4] =	stream.indirect.gather [hbm4b:s22+s13], $0x80, s21, s13, $0xb8;
	[tilespmem:$0x1E600] =	vst v63  }
0x139: {  	s7 =	rddreg [dreg:$0x15]  }
0x13a: {  	[tilespmem:s26], [sflag:$0x8] =	stream.linear.gather [hbm4b:s23+s6], $0x40, $0x38;
	[tilespmem:$0x1E600] =	vst v63  }
.LBB2_8:
0x13b: {  	_ =	swait.ge [sflag:s28], $0x40  }
0x13c: {  	[sflag:s28] =	ssyncset.done $0x0  }
0x13d: {  	[sflag:s28] =	ssyncadd.s32 $0xFFFFFFC0  }
0x13e: {  	_ =	swait.ge [sflag:s12], $0x2000  }
0x13f: {  	[sflag:s12] =	ssyncset.done $0x0  }
0x140: {  	[sflag:s12] =	ssyncadd.s32 $0xFFFFE000  }
0x141: {  	[spmem:s2] =	stream.indirect.scatter.add.f32 [tilespmem:s14], [sflag:$0x9], $0x80, s15, s13, $0xb8;
	[tilespmem:$0x1E600] =	vst v63  }
0x142: {  	_ =	swait.ge [sflag:s11], $0x2000  }
0x143: {  	p0 =	seq.s32 s6, $0x9C00;
	[sflag:s11] =	ssyncset.done $0x0  }
0x144: {  	s5 =	simm.s32 @p0 $0x6;
	[sflag:s11] =	ssyncadd.s32 $0xFFFFE000  }
0x145: {  	_ =	swait.ge @p0 [sflag:s5], $0x40  }
0x146: {  	[sflag:s5] =	ssyncset.done @p0 $0x0  }
0x147: {  	[sflag:s5] =	ssyncadd.s32 @p0 $0xFFFFFFC0;
	s5 =	simm.s32 @p0 $0x2  }
0x148: {  	_ =	swait.ge @p0 [sflag:s5], $0x2000  }
0x149: {  	s16 =	simm.s32 @p0 $0x2880;
	[sflag:s5] =	ssyncset.done @p0 $0x0  }
0x14a: {  	s17 =	simm.s32 @p0 $0x4A00;
	[sflag:s5] =	ssyncadd.s32 @p0 $0xFFFFE000;
	s5 =	simm.s32 @p0 $0x40  }
0x14b: {  	[spmem:s2] =	stream.indirect.scatter.add.f32 @p0 [tilespmem:s17], [sflag:$0x9], $0x80, s16, s5, $0xb8;
	[tilespmem:$0x1E600] =	vst v63  }
0x14c: {  	s5 =	simm.s32 @p0 $0x9  }
0x14d: {  	_ =	swait.ge @p0 [sflag:s5], $0x2000  }
0x14e: {  	[sflag:s5] =	ssyncset.done @p0 $0x0  }
0x14f: {  	[sflag:s5] =	ssyncadd.s32 @p0 $0xFFFFE000;
	s5 =	sshra.s32 @!p0 s6, $0x2  }
0x150: {  	s18 =	simm.s32 @!p0 $0x2A00;
	s17 =	simm.s32 @!p0 $0x40;
	s16 =	sadd.s32 @!p0 $0x100, s5  }
0x151: {  	[tilespmem:s18], [sflag:$0x1] =	stream.indirect.gather @!p0 [hbm4b:s22+s17], $0x80, s16, s17, $0xb8;
	[tilespmem:$0x1E600] =	vst v63  }
0x152: {  	s16 =	simm.s32 @!p0 $0x0;
	s18 =	simm.s32 @!p0 $0x2800  }
0x153: {  	[tilespmem:s18], [sflag:$0x5] =	stream.linear.gather @!p0 [hbm4b:s10+s16], $0x40, $0x38;
	[tilespmem:$0x1E600] =	vst v63  }
0x154: {  	s18 =	simm.s32 @!p0 $0x6  }
0x155: {  	_ =	swait.ge @!p0 [sflag:s18], $0x40  }
0x156: {  	[sflag:s18] =	ssyncset.done @!p0 $0x0  }
0x157: {  	[sflag:s18] =	ssyncadd.s32 @!p0 $0xFFFFFFC0;
	s18 =	simm.s32 @!p0 $0x2  }
0x158: {  	_ =	swait.ge @!p0 [sflag:s18], $0x2000  }
0x159: {  	s21 =	simm.s32 @!p0 $0x4A00;
	[sflag:s18] =	ssyncset.done @!p0 $0x0  }
0x15a: {  	s23 =	simm.s32 @!p0 $0x9;
	[sflag:s18] =	ssyncadd.s32 @!p0 $0xFFFFE000;
	s18 =	simm.s32 @!p0 $0x2880  }
0x15b: {  	[spmem:s2] =	stream.indirect.scatter.add.f32 @!p0 [tilespmem:s21], [sflag:$0x9], $0x80, s18, s17, $0xb8;
	[tilespmem:$0x1E600] =	vst v63  }
0x15c: {  	_ =	swait.ge @!p0 [sflag:s23], $0x2000  }
0x15d: {  	[sflag:s23] =	ssyncset.done @!p0 $0x0  }
0x15e: {  	s5 =	sadd.s32 @!p0 $0x140, s5;
	[sflag:s23] =	ssyncadd.s32 @!p0 $0xFFFFE000  }
0x15f: {  	[tilespmem:s21], [sflag:$0x2] =	stream.indirect.gather @!p0 [hbm4b:s22+s17], $0x80, s5, s17, $0xb8;
	[tilespmem:$0x1E600] =	vst v63  }
0x160: {  	_ = 	snop  }
0x161: {  	[tilespmem:s18], [sflag:$0x6] =	stream.linear.gather @!p0 [hbm4b:s9+s16], $0x40, $0x38;
	[tilespmem:$0x1E600] =	vst v63  }
0x162: {  	_ =	swait.ge [sflag:s29], $0x40  }
0x163: {  	[sflag:s29] =	ssyncset.done $0x0  }
0x164: {  	[sflag:s29] =	ssyncadd.s32 $0xFFFFFFC0  }
0x165: {  	_ =	swait.ge [sflag:s30], $0x2000  }
0x166: {  	[sflag:s30] =	ssyncset.done $0x0  }
.Ltmp6:
0x167: {  	[sflag:s30] =	ssyncadd.s32 $0xFFFFE000;
	(pc) =	sbr.rel @p0 .LBB2_10-.Ltmp6, $4  }
0x168: {  	[spmem:s2] =	stream.indirect.scatter.add.f32 [tilespmem:s19], [sflag:$0x9], $0x80, s20, s13, $0xb8;
	[tilespmem:$0x1E600] =	vst v63  }
0x169: {  	_ =	swait.ge [sflag:s11], $0x2000  }
0x16a: {  	[sflag:s11] =	ssyncset.done $0x0  }
0x16b: {  	[sflag:s11] =	ssyncadd.s32 $0xFFFFE000  }
0x16c: {  	s5 =	sshra.s32 s6, $0x2  }
0x16d: {  	s16 =	sadd.s32 $0x180, s5  }
0x16e: {  	[tilespmem:s19], [sflag:$0x3] =	stream.indirect.gather [hbm4b:s22+s13], $0x80, s16, s13, $0xb8;
	[tilespmem:$0x1E600] =	vst v63  }
0x16f: {  	_ = 	snop  }
0x170: {  	[tilespmem:s20], [sflag:$0x7] =	stream.linear.gather [hbm4b:s8+s3], $0x40, $0x38;
	[tilespmem:$0x1E600] =	vst v63  }
0x171: {  	_ =	swait.ge [sflag:s31], $0x40  }
0x172: {  	[sflag:s31] =	ssyncset.done $0x0  }
0x173: {  	[sflag:s31] =	ssyncadd.s32 $0xFFFFFFC0  }
0x174: {  	_ =	swait.ge [sflag:s0], $0x2000  }
0x175: {  	[sflag:s0] =	ssyncset.done $0x0  }
0x176: {  	[sflag:s0] =	ssyncadd.s32 $0xFFFFE000  }
0x177: {  	[spmem:s2] =	stream.indirect.scatter.add.f32 [tilespmem:s24], [sflag:$0x9], $0x80, s26, s13, $0xb8;
	[tilespmem:$0x1E600] =	vst v63  }
0x178: {  	_ =	swait.ge [sflag:s11], $0x2000  }
0x179: {  	[sflag:s11] =	ssyncset.done $0x0  }
.Ltmp7:
0x17a: {  	s5 =	sadd.s32 $0x1C0, s5;
	[sflag:s11] =	ssyncadd.s32 $0xFFFFE000;
	(pc) =	sbr.rel .LBB2_8-.Ltmp7, $4  }
0x17b: {  	[tilespmem:s24], [sflag:$0x4] =	stream.indirect.gather [hbm4b:s22+s13], $0x80, s5, s13, $0xb8;
	[tilespmem:$0x1E600] =	vst v63  }
0x17c: {  	s6 =	sadd.s32 $0x400, s6;
	s10 =	sadd.s32 $0x20, s10  }
0x17d: {  	[tilespmem:s26], [sflag:$0x8] =	stream.linear.gather [hbm4b:s7+s3], $0x40, $0x38;
	[tilespmem:$0x1E600] =	vst v63  }
0x17e: {  	s9 =	sadd.s32 $0x20, s9;
	s8 =	sadd.s32 $0x20, s8;
	s7 =	sadd.s32 $0x20, s7  }
.LBB2_11:
0x17f: {  	_ =	sfence.sel $0x180000  }
0x180: {  	[bflag:$0x0] =	sbarrier.arrive $0xFFFF  }
0x181: {  	_ =	strace $0x9000004D  }
0x182: {  	s0 =	stileid.u32;
	[bflag:$0x2] =	sbarrier.arrive $0xFFFF  }
0x183: {  	p0 =	sne.s32 s0, $0x0;
	s0 =	rddreg [dreg:$0x3]  }
0x184: {  	s0 =	sadd.s32 @!p0 $0x100000, s0  }
0x185: {  	[sflag:s0] =	ssyncadd.tile.s32 @!p0 $0x1;
	_ =	shalt  }
.Lfunc_end2:
_tile_overlayer_lowered:
.L_overlay_start_2:
0x186: {  	(tag) =	ssettag $0x2  }
0x187: {  	s0 =	rddreg [dreg:$0x0];
	s2 =	stileid.u32  }
0x188: {  	s1 =	rddreg [dreg:$0x1];
	p0 =	sne.s32 s2, $0x0  }
0x189: {  	s3 =	rddreg [dreg:$0x2];
	[bflag:$0x3] =	sbarrier.arrive $0xFFFF;
	s2 =	simm.s32 @!p0 $0x1C09  }
0x18a: {  	[timem:s3], [sflag:s2] =	dma.local @!p0 [hbm:s0], s1  }
0x18b: {  	s0 =	simm.s32 @!p0 $0x9  }
0x18c: {  	_ =	swait.ge @!p0 [sflag:s0], s1  }
0x18d: {  	s1 =	ssub.s32 @!p0 $0x0, s1;
	[sflag:s0] =	ssyncset.done @!p0 $0x0  }
0x18e: {  	[sflag:s0] =	ssyncadd.s32 @!p0 s1  }
0x18f: {  	[bflag:$0x3] =	sbarrier.arrive $0xFFFF  }
0x190: {  	_ =	shalt  }

// kernel: kernel.8.cloned.1.call-start
scs
__scs_entry_jumppad:
0x0: {  	(pc) =	sbr.rel $0x88, $3  }
0x1: {  	(tag) =	ssettag $0x0;
	lr =	simm.s32 $0x1  }
0x2: {  	[smem:$0x3F95] =	sst lr;
	_ =	strace $0xD0000000  }
0x3: {  	_ = 	snop  }
0x4: {  	_ = 	snop  }
0x5: {  	_ = 	snop  }
0x6: {  	_ = 	snop  }
0x7: {  	_ = 	snop  }
__scs_overlays_trampoline_lowered:
0x8: {  	[smem:$0x3FA4] =	sst s0  }
0x9: {  	[smem:$0x3FA5] =	sst s1  }
0xa: {  	[smem:$0x3FA6] =	sst s2  }
0xb: {  	[smem:$0x3FA7] =	sst s3  }
0xc: {  	[smem:$0x3FA8] =	sst s4  }
0xd: {  	[smem:$0x3FA9] =	sst s5  }
0xe: {  	[smem:$0x3FAA] =	sst s6  }
0xf: {  	[smem:$0x3FAB] =	sst s7  }
0x10: {  	[smem:$0x3FAC] =	sst s8  }
0x11: {  	[smem:$0x3FAD] =	sst s9;
	s0 =	simm.s32 @!p0 $0x0  }
0x12: {  	s1 =	sld [smem:$0x3F93];
	s0 =	simm.s32 @p0 $0x1  }
0x13: {  	[smem:$0x3FAE] =	sst s0;
	s0 =	simm.s32 @!p1 $0x0  }
0x14: {  	s2 =	sld [smem:$0x3F92];
	s0 =	simm.s32 @p1 $0x1  }
0x15: {  	[smem:$0x3FAF] =	sst s0;
	s0 =	simm.s32 @!p2 $0x0  }
0x16: {  	s3 =	sld [smem:$0x3FDB];
	s0 =	simm.s32 @p2 $0x1  }
0x17: {  	s4 =	simm.s32 $0x1BF5;
	[smem:$0x3FB1] =	sst s0  }
0x18: {  	s0 =	sld [smem:$0x3F94];
	_ =	swait.ge [sflag:s4], $0x0  }
0x19: {  	s7 =	sld [smem:$0x3F95]  }
0x1a: {  	s8 =	sadd.s32 $0xFFFFE003, lr  }
0x1b: {  	s9 =	sadd.s32 $0xFFFFFEF7, lr;
	s5 =	simm.s32 $0xFFFFFFFF;
	p2 =	slt.u32 s8, $0xFFFFF086  }
0x1c: {  	p1 =	slt.u32 s9, $0xF7A;
	s5 =	simm.s32 @!p2 $0x0  }
0x1d: {  	s5 =	simm.s32 @p1 $0x1;
	p0 =	seq.s32 s7, s2  }
0x1e: {  	s7 =	smul.u32 @!p0 $0xF7A, s2;
	p2 =	seq.s32 @!p0 s5, $0x0  }
0x1f: {  	s9 =	smul.u32 $0xF7A, s1;
	s8 =	simm.s32 @!p0 $0x1BF5;
	p2 =	por !p2, p0  }
0x20: {  	[sflag:s8] =	ssyncset.s32 @!p0 $0xFFFFF086;
	s6 =	sadd.s32 @!p0 s3, s7;
	s7 =	simm.s32 @!p0 $0x108  }
0x21: {  	s3 =	sadd.s32 s3, s9;
	s6 =	sadd.s32 @!p0 $0x88, s6;
	s7 =	simm.s32 @p2 $0x1082  }
0x22: {  	[simem:s7], [sflag:s8] =	dma.local @!p0 [hbm:s6], $0xF7A  }
0x23: {  	s9 =	sor.u32 $0xD0000000, s2;
	s6 =	simm.s32 $0x108;
	_ =	swait.ge @!p0 [sflag:s8], $0x0  }
0x24: {  	s3 =	sadd.s32 $0x88, s3;
	s6 =	simm.s32 @!p1 $0x1082;
	[sflag:s4] =	ssyncset.s32 $0xFFFFF086  }
0x25: {  	[simem:s6], [sflag:s4] =	dma.local [hbm:s3], $0xF7A  }
0x26: {  	[smem:$0x3F95] =	sst s1;
	(tag) =	ssettag s2;
	_ =	strace s9  }
0x27: {  	s1 =	sld [smem:$0x3FA5]  }
0x28: {  	s2 =	sld [smem:$0x3FA6]  }
0x29: {  	s4 =	sld [smem:$0x3FA8]  }
0x2a: {  	p0 =	seq.s32 s5, $0x0;
	s5 =	sld [smem:$0x3FA9]  }
0x2b: {  	s6 =	sld [smem:$0x3FAA]  }
0x2c: {  	s7 =	sld [smem:$0x3FAB]  }
0x2d: {  	s3 =	simm.s32 $0x108;
	s8 =	sld [smem:$0x3FAC]  }
0x2e: {  	s3 =	simm.s32 @!p0 $0x1082;
	s9 =	sld [smem:$0x3FAD]  }
0x2f: {  	lr =	sadd.s32 s0, s3;
	s0 =	sld [smem:$0x3FA4]  }
0x30: {  	s3 =	sld [smem:$0x3FA7]  }
0x31: {  	[smem:$0x3FB0] =	sst s10  }
0x32: {  	s10 =	sld [smem:$0x3FAE];
	_ =	sdelay $0x3  }
0x33: {  	p0 =	seq.s32 s10, $0x1;
	s10 =	sld [smem:$0x3FB0];
	_ =	sdelay $0x3  }
0x34: {  	[smem:$0x3FB0] =	sst s10  }
0x35: {  	s10 =	sld [smem:$0x3FAF];
	_ =	sdelay $0x3  }
0x36: {  	p1 =	seq.s32 s10, $0x1;
	s10 =	sld [smem:$0x3FB0];
	_ =	sdelay $0x3  }
0x37: {  	[smem:$0x3FB0] =	sst s10  }
0x38: {  	s10 =	sld [smem:$0x3FB1]  }
0x39: {  	_ = 	snop;
	(pc) =	sbr.ind lr, $3  }
0x3a: {  	_ = 	snop  }
0x3b: {  	_ = 	snop  }
0x3c: {  	p2 =	seq.s32 s10, $0x1;
	s10 =	sld [smem:$0x3FB0]  }
0x3d: {  	_ =	shalt  }
0x3e: {  	_ =	shalt  }
0x3f: {  	_ =	shalt  }
0x40: {  	_ =	shalt  }
0x41: {  	_ =	shalt  }
0x42: {  	_ =	shalt  }
0x43: {  	_ =	shalt  }
0x44: {  	_ =	shalt  }
0x45: {  	_ =	shalt  }
0x46: {  	_ =	shalt  }
0x47: {  	_ =	shalt  }
0x48: {  	_ =	shalt  }
0x49: {  	_ =	shalt  }
0x4a: {  	_ =	shalt  }
0x4b: {  	_ =	shalt  }
0x4c: {  	_ =	shalt  }
0x4d: {  	_ =	shalt  }
0x4e: {  	_ =	shalt  }
0x4f: {  	_ =	shalt  }
0x50: {  	_ =	shalt  }
0x51: {  	_ =	shalt  }
0x52: {  	_ =	shalt  }
0x53: {  	_ =	shalt  }
0x54: {  	_ =	shalt  }
0x55: {  	_ =	shalt  }
0x56: {  	_ =	shalt  }
0x57: {  	_ =	shalt  }
0x58: {  	_ =	shalt  }
0x59: {  	_ =	shalt  }
0x5a: {  	_ =	shalt  }
0x5b: {  	_ =	shalt  }
0x5c: {  	_ =	shalt  }
0x5d: {  	_ =	shalt  }
0x5e: {  	_ =	shalt  }
0x5f: {  	_ =	shalt  }
0x60: {  	_ =	shalt  }
0x61: {  	_ =	shalt  }
0x62: {  	_ =	shalt  }
0x63: {  	_ =	shalt  }
0x64: {  	_ =	shalt  }
0x65: {  	_ =	shalt  }
0x66: {  	_ =	shalt  }
0x67: {  	_ =	shalt  }
0x68: {  	_ =	shalt  }
0x69: {  	_ =	shalt  }
0x6a: {  	_ =	shalt  }
0x6b: {  	_ =	shalt  }
0x6c: {  	_ =	shalt  }
0x6d: {  	_ =	shalt  }
0x6e: {  	_ =	shalt  }
0x6f: {  	_ =	shalt  }
0x70: {  	_ =	shalt  }
0x71: {  	_ =	shalt  }
0x72: {  	_ =	shalt  }
0x73: {  	_ =	shalt  }
0x74: {  	_ =	shalt  }
0x75: {  	_ =	shalt  }
0x76: {  	_ =	shalt  }
0x77: {  	_ =	shalt  }
0x78: {  	_ =	shalt  }
0x79: {  	_ =	shalt  }
0x7a: {  	_ =	shalt  }
0x7b: {  	_ =	shalt  }
0x7c: {  	_ =	shalt  }
0x7d: {  	_ =	shalt  }
0x7e: {  	_ =	shalt  }
0x7f: {  	_ =	shalt  }
0x80: {  	_ =	shalt  }
0x81: {  	_ =	shalt  }
0x82: {  	_ =	shalt  }
0x83: {  	_ =	shalt  }
0x84: {  	_ =	shalt  }
0x85: {  	_ =	shalt  }
0x86: {  	_ =	shalt  }
0x87: {  	_ =	shalt  }
.Lfunc_end0:
.L_simem_size_0:
called_computation_lowered:
.L_overlay_start_0:
0x88: {  	s2 =	sld [smem:$0x3FD9]  }
0x89: {  	s3 =	sld [smem:$0x3FFE];
	_ =	sdelay $0x1  }
0x8a: {  	s1 =	srdreg.scid  }
0x8b: {  	s0 =	sand.u32 $0x1, s1  }
0x8c: {  	s17 =	sshll.u32 s0, $0xA;
	s2 =	sadd.s32 s3, s2  }
0x8d: {  	s2 =	sadd.s32 s2, s17  }
0x8e: {  	[smem:$0x3FBC] =	sst s2  }
0x8f: {  	_ = 	snop  }
0x90: {  	s2 =	sld [smem:$0x3FD0];
	(tm) =	ssettm $0x1  }
0x91: {  	s18 =	sld [smem:$0x3FFB];
	_ =	sdelay $0x3  }
0x92: {  	_ =	strace s18  }
0x93: {  	s3 =	sld [smem:$0x3FFC];
	_ =	sdelay $0x3  }
0x94: {  	_ =	strace s3  }
0x95: {  	s3 =	sld [smem:$0x3FFD];
	_ =	sdelay $0x3  }
0x96: {  	_ =	strace s3  }
0x97: {  	_ =	strace $0x8FFFFFFF  }
0x98: {  	s19 =	sld [smem:$0x3FDB];
	_ =	sdelay $0x1  }
0x99: {  	s4 =	simm.s32 $_scs_section_size  }
0x9a: {  	s5 =	simm.s32 $_size__tile_overlayer_lowered;
	s6 =	simm.s32 $_tile_overlayer_lowered  }
0x9b: {  	s22 =	simm.s32 $0x1BFF;
	s21 =	sshll.u32 s6, $0x1;
	s3 =	sadd.s32 s4, s19  }
0x9c: {  	s7 =	simm.s32 $0x0;
	s20 =	sshll.u32 s5, $0x1;
	s5 =	sadd.s32 s21, s3  }
0x9d: {  	[timem:s7], [sflag:s22] =	dma.local [hbm:s5], s20  }
0x9e: {  	_ =	swait.ge [sflag:s22], s20  }
0x9f: {  	s4 =	ssub.s32 $0x0, s20;
	[sflag:s22] =	ssyncset.done $0x0  }
0xa0: {  	[sflag:s22] =	ssyncadd.s32 s4;
	_ =	sdelay $0x1  }
0xa1: {  	s23 =	simm.s32 $0x1B8B  }
0xa2: {  	_ =	swait.ge [sflag:s23], $0x1  }
0xa3: {  	[sflag:s23] =	ssyncset.done $0x0  }
0xa4: {  	s25 =	simm.s32 $0x1B8E;
	s24 =	sld [smem:$0x3FFE];
	[sflag:s23] =	ssyncadd.s32 $0xFFFFFFFF  }
0xa5: {  	s26 =	simm.s32 $execute0_lowered;
	[smem:$0x3FD2] =	sst s25  }
0xa6: {  	s5 =	sshll.u32 s26, $0x1;
	_ =	strace $0x80000046;
	[dreg:$0x1] =	wrdreg $0xFFFFFFFF  }
0xa7: {  	s28 =	simm.s32 $_size_execute0_lowered;
	s3 =	sadd.s32 s3, s5;
	[dreg:$0x0] =	wrdreg $0x0  }
0xa8: {  	s5 =	sshll.u32 s28, $0x1;
	[dreg:$0x2] =	wrdreg s3  }
0xa9: {  	[dreg:$0x3] =	wrdreg s5  }
0xaa: {  	[dreg:$0x4] =	wrdreg $0xC0  }
0xab: {  	_ =	task [dreg:s7], $0x5FFFF  }
0xac: {  	[dreg:$0x1] =	wrdreg $0xFFFFFFFF  }
0xad: {  	[dreg:$0x0] =	wrdreg $0x60  }
0xae: {  	[dreg:$0x2] =	wrdreg s2  }
0xaf: {  	[dreg:$0x3] =	wrdreg s24  }
0xb0: {  	[dreg:$0x4] =	wrdreg $0x41000  }
0xb1: {  	[dreg:$0x5] =	wrdreg $0x9  }
0xb2: {  	_ =	task.clear_ibuf [dreg:s7], $0x6FFFF;
	_ =	strace $0x90000046  }
0xb3: {  	s29 =	simm.s32 $0x9;
	_ =	strace $0x80000048  }
0xb4: {  	_ =	swait.ge [sflag:s29], $0x1  }
0xb5: {  	[sflag:s29] =	ssyncadd.s32 $0xFFFFFFFF  }
0xb6: {  	_ =	strace $0x90000048  }
0xb7: {  	_ =	sfence  }
0xb8: {  	s30 =	sld [smem:$0x0];
	_ =	sdelay $0x2  }
0xb9: {  	s31 =	sshll.u32 s1, $0xD;
	s1 =	sshrl.u32 s1, $0x2  }
0xba: {  	s3 =	sand.u32 $0x4000, s31;
	s1 =	sadd.s32 s1, s30  }
0xbb: {  	s0 =	sor.u32 s3, s0;
	s1 =	sshll.u32 s1, $0x11  }
0xbc: {  	s0 =	sor.u32 s1, s0  }
0xbd: {  	s0 =	sadd.s32 $0x8F2B, s0  }
0xbe: {  	[sflag:s0] =	ssyncadd.remote.s32 $0x1  }
0xbf: {  	_ =	sfence.sel $0xFFFF  }
0xc0: {  	[dreg:$0x0] =	wrdreg $0xFFFFFFFF;
	(pc) =	sbr.abs _section_cstart, $3  }
0xc1: {  	[dreg:$0x1] =	wrdreg $0xFFFFFFFF  }
0xc2: {  	_ =	task.clear_ibuf [dreg:s7], $0x2FFFF;
	_ =	strace $0x9FFFFFFF  }
0xc3: {  	(tm) =	ssettm $0x7FFFFFFF  }
tec
execute0_lowered:
.L_overlay_start_1:
0x0: {  	(tag) =	ssettag $0x1  }
0x1: {  	s0 =	rddreg [dreg:$0x0]  }
0x2: {  	s1 =	rddreg [dreg:$0x1]  }
0x3: {  	s2 =	rddreg [dreg:$0x2];
	s3 =	srdreg.scid  }
0x4: {  	s11 =	stileid.u32;
	s23 =	simm.s32 $0x100;
	s24 =	simm.s32 $0x3  }
0x5: {  	s25 =	simm.s32 $0x80;
	s28 =	simm.s32 $0x2;
	s4 =	smul.u32 $0x278, s11  }
0x6: {  	s29 =	simm.s32 $0x0;
	s12 =	sand.u32 $0x1, s3;
	s8 =	smul.u32 $0x4F000, s11  }
0x7: {  	s3 =	simm.s32 $0x0;
	s6 =	sshll.u32 s11, $0x1;
	s17 =	smul.u32 $0x5000, s11  }
0x8: {  	s26 =	sadd.s32 $0x6600, s1;
	s5 =	smul.u32 $0x7680, s12;
	[smem:$0x7FF] =	sst s3  }
0x9: {  	s6 =	sor.u32 s12, s6;
	s30 =	ssub.s32 $0x2, s12;
	s18 =	smul.u32 $0x2800, s12  }
0xa: {  	_ =	strace $0x80000047;
	s6 =	smul.u32 $0x2800, s6;
	[dreg:$0x4] =	wrdreg s26  }
0xb: {  	s9 =	sshrl.u32 s30, $0x1;
	s8 =	sshrl.u32 s8, $0x2;
	s26 =	simm.s32 $0x1  }
0xc: {  	s5 =	sadd.s32 s4, s5;
	s16 =	ssub.s32 s30, s9;
	s31 =	sadd.s32 s18, s17  }
0xd: {  	s7 =	sshll.u32 s5, $0x4;
	s5 =	sadd.s32 $0x3E00, s1;
	s10 =	sshrl.u32 s6, $0x3  }
0xe: {  	s6 =	sadd.s32 s8, s2;
	s16 =	smax.u32 s16, $0x1;
	s17 =	sor.u32 $0x180, s31  }
0xf: {  	s18 =	sor.u32 $0x100, s31;
	s19 =	sadd.s32 $0x50180, s31;
	s20 =	sadd.s32 $0x50100, s31  }
0x10: {  	s21 =	sadd.s32 $0xA0180, s31;
	s1 =	sadd.s32 s7, s1;
	s7 =	sadd.s32 s0, s10  }
0x11: {  	s17 =	sshrl.u32 s17, $0x3;
	s18 =	sshrl.u32 s18, $0x3;
	s19 =	sshrl.u32 s19, $0x3  }
0x12: {  	s20 =	sshrl.u32 s20, $0x3;
	s21 =	sshrl.u32 s21, $0x3;
	s8 =	sadd.s32 $0x10, s7  }
0x13: {  	s9 =	sadd.s32 $0x6E00, s1;
	s10 =	sadd.s32 $0xA000, s7;
	s11 =	sadd.s32 $0xA010, s7  }
0x14: {  	s12 =	sadd.s32 $0x2E600, s1;
	s13 =	sadd.s32 $0x14000, s7;
	s14 =	sadd.s32 $0x14010, s7  }
0x15: {  	s15 =	sadd.s32 $0x55E00, s1;
	s17 =	sadd.s32 s17, s0;
	s1 =	sadd.s32 $0xA0100, s31  }
0x16: {  	s18 =	sadd.s32 s18, s0;
	s19 =	sadd.s32 s19, s0;
	s1 =	sshrl.u32 s1, $0x3  }
0x17: {  	s20 =	sadd.s32 s20, s0;
	s21 =	sadd.s32 s21, s0;
	s22 =	sadd.s32 s1, s0  }
.LBB2_1:
0x18: {  	s0 =	rddreg [dreg:$0x4]  }
0x19: {  	[tilespmem:s23], [sflag:$0x3] =	stream.linear.gather [hbm4b:s0+s3], $0x4000, $0x38;
	[tilespmem:$0x17D00] =	vst v63  }
0x1a: {  	s1 =	stileid.u32;
	_ =	swait.ge [sflag:s24], $0x4000  }
0x1b: {  	s0 =	sshll.u32 s1, $0x6;
	[sflag:s24] =	ssyncset.done $0x0  }
0x1c: {  	s31 =	sshrl.u32 s6, $0x3;
	s30 =	sor.u32 $0x1C03, s0;
	[sflag:s24] =	ssyncadd.s32 $0xFFFFC000  }
0x1d: {  	[spmem:s31], [sflag:s30] =	dma.local [hbm:s5], $0x2780  }
0x1e: {  	_ =	swait.ge [sflag:s24], $0x2780  }
0x1f: {  	[sflag:s24] =	ssyncset.done $0x0  }
0x20: {  	[sflag:s24] =	ssyncadd.s32 $0xFFFFD880  }
0x21: {  	[bflag:$0x0] =	sbarrier.arrive $0xFFFF  }
0x22: {  	[tilespmem:s3], [sflag:$0x1] =	stream.linear.gather [hbm4b:s7+s3], $0x80, $0x38;
	[tilespmem:$0x17D00] =	vst v63  }
0x23: {  	_ = 	snop  }
0x24: {  	[tilespmem:s25], [sflag:$0x2] =	stream.linear.gather [hbm4b:s8+s3], $0x80, $0x38;
	[tilespmem:$0x17D00] =	vst v63  }
0x25: {  	_ =	swait.ge [sflag:s26], $0x80  }
0x26: {  	[sflag:s26] =	ssyncset.done $0x0  }
0x27: {  	[sflag:s26] =	ssyncadd.s32 $0xFFFFFF80  }
0x28: {  	[spmem:s2] =	stream.indirect.scatter.add.f32 [tilespmem:s23], [sflag:$0x3], $0x80, s3, s25, $0xb8;
	[tilespmem:$0x17D00] =	vst v63  }
0x29: {  	_ =	swait.ge [sflag:s24], $0x4000  }
0x2a: {  	[sflag:s24] =	ssyncset.done $0x0  }
0x2b: {  	s4 =	sadd.s32 $0x0, s18;
	[sflag:s24] =	ssyncadd.s32 $0xFFFFC000  }
0x2c: {  	[tilespmem:s3], [sflag:$0x1] =	stream.linear.gather [hbm4b:s4+s3], $0x80, $0x38;
	[tilespmem:$0x17D00] =	vst v63  }
0x2d: {  	_ =	swait.ge [sflag:s28], $0x80  }
0x2e: {  	[sflag:s28] =	ssyncset.done $0x0  }
0x2f: {  	[sflag:s28] =	ssyncadd.s32 $0xFFFFFF80  }
0x30: {  	[spmem:s2] =	stream.indirect.scatter.add.f32 [tilespmem:s23], [sflag:$0x3], $0x80, s25, s25, $0xb8;
	[tilespmem:$0x17D00] =	vst v63  }
0x31: {  	_ =	swait.ge [sflag:s24], $0x4000  }
0x32: {  	[sflag:s24] =	ssyncset.done $0x0  }
0x33: {  	s1 =	sadd.s32 $0x0, s17;
	s0 =	simm.s32 $0x20;
	[sflag:s24] =	ssyncadd.s32 $0xFFFFC000  }
.LBB2_2:
0x34: {  	[tilespmem:s25], [sflag:$0x2] =	stream.linear.gather [hbm4b:s1+s3], $0x80, $0x38;
	[tilespmem:$0x17D00] =	vst v63  }
0x35: {  	s1 =	smov.u32 s0  }
0x36: {  	p0 =	sne.s32 s0, $0x4C0;
	s0 =	sadd.s32 $0x20, s0;
	_ =	swait.ge [sflag:s26], $0x80  }
0x37: {  	[sflag:s26] =	ssyncset.done $0x0  }
0x38: {  	[sflag:s26] =	ssyncadd.s32 $0xFFFFFF80  }
0x39: {  	[spmem:s2] =	stream.indirect.scatter.add.f32 [tilespmem:s23], [sflag:$0x3], $0x80, s3, s25, $0xb8;
	[tilespmem:$0x17D00] =	vst v63  }
0x3a: {  	_ =	swait.ge [sflag:s24], $0x4000  }
0x3b: {  	[sflag:s24] =	ssyncset.done $0x0  }
0x3c: {  	s4 =	sadd.s32 s1, s18;
	[sflag:s24] =	ssyncadd.s32 $0xFFFFC000  }
0x3d: {  	[tilespmem:s3], [sflag:$0x1] =	stream.linear.gather [hbm4b:s4+s3], $0x80, $0x38;
	[tilespmem:$0x17D00] =	vst v63  }
0x3e: {  	_ =	swait.ge [sflag:s28], $0x80  }
0x3f: {  	[sflag:s28] =	ssyncset.done $0x0  }
.Ltmp0:
0x40: {  	[sflag:s28] =	ssyncadd.s32 $0xFFFFFF80;
	(pc) =	sbr.rel @p0 .LBB2_2-.Ltmp0, $4  }
0x41: {  	[spmem:s2] =	stream.indirect.scatter.add.f32 [tilespmem:s23], [sflag:$0x3], $0x80, s25, s25, $0xb8;
	[tilespmem:$0x17D00] =	vst v63  }
0x42: {  	_ =	swait.ge [sflag:s24], $0x4000  }
0x43: {  	[sflag:s24] =	ssyncset.done $0x0  }
0x44: {  	s1 =	sadd.s32 s1, s17;
	[sflag:s24] =	ssyncadd.s32 $0xFFFFC000  }
0x45: {  	[tilespmem:s25], [sflag:$0x2] =	stream.linear.gather [hbm4b:s1+s3], $0x80, $0x38;
	[tilespmem:$0x17D00] =	vst v63  }
0x46: {  	_ =	swait.ge [sflag:s26], $0x80  }
0x47: {  	[sflag:s26] =	ssyncset.done $0x0  }
0x48: {  	s0 =	simm.s32 $0x0;
	[sflag:s26] =	ssyncadd.s32 $0xFFFFFF80  }
0x49: {  	[spmem:s2] =	stream.indirect.scatter.add.f32 [tilespmem:s23], [sflag:$0x3], $0x80, s0, s25, $0xb8;
	[tilespmem:$0x17D00] =	vst v63  }
0x4a: {  	_ =	swait.ge [sflag:s24], $0x4000  }
0x4b: {  	[sflag:s24] =	ssyncset.done $0x0  }
0x4c: {  	[sflag:s24] =	ssyncadd.s32 $0xFFFFC000  }
0x4d: {  	_ =	swait.ge [sflag:s28], $0x80  }
0x4e: {  	[sflag:s28] =	ssyncset.done $0x0  }
0x4f: {  	[sflag:s28] =	ssyncadd.s32 $0xFFFFFF80  }
0x50: {  	[spmem:s2] =	stream.indirect.scatter.add.f32 [tilespmem:s23], [sflag:$0x3], $0x80, s25, s25, $0xb8;
	[tilespmem:$0x17D00] =	vst v63  }
0x51: {  	_ =	swait.ge [sflag:s24], $0x4000  }
0x52: {  	[sflag:s24] =	ssyncset.done $0x0  }
0x53: {  	[sflag:s24] =	ssyncadd.s32 $0xFFFFC000  }
0x54: {  	[bflag:$0x0] =	sbarrier.arrive $0xFFFF  }
0x55: {  	[hbm:s9], [sflag:s30] =	dma.local [spmem:s31], $0x2780  }
0x56: {  	_ =	swait.ge [sflag:s24], $0x2780  }
0x57: {  	[sflag:s24] =	ssyncset.done $0x0  }
0x58: {  	[sflag:s24] =	ssyncadd.s32 $0xFFFFD880  }
0x59: {  	[spmem:s31], [sflag:s30] =	dma.local [hbm:s5], $0x2780  }
0x5a: {  	_ =	swait.ge [sflag:s24], $0x2780  }
0x5b: {  	[sflag:s24] =	ssyncset.done $0x0  }
0x5c: {  	[sflag:s24] =	ssyncadd.s32 $0xFFFFD880  }
0x5d: {  	[bflag:$0x0] =	sbarrier.arrive $0xFFFF  }
0x5e: {  	[tilespmem:s0], [sflag:$0x1] =	stream.linear.gather [hbm4b:s10+s0], $0x80, $0x38;
	[tilespmem:$0x17D00] =	vst v63  }
0x5f: {  	_ = 	snop  }
0x60: {  	[tilespmem:s25], [sflag:$0x2] =	stream.linear.gather [hbm4b:s11+s0], $0x80, $0x38;
	[tilespmem:$0x17D00] =	vst v63  }
0x61: {  	_ =	swait.ge [sflag:s26], $0x80  }
0x62: {  	[sflag:s26] =	ssyncset.done $0x0  }
0x63: {  	[sflag:s26] =	ssyncadd.s32 $0xFFFFFF80  }
0x64: {  	[spmem:s2] =	stream.indirect.scatter.add.f32 [tilespmem:s23], [sflag:$0x3], $0x80, s3, s25, $0xb8;
	[tilespmem:$0x17D00] =	vst v63  }
0x65: {  	_ =	swait.ge [sflag:s24], $0x4000  }
0x66: {  	[sflag:s24] =	ssyncset.done $0x0  }
0x67: {  	s4 =	sadd.s32 $0x0, s20;
	[sflag:s24] =	ssyncadd.s32 $0xFFFFC000  }
0x68: {  	[tilespmem:s3], [sflag:$0x1] =	stream.linear.gather [hbm4b:s4+s3], $0x80, $0x38;
	[tilespmem:$0x17D00] =	vst v63  }
0x69: {  	_ =	swait.ge [sflag:s28], $0x80  }
0x6a: {  	[sflag:s28] =	ssyncset.done $0x0  }
0x6b: {  	[sflag:s28] =	ssyncadd.s32 $0xFFFFFF80  }
0x6c: {  	[spmem:s2] =	stream.indirect.scatter.add.f32 [tilespmem:s23], [sflag:$0x3], $0x80, s25, s25, $0xb8;
	[tilespmem:$0x17D00] =	vst v63  }
0x6d: {  	_ =	swait.ge [sflag:s24], $0x4000  }
0x6e: {  	[sflag:s24] =	ssyncset.done $0x0  }
0x6f: {  	s1 =	sadd.s32 $0x0, s19;
	s0 =	simm.s32 $0x20;
	[sflag:s24] =	ssyncadd.s32 $0xFFFFC000  }
.LBB2_4:
0x70: {  	[tilespmem:s25], [sflag:$0x2] =	stream.linear.gather [hbm4b:s1+s3], $0x80, $0x38;
	[tilespmem:$0x17D00] =	vst v63  }
0x71: {  	s1 =	smov.u32 s0  }
0x72: {  	p0 =	sne.s32 s0, $0x4C0;
	s0 =	sadd.s32 $0x20, s0;
	_ =	swait.ge [sflag:s26], $0x80  }
0x73: {  	[sflag:s26] =	ssyncset.done $0x0  }
0x74: {  	[sflag:s26] =	ssyncadd.s32 $0xFFFFFF80  }
0x75: {  	[spmem:s2] =	stream.indirect.scatter.add.f32 [tilespmem:s23], [sflag:$0x3], $0x80, s3, s25, $0xb8;
	[tilespmem:$0x17D00] =	vst v63  }
0x76: {  	_ =	swait.ge [sflag:s24], $0x4000  }
0x77: {  	[sflag:s24] =	ssyncset.done $0x0  }
0x78: {  	s4 =	sadd.s32 s1, s20;
	[sflag:s24] =	ssyncadd.s32 $0xFFFFC000  }
0x79: {  	[tilespmem:s3], [sflag:$0x1] =	stream.linear.gather [hbm4b:s4+s3], $0x80, $0x38;
	[tilespmem:$0x17D00] =	vst v63  }
0x7a: {  	_ =	swait.ge [sflag:s28], $0x80  }
0x7b: {  	[sflag:s28] =	ssyncset.done $0x0  }
.Ltmp1:
0x7c: {  	[sflag:s28] =	ssyncadd.s32 $0xFFFFFF80;
	(pc) =	sbr.rel @p0 .LBB2_4-.Ltmp1, $4  }
0x7d: {  	[spmem:s2] =	stream.indirect.scatter.add.f32 [tilespmem:s23], [sflag:$0x3], $0x80, s25, s25, $0xb8;
	[tilespmem:$0x17D00] =	vst v63  }
0x7e: {  	_ =	swait.ge [sflag:s24], $0x4000  }
0x7f: {  	[sflag:s24] =	ssyncset.done $0x0  }
0x80: {  	s1 =	sadd.s32 s1, s19;
	[sflag:s24] =	ssyncadd.s32 $0xFFFFC000  }
0x81: {  	[tilespmem:s25], [sflag:$0x2] =	stream.linear.gather [hbm4b:s1+s3], $0x80, $0x38;
	[tilespmem:$0x17D00] =	vst v63  }
0x82: {  	_ =	swait.ge [sflag:s26], $0x80  }
0x83: {  	[sflag:s26] =	ssyncset.done $0x0  }
0x84: {  	s0 =	simm.s32 $0x0;
	[sflag:s26] =	ssyncadd.s32 $0xFFFFFF80  }
0x85: {  	[spmem:s2] =	stream.indirect.scatter.add.f32 [tilespmem:s23], [sflag:$0x3], $0x80, s0, s25, $0xb8;
	[tilespmem:$0x17D00] =	vst v63  }
0x86: {  	_ =	swait.ge [sflag:s24], $0x4000  }
0x87: {  	[sflag:s24] =	ssyncset.done $0x0  }
0x88: {  	[sflag:s24] =	ssyncadd.s32 $0xFFFFC000  }
0x89: {  	_ =	swait.ge [sflag:s28], $0x80  }
0x8a: {  	[sflag:s28] =	ssyncset.done $0x0  }
0x8b: {  	[sflag:s28] =	ssyncadd.s32 $0xFFFFFF80  }
0x8c: {  	[spmem:s2] =	stream.indirect.scatter.add.f32 [tilespmem:s23], [sflag:$0x3], $0x80, s25, s25, $0xb8;
	[tilespmem:$0x17D00] =	vst v63  }
0x8d: {  	_ =	swait.ge [sflag:s24], $0x4000  }
0x8e: {  	[sflag:s24] =	ssyncset.done $0x0  }
0x8f: {  	[sflag:s24] =	ssyncadd.s32 $0xFFFFC000  }
0x90: {  	[bflag:$0x0] =	sbarrier.arrive $0xFFFF  }
0x91: {  	[hbm:s12], [sflag:s30] =	dma.local [spmem:s31], $0x2780  }
0x92: {  	_ =	swait.ge [sflag:s24], $0x2780  }
0x93: {  	[sflag:s24] =	ssyncset.done $0x0  }
0x94: {  	[sflag:s24] =	ssyncadd.s32 $0xFFFFD880  }
0x95: {  	[spmem:s31], [sflag:s30] =	dma.local [hbm:s5], $0x2780  }
0x96: {  	_ =	swait.ge [sflag:s24], $0x2780  }
0x97: {  	[sflag:s24] =	ssyncset.done $0x0  }
0x98: {  	[sflag:s24] =	ssyncadd.s32 $0xFFFFD880  }
0x99: {  	[bflag:$0x0] =	sbarrier.arrive $0xFFFF  }
0x9a: {  	[tilespmem:s0], [sflag:$0x1] =	stream.linear.gather [hbm4b:s13+s0], $0x80, $0x38;
	[tilespmem:$0x17D00] =	vst v63  }
0x9b: {  	_ = 	snop  }
0x9c: {  	[tilespmem:s25], [sflag:$0x2] =	stream.linear.gather [hbm4b:s14+s0], $0x80, $0x38;
	[tilespmem:$0x17D00] =	vst v63  }
0x9d: {  	_ =	swait.ge [sflag:s26], $0x80  }
0x9e: {  	[sflag:s26] =	ssyncset.done $0x0  }
0x9f: {  	[sflag:s26] =	ssyncadd.s32 $0xFFFFFF80  }
0xa0: {  	[spmem:s2] =	stream.indirect.scatter.add.f32 [tilespmem:s23], [sflag:$0x3], $0x80, s3, s25, $0xb8;
	[tilespmem:$0x17D00] =	vst v63  }
0xa1: {  	_ =	swait.ge [sflag:s24], $0x4000  }
0xa2: {  	[sflag:s24] =	ssyncset.done $0x0  }
0xa3: {  	s4 =	sadd.s32 $0x0, s22;
	[sflag:s24] =	ssyncadd.s32 $0xFFFFC000  }
0xa4: {  	[tilespmem:s3], [sflag:$0x1] =	stream.linear.gather [hbm4b:s4+s3], $0x80, $0x38;
	[tilespmem:$0x17D00] =	vst v63  }
0xa5: {  	_ =	swait.ge [sflag:s28], $0x80  }
0xa6: {  	[sflag:s28] =	ssyncset.done $0x0  }
0xa7: {  	[sflag:s28] =	ssyncadd.s32 $0xFFFFFF80  }
0xa8: {  	[spmem:s2] =	stream.indirect.scatter.add.f32 [tilespmem:s23], [sflag:$0x3], $0x80, s25, s25, $0xb8;
	[tilespmem:$0x17D00] =	vst v63  }
0xa9: {  	_ =	swait.ge [sflag:s24], $0x4000  }
0xaa: {  	[sflag:s24] =	ssyncset.done $0x0  }
0xab: {  	s1 =	sadd.s32 $0x0, s21;
	s0 =	simm.s32 $0x20;
	[sflag:s24] =	ssyncadd.s32 $0xFFFFC000  }
.LBB2_6:
0xac: {  	[tilespmem:s25], [sflag:$0x2] =	stream.linear.gather [hbm4b:s1+s3], $0x80, $0x38;
	[tilespmem:$0x17D00] =	vst v63  }
0xad: {  	s1 =	smov.u32 s0  }
0xae: {  	p0 =	sne.s32 s0, $0x4C0;
	s0 =	sadd.s32 $0x20, s0;
	_ =	swait.ge [sflag:s26], $0x80  }
0xaf: {  	[sflag:s26] =	ssyncset.done $0x0  }
0xb0: {  	[sflag:s26] =	ssyncadd.s32 $0xFFFFFF80  }
0xb1: {  	[spmem:s2] =	stream.indirect.scatter.add.f32 [tilespmem:s23], [sflag:$0x3], $0x80, s3, s25, $0xb8;
	[tilespmem:$0x17D00] =	vst v63  }
0xb2: {  	_ =	swait.ge [sflag:s24], $0x4000  }
0xb3: {  	[sflag:s24] =	ssyncset.done $0x0  }
0xb4: {  	s4 =	sadd.s32 s1, s22;
	[sflag:s24] =	ssyncadd.s32 $0xFFFFC000  }
0xb5: {  	[tilespmem:s3], [sflag:$0x1] =	stream.linear.gather [hbm4b:s4+s3], $0x80, $0x38;
	[tilespmem:$0x17D00] =	vst v63  }
0xb6: {  	_ =	swait.ge [sflag:s28], $0x80  }
0xb7: {  	[sflag:s28] =	ssyncset.done $0x0  }
.Ltmp2:
0xb8: {  	[sflag:s28] =	ssyncadd.s32 $0xFFFFFF80;
	(pc) =	sbr.rel @p0 .LBB2_6-.Ltmp2, $4  }
0xb9: {  	[spmem:s2] =	stream.indirect.scatter.add.f32 [tilespmem:s23], [sflag:$0x3], $0x80, s25, s25, $0xb8;
	[tilespmem:$0x17D00] =	vst v63  }
0xba: {  	_ =	swait.ge [sflag:s24], $0x4000  }
0xbb: {  	[sflag:s24] =	ssyncset.done $0x0  }
0xbc: {  	s1 =	sadd.s32 s1, s21;
	[sflag:s24] =	ssyncadd.s32 $0xFFFFC000  }
0xbd: {  	[tilespmem:s25], [sflag:$0x2] =	stream.linear.gather [hbm4b:s1+s3], $0x80, $0x38;
	[tilespmem:$0x17D00] =	vst v63  }
0xbe: {  	_ =	swait.ge [sflag:s26], $0x80  }
0xbf: {  	[sflag:s26] =	ssyncset.done $0x0  }
0xc0: {  	[sflag:s26] =	ssyncadd.s32 $0xFFFFFF80  }
0xc1: {  	[spmem:s2] =	stream.indirect.scatter.add.f32 [tilespmem:s23], [sflag:$0x3], $0x80, s3, s25, $0xb8;
	[tilespmem:$0x17D00] =	vst v63  }
0xc2: {  	_ =	swait.ge [sflag:s24], $0x4000  }
0xc3: {  	[sflag:s24] =	ssyncset.done $0x0  }
0xc4: {  	[sflag:s24] =	ssyncadd.s32 $0xFFFFC000  }
0xc5: {  	_ =	swait.ge [sflag:s28], $0x80  }
0xc6: {  	[sflag:s28] =	ssyncset.done $0x0  }
0xc7: {  	[sflag:s28] =	ssyncadd.s32 $0xFFFFFF80  }
0xc8: {  	[spmem:s2] =	stream.indirect.scatter.add.f32 [tilespmem:s23], [sflag:$0x3], $0x80, s25, s25, $0xb8;
	[tilespmem:$0x17D00] =	vst v63  }
0xc9: {  	_ =	swait.ge [sflag:s24], $0x4000  }
0xca: {  	s29 =	sadd.s32 $0x1, s29;
	[sflag:s24] =	ssyncset.done $0x0  }
0xcb: {  	p0 =	sne.s32 s29, s16;
	[sflag:s24] =	ssyncadd.s32 $0xFFFFC000  }
.Ltmp3:
0xcc: {  	[bflag:$0x0] =	sbarrier.arrive $0xFFFF;
	(pc) =	sbr.rel @p0 .LBB2_1-.Ltmp3, $4  }
0xcd: {  	[hbm:s15], [sflag:s30] =	dma.local [spmem:s31], $0x2780  }
0xce: {  	_ =	swait.ge [sflag:s24], $0x2780  }
0xcf: {  	[sflag:s24] =	ssyncset.done $0x0  }
0xd0: {  	[sflag:s24] =	ssyncadd.s32 $0xFFFFD880  }
0xd1: {  	_ =	sfence.sel $0x180000  }
0xd2: {  	[bflag:$0x0] =	sbarrier.arrive $0xFFFF  }
0xd3: {  	_ =	strace $0x90000047  }
0xd4: {  	s0 =	stileid.u32;
	[bflag:$0x2] =	sbarrier.arrive $0xFFFF  }
0xd5: {  	p0 =	sne.s32 s0, $0x0;
	s0 =	rddreg [dreg:$0x3]  }
0xd6: {  	s0 =	sadd.s32 @!p0 $0x100000, s0  }
0xd7: {  	[sflag:s0] =	ssyncadd.tile.s32 @!p0 $0x1;
	_ =	shalt  }
.Lfunc_end2:
_tile_overlayer_lowered:
.L_overlay_start_2:
0xd8: {  	(tag) =	ssettag $0x2  }
0xd9: {  	s0 =	rddreg [dreg:$0x0];
	s2 =	stileid.u32  }
0xda: {  	s1 =	rddreg [dreg:$0x1];
	p0 =	sne.s32 s2, $0x0  }
0xdb: {  	s3 =	rddreg [dreg:$0x2];
	[bflag:$0x3] =	sbarrier.arrive $0xFFFF;
	s2 =	simm.s32 @!p0 $0x1C03  }
0xdc: {  	[timem:s3], [sflag:s2] =	dma.local @!p0 [hbm:s0], s1  }
0xdd: {  	s0 =	simm.s32 @!p0 $0x3  }
0xde: {  	_ =	swait.ge @!p0 [sflag:s0], s1  }
0xdf: {  	s1 =	ssub.s32 @!p0 $0x0, s1;
	[sflag:s0] =	ssyncset.done @!p0 $0x0  }
0xe0: {  	[sflag:s0] =	ssyncadd.s32 @!p0 s1  }
0xe1: {  	[bflag:$0x3] =	sbarrier.arrive $0xFFFF  }
0xe2: {  	_ =	shalt  }

</sc_bundles>
